<compile_context>
chip_gen: v7x
topology: tpu7x:2x2x1
jax: 0.10.2.dev20260603
libtpu: 0.0.44.dev20260713+nightly
codegen_flags: <defaults>
</compile_context>

<pallas_src>
import functools

import jax
import jax.numpy as jnp
from jax import lax
from jax.experimental import pallas as pl
from jax.experimental.pallas import tpu as pltpu
from jax.experimental.pallas import tpu_sc as plsc

_B = 16
_D = 1024
_NS = 2
_BLK = 1536
_NW = 32
_CH = 32


def _eye(n, dtype):
    return (jax.lax.broadcasted_iota(jnp.int32, (n, n), 0)
            == jax.lax.broadcasted_iota(jnp.int32, (n, n), 1)).astype(dtype)


def _vgather(x, idx):
    dnums = lax.GatherDimensionNumbers(
        offset_dims=(), collapsed_slice_dims=(0,), start_index_map=(0,))
    return lax.gather(x, idx[:, None], dnums, slice_sizes=(1,),
                      mode=lax.GatherScatterMode.PROMISE_IN_BOUNDS)




def _tc_body(*refs):
    ids_ref = refs[0]
    x_refs = refs[1:1 + _NS]
    att_ref = refs[1 + _NS]
    out_refs = refs[2 + _NS:2 + 2 * _NS]
    m_out_ref = refs[2 + 2 * _NS]
    s_out_ref = refs[3 + 2 * _NS]
    m_ref, s_ref = refs[4 + 2 * _NS:]

    i = pl.program_id(0)
    nb = pl.num_programs(0)

    @pl.when(i == 0)
    def _init():
        m_ref[...] = jnp.full_like(m_ref, -jnp.inf)
        s_ref[...] = jnp.zeros_like(s_ref)
        for o in out_refs:
            o[...] = jnp.zeros_like(o)

    xs = [r[...].astype(jnp.bfloat16) for r in x_refs]
    att = att_ref[...].astype(jnp.bfloat16)
    hd = xs[0].shape[1]
    dn = (((1,), (0,)), ((), ()))
    l = sum(jax.lax.dot_general(x, att[j * hd:(j + 1) * hd], dn,
                                preferred_element_type=jnp.float32)
            for j, x in enumerate(xs))
    ids = ids_ref[...]
    oh = ids == jax.lax.broadcasted_iota(jnp.int32, (1, _B), 1)

    m_old = m_ref[...]
    bm = jnp.max(jnp.where(oh, l, -jnp.inf), axis=0, keepdims=True)
    m_new = jnp.maximum(m_old, bm)
    scale = jnp.where(m_old == -jnp.inf, 0.0, jnp.exp(m_old - m_new))
    p = jnp.exp(jnp.where(oh, l - m_new, -jnp.inf))

    s_ref[...] = s_ref[...] * scale + jnp.sum(p, axis=0, keepdims=True)
    m_ref[...] = m_new

    eye = _eye(_B, jnp.float32)
    tdn = (((1,), (1,)), ((), ()))
    scale_col = jax.lax.dot_general(eye, scale, tdn,
                                    preferred_element_type=jnp.float32)
    ph = p.astype(jnp.bfloat16)
    cdn = (((0,), (0,)), ((), ()))
    for o, x in zip(out_refs, xs):
        o[...] = o[...] * scale_col + jax.lax.dot_general(
            ph, x, cdn, preferred_element_type=jnp.float32)

    @pl.when(i == nb - 1)
    def _fin():
        m_out_ref[...] = m_ref[...]
        s_out_ref[...] = s_ref[...]


def _tc_run(ids, flat, att2, r):
    n, d = flat.shape
    hd = d // _NS

    def xspec(j):
        return pl.BlockSpec((_BLK, hd), lambda i, j=j: (i, j))

    return pl.pallas_call(
        _tc_body,
        grid=(r // _BLK,),
        in_specs=(
            [pl.BlockSpec((_BLK, 1), lambda i: (i, 0))]
            + [xspec(j) for j in range(_NS)]
            + [pl.BlockSpec((d, 1), lambda i: (0, 0))]
        ),
        out_specs=(
            [pl.BlockSpec((_B, hd), lambda i: (0, 0))] * _NS
            + [pl.BlockSpec((1, _B), lambda i: (0, 0))] * 2
        ),
        out_shape=(
            [jax.ShapeDtypeStruct((_B, hd), jnp.float32)] * _NS
            + [jax.ShapeDtypeStruct((1, _B), jnp.float32)] * 2
        ),
        scratch_shapes=[
            pltpu.VMEM((1, _B), jnp.float32),
            pltpu.VMEM((1, _B), jnp.float32),
        ],
    )(ids, *([flat] * _NS), att2)




def _sc_body(r0, rpw, flat_hbm, ids_hbm, att_hbm, acc_hbm, s_hbm,
             buf0, buf1, acc_v, att_v, ids_all, s_v, sem0, sem1):
    cid = lax.axis_index("c")
    sid = lax.axis_index("s")
    wid = sid * 2 + cid
    base = r0 + wid * rpw
    nch = rpw // _CH
    lane = lax.iota(jnp.int32, 16)

    pltpu.sync_copy(att_hbm, att_v)
    pltpu.sync_copy(ids_hbm.at[pl.ds(base, rpw)], ids_all)

    @plsc.parallel_loop(0, _B * _D // 16, unroll=16)
    def _zj(j):
        acc_v[j // (_D // 16), pl.ds((j % (_D // 16)) * 16, 16)] = jnp.zeros(
            (16,), jnp.float32)

    bufs = (buf0, buf1)
    sems = (sem0, sem1)
    descs = [None, None]
    descs[0] = pltpu.async_copy(
        flat_hbm.at[pl.ds(base, _CH)], bufs[0], sems[0])
    s_vec = jnp.zeros((16,), jnp.float32)

    for c in range(nch):
        if c + 1 < nch:
            descs[(c + 1) % 2] = pltpu.async_copy(
                flat_hbm.at[pl.ds(base + (c + 1) * _CH, _CH)],
                bufs[(c + 1) % 2], sems[(c + 1) % 2])
        descs[c % 2].wait()
        buf = bufs[c % 2]

        for g in range(_CH // 16):
            gvec = ids_all[pl.ds(c * _CH + g * 16, 16)]

            def _row(r, s_acc, buf=buf, gvec=gvec, g=g):
                rid = _vgather(gvec, jnp.full((16,), r, jnp.int32))[0]

                z = jnp.zeros((16,), jnp.float32)

                @plsc.parallel_loop(0, _D // 64, unroll=4, carry=(z, z, z, z))
                def p4(j4, ps):
                    return tuple(
                        ps[u] + buf[g * 16 + r, pl.ds((j4 * 4 + u) * 16, 16)]
                        * att_v[pl.ds((j4 * 4 + u) * 16, 16)]
                        for u in range(4))
                part = (p4[0] + p4[1]) + (p4[2] + p4[3])
                for k in (8, 4, 2, 1):
                    part = part + _vgather(part, lane ^ k)
                w = jnp.exp(part)

                @plsc.parallel_loop(0, _D // 16, unroll=16)
                def _upd(j):
                    sl = pl.ds(j * 16, 16)
                    acc_v[rid, sl] = acc_v[rid, sl] + w * buf[g * 16 + r, sl]
                return s_acc + jnp.where(lane == rid, w, 0.0)

            s_vec = lax.fori_loop(0, 16, _row, s_vec)

    s_v[...] = s_vec
    pltpu.sync_copy(acc_v, acc_hbm.at[wid])
    pltpu.sync_copy(s_v, s_hbm.at[wid])


def _sc_run(flat, ids1d, att1d, r0, rpw):
    body = functools.partial(_sc_body, r0, rpw)
    return pl.kernel(
        body,
        out_type=[
            jax.ShapeDtypeStruct((_NW, _B, _D), jnp.float32),
            jax.ShapeDtypeStruct((_NW, _B), jnp.float32),
        ],
        mesh=plsc.VectorSubcoreMesh(core_axis_name="c", subcore_axis_name="s"),
        compiler_params=pltpu.CompilerParams(needs_layout_passes=False),
        scratch_types=[
            pltpu.VMEM((_CH, _D), jnp.float32),
            pltpu.VMEM((_CH, _D), jnp.float32),
            pltpu.VMEM((_B, _D), jnp.float32),
            pltpu.VMEM((_D,), jnp.float32),
            pltpu.VMEM((rpw,), jnp.int32),
            pltpu.VMEM((_B,), jnp.float32),
            pltpu.SemaphoreType.DMA,
            pltpu.SemaphoreType.DMA,
        ],
    )(flat, ids1d, att1d)




def _merge_body(t1_ref, t2_ref, m_ref, s_ref, acc_sc_ref, s_sc_ref, out_ref):
    asum = jnp.sum(acc_sc_ref[...], axis=0)
    ssum = jnp.sum(s_sc_ref[...], axis=0, keepdims=True)
    m_tc = m_ref[...]
    mstar = jnp.maximum(m_tc, 0.0)
    f_tc = jnp.exp(m_tc - mstar)
    f_sc = jnp.exp(-mstar)
    den = s_ref[...] * f_tc + ssum * f_sc
    inv = jnp.where(den > 0.0, 1.0 / den, 0.0)
    eye = _eye(_B, jnp.float32)
    tdn = (((1,), (1,)), ((), ()))
    c_tc = jax.lax.dot_general(eye, f_tc * inv, tdn,
                               preferred_element_type=jnp.float32)
    c_sc = jax.lax.dot_general(eye, f_sc * inv, tdn,
                               preferred_element_type=jnp.float32)
    hd = _D // _NS
    acc_tc = jnp.concatenate([t1_ref[...], t2_ref[...]], axis=1)
    out_ref[...] = acc_tc * c_tc + asum * c_sc


def _merge(t1, t2, m_tc, s_tc, acc_sc, s_sc):
    return pl.pallas_call(
        _merge_body,
        out_shape=jax.ShapeDtypeStruct((_B, _D), jnp.float32),
    )(t1, t2, m_tc, s_tc, acc_sc, s_sc)


@jax.jit
def kernel(flat, segment_ids, att, bias, temperature):
    n, d = flat.shape
    r = (3 * n) // 4
    att2 = att * temperature[0]
    ids = segment_ids.astype(jnp.int32)
    acc_sc, s_sc = _sc_run(flat, ids, att2.reshape(d), r, (n - r) // _NW)
    o = _tc_run(ids.reshape(n, 1), flat, att2, r)
    return _merge(o[0], o[1], o[_NS], o[_NS + 1], acc_sc, s_sc)

# --- scband reference (transcript-rebuilt; emitter-appended) ---
"""Pipeline reference for scband-weighted-attention-7902739825135 (READ-ONLY COPY).

The authoritative reference and input builder live on the scoring server;
editing this copy changes nothing except your own understanding.
"""

import jax, jax.numpy as jnp
import numpy as np

B = 16
N = 16384
D = 1024

def setup_inputs(seed: int = 0):
    key = jax.random.key(seed)
    k1, k2, k3 = jax.random.split(key, 3)
    flat = jax.random.normal(k1, (N, D), dtype=jnp.float32)
    segment_ids = jnp.sort(jax.random.randint(k2, (N,), 0, B, dtype=jnp.int64))
    # glorot_uniform for shape (D, 1): limit = sqrt(6 / (D + 1))
    limit = np.sqrt(6.0 / (D + 1))
    att = jax.random.uniform(k3, (D, 1), minval=-limit, maxval=limit, dtype=jnp.float32)
    bias = jnp.zeros((1,), dtype=jnp.float32)
    temperature = jnp.ones((1,), dtype=jnp.float32)
    return {"flat": flat, "segment_ids": segment_ids, "att": att, "bias": bias, "temperature": temperature}

def reference(flat, segment_ids, att, bias, temperature):
    # logits = matmul on flat values of the ragged tensor: [N, 1] -> [N]
    logits = (flat @ att)[:, 0]
    # activation is linear (None); logits = temperature * (logits + bias[0])
    logits = temperature[0] * (logits + bias[0])
    # per-sequence (segment) max subtraction for numerical stability
    seg_max = jax.ops.segment_max(logits, segment_ids, num_segments=B)
    logits = logits - seg_max[segment_ids]
    ai = jnp.exp(logits)
    denom = jax.ops.segment_sum(ai, segment_ids, num_segments=B)
    att_weights = ai / denom[segment_ids]
    weighted_input = flat * att_weights[:, None]
    # reduce over the ragged time axis -> [B, D]
    result = jax.ops.segment_sum(weighted_input, segment_ids, num_segments=B)
    return result

if __name__ == "__main__":
    import jax
    _d = setup_inputs()
    print(jax.jit(kernel)(*tuple(_d.values())))

</pallas_src>

<mosaic_0001>
#map = affine_map<(d0, d1) -> (0, 0)>
#map1 = affine_map<(d0, d1) -> (0)>
#map2 = affine_map<(d0, d1) -> (0, 0, 0)>
module attributes {stable_mosaic.version = 14 : i64} {
  func.func @_sc_body(%arg0: i32, %arg1: i32, %arg2: memref<16384x1024xf32, #tpu.memory_space<hbm>>, %arg3: memref<16384xi32, #tpu.memory_space<hbm>>, %arg4: memref<1024xf32, #tpu.memory_space<hbm>>, %arg5: memref<32x16x1024xf32, #tpu.memory_space<hbm>>, %arg6: memref<32x16xf32, #tpu.memory_space<hbm>>, %arg7: memref<32x1024xf32, #tpu.memory_space<vmem>>, %arg8: memref<32x1024xf32, #tpu.memory_space<vmem>>, %arg9: memref<16x1024xf32, #tpu.memory_space<vmem>>, %arg10: memref<1024xf32, #tpu.memory_space<vmem>>, %arg11: memref<128xi32, #tpu.memory_space<vmem>>, %arg12: memref<16xf32, #tpu.memory_space<vmem>>, %arg13: memref<!tpu.dma_semaphore, #tpu.memory_space<semaphore_mem>>, %arg14: memref<!tpu.dma_semaphore, #tpu.memory_space<semaphore_mem>>) attributes {dimension_semantics = [#tpu.dimension_semantics<core_parallel>, #tpu.dimension_semantics<subcore_parallel>], iteration_bounds = array<i64: 2, 16>, scalar_prefetch = 0 : i64, scratch_operands = 8 : i64, tpu.core_type = #tpu.core_type<sc_vector_subcore>, window_params = [{transform_indices = #map}, {transform_indices = #map1}, {transform_indices = #map1}, {transform_indices = #map2}, {transform_indices = #map}]} {
    %mul3A = arith.constant 2 : i32
    %mul3A_0 = arith.muli %arg1, %mul3A : i32
    %add3A = arith.addi %mul3A_0, %arg0 : i32
    %mul3A_1 = arith.constant 128 : i32
    %mul3A_2 = arith.muli %add3A, %mul3A_1 : i32
    %add3A_3 = arith.constant 12288 : i32
    %add3A_4 = arith.addi %add3A_3, %mul3A_2 : i32
    %iota3A = tpu.iota {dimensions = array<i32: 0>} : vector<16xi32>
    "tpu.region"() ({
      %run_scoped3A = tpu.sem_alloc : memref<!tpu.dma_semaphore, #tpu.memory_space<semaphore_mem>>
      tpu.enqueue_dma source(%arg4 : memref<1024xf32, #tpu.memory_space<hbm>>) target(%arg10 : memref<1024xf32, #tpu.memory_space<vmem>>) target_semaphore(%run_scoped3A : memref<!tpu.dma_semaphore, #tpu.memory_space<semaphore_mem>>)
      tpu.wait_dma2 semaphore(%run_scoped3A : memref<!tpu.dma_semaphore, #tpu.memory_space<semaphore_mem>>) src(%arg4 : memref<1024xf32, #tpu.memory_space<hbm>>) dst(%arg10 : memref<1024xf32, #tpu.memory_space<vmem>>)
      tpu.yield
    }) : () -> ()
    "tpu.region"() ({
      %run_scoped3A = tpu.sem_alloc : memref<!tpu.dma_semaphore, #tpu.memory_space<semaphore_mem>>
      %dma_start3A_107 = tpu.memref_slice %arg3[%add3A_4] : memref<16384xi32, #tpu.memory_space<hbm>> -> memref<128xi32, #tpu.memory_space<hbm>>
      %dma_start3A_108 = tpu.memref_slice %arg3[%add3A_4] : memref<16384xi32, #tpu.memory_space<hbm>> -> memref<128xi32, #tpu.memory_space<hbm>>
      tpu.enqueue_dma source(%dma_start3A_108 : memref<128xi32, #tpu.memory_space<hbm>>) target(%arg11 : memref<128xi32, #tpu.memory_space<vmem>>) target_semaphore(%run_scoped3A : memref<!tpu.dma_semaphore, #tpu.memory_space<semaphore_mem>>)
      %dma_wait3A_109 = tpu.memref_slice %arg3[%add3A_4] : memref<16384xi32, #tpu.memory_space<hbm>> -> memref<128xi32, #tpu.memory_space<hbm>>
      %dma_wait3A_110 = tpu.memref_slice %arg3[%add3A_4] : memref<16384xi32, #tpu.memory_space<hbm>> -> memref<128xi32, #tpu.memory_space<hbm>>
      tpu.wait_dma2 semaphore(%run_scoped3A : memref<!tpu.dma_semaphore, #tpu.memory_space<semaphore_mem>>) src(%dma_wait3A_110 : memref<128xi32, #tpu.memory_space<hbm>>) dst(%arg11 : memref<128xi32, #tpu.memory_space<vmem>>)
      tpu.yield
    }) : () -> ()
    %parallel_loop3A = arith.constant 0 : i32
    %parallel_loop3A_5 = arith.constant 1024 : i32
    %parallel_loop3A_6 = arith.constant 1 : i32
    scf.for %parallel_loop3A_107 = %parallel_loop3A to %parallel_loop3A_5 step %parallel_loop3A_6  : i32 {
      %parallel_loop3A_108 = arith.constant 0.000000e+00 : f32
      %parallel_loop3A_109 = vector.broadcast %parallel_loop3A_108 : f32 to vector<16xf32>
      %parallel_loop3A_110 = arith.constant 64 : i32
      %parallel_loop3A_111 = arith.divsi %parallel_loop3A_107, %parallel_loop3A_110 : i32
      %parallel_loop3A_112 = arith.constant 0 : i32
      %parallel_loop3A_113 = arith.cmpi sgt, %parallel_loop3A_107, %parallel_loop3A_112 : i32
      %parallel_loop3A_114 = arith.extui %parallel_loop3A_113 : i1 to i32
      %parallel_loop3A_115 = arith.constant 0 : i32
      %parallel_loop3A_116 = arith.cmpi slt, %parallel_loop3A_107, %parallel_loop3A_115 : i32
      %parallel_loop3A_117 = arith.extui %parallel_loop3A_116 : i1 to i32
      %parallel_loop3A_118 = arith.subi %parallel_loop3A_114, %parallel_loop3A_117 : i32
      %parallel_loop3A_119 = arith.constant 0 : i32
      %parallel_loop3A_120 = arith.cmpi sgt, %parallel_loop3A_110, %parallel_loop3A_119 : i32
      %parallel_loop3A_121 = arith.extui %parallel_loop3A_120 : i1 to i32
      %parallel_loop3A_122 = arith.constant 0 : i32
      %parallel_loop3A_123 = arith.cmpi slt, %parallel_loop3A_110, %parallel_loop3A_122 : i32
      %parallel_loop3A_124 = arith.extui %parallel_loop3A_123 : i1 to i32
      %parallel_loop3A_125 = arith.subi %parallel_loop3A_121, %parallel_loop3A_124 : i32
      %parallel_loop3A_126 = arith.cmpi ne, %parallel_loop3A_118, %parallel_loop3A_125 : i32
      %parallel_loop3A_127 = arith.remsi %parallel_loop3A_107, %parallel_loop3A_110 : i32
      %parallel_loop3A_128 = arith.constant 0 : i32
      %parallel_loop3A_129 = arith.cmpi ne, %parallel_loop3A_127, %parallel_loop3A_128 : i32
      %parallel_loop3A_130 = arith.andi %parallel_loop3A_126, %parallel_loop3A_129 : i1
      %parallel_loop3A_131 = arith.constant 1 : i32
      %parallel_loop3A_132 = arith.subi %parallel_loop3A_111, %parallel_loop3A_131 : i32
      %parallel_loop3A_133 = arith.select %parallel_loop3A_130, %parallel_loop3A_132, %parallel_loop3A_111 : i32
      %parallel_loop3A_134 = arith.constant 64 : i32
      %parallel_loop3A_135 = arith.constant 0 : i32
      %parallel_loop3A_136 = arith.cmpi eq, %parallel_loop3A_134, %parallel_loop3A_135 : i32
      %parallel_loop3A_137 = arith.constant 1 : i32
      %parallel_loop3A_138 = arith.select %parallel_loop3A_136, %parallel_loop3A_137, %parallel_loop3A_134 : i32
      %parallel_loop3A_139 = arith.remsi %parallel_loop3A_107, %parallel_loop3A_138 : i32
      %parallel_loop3A_140 = arith.constant 0 : i32
      %parallel_loop3A_141 = arith.cmpi ne, %parallel_loop3A_139, %parallel_loop3A_140 : i32
      %parallel_loop3A_142 = arith.constant 0 : i32
      %parallel_loop3A_143 = arith.cmpi slt, %parallel_loop3A_139, %parallel_loop3A_142 : i32
      %parallel_loop3A_144 = arith.constant 0 : i32
      %parallel_loop3A_145 = arith.cmpi slt, %parallel_loop3A_138, %parallel_loop3A_144 : i32
      %parallel_loop3A_146 = arith.xori %parallel_loop3A_143, %parallel_loop3A_145 : i1
      %parallel_loop3A_147 = arith.andi %parallel_loop3A_146, %parallel_loop3A_141 : i1
      %parallel_loop3A_148 = arith.addi %parallel_loop3A_139, %parallel_loop3A_138 : i32
      %parallel_loop3A_149 = arith.select %parallel_loop3A_147, %parallel_loop3A_148, %parallel_loop3A_139 : i32
      %parallel_loop3A_150 = arith.constant 16 : i32
      %parallel_loop3A_151 = arith.muli %parallel_loop3A_149, %parallel_loop3A_150 : i32
      %parallel_loop3A_152 = arith.index_cast %parallel_loop3A_133 : i32 to index
      %parallel_loop3A_153 = arith.index_cast %parallel_loop3A_151 : i32 to index
      %parallel_loop3A_154 = tpu.vector_load %arg9[%parallel_loop3A_152, %parallel_loop3A_153] {strides = array<i32>} : memref<16x1024xf32, #tpu.memory_space<vmem>>, vector<16xf32>,
      tpu.vector_store %arg9[%parallel_loop3A_152, %parallel_loop3A_153], %parallel_loop3A_109 {strides = array<i32>} : memref<16x1024xf32, #tpu.memory_space<vmem>>, vector<16xf32>,
    } {sc.loop_unroll_factor = 16 : i64, sc.parallel_access}
    %dma_start3A = arith.constant 0 : i32
    %dma_start3A_7 = tpu.memref_slice %arg2[%add3A_4, %dma_start3A] : memref<16384x1024xf32, #tpu.memory_space<hbm>> -> memref<32x1024xf32, #tpu.memory_space<hbm>>
    %dma_start3A_8 = arith.constant 0 : i32
    %dma_start3A_9 = tpu.memref_slice %arg2[%add3A_4, %dma_start3A_8] : memref<16384x1024xf32, #tpu.memory_space<hbm>> -> memref<32x1024xf32, #tpu.memory_space<hbm>>
    tpu.enqueue_dma source(%dma_start3A_9 : memref<32x1024xf32, #tpu.memory_space<hbm>>) target(%arg7 : memref<32x1024xf32, #tpu.memory_space<vmem>>) target_semaphore(%arg13 : memref<!tpu.dma_semaphore, #tpu.memory_space<semaphore_mem>>)
    %broadcast_in_dim3A = arith.constant 0.000000e+00 : f32
    %broadcast_in_dim3A_10 = vector.broadcast %broadcast_in_dim3A : f32 to vector<16xf32>
    %add3A_11 = arith.constant 32 : i32
    %add3A_12 = arith.addi %add3A_4, %add3A_11 : i32
    %dma_start3A_13 = arith.constant 0 : i32
    %dma_start3A_14 = tpu.memref_slice %arg2[%add3A_12, %dma_start3A_13] : memref<16384x1024xf32, #tpu.memory_space<hbm>> -> memref<32x1024xf32, #tpu.memory_space<hbm>>
    %dma_start3A_15 = arith.constant 0 : i32
    %dma_start3A_16 = tpu.memref_slice %arg2[%add3A_12, %dma_start3A_15] : memref<16384x1024xf32, #tpu.memory_space<hbm>> -> memref<32x1024xf32, #tpu.memory_space<hbm>>
    tpu.enqueue_dma source(%dma_start3A_16 : memref<32x1024xf32, #tpu.memory_space<hbm>>) target(%arg8 : memref<32x1024xf32, #tpu.memory_space<vmem>>) target_semaphore(%arg14 : memref<!tpu.dma_semaphore, #tpu.memory_space<semaphore_mem>>)
    %dma_wait3A = arith.constant 0 : i32
    %dma_wait3A_17 = tpu.memref_slice %arg2[%add3A_4, %dma_wait3A] : memref<16384x1024xf32, #tpu.memory_space<hbm>> -> memref<32x1024xf32, #tpu.memory_space<hbm>>
    %dma_wait3A_18 = arith.constant 0 : i32
    %dma_wait3A_19 = tpu.memref_slice %arg2[%add3A_4, %dma_wait3A_18] : memref<16384x1024xf32, #tpu.memory_space<hbm>> -> memref<32x1024xf32, #tpu.memory_space<hbm>>
    tpu.wait_dma2 semaphore(%arg13 : memref<!tpu.dma_semaphore, #tpu.memory_space<semaphore_mem>>) src(%dma_wait3A_19 : memref<32x1024xf32, #tpu.memory_space<hbm>>) dst(%arg7 : memref<32x1024xf32, #tpu.memory_space<vmem>>)
    %get3A = arith.constant 0 : index
    %get3A_20 = tpu.vector_load %arg11[%get3A] {strides = array<i32>} : memref<128xi32, #tpu.memory_space<vmem>>, vector<16xi32>,
    %scan3A = arith.constant 0 : i32
    %scan3A_21 = arith.constant 16 : i32
    %scan3A_22 = arith.addi %scan3A, %scan3A_21 : i32
    %scan3A_23 = arith.constant 1 : i32
    %scan3A_24 = scf.for %scan3A_107 = %scan3A to %scan3A_22 step %scan3A_23 iter_args(%scan3A_108 = %broadcast_in_dim3A_10) -> (vector<16xf32>)  : i32 {
      %broadcast_in_dim3A_109 = vector.broadcast %scan3A_107 : i32 to vector<16xi32>
      %broadcast_in_dim3A_110 = vector.shape_cast %broadcast_in_dim3A_109 : vector<16xi32> to vector<16x1xi32>
      %gather3A = vector.shape_cast %broadcast_in_dim3A_110 : vector<16x1xi32> to vector<16xi32>
      %gather3A_111 = tpu.dynamic_gather %get3A_20[%gather3A] in [0] : vector<16xi32>, vector<16xi32> -> vector<16xi32>
      %slice3A = vector.extract_strided_slice %gather3A_111 {offsets = [0], sizes = [1], strides = [1]} : vector<16xi32> to vector<1xi32>
      %squeeze3A = vector.extract %slice3A[0] : i32 from vector<1xi32>
      %broadcast_in_dim3A_112 = arith.constant 0.000000e+00 : f32
      %broadcast_in_dim3A_113 = vector.broadcast %broadcast_in_dim3A_112 : f32 to vector<16xf32>
      %parallel_loop3A_114 = arith.constant 0 : i32
      %parallel_loop3A_115 = arith.constant 16 : i32
      %parallel_loop3A_116 = arith.constant 1 : i32
      %parallel_loop3A_117:4 = scf.for %parallel_loop3A_154 = %parallel_loop3A_114 to %parallel_loop3A_115 step %parallel_loop3A_116 iter_args(%parallel_loop3A_155 = %broadcast_in_dim3A_113, %parallel_loop3A_156 = %broadcast_in_dim3A_113, %parallel_loop3A_157 = %broadcast_in_dim3A_113, %parallel_loop3A_158 = %broadcast_in_dim3A_113) -> (vector<16xf32>, vector<16xf32>, vector<16xf32>, vector<16xf32>)  : i32 {
        %parallel_loop3A_159 = arith.constant 0 : i32
        %parallel_loop3A_160 = arith.addi %parallel_loop3A_159, %scan3A_107 : i32
        %parallel_loop3A_161 = arith.constant 4 : i32
        %parallel_loop3A_162 = arith.muli %parallel_loop3A_154, %parallel_loop3A_161 : i32
        %parallel_loop3A_163 = arith.constant 0 : i32
        %parallel_loop3A_164 = arith.addi %parallel_loop3A_162, %parallel_loop3A_163 : i32
        %parallel_loop3A_165 = arith.constant 16 : i32
        %parallel_loop3A_166 = arith.muli %parallel_loop3A_164, %parallel_loop3A_165 : i32
        %parallel_loop3A_167 = arith.index_cast %parallel_loop3A_160 : i32 to index
        %parallel_loop3A_168 = arith.index_cast %parallel_loop3A_166 : i32 to index
        %parallel_loop3A_169 = tpu.vector_load %arg7[%parallel_loop3A_167, %parallel_loop3A_168] {strides = array<i32>} : memref<32x1024xf32, #tpu.memory_space<vmem>>, vector<16xf32>,
        %parallel_loop3A_170 = arith.constant 4 : i32
        %parallel_loop3A_171 = arith.muli %parallel_loop3A_154, %parallel_loop3A_170 : i32
        %parallel_loop3A_172 = arith.constant 0 : i32
        %parallel_loop3A_173 = arith.addi %parallel_loop3A_171, %parallel_loop3A_172 : i32
        %parallel_loop3A_174 = arith.constant 16 : i32
        %parallel_loop3A_175 = arith.muli %parallel_loop3A_173, %parallel_loop3A_174 : i32
        %parallel_loop3A_176 = arith.index_cast %parallel_loop3A_175 : i32 to index
        %parallel_loop3A_177 = tpu.vector_load %arg10[%parallel_loop3A_176] {strides = array<i32>} : memref<1024xf32, #tpu.memory_space<vmem>>, vector<16xf32>,
        %parallel_loop3A_178 = arith.mulf %parallel_loop3A_169, %parallel_loop3A_177 : vector<16xf32>
        %parallel_loop3A_179 = arith.addf %parallel_loop3A_155, %parallel_loop3A_178 : vector<16xf32>
        %parallel_loop3A_180 = arith.constant 0 : i32
        %parallel_loop3A_181 = arith.addi %parallel_loop3A_180, %scan3A_107 : i32
        %parallel_loop3A_182 = arith.constant 4 : i32
        %parallel_loop3A_183 = arith.muli %parallel_loop3A_154, %parallel_loop3A_182 : i32
        %parallel_loop3A_184 = arith.constant 1 : i32
        %parallel_loop3A_185 = arith.addi %parallel_loop3A_183, %parallel_loop3A_184 : i32
        %parallel_loop3A_186 = arith.constant 16 : i32
        %parallel_loop3A_187 = arith.muli %parallel_loop3A_185, %parallel_loop3A_186 : i32
        %parallel_loop3A_188 = arith.index_cast %parallel_loop3A_181 : i32 to index
        %parallel_loop3A_189 = arith.index_cast %parallel_loop3A_187 : i32 to index
        %parallel_loop3A_190 = tpu.vector_load %arg7[%parallel_loop3A_188, %parallel_loop3A_189] {strides = array<i32>} : memref<32x1024xf32, #tpu.memory_space<vmem>>, vector<16xf32>,
        %parallel_loop3A_191 = arith.constant 4 : i32
        %parallel_loop3A_192 = arith.muli %parallel_loop3A_154, %parallel_loop3A_191 : i32
        %parallel_loop3A_193 = arith.constant 1 : i32
        %parallel_loop3A_194 = arith.addi %parallel_loop3A_192, %parallel_loop3A_193 : i32
        %parallel_loop3A_195 = arith.constant 16 : i32
        %parallel_loop3A_196 = arith.muli %parallel_loop3A_194, %parallel_loop3A_195 : i32
        %parallel_loop3A_197 = arith.index_cast %parallel_loop3A_196 : i32 to index
        %parallel_loop3A_198 = tpu.vector_load %arg10[%parallel_loop3A_197] {strides = array<i32>} : memref<1024xf32, #tpu.memory_space<vmem>>, vector<16xf32>,
        %parallel_loop3A_199 = arith.mulf %parallel_loop3A_190, %parallel_loop3A_198 : vector<16xf32>
        %parallel_loop3A_200 = arith.addf %parallel_loop3A_156, %parallel_loop3A_199 : vector<16xf32>
        %parallel_loop3A_201 = arith.constant 0 : i32
        %parallel_loop3A_202 = arith.addi %parallel_loop3A_201, %scan3A_107 : i32
        %parallel_loop3A_203 = arith.constant 4 : i32
        %parallel_loop3A_204 = arith.muli %parallel_loop3A_154, %parallel_loop3A_203 : i32
        %parallel_loop3A_205 = arith.constant 2 : i32
        %parallel_loop3A_206 = arith.addi %parallel_loop3A_204, %parallel_loop3A_205 : i32
        %parallel_loop3A_207 = arith.constant 16 : i32
        %parallel_loop3A_208 = arith.muli %parallel_loop3A_206, %parallel_loop3A_207 : i32
        %parallel_loop3A_209 = arith.index_cast %parallel_loop3A_202 : i32 to index
        %parallel_loop3A_210 = arith.index_cast %parallel_loop3A_208 : i32 to index
        %parallel_loop3A_211 = tpu.vector_load %arg7[%parallel_loop3A_209, %parallel_loop3A_210] {strides = array<i32>} : memref<32x1024xf32, #tpu.memory_space<vmem>>, vector<16xf32>,
        %parallel_loop3A_212 = arith.constant 4 : i32
        %parallel_loop3A_213 = arith.muli %parallel_loop3A_154, %parallel_loop3A_212 : i32
        %parallel_loop3A_214 = arith.constant 2 : i32
        %parallel_loop3A_215 = arith.addi %parallel_loop3A_213, %parallel_loop3A_214 : i32
        %parallel_loop3A_216 = arith.constant 16 : i32
        %parallel_loop3A_217 = arith.muli %parallel_loop3A_215, %parallel_loop3A_216 : i32
        %parallel_loop3A_218 = arith.index_cast %parallel_loop3A_217 : i32 to index
        %parallel_loop3A_219 = tpu.vector_load %arg10[%parallel_loop3A_218] {strides = array<i32>} : memref<1024xf32, #tpu.memory_space<vmem>>, vector<16xf32>,
        %parallel_loop3A_220 = arith.mulf %parallel_loop3A_211, %parallel_loop3A_219 : vector<16xf32>
        %parallel_loop3A_221 = arith.addf %parallel_loop3A_157, %parallel_loop3A_220 : vector<16xf32>
        %parallel_loop3A_222 = arith.constant 0 : i32
        %parallel_loop3A_223 = arith.addi %parallel_loop3A_222, %scan3A_107 : i32
        %parallel_loop3A_224 = arith.constant 4 : i32
        %parallel_loop3A_225 = arith.muli %parallel_loop3A_154, %parallel_loop3A_224 : i32
        %parallel_loop3A_226 = arith.constant 3 : i32
        %parallel_loop3A_227 = arith.addi %parallel_loop3A_225, %parallel_loop3A_226 : i32
        %parallel_loop3A_228 = arith.constant 16 : i32
        %parallel_loop3A_229 = arith.muli %parallel_loop3A_227, %parallel_loop3A_228 : i32
        %parallel_loop3A_230 = arith.index_cast %parallel_loop3A_223 : i32 to index
        %parallel_loop3A_231 = arith.index_cast %parallel_loop3A_229 : i32 to index
        %parallel_loop3A_232 = tpu.vector_load %arg7[%parallel_loop3A_230, %parallel_loop3A_231] {strides = array<i32>} : memref<32x1024xf32, #tpu.memory_space<vmem>>, vector<16xf32>,
        %parallel_loop3A_233 = arith.constant 4 : i32
        %parallel_loop3A_234 = arith.muli %parallel_loop3A_154, %parallel_loop3A_233 : i32
        %parallel_loop3A_235 = arith.constant 3 : i32
        %parallel_loop3A_236 = arith.addi %parallel_loop3A_234, %parallel_loop3A_235 : i32
        %parallel_loop3A_237 = arith.constant 16 : i32
        %parallel_loop3A_238 = arith.muli %parallel_loop3A_236, %parallel_loop3A_237 : i32
        %parallel_loop3A_239 = arith.index_cast %parallel_loop3A_238 : i32 to index
        %parallel_loop3A_240 = tpu.vector_load %arg10[%parallel_loop3A_239] {strides = array<i32>} : memref<1024xf32, #tpu.memory_space<vmem>>, vector<16xf32>,
        %parallel_loop3A_241 = arith.mulf %parallel_loop3A_232, %parallel_loop3A_240 : vector<16xf32>
        %parallel_loop3A_242 = arith.addf %parallel_loop3A_158, %parallel_loop3A_241 : vector<16xf32>
        scf.yield %parallel_loop3A_179, %parallel_loop3A_200, %parallel_loop3A_221, %parallel_loop3A_242 : vector<16xf32>, vector<16xf32>, vector<16xf32>, vector<16xf32>
      } {sc.loop_unroll_factor = 4 : i64, sc.parallel_access}
      %add3A_118 = arith.addf %parallel_loop3A_117#0, %parallel_loop3A_117#1 : vector<16xf32>
      %add3A_119 = arith.addf %parallel_loop3A_117#2, %parallel_loop3A_117#3 : vector<16xf32>
      %add3A_120 = arith.addf %add3A_118, %add3A_119 : vector<16xf32>
      %xor3A = arith.constant 8 : i32
      %xor3A_121 = vector.broadcast %xor3A : i32 to vector<16xi32>
      %xor3A_122 = arith.xori %iota3A, %xor3A_121 : vector<16xi32>
      %broadcast_in_dim3A_123 = vector.shape_cast %xor3A_122 : vector<16xi32> to vector<16x1xi32>
      %gather3A_124 = vector.shape_cast %broadcast_in_dim3A_123 : vector<16x1xi32> to vector<16xi32>
      %gather3A_125 = tpu.dynamic_gather %add3A_120[%gather3A_124] in [0] : vector<16xf32>, vector<16xi32> -> vector<16xf32>
      %add3A_126 = arith.addf %add3A_120, %gather3A_125 : vector<16xf32>
      %xor3A_127 = arith.constant 4 : i32
      %xor3A_128 = vector.broadcast %xor3A_127 : i32 to vector<16xi32>
      %xor3A_129 = arith.xori %iota3A, %xor3A_128 : vector<16xi32>
      %broadcast_in_dim3A_130 = vector.shape_cast %xor3A_129 : vector<16xi32> to vector<16x1xi32>
      %gather3A_131 = vector.shape_cast %broadcast_in_dim3A_130 : vector<16x1xi32> to vector<16xi32>
      %gather3A_132 = tpu.dynamic_gather %add3A_126[%gather3A_131] in [0] : vector<16xf32>, vector<16xi32> -> vector<16xf32>
      %add3A_133 = arith.addf %add3A_126, %gather3A_132 : vector<16xf32>
      %xor3A_134 = arith.constant 2 : i32
      %xor3A_135 = vector.broadcast %xor3A_134 : i32 to vector<16xi32>
      %xor3A_136 = arith.xori %iota3A, %xor3A_135 : vector<16xi32>
      %broadcast_in_dim3A_137 = vector.shape_cast %xor3A_136 : vector<16xi32> to vector<16x1xi32>
      %gather3A_138 = vector.shape_cast %broadcast_in_dim3A_137 : vector<16x1xi32> to vector<16xi32>
      %gather3A_139 = tpu.dynamic_gather %add3A_133[%gather3A_138] in [0] : vector<16xf32>, vector<16xi32> -> vector<16xf32>
      %add3A_140 = arith.addf %add3A_133, %gather3A_139 : vector<16xf32>
      %xor3A_141 = arith.constant 1 : i32
      %xor3A_142 = vector.broadcast %xor3A_141 : i32 to vector<16xi32>
      %xor3A_143 = arith.xori %iota3A, %xor3A_142 : vector<16xi32>
      %broadcast_in_dim3A_144 = vector.shape_cast %xor3A_143 : vector<16xi32> to vector<16x1xi32>
      %gather3A_145 = vector.shape_cast %broadcast_in_dim3A_144 : vector<16x1xi32> to vector<16xi32>
      %gather3A_146 = tpu.dynamic_gather %add3A_140[%gather3A_145] in [0] : vector<16xf32>, vector<16xi32> -> vector<16xf32>
      %add3A_147 = arith.addf %add3A_140, %gather3A_146 : vector<16xf32>
      %exp3A = math.exp %add3A_147 : vector<16xf32>
      %parallel_loop3A_148 = arith.constant 0 : i32
      %parallel_loop3A_149 = arith.constant 64 : i32
      %parallel_loop3A_150 = arith.constant 1 : i32
      scf.for %parallel_loop3A_154 = %parallel_loop3A_148 to %parallel_loop3A_149 step %parallel_loop3A_150  : i32 {
        %parallel_loop3A_155 = arith.constant 16 : i32
        %parallel_loop3A_156 = arith.muli %parallel_loop3A_154, %parallel_loop3A_155 : i32
        %parallel_loop3A_157 = arith.index_cast %squeeze3A : i32 to index
        %parallel_loop3A_158 = arith.index_cast %parallel_loop3A_156 : i32 to index
        %parallel_loop3A_159 = tpu.vector_load %arg9[%parallel_loop3A_157, %parallel_loop3A_158] {strides = array<i32>} : memref<16x1024xf32, #tpu.memory_space<vmem>>, vector<16xf32>,
        %parallel_loop3A_160 = arith.constant 0 : i32
        %parallel_loop3A_161 = arith.addi %parallel_loop3A_160, %scan3A_107 : i32
        %parallel_loop3A_162 = arith.index_cast %parallel_loop3A_161 : i32 to index
        %parallel_loop3A_163 = arith.index_cast %parallel_loop3A_156 : i32 to index
        %parallel_loop3A_164 = tpu.vector_load %arg7[%parallel_loop3A_162, %parallel_loop3A_163] {strides = array<i32>} : memref<32x1024xf32, #tpu.memory_space<vmem>>, vector<16xf32>,
        %parallel_loop3A_165 = arith.mulf %exp3A, %parallel_loop3A_164 : vector<16xf32>
        %parallel_loop3A_166 = arith.addf %parallel_loop3A_159, %parallel_loop3A_165 : vector<16xf32>
        %parallel_loop3A_167 = arith.index_cast %squeeze3A : i32 to index
        %parallel_loop3A_168 = arith.index_cast %parallel_loop3A_156 : i32 to index
        %parallel_loop3A_169 = tpu.vector_load %arg9[%parallel_loop3A_167, %parallel_loop3A_168] {strides = array<i32>} : memref<16x1024xf32, #tpu.memory_space<vmem>>, vector<16xf32>,
        tpu.vector_store %arg9[%parallel_loop3A_167, %parallel_loop3A_168], %parallel_loop3A_166 {strides = array<i32>} : memref<16x1024xf32, #tpu.memory_space<vmem>>, vector<16xf32>,
      } {sc.loop_unroll_factor = 16 : i64, sc.parallel_access}
      %eq3A = vector.broadcast %squeeze3A : i32 to vector<16xi32>
      %eq3A_151 = arith.cmpi eq, %iota3A, %eq3A : vector<16xi32>
      %jit3A = arith.constant 0.000000e+00 : f32
      %broadcast_in_dim3A_152 = vector.broadcast %jit3A : f32 to vector<16xf32>
      %select_n3A = arith.select %eq3A_151, %exp3A, %broadcast_in_dim3A_152 : vector<16xi1>, vector<16xf32>
      %add3A_153 = arith.addf %scan3A_108, %select_n3A : vector<16xf32>
      scf.yield %add3A_153 : vector<16xf32>
    }
    %scan3A_25 = arith.constant 16 : i32
    %get3A_26 = arith.constant 16 : index
    %get3A_27 = tpu.vector_load %arg11[%get3A_26] {strides = array<i32>} : memref<128xi32, #tpu.memory_space<vmem>>, vector<16xi32>,
    %scan3A_28 = arith.constant 0 : i32
    %scan3A_29 = arith.constant 16 : i32
    %scan3A_30 = arith.addi %scan3A_28, %scan3A_29 : i32
    %scan3A_31 = arith.constant 1 : i32
    %scan3A_32 = scf.for %scan3A_107 = %scan3A_28 to %scan3A_30 step %scan3A_31 iter_args(%scan3A_108 = %scan3A_24) -> (vector<16xf32>)  : i32 {
      %broadcast_in_dim3A_109 = vector.broadcast %scan3A_107 : i32 to vector<16xi32>
      %broadcast_in_dim3A_110 = vector.shape_cast %broadcast_in_dim3A_109 : vector<16xi32> to vector<16x1xi32>
      %gather3A = vector.shape_cast %broadcast_in_dim3A_110 : vector<16x1xi32> to vector<16xi32>
      %gather3A_111 = tpu.dynamic_gather %get3A_27[%gather3A] in [0] : vector<16xi32>, vector<16xi32> -> vector<16xi32>
      %slice3A = vector.extract_strided_slice %gather3A_111 {offsets = [0], sizes = [1], strides = [1]} : vector<16xi32> to vector<1xi32>
      %squeeze3A = vector.extract %slice3A[0] : i32 from vector<1xi32>
      %broadcast_in_dim3A_112 = arith.constant 0.000000e+00 : f32
      %broadcast_in_dim3A_113 = vector.broadcast %broadcast_in_dim3A_112 : f32 to vector<16xf32>
      %parallel_loop3A_114 = arith.constant 0 : i32
      %parallel_loop3A_115 = arith.constant 16 : i32
      %parallel_loop3A_116 = arith.constant 1 : i32
      %parallel_loop3A_117:4 = scf.for %parallel_loop3A_154 = %parallel_loop3A_114 to %parallel_loop3A_115 step %parallel_loop3A_116 iter_args(%parallel_loop3A_155 = %broadcast_in_dim3A_113, %parallel_loop3A_156 = %broadcast_in_dim3A_113, %parallel_loop3A_157 = %broadcast_in_dim3A_113, %parallel_loop3A_158 = %broadcast_in_dim3A_113) -> (vector<16xf32>, vector<16xf32>, vector<16xf32>, vector<16xf32>)  : i32 {
        %parallel_loop3A_159 = arith.constant 16 : i32
        %parallel_loop3A_160 = arith.addi %parallel_loop3A_159, %scan3A_107 : i32
        %parallel_loop3A_161 = arith.constant 4 : i32
        %parallel_loop3A_162 = arith.muli %parallel_loop3A_154, %parallel_loop3A_161 : i32
        %parallel_loop3A_163 = arith.constant 0 : i32
        %parallel_loop3A_164 = arith.addi %parallel_loop3A_162, %parallel_loop3A_163 : i32
        %parallel_loop3A_165 = arith.constant 16 : i32
        %parallel_loop3A_166 = arith.muli %parallel_loop3A_164, %parallel_loop3A_165 : i32
        %parallel_loop3A_167 = arith.index_cast %parallel_loop3A_160 : i32 to index
        %parallel_loop3A_168 = arith.index_cast %parallel_loop3A_166 : i32 to index
        %parallel_loop3A_169 = tpu.vector_load %arg7[%parallel_loop3A_167, %parallel_loop3A_168] {strides = array<i32>} : memref<32x1024xf32, #tpu.memory_space<vmem>>, vector<16xf32>,
        %parallel_loop3A_170 = arith.constant 4 : i32
        %parallel_loop3A_171 = arith.muli %parallel_loop3A_154, %parallel_loop3A_170 : i32
        %parallel_loop3A_172 = arith.constant 0 : i32
        %parallel_loop3A_173 = arith.addi %parallel_loop3A_171, %parallel_loop3A_172 : i32
        %parallel_loop3A_174 = arith.constant 16 : i32
        %parallel_loop3A_175 = arith.muli %parallel_loop3A_173, %parallel_loop3A_174 : i32
        %parallel_loop3A_176 = arith.index_cast %parallel_loop3A_175 : i32 to index
        %parallel_loop3A_177 = tpu.vector_load %arg10[%parallel_loop3A_176] {strides = array<i32>} : memref<1024xf32, #tpu.memory_space<vmem>>, vector<16xf32>,
        %parallel_loop3A_178 = arith.mulf %parallel_loop3A_169, %parallel_loop3A_177 : vector<16xf32>
        %parallel_loop3A_179 = arith.addf %parallel_loop3A_155, %parallel_loop3A_178 : vector<16xf32>
        %parallel_loop3A_180 = arith.constant 16 : i32
        %parallel_loop3A_181 = arith.addi %parallel_loop3A_180, %scan3A_107 : i32
        %parallel_loop3A_182 = arith.constant 4 : i32
        %parallel_loop3A_183 = arith.muli %parallel_loop3A_154, %parallel_loop3A_182 : i32
        %parallel_loop3A_184 = arith.constant 1 : i32
        %parallel_loop3A_185 = arith.addi %parallel_loop3A_183, %parallel_loop3A_184 : i32
        %parallel_loop3A_186 = arith.constant 16 : i32
        %parallel_loop3A_187 = arith.muli %parallel_loop3A_185, %parallel_loop3A_186 : i32
        %parallel_loop3A_188 = arith.index_cast %parallel_loop3A_181 : i32 to index
        %parallel_loop3A_189 = arith.index_cast %parallel_loop3A_187 : i32 to index
        %parallel_loop3A_190 = tpu.vector_load %arg7[%parallel_loop3A_188, %parallel_loop3A_189] {strides = array<i32>} : memref<32x1024xf32, #tpu.memory_space<vmem>>, vector<16xf32>,
        %parallel_loop3A_191 = arith.constant 4 : i32
        %parallel_loop3A_192 = arith.muli %parallel_loop3A_154, %parallel_loop3A_191 : i32
        %parallel_loop3A_193 = arith.constant 1 : i32
        %parallel_loop3A_194 = arith.addi %parallel_loop3A_192, %parallel_loop3A_193 : i32
        %parallel_loop3A_195 = arith.constant 16 : i32
        %parallel_loop3A_196 = arith.muli %parallel_loop3A_194, %parallel_loop3A_195 : i32
        %parallel_loop3A_197 = arith.index_cast %parallel_loop3A_196 : i32 to index
        %parallel_loop3A_198 = tpu.vector_load %arg10[%parallel_loop3A_197] {strides = array<i32>} : memref<1024xf32, #tpu.memory_space<vmem>>, vector<16xf32>,
        %parallel_loop3A_199 = arith.mulf %parallel_loop3A_190, %parallel_loop3A_198 : vector<16xf32>
        %parallel_loop3A_200 = arith.addf %parallel_loop3A_156, %parallel_loop3A_199 : vector<16xf32>
        %parallel_loop3A_201 = arith.constant 16 : i32
        %parallel_loop3A_202 = arith.addi %parallel_loop3A_201, %scan3A_107 : i32
        %parallel_loop3A_203 = arith.constant 4 : i32
        %parallel_loop3A_204 = arith.muli %parallel_loop3A_154, %parallel_loop3A_203 : i32
        %parallel_loop3A_205 = arith.constant 2 : i32
        %parallel_loop3A_206 = arith.addi %parallel_loop3A_204, %parallel_loop3A_205 : i32
        %parallel_loop3A_207 = arith.constant 16 : i32
        %parallel_loop3A_208 = arith.muli %parallel_loop3A_206, %parallel_loop3A_207 : i32
        %parallel_loop3A_209 = arith.index_cast %parallel_loop3A_202 : i32 to index
        %parallel_loop3A_210 = arith.index_cast %parallel_loop3A_208 : i32 to index
        %parallel_loop3A_211 = tpu.vector_load %arg7[%parallel_loop3A_209, %parallel_loop3A_210] {strides = array<i32>} : memref<32x1024xf32, #tpu.memory_space<vmem>>, vector<16xf32>,
        %parallel_loop3A_212 = arith.constant 4 : i32
        %parallel_loop3A_213 = arith.muli %parallel_loop3A_154, %parallel_loop3A_212 : i32
        %parallel_loop3A_214 = arith.constant 2 : i32
        %parallel_loop3A_215 = arith.addi %parallel_loop3A_213, %parallel_loop3A_214 : i32
        %parallel_loop3A_216 = arith.constant 16 : i32
        %parallel_loop3A_217 = arith.muli %parallel_loop3A_215, %parallel_loop3A_216 : i32
        %parallel_loop3A_218 = arith.index_cast %parallel_loop3A_217 : i32 to index
        %parallel_loop3A_219 = tpu.vector_load %arg10[%parallel_loop3A_218] {strides = array<i32>} : memref<1024xf32, #tpu.memory_space<vmem>>, vector<16xf32>,
        %parallel_loop3A_220 = arith.mulf %parallel_loop3A_211, %parallel_loop3A_219 : vector<16xf32>
        %parallel_loop3A_221 = arith.addf %parallel_loop3A_157, %parallel_loop3A_220 : vector<16xf32>
        %parallel_loop3A_222 = arith.constant 16 : i32
        %parallel_loop3A_223 = arith.addi %parallel_loop3A_222, %scan3A_107 : i32
        %parallel_loop3A_224 = arith.constant 4 : i32
        %parallel_loop3A_225 = arith.muli %parallel_loop3A_154, %parallel_loop3A_224 : i32
        %parallel_loop3A_226 = arith.constant 3 : i32
        %parallel_loop3A_227 = arith.addi %parallel_loop3A_225, %parallel_loop3A_226 : i32
        %parallel_loop3A_228 = arith.constant 16 : i32
        %parallel_loop3A_229 = arith.muli %parallel_loop3A_227, %parallel_loop3A_228 : i32
        %parallel_loop3A_230 = arith.index_cast %parallel_loop3A_223 : i32 to index
        %parallel_loop3A_231 = arith.index_cast %parallel_loop3A_229 : i32 to index
        %parallel_loop3A_232 = tpu.vector_load %arg7[%parallel_loop3A_230, %parallel_loop3A_231] {strides = array<i32>} : memref<32x1024xf32, #tpu.memory_space<vmem>>, vector<16xf32>,
        %parallel_loop3A_233 = arith.constant 4 : i32
        %parallel_loop3A_234 = arith.muli %parallel_loop3A_154, %parallel_loop3A_233 : i32
        %parallel_loop3A_235 = arith.constant 3 : i32
        %parallel_loop3A_236 = arith.addi %parallel_loop3A_234, %parallel_loop3A_235 : i32
        %parallel_loop3A_237 = arith.constant 16 : i32
        %parallel_loop3A_238 = arith.muli %parallel_loop3A_236, %parallel_loop3A_237 : i32
        %parallel_loop3A_239 = arith.index_cast %parallel_loop3A_238 : i32 to index
        %parallel_loop3A_240 = tpu.vector_load %arg10[%parallel_loop3A_239] {strides = array<i32>} : memref<1024xf32, #tpu.memory_space<vmem>>, vector<16xf32>,
        %parallel_loop3A_241 = arith.mulf %parallel_loop3A_232, %parallel_loop3A_240 : vector<16xf32>
        %parallel_loop3A_242 = arith.addf %parallel_loop3A_158, %parallel_loop3A_241 : vector<16xf32>
        scf.yield %parallel_loop3A_179, %parallel_loop3A_200, %parallel_loop3A_221, %parallel_loop3A_242 : vector<16xf32>, vector<16xf32>, vector<16xf32>, vector<16xf32>
      } {sc.loop_unroll_factor = 4 : i64, sc.parallel_access}
      %add3A_118 = arith.addf %parallel_loop3A_117#0, %parallel_loop3A_117#1 : vector<16xf32>
      %add3A_119 = arith.addf %parallel_loop3A_117#2, %parallel_loop3A_117#3 : vector<16xf32>
      %add3A_120 = arith.addf %add3A_118, %add3A_119 : vector<16xf32>
      %xor3A = arith.constant 8 : i32
      %xor3A_121 = vector.broadcast %xor3A : i32 to vector<16xi32>
      %xor3A_122 = arith.xori %iota3A, %xor3A_121 : vector<16xi32>
      %broadcast_in_dim3A_123 = vector.shape_cast %xor3A_122 : vector<16xi32> to vector<16x1xi32>
      %gather3A_124 = vector.shape_cast %broadcast_in_dim3A_123 : vector<16x1xi32> to vector<16xi32>
      %gather3A_125 = tpu.dynamic_gather %add3A_120[%gather3A_124] in [0] : vector<16xf32>, vector<16xi32> -> vector<16xf32>
      %add3A_126 = arith.addf %add3A_120, %gather3A_125 : vector<16xf32>
      %xor3A_127 = arith.constant 4 : i32
      %xor3A_128 = vector.broadcast %xor3A_127 : i32 to vector<16xi32>
      %xor3A_129 = arith.xori %iota3A, %xor3A_128 : vector<16xi32>
      %broadcast_in_dim3A_130 = vector.shape_cast %xor3A_129 : vector<16xi32> to vector<16x1xi32>
      %gather3A_131 = vector.shape_cast %broadcast_in_dim3A_130 : vector<16x1xi32> to vector<16xi32>
      %gather3A_132 = tpu.dynamic_gather %add3A_126[%gather3A_131] in [0] : vector<16xf32>, vector<16xi32> -> vector<16xf32>
      %add3A_133 = arith.addf %add3A_126, %gather3A_132 : vector<16xf32>
      %xor3A_134 = arith.constant 2 : i32
      %xor3A_135 = vector.broadcast %xor3A_134 : i32 to vector<16xi32>
      %xor3A_136 = arith.xori %iota3A, %xor3A_135 : vector<16xi32>
      %broadcast_in_dim3A_137 = vector.shape_cast %xor3A_136 : vector<16xi32> to vector<16x1xi32>
      %gather3A_138 = vector.shape_cast %broadcast_in_dim3A_137 : vector<16x1xi32> to vector<16xi32>
      %gather3A_139 = tpu.dynamic_gather %add3A_133[%gather3A_138] in [0] : vector<16xf32>, vector<16xi32> -> vector<16xf32>
      %add3A_140 = arith.addf %add3A_133, %gather3A_139 : vector<16xf32>
      %xor3A_141 = arith.constant 1 : i32
      %xor3A_142 = vector.broadcast %xor3A_141 : i32 to vector<16xi32>
      %xor3A_143 = arith.xori %iota3A, %xor3A_142 : vector<16xi32>
      %broadcast_in_dim3A_144 = vector.shape_cast %xor3A_143 : vector<16xi32> to vector<16x1xi32>
      %gather3A_145 = vector.shape_cast %broadcast_in_dim3A_144 : vector<16x1xi32> to vector<16xi32>
      %gather3A_146 = tpu.dynamic_gather %add3A_140[%gather3A_145] in [0] : vector<16xf32>, vector<16xi32> -> vector<16xf32>
      %add3A_147 = arith.addf %add3A_140, %gather3A_146 : vector<16xf32>
      %exp3A = math.exp %add3A_147 : vector<16xf32>
      %parallel_loop3A_148 = arith.constant 0 : i32
      %parallel_loop3A_149 = arith.constant 64 : i32
      %parallel_loop3A_150 = arith.constant 1 : i32
      scf.for %parallel_loop3A_154 = %parallel_loop3A_148 to %parallel_loop3A_149 step %parallel_loop3A_150  : i32 {
        %parallel_loop3A_155 = arith.constant 16 : i32
        %parallel_loop3A_156 = arith.muli %parallel_loop3A_154, %parallel_loop3A_155 : i32
        %parallel_loop3A_157 = arith.index_cast %squeeze3A : i32 to index
        %parallel_loop3A_158 = arith.index_cast %parallel_loop3A_156 : i32 to index
        %parallel_loop3A_159 = tpu.vector_load %arg9[%parallel_loop3A_157, %parallel_loop3A_158] {strides = array<i32>} : memref<16x1024xf32, #tpu.memory_space<vmem>>, vector<16xf32>,
        %parallel_loop3A_160 = arith.constant 16 : i32
        %parallel_loop3A_161 = arith.addi %parallel_loop3A_160, %scan3A_107 : i32
        %parallel_loop3A_162 = arith.index_cast %parallel_loop3A_161 : i32 to index
        %parallel_loop3A_163 = arith.index_cast %parallel_loop3A_156 : i32 to index
        %parallel_loop3A_164 = tpu.vector_load %arg7[%parallel_loop3A_162, %parallel_loop3A_163] {strides = array<i32>} : memref<32x1024xf32, #tpu.memory_space<vmem>>, vector<16xf32>,
        %parallel_loop3A_165 = arith.mulf %exp3A, %parallel_loop3A_164 : vector<16xf32>
        %parallel_loop3A_166 = arith.addf %parallel_loop3A_159, %parallel_loop3A_165 : vector<16xf32>
        %parallel_loop3A_167 = arith.index_cast %squeeze3A : i32 to index
        %parallel_loop3A_168 = arith.index_cast %parallel_loop3A_156 : i32 to index
        %parallel_loop3A_169 = tpu.vector_load %arg9[%parallel_loop3A_167, %parallel_loop3A_168] {strides = array<i32>} : memref<16x1024xf32, #tpu.memory_space<vmem>>, vector<16xf32>,
        tpu.vector_store %arg9[%parallel_loop3A_167, %parallel_loop3A_168], %parallel_loop3A_166 {strides = array<i32>} : memref<16x1024xf32, #tpu.memory_space<vmem>>, vector<16xf32>,
      } {sc.loop_unroll_factor = 16 : i64, sc.parallel_access}
      %eq3A = vector.broadcast %squeeze3A : i32 to vector<16xi32>
      %eq3A_151 = arith.cmpi eq, %iota3A, %eq3A : vector<16xi32>
      %jit3A = arith.constant 0.000000e+00 : f32
      %broadcast_in_dim3A_152 = vector.broadcast %jit3A : f32 to vector<16xf32>
      %select_n3A = arith.select %eq3A_151, %exp3A, %broadcast_in_dim3A_152 : vector<16xi1>, vector<16xf32>
      %add3A_153 = arith.addf %scan3A_108, %select_n3A : vector<16xf32>
      scf.yield %add3A_153 : vector<16xf32>
    }
    %scan3A_33 = arith.constant 16 : i32
    %add3A_34 = arith.constant 64 : i32
    %add3A_35 = arith.addi %add3A_4, %add3A_34 : i32
    %dma_start3A_36 = arith.constant 0 : i32
    %dma_start3A_37 = tpu.memref_slice %arg2[%add3A_35, %dma_start3A_36] : memref<16384x1024xf32, #tpu.memory_space<hbm>> -> memref<32x1024xf32, #tpu.memory_space<hbm>>
    %dma_start3A_38 = arith.constant 0 : i32
    %dma_start3A_39 = tpu.memref_slice %arg2[%add3A_35, %dma_start3A_38] : memref<16384x1024xf32, #tpu.memory_space<hbm>> -> memref<32x1024xf32, #tpu.memory_space<hbm>>
    tpu.enqueue_dma source(%dma_start3A_39 : memref<32x1024xf32, #tpu.memory_space<hbm>>) target(%arg7 : memref<32x1024xf32, #tpu.memory_space<vmem>>) target_semaphore(%arg13 : memref<!tpu.dma_semaphore, #tpu.memory_space<semaphore_mem>>)
    %dma_wait3A_40 = arith.constant 0 : i32
    %dma_wait3A_41 = tpu.memref_slice %arg2[%add3A_12, %dma_wait3A_40] : memref<16384x1024xf32, #tpu.memory_space<hbm>> -> memref<32x1024xf32, #tpu.memory_space<hbm>>
    %dma_wait3A_42 = arith.constant 0 : i32
    %dma_wait3A_43 = tpu.memref_slice %arg2[%add3A_12, %dma_wait3A_42] : memref<16384x1024xf32, #tpu.memory_space<hbm>> -> memref<32x1024xf32, #tpu.memory_space<hbm>>
    tpu.wait_dma2 semaphore(%arg14 : memref<!tpu.dma_semaphore, #tpu.memory_space<semaphore_mem>>) src(%dma_wait3A_43 : memref<32x1024xf32, #tpu.memory_space<hbm>>) dst(%arg8 : memref<32x1024xf32, #tpu.memory_space<vmem>>)
    %get3A_44 = arith.constant 32 : index
    %get3A_45 = tpu.vector_load %arg11[%get3A_44] {strides = array<i32>} : memref<128xi32, #tpu.memory_space<vmem>>, vector<16xi32>,
    %scan3A_46 = arith.constant 0 : i32
    %scan3A_47 = arith.constant 16 : i32
    %scan3A_48 = arith.addi %scan3A_46, %scan3A_47 : i32
    %scan3A_49 = arith.constant 1 : i32
    %scan3A_50 = scf.for %scan3A_107 = %scan3A_46 to %scan3A_48 step %scan3A_49 iter_args(%scan3A_108 = %scan3A_32) -> (vector<16xf32>)  : i32 {
      %broadcast_in_dim3A_109 = vector.broadcast %scan3A_107 : i32 to vector<16xi32>
      %broadcast_in_dim3A_110 = vector.shape_cast %broadcast_in_dim3A_109 : vector<16xi32> to vector<16x1xi32>
      %gather3A = vector.shape_cast %broadcast_in_dim3A_110 : vector<16x1xi32> to vector<16xi32>
      %gather3A_111 = tpu.dynamic_gather %get3A_45[%gather3A] in [0] : vector<16xi32>, vector<16xi32> -> vector<16xi32>
      %slice3A = vector.extract_strided_slice %gather3A_111 {offsets = [0], sizes = [1], strides = [1]} : vector<16xi32> to vector<1xi32>
      %squeeze3A = vector.extract %slice3A[0] : i32 from vector<1xi32>
      %broadcast_in_dim3A_112 = arith.constant 0.000000e+00 : f32
      %broadcast_in_dim3A_113 = vector.broadcast %broadcast_in_dim3A_112 : f32 to vector<16xf32>
      %parallel_loop3A_114 = arith.constant 0 : i32
      %parallel_loop3A_115 = arith.constant 16 : i32
      %parallel_loop3A_116 = arith.constant 1 : i32
      %parallel_loop3A_117:4 = scf.for %parallel_loop3A_154 = %parallel_loop3A_114 to %parallel_loop3A_115 step %parallel_loop3A_116 iter_args(%parallel_loop3A_155 = %broadcast_in_dim3A_113, %parallel_loop3A_156 = %broadcast_in_dim3A_113, %parallel_loop3A_157 = %broadcast_in_dim3A_113, %parallel_loop3A_158 = %broadcast_in_dim3A_113) -> (vector<16xf32>, vector<16xf32>, vector<16xf32>, vector<16xf32>)  : i32 {
        %parallel_loop3A_159 = arith.constant 0 : i32
        %parallel_loop3A_160 = arith.addi %parallel_loop3A_159, %scan3A_107 : i32
        %parallel_loop3A_161 = arith.constant 4 : i32
        %parallel_loop3A_162 = arith.muli %parallel_loop3A_154, %parallel_loop3A_161 : i32
        %parallel_loop3A_163 = arith.constant 0 : i32
        %parallel_loop3A_164 = arith.addi %parallel_loop3A_162, %parallel_loop3A_163 : i32
        %parallel_loop3A_165 = arith.constant 16 : i32
        %parallel_loop3A_166 = arith.muli %parallel_loop3A_164, %parallel_loop3A_165 : i32
        %parallel_loop3A_167 = arith.index_cast %parallel_loop3A_160 : i32 to index
        %parallel_loop3A_168 = arith.index_cast %parallel_loop3A_166 : i32 to index
        %parallel_loop3A_169 = tpu.vector_load %arg8[%parallel_loop3A_167, %parallel_loop3A_168] {strides = array<i32>} : memref<32x1024xf32, #tpu.memory_space<vmem>>, vector<16xf32>,
        %parallel_loop3A_170 = arith.constant 4 : i32
        %parallel_loop3A_171 = arith.muli %parallel_loop3A_154, %parallel_loop3A_170 : i32
        %parallel_loop3A_172 = arith.constant 0 : i32
        %parallel_loop3A_173 = arith.addi %parallel_loop3A_171, %parallel_loop3A_172 : i32
        %parallel_loop3A_174 = arith.constant 16 : i32
        %parallel_loop3A_175 = arith.muli %parallel_loop3A_173, %parallel_loop3A_174 : i32
        %parallel_loop3A_176 = arith.index_cast %parallel_loop3A_175 : i32 to index
        %parallel_loop3A_177 = tpu.vector_load %arg10[%parallel_loop3A_176] {strides = array<i32>} : memref<1024xf32, #tpu.memory_space<vmem>>, vector<16xf32>,
        %parallel_loop3A_178 = arith.mulf %parallel_loop3A_169, %parallel_loop3A_177 : vector<16xf32>
        %parallel_loop3A_179 = arith.addf %parallel_loop3A_155, %parallel_loop3A_178 : vector<16xf32>
        %parallel_loop3A_180 = arith.constant 0 : i32
        %parallel_loop3A_181 = arith.addi %parallel_loop3A_180, %scan3A_107 : i32
        %parallel_loop3A_182 = arith.constant 4 : i32
        %parallel_loop3A_183 = arith.muli %parallel_loop3A_154, %parallel_loop3A_182 : i32
        %parallel_loop3A_184 = arith.constant 1 : i32
        %parallel_loop3A_185 = arith.addi %parallel_loop3A_183, %parallel_loop3A_184 : i32
        %parallel_loop3A_186 = arith.constant 16 : i32
        %parallel_loop3A_187 = arith.muli %parallel_loop3A_185, %parallel_loop3A_186 : i32
        %parallel_loop3A_188 = arith.index_cast %parallel_loop3A_181 : i32 to index
        %parallel_loop3A_189 = arith.index_cast %parallel_loop3A_187 : i32 to index
        %parallel_loop3A_190 = tpu.vector_load %arg8[%parallel_loop3A_188, %parallel_loop3A_189] {strides = array<i32>} : memref<32x1024xf32, #tpu.memory_space<vmem>>, vector<16xf32>,
        %parallel_loop3A_191 = arith.constant 4 : i32
        %parallel_loop3A_192 = arith.muli %parallel_loop3A_154, %parallel_loop3A_191 : i32
        %parallel_loop3A_193 = arith.constant 1 : i32
        %parallel_loop3A_194 = arith.addi %parallel_loop3A_192, %parallel_loop3A_193 : i32
        %parallel_loop3A_195 = arith.constant 16 : i32
        %parallel_loop3A_196 = arith.muli %parallel_loop3A_194, %parallel_loop3A_195 : i32
        %parallel_loop3A_197 = arith.index_cast %parallel_loop3A_196 : i32 to index
        %parallel_loop3A_198 = tpu.vector_load %arg10[%parallel_loop3A_197] {strides = array<i32>} : memref<1024xf32, #tpu.memory_space<vmem>>, vector<16xf32>,
        %parallel_loop3A_199 = arith.mulf %parallel_loop3A_190, %parallel_loop3A_198 : vector<16xf32>
        %parallel_loop3A_200 = arith.addf %parallel_loop3A_156, %parallel_loop3A_199 : vector<16xf32>
        %parallel_loop3A_201 = arith.constant 0 : i32
        %parallel_loop3A_202 = arith.addi %parallel_loop3A_201, %scan3A_107 : i32
        %parallel_loop3A_203 = arith.constant 4 : i32
        %parallel_loop3A_204 = arith.muli %parallel_loop3A_154, %parallel_loop3A_203 : i32
        %parallel_loop3A_205 = arith.constant 2 : i32
        %parallel_loop3A_206 = arith.addi %parallel_loop3A_204, %parallel_loop3A_205 : i32
        %parallel_loop3A_207 = arith.constant 16 : i32
        %parallel_loop3A_208 = arith.muli %parallel_loop3A_206, %parallel_loop3A_207 : i32
        %parallel_loop3A_209 = arith.index_cast %parallel_loop3A_202 : i32 to index
        %parallel_loop3A_210 = arith.index_cast %parallel_loop3A_208 : i32 to index
        %parallel_loop3A_211 = tpu.vector_load %arg8[%parallel_loop3A_209, %parallel_loop3A_210] {strides = array<i32>} : memref<32x1024xf32, #tpu.memory_space<vmem>>, vector<16xf32>,
        %parallel_loop3A_212 = arith.constant 4 : i32
        %parallel_loop3A_213 = arith.muli %parallel_loop3A_154, %parallel_loop3A_212 : i32
        %parallel_loop3A_214 = arith.constant 2 : i32
        %parallel_loop3A_215 = arith.addi %parallel_loop3A_213, %parallel_loop3A_214 : i32
        %parallel_loop3A_216 = arith.constant 16 : i32
        %parallel_loop3A_217 = arith.muli %parallel_loop3A_215, %parallel_loop3A_216 : i32
        %parallel_loop3A_218 = arith.index_cast %parallel_loop3A_217 : i32 to index
        %parallel_loop3A_219 = tpu.vector_load %arg10[%parallel_loop3A_218] {strides = array<i32>} : memref<1024xf32, #tpu.memory_space<vmem>>, vector<16xf32>,
        %parallel_loop3A_220 = arith.mulf %parallel_loop3A_211, %parallel_loop3A_219 : vector<16xf32>
        %parallel_loop3A_221 = arith.addf %parallel_loop3A_157, %parallel_loop3A_220 : vector<16xf32>
        %parallel_loop3A_222 = arith.constant 0 : i32
        %parallel_loop3A_223 = arith.addi %parallel_loop3A_222, %scan3A_107 : i32
        %parallel_loop3A_224 = arith.constant 4 : i32
        %parallel_loop3A_225 = arith.muli %parallel_loop3A_154, %parallel_loop3A_224 : i32
        %parallel_loop3A_226 = arith.constant 3 : i32
        %parallel_loop3A_227 = arith.addi %parallel_loop3A_225, %parallel_loop3A_226 : i32
        %parallel_loop3A_228 = arith.constant 16 : i32
        %parallel_loop3A_229 = arith.muli %parallel_loop3A_227, %parallel_loop3A_228 : i32
        %parallel_loop3A_230 = arith.index_cast %parallel_loop3A_223 : i32 to index
        %parallel_loop3A_231 = arith.index_cast %parallel_loop3A_229 : i32 to index
        %parallel_loop3A_232 = tpu.vector_load %arg8[%parallel_loop3A_230, %parallel_loop3A_231] {strides = array<i32>} : memref<32x1024xf32, #tpu.memory_space<vmem>>, vector<16xf32>,
        %parallel_loop3A_233 = arith.constant 4 : i32
        %parallel_loop3A_234 = arith.muli %parallel_loop3A_154, %parallel_loop3A_233 : i32
        %parallel_loop3A_235 = arith.constant 3 : i32
        %parallel_loop3A_236 = arith.addi %parallel_loop3A_234, %parallel_loop3A_235 : i32
        %parallel_loop3A_237 = arith.constant 16 : i32
        %parallel_loop3A_238 = arith.muli %parallel_loop3A_236, %parallel_loop3A_237 : i32
        %parallel_loop3A_239 = arith.index_cast %parallel_loop3A_238 : i32 to index
        %parallel_loop3A_240 = tpu.vector_load %arg10[%parallel_loop3A_239] {strides = array<i32>} : memref<1024xf32, #tpu.memory_space<vmem>>, vector<16xf32>,
        %parallel_loop3A_241 = arith.mulf %parallel_loop3A_232, %parallel_loop3A_240 : vector<16xf32>
        %parallel_loop3A_242 = arith.addf %parallel_loop3A_158, %parallel_loop3A_241 : vector<16xf32>
        scf.yield %parallel_loop3A_179, %parallel_loop3A_200, %parallel_loop3A_221, %parallel_loop3A_242 : vector<16xf32>, vector<16xf32>, vector<16xf32>, vector<16xf32>
      } {sc.loop_unroll_factor = 4 : i64, sc.parallel_access}
      %add3A_118 = arith.addf %parallel_loop3A_117#0, %parallel_loop3A_117#1 : vector<16xf32>
      %add3A_119 = arith.addf %parallel_loop3A_117#2, %parallel_loop3A_117#3 : vector<16xf32>
      %add3A_120 = arith.addf %add3A_118, %add3A_119 : vector<16xf32>
      %xor3A = arith.constant 8 : i32
      %xor3A_121 = vector.broadcast %xor3A : i32 to vector<16xi32>
      %xor3A_122 = arith.xori %iota3A, %xor3A_121 : vector<16xi32>
      %broadcast_in_dim3A_123 = vector.shape_cast %xor3A_122 : vector<16xi32> to vector<16x1xi32>
      %gather3A_124 = vector.shape_cast %broadcast_in_dim3A_123 : vector<16x1xi32> to vector<16xi32>
      %gather3A_125 = tpu.dynamic_gather %add3A_120[%gather3A_124] in [0] : vector<16xf32>, vector<16xi32> -> vector<16xf32>
      %add3A_126 = arith.addf %add3A_120, %gather3A_125 : vector<16xf32>
      %xor3A_127 = arith.constant 4 : i32
      %xor3A_128 = vector.broadcast %xor3A_127 : i32 to vector<16xi32>
      %xor3A_129 = arith.xori %iota3A, %xor3A_128 : vector<16xi32>
      %broadcast_in_dim3A_130 = vector.shape_cast %xor3A_129 : vector<16xi32> to vector<16x1xi32>
      %gather3A_131 = vector.shape_cast %broadcast_in_dim3A_130 : vector<16x1xi32> to vector<16xi32>
      %gather3A_132 = tpu.dynamic_gather %add3A_126[%gather3A_131] in [0] : vector<16xf32>, vector<16xi32> -> vector<16xf32>
      %add3A_133 = arith.addf %add3A_126, %gather3A_132 : vector<16xf32>
      %xor3A_134 = arith.constant 2 : i32
      %xor3A_135 = vector.broadcast %xor3A_134 : i32 to vector<16xi32>
      %xor3A_136 = arith.xori %iota3A, %xor3A_135 : vector<16xi32>
      %broadcast_in_dim3A_137 = vector.shape_cast %xor3A_136 : vector<16xi32> to vector<16x1xi32>
      %gather3A_138 = vector.shape_cast %broadcast_in_dim3A_137 : vector<16x1xi32> to vector<16xi32>
      %gather3A_139 = tpu.dynamic_gather %add3A_133[%gather3A_138] in [0] : vector<16xf32>, vector<16xi32> -> vector<16xf32>
      %add3A_140 = arith.addf %add3A_133, %gather3A_139 : vector<16xf32>
      %xor3A_141 = arith.constant 1 : i32
      %xor3A_142 = vector.broadcast %xor3A_141 : i32 to vector<16xi32>
      %xor3A_143 = arith.xori %iota3A, %xor3A_142 : vector<16xi32>
      %broadcast_in_dim3A_144 = vector.shape_cast %xor3A_143 : vector<16xi32> to vector<16x1xi32>
      %gather3A_145 = vector.shape_cast %broadcast_in_dim3A_144 : vector<16x1xi32> to vector<16xi32>
      %gather3A_146 = tpu.dynamic_gather %add3A_140[%gather3A_145] in [0] : vector<16xf32>, vector<16xi32> -> vector<16xf32>
      %add3A_147 = arith.addf %add3A_140, %gather3A_146 : vector<16xf32>
      %exp3A = math.exp %add3A_147 : vector<16xf32>
      %parallel_loop3A_148 = arith.constant 0 : i32
      %parallel_loop3A_149 = arith.constant 64 : i32
      %parallel_loop3A_150 = arith.constant 1 : i32
      scf.for %parallel_loop3A_154 = %parallel_loop3A_148 to %parallel_loop3A_149 step %parallel_loop3A_150  : i32 {
        %parallel_loop3A_155 = arith.constant 16 : i32
        %parallel_loop3A_156 = arith.muli %parallel_loop3A_154, %parallel_loop3A_155 : i32
        %parallel_loop3A_157 = arith.index_cast %squeeze3A : i32 to index
        %parallel_loop3A_158 = arith.index_cast %parallel_loop3A_156 : i32 to index
        %parallel_loop3A_159 = tpu.vector_load %arg9[%parallel_loop3A_157, %parallel_loop3A_158] {strides = array<i32>} : memref<16x1024xf32, #tpu.memory_space<vmem>>, vector<16xf32>,
        %parallel_loop3A_160 = arith.constant 0 : i32
        %parallel_loop3A_161 = arith.addi %parallel_loop3A_160, %scan3A_107 : i32
        %parallel_loop3A_162 = arith.index_cast %parallel_loop3A_161 : i32 to index
        %parallel_loop3A_163 = arith.index_cast %parallel_loop3A_156 : i32 to index
        %parallel_loop3A_164 = tpu.vector_load %arg8[%parallel_loop3A_162, %parallel_loop3A_163] {strides = array<i32>} : memref<32x1024xf32, #tpu.memory_space<vmem>>, vector<16xf32>,
        %parallel_loop3A_165 = arith.mulf %exp3A, %parallel_loop3A_164 : vector<16xf32>
        %parallel_loop3A_166 = arith.addf %parallel_loop3A_159, %parallel_loop3A_165 : vector<16xf32>
        %parallel_loop3A_167 = arith.index_cast %squeeze3A : i32 to index
        %parallel_loop3A_168 = arith.index_cast %parallel_loop3A_156 : i32 to index
        %parallel_loop3A_169 = tpu.vector_load %arg9[%parallel_loop3A_167, %parallel_loop3A_168] {strides = array<i32>} : memref<16x1024xf32, #tpu.memory_space<vmem>>, vector<16xf32>,
        tpu.vector_store %arg9[%parallel_loop3A_167, %parallel_loop3A_168], %parallel_loop3A_166 {strides = array<i32>} : memref<16x1024xf32, #tpu.memory_space<vmem>>, vector<16xf32>,
      } {sc.loop_unroll_factor = 16 : i64, sc.parallel_access}
      %eq3A = vector.broadcast %squeeze3A : i32 to vector<16xi32>
      %eq3A_151 = arith.cmpi eq, %iota3A, %eq3A : vector<16xi32>
      %jit3A = arith.constant 0.000000e+00 : f32
      %broadcast_in_dim3A_152 = vector.broadcast %jit3A : f32 to vector<16xf32>
      %select_n3A = arith.select %eq3A_151, %exp3A, %broadcast_in_dim3A_152 : vector<16xi1>, vector<16xf32>
      %add3A_153 = arith.addf %scan3A_108, %select_n3A : vector<16xf32>
      scf.yield %add3A_153 : vector<16xf32>
    }
    %scan3A_51 = arith.constant 16 : i32
    %get3A_52 = arith.constant 48 : index
    %get3A_53 = tpu.vector_load %arg11[%get3A_52] {strides = array<i32>} : memref<128xi32, #tpu.memory_space<vmem>>, vector<16xi32>,
    %scan3A_54 = arith.constant 0 : i32
    %scan3A_55 = arith.constant 16 : i32
    %scan3A_56 = arith.addi %scan3A_54, %scan3A_55 : i32
    %scan3A_57 = arith.constant 1 : i32
    %scan3A_58 = scf.for %scan3A_107 = %scan3A_54 to %scan3A_56 step %scan3A_57 iter_args(%scan3A_108 = %scan3A_50) -> (vector<16xf32>)  : i32 {
      %broadcast_in_dim3A_109 = vector.broadcast %scan3A_107 : i32 to vector<16xi32>
      %broadcast_in_dim3A_110 = vector.shape_cast %broadcast_in_dim3A_109 : vector<16xi32> to vector<16x1xi32>
      %gather3A = vector.shape_cast %broadcast_in_dim3A_110 : vector<16x1xi32> to vector<16xi32>
      %gather3A_111 = tpu.dynamic_gather %get3A_53[%gather3A] in [0] : vector<16xi32>, vector<16xi32> -> vector<16xi32>
      %slice3A = vector.extract_strided_slice %gather3A_111 {offsets = [0], sizes = [1], strides = [1]} : vector<16xi32> to vector<1xi32>
      %squeeze3A = vector.extract %slice3A[0] : i32 from vector<1xi32>
      %broadcast_in_dim3A_112 = arith.constant 0.000000e+00 : f32
      %broadcast_in_dim3A_113 = vector.broadcast %broadcast_in_dim3A_112 : f32 to vector<16xf32>
      %parallel_loop3A_114 = arith.constant 0 : i32
      %parallel_loop3A_115 = arith.constant 16 : i32
      %parallel_loop3A_116 = arith.constant 1 : i32
      %parallel_loop3A_117:4 = scf.for %parallel_loop3A_154 = %parallel_loop3A_114 to %parallel_loop3A_115 step %parallel_loop3A_116 iter_args(%parallel_loop3A_155 = %broadcast_in_dim3A_113, %parallel_loop3A_156 = %broadcast_in_dim3A_113, %parallel_loop3A_157 = %broadcast_in_dim3A_113, %parallel_loop3A_158 = %broadcast_in_dim3A_113) -> (vector<16xf32>, vector<16xf32>, vector<16xf32>, vector<16xf32>)  : i32 {
        %parallel_loop3A_159 = arith.constant 16 : i32
        %parallel_loop3A_160 = arith.addi %parallel_loop3A_159, %scan3A_107 : i32
        %parallel_loop3A_161 = arith.constant 4 : i32
        %parallel_loop3A_162 = arith.muli %parallel_loop3A_154, %parallel_loop3A_161 : i32
        %parallel_loop3A_163 = arith.constant 0 : i32
        %parallel_loop3A_164 = arith.addi %parallel_loop3A_162, %parallel_loop3A_163 : i32
        %parallel_loop3A_165 = arith.constant 16 : i32
        %parallel_loop3A_166 = arith.muli %parallel_loop3A_164, %parallel_loop3A_165 : i32
        %parallel_loop3A_167 = arith.index_cast %parallel_loop3A_160 : i32 to index
        %parallel_loop3A_168 = arith.index_cast %parallel_loop3A_166 : i32 to index
        %parallel_loop3A_169 = tpu.vector_load %arg8[%parallel_loop3A_167, %parallel_loop3A_168] {strides = array<i32>} : memref<32x1024xf32, #tpu.memory_space<vmem>>, vector<16xf32>,
        %parallel_loop3A_170 = arith.constant 4 : i32
        %parallel_loop3A_171 = arith.muli %parallel_loop3A_154, %parallel_loop3A_170 : i32
        %parallel_loop3A_172 = arith.constant 0 : i32
        %parallel_loop3A_173 = arith.addi %parallel_loop3A_171, %parallel_loop3A_172 : i32
        %parallel_loop3A_174 = arith.constant 16 : i32
        %parallel_loop3A_175 = arith.muli %parallel_loop3A_173, %parallel_loop3A_174 : i32
        %parallel_loop3A_176 = arith.index_cast %parallel_loop3A_175 : i32 to index
        %parallel_loop3A_177 = tpu.vector_load %arg10[%parallel_loop3A_176] {strides = array<i32>} : memref<1024xf32, #tpu.memory_space<vmem>>, vector<16xf32>,
        %parallel_loop3A_178 = arith.mulf %parallel_loop3A_169, %parallel_loop3A_177 : vector<16xf32>
        %parallel_loop3A_179 = arith.addf %parallel_loop3A_155, %parallel_loop3A_178 : vector<16xf32>
        %parallel_loop3A_180 = arith.constant 16 : i32
        %parallel_loop3A_181 = arith.addi %parallel_loop3A_180, %scan3A_107 : i32
        %parallel_loop3A_182 = arith.constant 4 : i32
        %parallel_loop3A_183 = arith.muli %parallel_loop3A_154, %parallel_loop3A_182 : i32
        %parallel_loop3A_184 = arith.constant 1 : i32
        %parallel_loop3A_185 = arith.addi %parallel_loop3A_183, %parallel_loop3A_184 : i32
        %parallel_loop3A_186 = arith.constant 16 : i32
        %parallel_loop3A_187 = arith.muli %parallel_loop3A_185, %parallel_loop3A_186 : i32
        %parallel_loop3A_188 = arith.index_cast %parallel_loop3A_181 : i32 to index
        %parallel_loop3A_189 = arith.index_cast %parallel_loop3A_187 : i32 to index
        %parallel_loop3A_190 = tpu.vector_load %arg8[%parallel_loop3A_188, %parallel_loop3A_189] {strides = array<i32>} : memref<32x1024xf32, #tpu.memory_space<vmem>>, vector<16xf32>,
        %parallel_loop3A_191 = arith.constant 4 : i32
        %parallel_loop3A_192 = arith.muli %parallel_loop3A_154, %parallel_loop3A_191 : i32
        %parallel_loop3A_193 = arith.constant 1 : i32
        %parallel_loop3A_194 = arith.addi %parallel_loop3A_192, %parallel_loop3A_193 : i32
        %parallel_loop3A_195 = arith.constant 16 : i32
        %parallel_loop3A_196 = arith.muli %parallel_loop3A_194, %parallel_loop3A_195 : i32
        %parallel_loop3A_197 = arith.index_cast %parallel_loop3A_196 : i32 to index
        %parallel_loop3A_198 = tpu.vector_load %arg10[%parallel_loop3A_197] {strides = array<i32>} : memref<1024xf32, #tpu.memory_space<vmem>>, vector<16xf32>,
        %parallel_loop3A_199 = arith.mulf %parallel_loop3A_190, %parallel_loop3A_198 : vector<16xf32>
        %parallel_loop3A_200 = arith.addf %parallel_loop3A_156, %parallel_loop3A_199 : vector<16xf32>
        %parallel_loop3A_201 = arith.constant 16 : i32
        %parallel_loop3A_202 = arith.addi %parallel_loop3A_201, %scan3A_107 : i32
        %parallel_loop3A_203 = arith.constant 4 : i32
        %parallel_loop3A_204 = arith.muli %parallel_loop3A_154, %parallel_loop3A_203 : i32
        %parallel_loop3A_205 = arith.constant 2 : i32
        %parallel_loop3A_206 = arith.addi %parallel_loop3A_204, %parallel_loop3A_205 : i32
        %parallel_loop3A_207 = arith.constant 16 : i32
        %parallel_loop3A_208 = arith.muli %parallel_loop3A_206, %parallel_loop3A_207 : i32
        %parallel_loop3A_209 = arith.index_cast %parallel_loop3A_202 : i32 to index
        %parallel_loop3A_210 = arith.index_cast %parallel_loop3A_208 : i32 to index
        %parallel_loop3A_211 = tpu.vector_load %arg8[%parallel_loop3A_209, %parallel_loop3A_210] {strides = array<i32>} : memref<32x1024xf32, #tpu.memory_space<vmem>>, vector<16xf32>,
        %parallel_loop3A_212 = arith.constant 4 : i32
        %parallel_loop3A_213 = arith.muli %parallel_loop3A_154, %parallel_loop3A_212 : i32
        %parallel_loop3A_214 = arith.constant 2 : i32
        %parallel_loop3A_215 = arith.addi %parallel_loop3A_213, %parallel_loop3A_214 : i32
        %parallel_loop3A_216 = arith.constant 16 : i32
        %parallel_loop3A_217 = arith.muli %parallel_loop3A_215, %parallel_loop3A_216 : i32
        %parallel_loop3A_218 = arith.index_cast %parallel_loop3A_217 : i32 to index
        %parallel_loop3A_219 = tpu.vector_load %arg10[%parallel_loop3A_218] {strides = array<i32>} : memref<1024xf32, #tpu.memory_space<vmem>>, vector<16xf32>,
        %parallel_loop3A_220 = arith.mulf %parallel_loop3A_211, %parallel_loop3A_219 : vector<16xf32>
        %parallel_loop3A_221 = arith.addf %parallel_loop3A_157, %parallel_loop3A_220 : vector<16xf32>
        %parallel_loop3A_222 = arith.constant 16 : i32
        %parallel_loop3A_223 = arith.addi %parallel_loop3A_222, %scan3A_107 : i32
        %parallel_loop3A_224 = arith.constant 4 : i32
        %parallel_loop3A_225 = arith.muli %parallel_loop3A_154, %parallel_loop3A_224 : i32
        %parallel_loop3A_226 = arith.constant 3 : i32
        %parallel_loop3A_227 = arith.addi %parallel_loop3A_225, %parallel_loop3A_226 : i32
        %parallel_loop3A_228 = arith.constant 16 : i32
        %parallel_loop3A_229 = arith.muli %parallel_loop3A_227, %parallel_loop3A_228 : i32
        %parallel_loop3A_230 = arith.index_cast %parallel_loop3A_223 : i32 to index
        %parallel_loop3A_231 = arith.index_cast %parallel_loop3A_229 : i32 to index
        %parallel_loop3A_232 = tpu.vector_load %arg8[%parallel_loop3A_230, %parallel_loop3A_231] {strides = array<i32>} : memref<32x1024xf32, #tpu.memory_space<vmem>>, vector<16xf32>,
        %parallel_loop3A_233 = arith.constant 4 : i32
        %parallel_loop3A_234 = arith.muli %parallel_loop3A_154, %parallel_loop3A_233 : i32
        %parallel_loop3A_235 = arith.constant 3 : i32
        %parallel_loop3A_236 = arith.addi %parallel_loop3A_234, %parallel_loop3A_235 : i32
        %parallel_loop3A_237 = arith.constant 16 : i32
        %parallel_loop3A_238 = arith.muli %parallel_loop3A_236, %parallel_loop3A_237 : i32
        %parallel_loop3A_239 = arith.index_cast %parallel_loop3A_238 : i32 to index
        %parallel_loop3A_240 = tpu.vector_load %arg10[%parallel_loop3A_239] {strides = array<i32>} : memref<1024xf32, #tpu.memory_space<vmem>>, vector<16xf32>,
        %parallel_loop3A_241 = arith.mulf %parallel_loop3A_232, %parallel_loop3A_240 : vector<16xf32>
        %parallel_loop3A_242 = arith.addf %parallel_loop3A_158, %parallel_loop3A_241 : vector<16xf32>
        scf.yield %parallel_loop3A_179, %parallel_loop3A_200, %parallel_loop3A_221, %parallel_loop3A_242 : vector<16xf32>, vector<16xf32>, vector<16xf32>, vector<16xf32>
      } {sc.loop_unroll_factor = 4 : i64, sc.parallel_access}
      %add3A_118 = arith.addf %parallel_loop3A_117#0, %parallel_loop3A_117#1 : vector<16xf32>
      %add3A_119 = arith.addf %parallel_loop3A_117#2, %parallel_loop3A_117#3 : vector<16xf32>
      %add3A_120 = arith.addf %add3A_118, %add3A_119 : vector<16xf32>
      %xor3A = arith.constant 8 : i32
      %xor3A_121 = vector.broadcast %xor3A : i32 to vector<16xi32>
      %xor3A_122 = arith.xori %iota3A, %xor3A_121 : vector<16xi32>
      %broadcast_in_dim3A_123 = vector.shape_cast %xor3A_122 : vector<16xi32> to vector<16x1xi32>
      %gather3A_124 = vector.shape_cast %broadcast_in_dim3A_123 : vector<16x1xi32> to vector<16xi32>
      %gather3A_125 = tpu.dynamic_gather %add3A_120[%gather3A_124] in [0] : vector<16xf32>, vector<16xi32> -> vector<16xf32>
      %add3A_126 = arith.addf %add3A_120, %gather3A_125 : vector<16xf32>
      %xor3A_127 = arith.constant 4 : i32
      %xor3A_128 = vector.broadcast %xor3A_127 : i32 to vector<16xi32>
      %xor3A_129 = arith.xori %iota3A, %xor3A_128 : vector<16xi32>
      %broadcast_in_dim3A_130 = vector.shape_cast %xor3A_129 : vector<16xi32> to vector<16x1xi32>
      %gather3A_131 = vector.shape_cast %broadcast_in_dim3A_130 : vector<16x1xi32> to vector<16xi32>
      %gather3A_132 = tpu.dynamic_gather %add3A_126[%gather3A_131] in [0] : vector<16xf32>, vector<16xi32> -> vector<16xf32>
      %add3A_133 = arith.addf %add3A_126, %gather3A_132 : vector<16xf32>
      %xor3A_134 = arith.constant 2 : i32
      %xor3A_135 = vector.broadcast %xor3A_134 : i32 to vector<16xi32>
      %xor3A_136 = arith.xori %iota3A, %xor3A_135 : vector<16xi32>
      %broadcast_in_dim3A_137 = vector.shape_cast %xor3A_136 : vector<16xi32> to vector<16x1xi32>
      %gather3A_138 = vector.shape_cast %broadcast_in_dim3A_137 : vector<16x1xi32> to vector<16xi32>
      %gather3A_139 = tpu.dynamic_gather %add3A_133[%gather3A_138] in [0] : vector<16xf32>, vector<16xi32> -> vector<16xf32>
      %add3A_140 = arith.addf %add3A_133, %gather3A_139 : vector<16xf32>
      %xor3A_141 = arith.constant 1 : i32
      %xor3A_142 = vector.broadcast %xor3A_141 : i32 to vector<16xi32>
      %xor3A_143 = arith.xori %iota3A, %xor3A_142 : vector<16xi32>
      %broadcast_in_dim3A_144 = vector.shape_cast %xor3A_143 : vector<16xi32> to vector<16x1xi32>
      %gather3A_145 = vector.shape_cast %broadcast_in_dim3A_144 : vector<16x1xi32> to vector<16xi32>
      %gather3A_146 = tpu.dynamic_gather %add3A_140[%gather3A_145] in [0] : vector<16xf32>, vector<16xi32> -> vector<16xf32>
      %add3A_147 = arith.addf %add3A_140, %gather3A_146 : vector<16xf32>
      %exp3A = math.exp %add3A_147 : vector<16xf32>
      %parallel_loop3A_148 = arith.constant 0 : i32
      %parallel_loop3A_149 = arith.constant 64 : i32
      %parallel_loop3A_150 = arith.constant 1 : i32
      scf.for %parallel_loop3A_154 = %parallel_loop3A_148 to %parallel_loop3A_149 step %parallel_loop3A_150  : i32 {
        %parallel_loop3A_155 = arith.constant 16 : i32
        %parallel_loop3A_156 = arith.muli %parallel_loop3A_154, %parallel_loop3A_155 : i32
        %parallel_loop3A_157 = arith.index_cast %squeeze3A : i32 to index
        %parallel_loop3A_158 = arith.index_cast %parallel_loop3A_156 : i32 to index
        %parallel_loop3A_159 = tpu.vector_load %arg9[%parallel_loop3A_157, %parallel_loop3A_158] {strides = array<i32>} : memref<16x1024xf32, #tpu.memory_space<vmem>>, vector<16xf32>,
        %parallel_loop3A_160 = arith.constant 16 : i32
        %parallel_loop3A_161 = arith.addi %parallel_loop3A_160, %scan3A_107 : i32
        %parallel_loop3A_162 = arith.index_cast %parallel_loop3A_161 : i32 to index
        %parallel_loop3A_163 = arith.index_cast %parallel_loop3A_156 : i32 to index
        %parallel_loop3A_164 = tpu.vector_load %arg8[%parallel_loop3A_162, %parallel_loop3A_163] {strides = array<i32>} : memref<32x1024xf32, #tpu.memory_space<vmem>>, vector<16xf32>,
        %parallel_loop3A_165 = arith.mulf %exp3A, %parallel_loop3A_164 : vector<16xf32>
        %parallel_loop3A_166 = arith.addf %parallel_loop3A_159, %parallel_loop3A_165 : vector<16xf32>
        %parallel_loop3A_167 = arith.index_cast %squeeze3A : i32 to index
        %parallel_loop3A_168 = arith.index_cast %parallel_loop3A_156 : i32 to index
        %parallel_loop3A_169 = tpu.vector_load %arg9[%parallel_loop3A_167, %parallel_loop3A_168] {strides = array<i32>} : memref<16x1024xf32, #tpu.memory_space<vmem>>, vector<16xf32>,
        tpu.vector_store %arg9[%parallel_loop3A_167, %parallel_loop3A_168], %parallel_loop3A_166 {strides = array<i32>} : memref<16x1024xf32, #tpu.memory_space<vmem>>, vector<16xf32>,
      } {sc.loop_unroll_factor = 16 : i64, sc.parallel_access}
      %eq3A = vector.broadcast %squeeze3A : i32 to vector<16xi32>
      %eq3A_151 = arith.cmpi eq, %iota3A, %eq3A : vector<16xi32>
      %jit3A = arith.constant 0.000000e+00 : f32
      %broadcast_in_dim3A_152 = vector.broadcast %jit3A : f32 to vector<16xf32>
      %select_n3A = arith.select %eq3A_151, %exp3A, %broadcast_in_dim3A_152 : vector<16xi1>, vector<16xf32>
      %add3A_153 = arith.addf %scan3A_108, %select_n3A : vector<16xf32>
      scf.yield %add3A_153 : vector<16xf32>
    }
    %scan3A_59 = arith.constant 16 : i32
    %add3A_60 = arith.constant 96 : i32
    %add3A_61 = arith.addi %add3A_4, %add3A_60 : i32
    %dma_start3A_62 = arith.constant 0 : i32
    %dma_start3A_63 = tpu.memref_slice %arg2[%add3A_61, %dma_start3A_62] : memref<16384x1024xf32, #tpu.memory_space<hbm>> -> memref<32x1024xf32, #tpu.memory_space<hbm>>
    %dma_start3A_64 = arith.constant 0 : i32
    %dma_start3A_65 = tpu.memref_slice %arg2[%add3A_61, %dma_start3A_64] : memref<16384x1024xf32, #tpu.memory_space<hbm>> -> memref<32x1024xf32, #tpu.memory_space<hbm>>
    tpu.enqueue_dma source(%dma_start3A_65 : memref<32x1024xf32, #tpu.memory_space<hbm>>) target(%arg8 : memref<32x1024xf32, #tpu.memory_space<vmem>>) target_semaphore(%arg14 : memref<!tpu.dma_semaphore, #tpu.memory_space<semaphore_mem>>)
    %dma_wait3A_66 = arith.constant 0 : i32
    %dma_wait3A_67 = tpu.memref_slice %arg2[%add3A_35, %dma_wait3A_66] : memref<16384x1024xf32, #tpu.memory_space<hbm>> -> memref<32x1024xf32, #tpu.memory_space<hbm>>
    %dma_wait3A_68 = arith.constant 0 : i32
    %dma_wait3A_69 = tpu.memref_slice %arg2[%add3A_35, %dma_wait3A_68] : memref<16384x1024xf32, #tpu.memory_space<hbm>> -> memref<32x1024xf32, #tpu.memory_space<hbm>>
    tpu.wait_dma2 semaphore(%arg13 : memref<!tpu.dma_semaphore, #tpu.memory_space<semaphore_mem>>) src(%dma_wait3A_69 : memref<32x1024xf32, #tpu.memory_space<hbm>>) dst(%arg7 : memref<32x1024xf32, #tpu.memory_space<vmem>>)
    %get3A_70 = arith.constant 64 : index
    %get3A_71 = tpu.vector_load %arg11[%get3A_70] {strides = array<i32>} : memref<128xi32, #tpu.memory_space<vmem>>, vector<16xi32>,
    %scan3A_72 = arith.constant 0 : i32
    %scan3A_73 = arith.constant 16 : i32
    %scan3A_74 = arith.addi %scan3A_72, %scan3A_73 : i32
    %scan3A_75 = arith.constant 1 : i32
    %scan3A_76 = scf.for %scan3A_107 = %scan3A_72 to %scan3A_74 step %scan3A_75 iter_args(%scan3A_108 = %scan3A_58) -> (vector<16xf32>)  : i32 {
      %broadcast_in_dim3A_109 = vector.broadcast %scan3A_107 : i32 to vector<16xi32>
      %broadcast_in_dim3A_110 = vector.shape_cast %broadcast_in_dim3A_109 : vector<16xi32> to vector<16x1xi32>
      %gather3A = vector.shape_cast %broadcast_in_dim3A_110 : vector<16x1xi32> to vector<16xi32>
      %gather3A_111 = tpu.dynamic_gather %get3A_71[%gather3A] in [0] : vector<16xi32>, vector<16xi32> -> vector<16xi32>
      %slice3A = vector.extract_strided_slice %gather3A_111 {offsets = [0], sizes = [1], strides = [1]} : vector<16xi32> to vector<1xi32>
      %squeeze3A = vector.extract %slice3A[0] : i32 from vector<1xi32>
      %broadcast_in_dim3A_112 = arith.constant 0.000000e+00 : f32
      %broadcast_in_dim3A_113 = vector.broadcast %broadcast_in_dim3A_112 : f32 to vector<16xf32>
      %parallel_loop3A_114 = arith.constant 0 : i32
      %parallel_loop3A_115 = arith.constant 16 : i32
      %parallel_loop3A_116 = arith.constant 1 : i32
      %parallel_loop3A_117:4 = scf.for %parallel_loop3A_154 = %parallel_loop3A_114 to %parallel_loop3A_115 step %parallel_loop3A_116 iter_args(%parallel_loop3A_155 = %broadcast_in_dim3A_113, %parallel_loop3A_156 = %broadcast_in_dim3A_113, %parallel_loop3A_157 = %broadcast_in_dim3A_113, %parallel_loop3A_158 = %broadcast_in_dim3A_113) -> (vector<16xf32>, vector<16xf32>, vector<16xf32>, vector<16xf32>)  : i32 {
        %parallel_loop3A_159 = arith.constant 0 : i32
        %parallel_loop3A_160 = arith.addi %parallel_loop3A_159, %scan3A_107 : i32
        %parallel_loop3A_161 = arith.constant 4 : i32
        %parallel_loop3A_162 = arith.muli %parallel_loop3A_154, %parallel_loop3A_161 : i32
        %parallel_loop3A_163 = arith.constant 0 : i32
        %parallel_loop3A_164 = arith.addi %parallel_loop3A_162, %parallel_loop3A_163 : i32
        %parallel_loop3A_165 = arith.constant 16 : i32
        %parallel_loop3A_166 = arith.muli %parallel_loop3A_164, %parallel_loop3A_165 : i32
        %parallel_loop3A_167 = arith.index_cast %parallel_loop3A_160 : i32 to index
        %parallel_loop3A_168 = arith.index_cast %parallel_loop3A_166 : i32 to index
        %parallel_loop3A_169 = tpu.vector_load %arg7[%parallel_loop3A_167, %parallel_loop3A_168] {strides = array<i32>} : memref<32x1024xf32, #tpu.memory_space<vmem>>, vector<16xf32>,
        %parallel_loop3A_170 = arith.constant 4 : i32
        %parallel_loop3A_171 = arith.muli %parallel_loop3A_154, %parallel_loop3A_170 : i32
        %parallel_loop3A_172 = arith.constant 0 : i32
        %parallel_loop3A_173 = arith.addi %parallel_loop3A_171, %parallel_loop3A_172 : i32
        %parallel_loop3A_174 = arith.constant 16 : i32
        %parallel_loop3A_175 = arith.muli %parallel_loop3A_173, %parallel_loop3A_174 : i32
        %parallel_loop3A_176 = arith.index_cast %parallel_loop3A_175 : i32 to index
        %parallel_loop3A_177 = tpu.vector_load %arg10[%parallel_loop3A_176] {strides = array<i32>} : memref<1024xf32, #tpu.memory_space<vmem>>, vector<16xf32>,
        %parallel_loop3A_178 = arith.mulf %parallel_loop3A_169, %parallel_loop3A_177 : vector<16xf32>
        %parallel_loop3A_179 = arith.addf %parallel_loop3A_155, %parallel_loop3A_178 : vector<16xf32>
        %parallel_loop3A_180 = arith.constant 0 : i32
        %parallel_loop3A_181 = arith.addi %parallel_loop3A_180, %scan3A_107 : i32
        %parallel_loop3A_182 = arith.constant 4 : i32
        %parallel_loop3A_183 = arith.muli %parallel_loop3A_154, %parallel_loop3A_182 : i32
        %parallel_loop3A_184 = arith.constant 1 : i32
        %parallel_loop3A_185 = arith.addi %parallel_loop3A_183, %parallel_loop3A_184 : i32
        %parallel_loop3A_186 = arith.constant 16 : i32
        %parallel_loop3A_187 = arith.muli %parallel_loop3A_185, %parallel_loop3A_186 : i32
        %parallel_loop3A_188 = arith.index_cast %parallel_loop3A_181 : i32 to index
        %parallel_loop3A_189 = arith.index_cast %parallel_loop3A_187 : i32 to index
        %parallel_loop3A_190 = tpu.vector_load %arg7[%parallel_loop3A_188, %parallel_loop3A_189] {strides = array<i32>} : memref<32x1024xf32, #tpu.memory_space<vmem>>, vector<16xf32>,
        %parallel_loop3A_191 = arith.constant 4 : i32
        %parallel_loop3A_192 = arith.muli %parallel_loop3A_154, %parallel_loop3A_191 : i32
        %parallel_loop3A_193 = arith.constant 1 : i32
        %parallel_loop3A_194 = arith.addi %parallel_loop3A_192, %parallel_loop3A_193 : i32
        %parallel_loop3A_195 = arith.constant 16 : i32
        %parallel_loop3A_196 = arith.muli %parallel_loop3A_194, %parallel_loop3A_195 : i32
        %parallel_loop3A_197 = arith.index_cast %parallel_loop3A_196 : i32 to index
        %parallel_loop3A_198 = tpu.vector_load %arg10[%parallel_loop3A_197] {strides = array<i32>} : memref<1024xf32, #tpu.memory_space<vmem>>, vector<16xf32>,
        %parallel_loop3A_199 = arith.mulf %parallel_loop3A_190, %parallel_loop3A_198 : vector<16xf32>
        %parallel_loop3A_200 = arith.addf %parallel_loop3A_156, %parallel_loop3A_199 : vector<16xf32>
        %parallel_loop3A_201 = arith.constant 0 : i32
        %parallel_loop3A_202 = arith.addi %parallel_loop3A_201, %scan3A_107 : i32
        %parallel_loop3A_203 = arith.constant 4 : i32
        %parallel_loop3A_204 = arith.muli %parallel_loop3A_154, %parallel_loop3A_203 : i32
        %parallel_loop3A_205 = arith.constant 2 : i32
        %parallel_loop3A_206 = arith.addi %parallel_loop3A_204, %parallel_loop3A_205 : i32
        %parallel_loop3A_207 = arith.constant 16 : i32
        %parallel_loop3A_208 = arith.muli %parallel_loop3A_206, %parallel_loop3A_207 : i32
        %parallel_loop3A_209 = arith.index_cast %parallel_loop3A_202 : i32 to index
        %parallel_loop3A_210 = arith.index_cast %parallel_loop3A_208 : i32 to index
        %parallel_loop3A_211 = tpu.vector_load %arg7[%parallel_loop3A_209, %parallel_loop3A_210] {strides = array<i32>} : memref<32x1024xf32, #tpu.memory_space<vmem>>, vector<16xf32>,
        %parallel_loop3A_212 = arith.constant 4 : i32
        %parallel_loop3A_213 = arith.muli %parallel_loop3A_154, %parallel_loop3A_212 : i32
        %parallel_loop3A_214 = arith.constant 2 : i32
        %parallel_loop3A_215 = arith.addi %parallel_loop3A_213, %parallel_loop3A_214 : i32
        %parallel_loop3A_216 = arith.constant 16 : i32
        %parallel_loop3A_217 = arith.muli %parallel_loop3A_215, %parallel_loop3A_216 : i32
        %parallel_loop3A_218 = arith.index_cast %parallel_loop3A_217 : i32 to index
        %parallel_loop3A_219 = tpu.vector_load %arg10[%parallel_loop3A_218] {strides = array<i32>} : memref<1024xf32, #tpu.memory_space<vmem>>, vector<16xf32>,
        %parallel_loop3A_220 = arith.mulf %parallel_loop3A_211, %parallel_loop3A_219 : vector<16xf32>
        %parallel_loop3A_221 = arith.addf %parallel_loop3A_157, %parallel_loop3A_220 : vector<16xf32>
        %parallel_loop3A_222 = arith.constant 0 : i32
        %parallel_loop3A_223 = arith.addi %parallel_loop3A_222, %scan3A_107 : i32
        %parallel_loop3A_224 = arith.constant 4 : i32
        %parallel_loop3A_225 = arith.muli %parallel_loop3A_154, %parallel_loop3A_224 : i32
        %parallel_loop3A_226 = arith.constant 3 : i32
        %parallel_loop3A_227 = arith.addi %parallel_loop3A_225, %parallel_loop3A_226 : i32
        %parallel_loop3A_228 = arith.constant 16 : i32
        %parallel_loop3A_229 = arith.muli %parallel_loop3A_227, %parallel_loop3A_228 : i32
        %parallel_loop3A_230 = arith.index_cast %parallel_loop3A_223 : i32 to index
        %parallel_loop3A_231 = arith.index_cast %parallel_loop3A_229 : i32 to index
        %parallel_loop3A_232 = tpu.vector_load %arg7[%parallel_loop3A_230, %parallel_loop3A_231] {strides = array<i32>} : memref<32x1024xf32, #tpu.memory_space<vmem>>, vector<16xf32>,
        %parallel_loop3A_233 = arith.constant 4 : i32
        %parallel_loop3A_234 = arith.muli %parallel_loop3A_154, %parallel_loop3A_233 : i32
        %parallel_loop3A_235 = arith.constant 3 : i32
        %parallel_loop3A_236 = arith.addi %parallel_loop3A_234, %parallel_loop3A_235 : i32
        %parallel_loop3A_237 = arith.constant 16 : i32
        %parallel_loop3A_238 = arith.muli %parallel_loop3A_236, %parallel_loop3A_237 : i32
        %parallel_loop3A_239 = arith.index_cast %parallel_loop3A_238 : i32 to index
        %parallel_loop3A_240 = tpu.vector_load %arg10[%parallel_loop3A_239] {strides = array<i32>} : memref<1024xf32, #tpu.memory_space<vmem>>, vector<16xf32>,
        %parallel_loop3A_241 = arith.mulf %parallel_loop3A_232, %parallel_loop3A_240 : vector<16xf32>
        %parallel_loop3A_242 = arith.addf %parallel_loop3A_158, %parallel_loop3A_241 : vector<16xf32>
        scf.yield %parallel_loop3A_179, %parallel_loop3A_200, %parallel_loop3A_221, %parallel_loop3A_242 : vector<16xf32>, vector<16xf32>, vector<16xf32>, vector<16xf32>
      } {sc.loop_unroll_factor = 4 : i64, sc.parallel_access}
      %add3A_118 = arith.addf %parallel_loop3A_117#0, %parallel_loop3A_117#1 : vector<16xf32>
      %add3A_119 = arith.addf %parallel_loop3A_117#2, %parallel_loop3A_117#3 : vector<16xf32>
      %add3A_120 = arith.addf %add3A_118, %add3A_119 : vector<16xf32>
      %xor3A = arith.constant 8 : i32
      %xor3A_121 = vector.broadcast %xor3A : i32 to vector<16xi32>
      %xor3A_122 = arith.xori %iota3A, %xor3A_121 : vector<16xi32>
      %broadcast_in_dim3A_123 = vector.shape_cast %xor3A_122 : vector<16xi32> to vector<16x1xi32>
      %gather3A_124 = vector.shape_cast %broadcast_in_dim3A_123 : vector<16x1xi32> to vector<16xi32>
      %gather3A_125 = tpu.dynamic_gather %add3A_120[%gather3A_124] in [0] : vector<16xf32>, vector<16xi32> -> vector<16xf32>
      %add3A_126 = arith.addf %add3A_120, %gather3A_125 : vector<16xf32>
      %xor3A_127 = arith.constant 4 : i32
      %xor3A_128 = vector.broadcast %xor3A_127 : i32 to vector<16xi32>
      %xor3A_129 = arith.xori %iota3A, %xor3A_128 : vector<16xi32>
      %broadcast_in_dim3A_130 = vector.shape_cast %xor3A_129 : vector<16xi32> to vector<16x1xi32>
      %gather3A_131 = vector.shape_cast %broadcast_in_dim3A_130 : vector<16x1xi32> to vector<16xi32>
      %gather3A_132 = tpu.dynamic_gather %add3A_126[%gather3A_131] in [0] : vector<16xf32>, vector<16xi32> -> vector<16xf32>
      %add3A_133 = arith.addf %add3A_126, %gather3A_132 : vector<16xf32>
      %xor3A_134 = arith.constant 2 : i32
      %xor3A_135 = vector.broadcast %xor3A_134 : i32 to vector<16xi32>
      %xor3A_136 = arith.xori %iota3A, %xor3A_135 : vector<16xi32>
      %broadcast_in_dim3A_137 = vector.shape_cast %xor3A_136 : vector<16xi32> to vector<16x1xi32>
      %gather3A_138 = vector.shape_cast %broadcast_in_dim3A_137 : vector<16x1xi32> to vector<16xi32>
      %gather3A_139 = tpu.dynamic_gather %add3A_133[%gather3A_138] in [0] : vector<16xf32>, vector<16xi32> -> vector<16xf32>
      %add3A_140 = arith.addf %add3A_133, %gather3A_139 : vector<16xf32>
      %xor3A_141 = arith.constant 1 : i32
      %xor3A_142 = vector.broadcast %xor3A_141 : i32 to vector<16xi32>
      %xor3A_143 = arith.xori %iota3A, %xor3A_142 : vector<16xi32>
      %broadcast_in_dim3A_144 = vector.shape_cast %xor3A_143 : vector<16xi32> to vector<16x1xi32>
      %gather3A_145 = vector.shape_cast %broadcast_in_dim3A_144 : vector<16x1xi32> to vector<16xi32>
      %gather3A_146 = tpu.dynamic_gather %add3A_140[%gather3A_145] in [0] : vector<16xf32>, vector<16xi32> -> vector<16xf32>
      %add3A_147 = arith.addf %add3A_140, %gather3A_146 : vector<16xf32>
      %exp3A = math.exp %add3A_147 : vector<16xf32>
      %parallel_loop3A_148 = arith.constant 0 : i32
      %parallel_loop3A_149 = arith.constant 64 : i32
      %parallel_loop3A_150 = arith.constant 1 : i32
      scf.for %parallel_loop3A_154 = %parallel_loop3A_148 to %parallel_loop3A_149 step %parallel_loop3A_150  : i32 {
        %parallel_loop3A_155 = arith.constant 16 : i32
        %parallel_loop3A_156 = arith.muli %parallel_loop3A_154, %parallel_loop3A_155 : i32
        %parallel_loop3A_157 = arith.index_cast %squeeze3A : i32 to index
        %parallel_loop3A_158 = arith.index_cast %parallel_loop3A_156 : i32 to index
        %parallel_loop3A_159 = tpu.vector_load %arg9[%parallel_loop3A_157, %parallel_loop3A_158] {strides = array<i32>} : memref<16x1024xf32, #tpu.memory_space<vmem>>, vector<16xf32>,
        %parallel_loop3A_160 = arith.constant 0 : i32
        %parallel_loop3A_161 = arith.addi %parallel_loop3A_160, %scan3A_107 : i32
        %parallel_loop3A_162 = arith.index_cast %parallel_loop3A_161 : i32 to index
        %parallel_loop3A_163 = arith.index_cast %parallel_loop3A_156 : i32 to index
        %parallel_loop3A_164 = tpu.vector_load %arg7[%parallel_loop3A_162, %parallel_loop3A_163] {strides = array<i32>} : memref<32x1024xf32, #tpu.memory_space<vmem>>, vector<16xf32>,
        %parallel_loop3A_165 = arith.mulf %exp3A, %parallel_loop3A_164 : vector<16xf32>
        %parallel_loop3A_166 = arith.addf %parallel_loop3A_159, %parallel_loop3A_165 : vector<16xf32>
        %parallel_loop3A_167 = arith.index_cast %squeeze3A : i32 to index
        %parallel_loop3A_168 = arith.index_cast %parallel_loop3A_156 : i32 to index
        %parallel_loop3A_169 = tpu.vector_load %arg9[%parallel_loop3A_167, %parallel_loop3A_168] {strides = array<i32>} : memref<16x1024xf32, #tpu.memory_space<vmem>>, vector<16xf32>,
        tpu.vector_store %arg9[%parallel_loop3A_167, %parallel_loop3A_168], %parallel_loop3A_166 {strides = array<i32>} : memref<16x1024xf32, #tpu.memory_space<vmem>>, vector<16xf32>,
      } {sc.loop_unroll_factor = 16 : i64, sc.parallel_access}
      %eq3A = vector.broadcast %squeeze3A : i32 to vector<16xi32>
      %eq3A_151 = arith.cmpi eq, %iota3A, %eq3A : vector<16xi32>
      %jit3A = arith.constant 0.000000e+00 : f32
      %broadcast_in_dim3A_152 = vector.broadcast %jit3A : f32 to vector<16xf32>
      %select_n3A = arith.select %eq3A_151, %exp3A, %broadcast_in_dim3A_152 : vector<16xi1>, vector<16xf32>
      %add3A_153 = arith.addf %scan3A_108, %select_n3A : vector<16xf32>
      scf.yield %add3A_153 : vector<16xf32>
    }
    %scan3A_77 = arith.constant 16 : i32
    %get3A_78 = arith.constant 80 : index
    %get3A_79 = tpu.vector_load %arg11[%get3A_78] {strides = array<i32>} : memref<128xi32, #tpu.memory_space<vmem>>, vector<16xi32>,
    %scan3A_80 = arith.constant 0 : i32
    %scan3A_81 = arith.constant 16 : i32
    %scan3A_82 = arith.addi %scan3A_80, %scan3A_81 : i32
    %scan3A_83 = arith.constant 1 : i32
    %scan3A_84 = scf.for %scan3A_107 = %scan3A_80 to %scan3A_82 step %scan3A_83 iter_args(%scan3A_108 = %scan3A_76) -> (vector<16xf32>)  : i32 {
      %broadcast_in_dim3A_109 = vector.broadcast %scan3A_107 : i32 to vector<16xi32>
      %broadcast_in_dim3A_110 = vector.shape_cast %broadcast_in_dim3A_109 : vector<16xi32> to vector<16x1xi32>
      %gather3A = vector.shape_cast %broadcast_in_dim3A_110 : vector<16x1xi32> to vector<16xi32>
      %gather3A_111 = tpu.dynamic_gather %get3A_79[%gather3A] in [0] : vector<16xi32>, vector<16xi32> -> vector<16xi32>
      %slice3A = vector.extract_strided_slice %gather3A_111 {offsets = [0], sizes = [1], strides = [1]} : vector<16xi32> to vector<1xi32>
      %squeeze3A = vector.extract %slice3A[0] : i32 from vector<1xi32>
      %broadcast_in_dim3A_112 = arith.constant 0.000000e+00 : f32
      %broadcast_in_dim3A_113 = vector.broadcast %broadcast_in_dim3A_112 : f32 to vector<16xf32>
      %parallel_loop3A_114 = arith.constant 0 : i32
      %parallel_loop3A_115 = arith.constant 16 : i32
      %parallel_loop3A_116 = arith.constant 1 : i32
      %parallel_loop3A_117:4 = scf.for %parallel_loop3A_154 = %parallel_loop3A_114 to %parallel_loop3A_115 step %parallel_loop3A_116 iter_args(%parallel_loop3A_155 = %broadcast_in_dim3A_113, %parallel_loop3A_156 = %broadcast_in_dim3A_113, %parallel_loop3A_157 = %broadcast_in_dim3A_113, %parallel_loop3A_158 = %broadcast_in_dim3A_113) -> (vector<16xf32>, vector<16xf32>, vector<16xf32>, vector<16xf32>)  : i32 {
        %parallel_loop3A_159 = arith.constant 16 : i32
        %parallel_loop3A_160 = arith.addi %parallel_loop3A_159, %scan3A_107 : i32
        %parallel_loop3A_161 = arith.constant 4 : i32
        %parallel_loop3A_162 = arith.muli %parallel_loop3A_154, %parallel_loop3A_161 : i32
        %parallel_loop3A_163 = arith.constant 0 : i32
        %parallel_loop3A_164 = arith.addi %parallel_loop3A_162, %parallel_loop3A_163 : i32
        %parallel_loop3A_165 = arith.constant 16 : i32
        %parallel_loop3A_166 = arith.muli %parallel_loop3A_164, %parallel_loop3A_165 : i32
        %parallel_loop3A_167 = arith.index_cast %parallel_loop3A_160 : i32 to index
        %parallel_loop3A_168 = arith.index_cast %parallel_loop3A_166 : i32 to index
        %parallel_loop3A_169 = tpu.vector_load %arg7[%parallel_loop3A_167, %parallel_loop3A_168] {strides = array<i32>} : memref<32x1024xf32, #tpu.memory_space<vmem>>, vector<16xf32>,
        %parallel_loop3A_170 = arith.constant 4 : i32
        %parallel_loop3A_171 = arith.muli %parallel_loop3A_154, %parallel_loop3A_170 : i32
        %parallel_loop3A_172 = arith.constant 0 : i32
        %parallel_loop3A_173 = arith.addi %parallel_loop3A_171, %parallel_loop3A_172 : i32
        %parallel_loop3A_174 = arith.constant 16 : i32
        %parallel_loop3A_175 = arith.muli %parallel_loop3A_173, %parallel_loop3A_174 : i32
        %parallel_loop3A_176 = arith.index_cast %parallel_loop3A_175 : i32 to index
        %parallel_loop3A_177 = tpu.vector_load %arg10[%parallel_loop3A_176] {strides = array<i32>} : memref<1024xf32, #tpu.memory_space<vmem>>, vector<16xf32>,
        %parallel_loop3A_178 = arith.mulf %parallel_loop3A_169, %parallel_loop3A_177 : vector<16xf32>
        %parallel_loop3A_179 = arith.addf %parallel_loop3A_155, %parallel_loop3A_178 : vector<16xf32>
        %parallel_loop3A_180 = arith.constant 16 : i32
        %parallel_loop3A_181 = arith.addi %parallel_loop3A_180, %scan3A_107 : i32
        %parallel_loop3A_182 = arith.constant 4 : i32
        %parallel_loop3A_183 = arith.muli %parallel_loop3A_154, %parallel_loop3A_182 : i32
        %parallel_loop3A_184 = arith.constant 1 : i32
        %parallel_loop3A_185 = arith.addi %parallel_loop3A_183, %parallel_loop3A_184 : i32
        %parallel_loop3A_186 = arith.constant 16 : i32
        %parallel_loop3A_187 = arith.muli %parallel_loop3A_185, %parallel_loop3A_186 : i32
        %parallel_loop3A_188 = arith.index_cast %parallel_loop3A_181 : i32 to index
        %parallel_loop3A_189 = arith.index_cast %parallel_loop3A_187 : i32 to index
        %parallel_loop3A_190 = tpu.vector_load %arg7[%parallel_loop3A_188, %parallel_loop3A_189] {strides = array<i32>} : memref<32x1024xf32, #tpu.memory_space<vmem>>, vector<16xf32>,
        %parallel_loop3A_191 = arith.constant 4 : i32
        %parallel_loop3A_192 = arith.muli %parallel_loop3A_154, %parallel_loop3A_191 : i32
        %parallel_loop3A_193 = arith.constant 1 : i32
        %parallel_loop3A_194 = arith.addi %parallel_loop3A_192, %parallel_loop3A_193 : i32
        %parallel_loop3A_195 = arith.constant 16 : i32
        %parallel_loop3A_196 = arith.muli %parallel_loop3A_194, %parallel_loop3A_195 : i32
        %parallel_loop3A_197 = arith.index_cast %parallel_loop3A_196 : i32 to index
        %parallel_loop3A_198 = tpu.vector_load %arg10[%parallel_loop3A_197] {strides = array<i32>} : memref<1024xf32, #tpu.memory_space<vmem>>, vector<16xf32>,
        %parallel_loop3A_199 = arith.mulf %parallel_loop3A_190, %parallel_loop3A_198 : vector<16xf32>
        %parallel_loop3A_200 = arith.addf %parallel_loop3A_156, %parallel_loop3A_199 : vector<16xf32>
        %parallel_loop3A_201 = arith.constant 16 : i32
        %parallel_loop3A_202 = arith.addi %parallel_loop3A_201, %scan3A_107 : i32
        %parallel_loop3A_203 = arith.constant 4 : i32
        %parallel_loop3A_204 = arith.muli %parallel_loop3A_154, %parallel_loop3A_203 : i32
        %parallel_loop3A_205 = arith.constant 2 : i32
        %parallel_loop3A_206 = arith.addi %parallel_loop3A_204, %parallel_loop3A_205 : i32
        %parallel_loop3A_207 = arith.constant 16 : i32
        %parallel_loop3A_208 = arith.muli %parallel_loop3A_206, %parallel_loop3A_207 : i32
        %parallel_loop3A_209 = arith.index_cast %parallel_loop3A_202 : i32 to index
        %parallel_loop3A_210 = arith.index_cast %parallel_loop3A_208 : i32 to index
        %parallel_loop3A_211 = tpu.vector_load %arg7[%parallel_loop3A_209, %parallel_loop3A_210] {strides = array<i32>} : memref<32x1024xf32, #tpu.memory_space<vmem>>, vector<16xf32>,
        %parallel_loop3A_212 = arith.constant 4 : i32
        %parallel_loop3A_213 = arith.muli %parallel_loop3A_154, %parallel_loop3A_212 : i32
        %parallel_loop3A_214 = arith.constant 2 : i32
        %parallel_loop3A_215 = arith.addi %parallel_loop3A_213, %parallel_loop3A_214 : i32
        %parallel_loop3A_216 = arith.constant 16 : i32
        %parallel_loop3A_217 = arith.muli %parallel_loop3A_215, %parallel_loop3A_216 : i32
        %parallel_loop3A_218 = arith.index_cast %parallel_loop3A_217 : i32 to index
        %parallel_loop3A_219 = tpu.vector_load %arg10[%parallel_loop3A_218] {strides = array<i32>} : memref<1024xf32, #tpu.memory_space<vmem>>, vector<16xf32>,
        %parallel_loop3A_220 = arith.mulf %parallel_loop3A_211, %parallel_loop3A_219 : vector<16xf32>
        %parallel_loop3A_221 = arith.addf %parallel_loop3A_157, %parallel_loop3A_220 : vector<16xf32>
        %parallel_loop3A_222 = arith.constant 16 : i32
        %parallel_loop3A_223 = arith.addi %parallel_loop3A_222, %scan3A_107 : i32
        %parallel_loop3A_224 = arith.constant 4 : i32
        %parallel_loop3A_225 = arith.muli %parallel_loop3A_154, %parallel_loop3A_224 : i32
        %parallel_loop3A_226 = arith.constant 3 : i32
        %parallel_loop3A_227 = arith.addi %parallel_loop3A_225, %parallel_loop3A_226 : i32
        %parallel_loop3A_228 = arith.constant 16 : i32
        %parallel_loop3A_229 = arith.muli %parallel_loop3A_227, %parallel_loop3A_228 : i32
        %parallel_loop3A_230 = arith.index_cast %parallel_loop3A_223 : i32 to index
        %parallel_loop3A_231 = arith.index_cast %parallel_loop3A_229 : i32 to index
        %parallel_loop3A_232 = tpu.vector_load %arg7[%parallel_loop3A_230, %parallel_loop3A_231] {strides = array<i32>} : memref<32x1024xf32, #tpu.memory_space<vmem>>, vector<16xf32>,
        %parallel_loop3A_233 = arith.constant 4 : i32
        %parallel_loop3A_234 = arith.muli %parallel_loop3A_154, %parallel_loop3A_233 : i32
        %parallel_loop3A_235 = arith.constant 3 : i32
        %parallel_loop3A_236 = arith.addi %parallel_loop3A_234, %parallel_loop3A_235 : i32
        %parallel_loop3A_237 = arith.constant 16 : i32
        %parallel_loop3A_238 = arith.muli %parallel_loop3A_236, %parallel_loop3A_237 : i32
        %parallel_loop3A_239 = arith.index_cast %parallel_loop3A_238 : i32 to index
        %parallel_loop3A_240 = tpu.vector_load %arg10[%parallel_loop3A_239] {strides = array<i32>} : memref<1024xf32, #tpu.memory_space<vmem>>, vector<16xf32>,
        %parallel_loop3A_241 = arith.mulf %parallel_loop3A_232, %parallel_loop3A_240 : vector<16xf32>
        %parallel_loop3A_242 = arith.addf %parallel_loop3A_158, %parallel_loop3A_241 : vector<16xf32>
        scf.yield %parallel_loop3A_179, %parallel_loop3A_200, %parallel_loop3A_221, %parallel_loop3A_242 : vector<16xf32>, vector<16xf32>, vector<16xf32>, vector<16xf32>
      } {sc.loop_unroll_factor = 4 : i64, sc.parallel_access}
      %add3A_118 = arith.addf %parallel_loop3A_117#0, %parallel_loop3A_117#1 : vector<16xf32>
      %add3A_119 = arith.addf %parallel_loop3A_117#2, %parallel_loop3A_117#3 : vector<16xf32>
      %add3A_120 = arith.addf %add3A_118, %add3A_119 : vector<16xf32>
      %xor3A = arith.constant 8 : i32
      %xor3A_121 = vector.broadcast %xor3A : i32 to vector<16xi32>
      %xor3A_122 = arith.xori %iota3A, %xor3A_121 : vector<16xi32>
      %broadcast_in_dim3A_123 = vector.shape_cast %xor3A_122 : vector<16xi32> to vector<16x1xi32>
      %gather3A_124 = vector.shape_cast %broadcast_in_dim3A_123 : vector<16x1xi32> to vector<16xi32>
      %gather3A_125 = tpu.dynamic_gather %add3A_120[%gather3A_124] in [0] : vector<16xf32>, vector<16xi32> -> vector<16xf32>
      %add3A_126 = arith.addf %add3A_120, %gather3A_125 : vector<16xf32>
      %xor3A_127 = arith.constant 4 : i32
      %xor3A_128 = vector.broadcast %xor3A_127 : i32 to vector<16xi32>
      %xor3A_129 = arith.xori %iota3A, %xor3A_128 : vector<16xi32>
      %broadcast_in_dim3A_130 = vector.shape_cast %xor3A_129 : vector<16xi32> to vector<16x1xi32>
      %gather3A_131 = vector.shape_cast %broadcast_in_dim3A_130 : vector<16x1xi32> to vector<16xi32>
      %gather3A_132 = tpu.dynamic_gather %add3A_126[%gather3A_131] in [0] : vector<16xf32>, vector<16xi32> -> vector<16xf32>
      %add3A_133 = arith.addf %add3A_126, %gather3A_132 : vector<16xf32>
      %xor3A_134 = arith.constant 2 : i32
      %xor3A_135 = vector.broadcast %xor3A_134 : i32 to vector<16xi32>
      %xor3A_136 = arith.xori %iota3A, %xor3A_135 : vector<16xi32>
      %broadcast_in_dim3A_137 = vector.shape_cast %xor3A_136 : vector<16xi32> to vector<16x1xi32>
      %gather3A_138 = vector.shape_cast %broadcast_in_dim3A_137 : vector<16x1xi32> to vector<16xi32>
      %gather3A_139 = tpu.dynamic_gather %add3A_133[%gather3A_138] in [0] : vector<16xf32>, vector<16xi32> -> vector<16xf32>
      %add3A_140 = arith.addf %add3A_133, %gather3A_139 : vector<16xf32>
      %xor3A_141 = arith.constant 1 : i32
      %xor3A_142 = vector.broadcast %xor3A_141 : i32 to vector<16xi32>
      %xor3A_143 = arith.xori %iota3A, %xor3A_142 : vector<16xi32>
      %broadcast_in_dim3A_144 = vector.shape_cast %xor3A_143 : vector<16xi32> to vector<16x1xi32>
      %gather3A_145 = vector.shape_cast %broadcast_in_dim3A_144 : vector<16x1xi32> to vector<16xi32>
      %gather3A_146 = tpu.dynamic_gather %add3A_140[%gather3A_145] in [0] : vector<16xf32>, vector<16xi32> -> vector<16xf32>
      %add3A_147 = arith.addf %add3A_140, %gather3A_146 : vector<16xf32>
      %exp3A = math.exp %add3A_147 : vector<16xf32>
      %parallel_loop3A_148 = arith.constant 0 : i32
      %parallel_loop3A_149 = arith.constant 64 : i32
      %parallel_loop3A_150 = arith.constant 1 : i32
      scf.for %parallel_loop3A_154 = %parallel_loop3A_148 to %parallel_loop3A_149 step %parallel_loop3A_150  : i32 {
        %parallel_loop3A_155 = arith.constant 16 : i32
        %parallel_loop3A_156 = arith.muli %parallel_loop3A_154, %parallel_loop3A_155 : i32
        %parallel_loop3A_157 = arith.index_cast %squeeze3A : i32 to index
        %parallel_loop3A_158 = arith.index_cast %parallel_loop3A_156 : i32 to index
        %parallel_loop3A_159 = tpu.vector_load %arg9[%parallel_loop3A_157, %parallel_loop3A_158] {strides = array<i32>} : memref<16x1024xf32, #tpu.memory_space<vmem>>, vector<16xf32>,
        %parallel_loop3A_160 = arith.constant 16 : i32
        %parallel_loop3A_161 = arith.addi %parallel_loop3A_160, %scan3A_107 : i32
        %parallel_loop3A_162 = arith.index_cast %parallel_loop3A_161 : i32 to index
        %parallel_loop3A_163 = arith.index_cast %parallel_loop3A_156 : i32 to index
        %parallel_loop3A_164 = tpu.vector_load %arg7[%parallel_loop3A_162, %parallel_loop3A_163] {strides = array<i32>} : memref<32x1024xf32, #tpu.memory_space<vmem>>, vector<16xf32>,
        %parallel_loop3A_165 = arith.mulf %exp3A, %parallel_loop3A_164 : vector<16xf32>
        %parallel_loop3A_166 = arith.addf %parallel_loop3A_159, %parallel_loop3A_165 : vector<16xf32>
        %parallel_loop3A_167 = arith.index_cast %squeeze3A : i32 to index
        %parallel_loop3A_168 = arith.index_cast %parallel_loop3A_156 : i32 to index
        %parallel_loop3A_169 = tpu.vector_load %arg9[%parallel_loop3A_167, %parallel_loop3A_168] {strides = array<i32>} : memref<16x1024xf32, #tpu.memory_space<vmem>>, vector<16xf32>,
        tpu.vector_store %arg9[%parallel_loop3A_167, %parallel_loop3A_168], %parallel_loop3A_166 {strides = array<i32>} : memref<16x1024xf32, #tpu.memory_space<vmem>>, vector<16xf32>,
      } {sc.loop_unroll_factor = 16 : i64, sc.parallel_access}
      %eq3A = vector.broadcast %squeeze3A : i32 to vector<16xi32>
      %eq3A_151 = arith.cmpi eq, %iota3A, %eq3A : vector<16xi32>
      %jit3A = arith.constant 0.000000e+00 : f32
      %broadcast_in_dim3A_152 = vector.broadcast %jit3A : f32 to vector<16xf32>
      %select_n3A = arith.select %eq3A_151, %exp3A, %broadcast_in_dim3A_152 : vector<16xi1>, vector<16xf32>
      %add3A_153 = arith.addf %scan3A_108, %select_n3A : vector<16xf32>
      scf.yield %add3A_153 : vector<16xf32>
    }
    %scan3A_85 = arith.constant 16 : i32
    %dma_wait3A_86 = arith.constant 0 : i32
    %dma_wait3A_87 = tpu.memref_slice %arg2[%add3A_61, %dma_wait3A_86] : memref<16384x1024xf32, #tpu.memory_space<hbm>> -> memref<32x1024xf32, #tpu.memory_space<hbm>>
    %dma_wait3A_88 = arith.constant 0 : i32
    %dma_wait3A_89 = tpu.memref_slice %arg2[%add3A_61, %dma_wait3A_88] : memref<16384x1024xf32, #tpu.memory_space<hbm>> -> memref<32x1024xf32, #tpu.memory_space<hbm>>
    tpu.wait_dma2 semaphore(%arg14 : memref<!tpu.dma_semaphore, #tpu.memory_space<semaphore_mem>>) src(%dma_wait3A_89 : memref<32x1024xf32, #tpu.memory_space<hbm>>) dst(%arg8 : memref<32x1024xf32, #tpu.memory_space<vmem>>)
    %get3A_90 = arith.constant 96 : index
    %get3A_91 = tpu.vector_load %arg11[%get3A_90] {strides = array<i32>} : memref<128xi32, #tpu.memory_space<vmem>>, vector<16xi32>,
    %scan3A_92 = arith.constant 0 : i32
    %scan3A_93 = arith.constant 16 : i32
    %scan3A_94 = arith.addi %scan3A_92, %scan3A_93 : i32
    %scan3A_95 = arith.constant 1 : i32
    %scan3A_96 = scf.for %scan3A_107 = %scan3A_92 to %scan3A_94 step %scan3A_95 iter_args(%scan3A_108 = %scan3A_84) -> (vector<16xf32>)  : i32 {
      %broadcast_in_dim3A_109 = vector.broadcast %scan3A_107 : i32 to vector<16xi32>
      %broadcast_in_dim3A_110 = vector.shape_cast %broadcast_in_dim3A_109 : vector<16xi32> to vector<16x1xi32>
      %gather3A = vector.shape_cast %broadcast_in_dim3A_110 : vector<16x1xi32> to vector<16xi32>
      %gather3A_111 = tpu.dynamic_gather %get3A_91[%gather3A] in [0] : vector<16xi32>, vector<16xi32> -> vector<16xi32>
      %slice3A = vector.extract_strided_slice %gather3A_111 {offsets = [0], sizes = [1], strides = [1]} : vector<16xi32> to vector<1xi32>
      %squeeze3A = vector.extract %slice3A[0] : i32 from vector<1xi32>
      %broadcast_in_dim3A_112 = arith.constant 0.000000e+00 : f32
      %broadcast_in_dim3A_113 = vector.broadcast %broadcast_in_dim3A_112 : f32 to vector<16xf32>
      %parallel_loop3A_114 = arith.constant 0 : i32
      %parallel_loop3A_115 = arith.constant 16 : i32
      %parallel_loop3A_116 = arith.constant 1 : i32
      %parallel_loop3A_117:4 = scf.for %parallel_loop3A_154 = %parallel_loop3A_114 to %parallel_loop3A_115 step %parallel_loop3A_116 iter_args(%parallel_loop3A_155 = %broadcast_in_dim3A_113, %parallel_loop3A_156 = %broadcast_in_dim3A_113, %parallel_loop3A_157 = %broadcast_in_dim3A_113, %parallel_loop3A_158 = %broadcast_in_dim3A_113) -> (vector<16xf32>, vector<16xf32>, vector<16xf32>, vector<16xf32>)  : i32 {
        %parallel_loop3A_159 = arith.constant 0 : i32
        %parallel_loop3A_160 = arith.addi %parallel_loop3A_159, %scan3A_107 : i32
        %parallel_loop3A_161 = arith.constant 4 : i32
        %parallel_loop3A_162 = arith.muli %parallel_loop3A_154, %parallel_loop3A_161 : i32
        %parallel_loop3A_163 = arith.constant 0 : i32
        %parallel_loop3A_164 = arith.addi %parallel_loop3A_162, %parallel_loop3A_163 : i32
        %parallel_loop3A_165 = arith.constant 16 : i32
        %parallel_loop3A_166 = arith.muli %parallel_loop3A_164, %parallel_loop3A_165 : i32
        %parallel_loop3A_167 = arith.index_cast %parallel_loop3A_160 : i32 to index
        %parallel_loop3A_168 = arith.index_cast %parallel_loop3A_166 : i32 to index
        %parallel_loop3A_169 = tpu.vector_load %arg8[%parallel_loop3A_167, %parallel_loop3A_168] {strides = array<i32>} : memref<32x1024xf32, #tpu.memory_space<vmem>>, vector<16xf32>,
        %parallel_loop3A_170 = arith.constant 4 : i32
        %parallel_loop3A_171 = arith.muli %parallel_loop3A_154, %parallel_loop3A_170 : i32
        %parallel_loop3A_172 = arith.constant 0 : i32
        %parallel_loop3A_173 = arith.addi %parallel_loop3A_171, %parallel_loop3A_172 : i32
        %parallel_loop3A_174 = arith.constant 16 : i32
        %parallel_loop3A_175 = arith.muli %parallel_loop3A_173, %parallel_loop3A_174 : i32
        %parallel_loop3A_176 = arith.index_cast %parallel_loop3A_175 : i32 to index
        %parallel_loop3A_177 = tpu.vector_load %arg10[%parallel_loop3A_176] {strides = array<i32>} : memref<1024xf32, #tpu.memory_space<vmem>>, vector<16xf32>,
        %parallel_loop3A_178 = arith.mulf %parallel_loop3A_169, %parallel_loop3A_177 : vector<16xf32>
        %parallel_loop3A_179 = arith.addf %parallel_loop3A_155, %parallel_loop3A_178 : vector<16xf32>
        %parallel_loop3A_180 = arith.constant 0 : i32
        %parallel_loop3A_181 = arith.addi %parallel_loop3A_180, %scan3A_107 : i32
        %parallel_loop3A_182 = arith.constant 4 : i32
        %parallel_loop3A_183 = arith.muli %parallel_loop3A_154, %parallel_loop3A_182 : i32
        %parallel_loop3A_184 = arith.constant 1 : i32
        %parallel_loop3A_185 = arith.addi %parallel_loop3A_183, %parallel_loop3A_184 : i32
        %parallel_loop3A_186 = arith.constant 16 : i32
        %parallel_loop3A_187 = arith.muli %parallel_loop3A_185, %parallel_loop3A_186 : i32
        %parallel_loop3A_188 = arith.index_cast %parallel_loop3A_181 : i32 to index
        %parallel_loop3A_189 = arith.index_cast %parallel_loop3A_187 : i32 to index
        %parallel_loop3A_190 = tpu.vector_load %arg8[%parallel_loop3A_188, %parallel_loop3A_189] {strides = array<i32>} : memref<32x1024xf32, #tpu.memory_space<vmem>>, vector<16xf32>,
        %parallel_loop3A_191 = arith.constant 4 : i32
        %parallel_loop3A_192 = arith.muli %parallel_loop3A_154, %parallel_loop3A_191 : i32
        %parallel_loop3A_193 = arith.constant 1 : i32
        %parallel_loop3A_194 = arith.addi %parallel_loop3A_192, %parallel_loop3A_193 : i32
        %parallel_loop3A_195 = arith.constant 16 : i32
        %parallel_loop3A_196 = arith.muli %parallel_loop3A_194, %parallel_loop3A_195 : i32
        %parallel_loop3A_197 = arith.index_cast %parallel_loop3A_196 : i32 to index
        %parallel_loop3A_198 = tpu.vector_load %arg10[%parallel_loop3A_197] {strides = array<i32>} : memref<1024xf32, #tpu.memory_space<vmem>>, vector<16xf32>,
        %parallel_loop3A_199 = arith.mulf %parallel_loop3A_190, %parallel_loop3A_198 : vector<16xf32>
        %parallel_loop3A_200 = arith.addf %parallel_loop3A_156, %parallel_loop3A_199 : vector<16xf32>
        %parallel_loop3A_201 = arith.constant 0 : i32
        %parallel_loop3A_202 = arith.addi %parallel_loop3A_201, %scan3A_107 : i32
        %parallel_loop3A_203 = arith.constant 4 : i32
        %parallel_loop3A_204 = arith.muli %parallel_loop3A_154, %parallel_loop3A_203 : i32
        %parallel_loop3A_205 = arith.constant 2 : i32
        %parallel_loop3A_206 = arith.addi %parallel_loop3A_204, %parallel_loop3A_205 : i32
        %parallel_loop3A_207 = arith.constant 16 : i32
        %parallel_loop3A_208 = arith.muli %parallel_loop3A_206, %parallel_loop3A_207 : i32
        %parallel_loop3A_209 = arith.index_cast %parallel_loop3A_202 : i32 to index
        %parallel_loop3A_210 = arith.index_cast %parallel_loop3A_208 : i32 to index
        %parallel_loop3A_211 = tpu.vector_load %arg8[%parallel_loop3A_209, %parallel_loop3A_210] {strides = array<i32>} : memref<32x1024xf32, #tpu.memory_space<vmem>>, vector<16xf32>,
        %parallel_loop3A_212 = arith.constant 4 : i32
        %parallel_loop3A_213 = arith.muli %parallel_loop3A_154, %parallel_loop3A_212 : i32
        %parallel_loop3A_214 = arith.constant 2 : i32
        %parallel_loop3A_215 = arith.addi %parallel_loop3A_213, %parallel_loop3A_214 : i32
        %parallel_loop3A_216 = arith.constant 16 : i32
        %parallel_loop3A_217 = arith.muli %parallel_loop3A_215, %parallel_loop3A_216 : i32
        %parallel_loop3A_218 = arith.index_cast %parallel_loop3A_217 : i32 to index
        %parallel_loop3A_219 = tpu.vector_load %arg10[%parallel_loop3A_218] {strides = array<i32>} : memref<1024xf32, #tpu.memory_space<vmem>>, vector<16xf32>,
        %parallel_loop3A_220 = arith.mulf %parallel_loop3A_211, %parallel_loop3A_219 : vector<16xf32>
        %parallel_loop3A_221 = arith.addf %parallel_loop3A_157, %parallel_loop3A_220 : vector<16xf32>
        %parallel_loop3A_222 = arith.constant 0 : i32
        %parallel_loop3A_223 = arith.addi %parallel_loop3A_222, %scan3A_107 : i32
        %parallel_loop3A_224 = arith.constant 4 : i32
        %parallel_loop3A_225 = arith.muli %parallel_loop3A_154, %parallel_loop3A_224 : i32
        %parallel_loop3A_226 = arith.constant 3 : i32
        %parallel_loop3A_227 = arith.addi %parallel_loop3A_225, %parallel_loop3A_226 : i32
        %parallel_loop3A_228 = arith.constant 16 : i32
        %parallel_loop3A_229 = arith.muli %parallel_loop3A_227, %parallel_loop3A_228 : i32
        %parallel_loop3A_230 = arith.index_cast %parallel_loop3A_223 : i32 to index
        %parallel_loop3A_231 = arith.index_cast %parallel_loop3A_229 : i32 to index
        %parallel_loop3A_232 = tpu.vector_load %arg8[%parallel_loop3A_230, %parallel_loop3A_231] {strides = array<i32>} : memref<32x1024xf32, #tpu.memory_space<vmem>>, vector<16xf32>,
        %parallel_loop3A_233 = arith.constant 4 : i32
        %parallel_loop3A_234 = arith.muli %parallel_loop3A_154, %parallel_loop3A_233 : i32
        %parallel_loop3A_235 = arith.constant 3 : i32
        %parallel_loop3A_236 = arith.addi %parallel_loop3A_234, %parallel_loop3A_235 : i32
        %parallel_loop3A_237 = arith.constant 16 : i32
        %parallel_loop3A_238 = arith.muli %parallel_loop3A_236, %parallel_loop3A_237 : i32
        %parallel_loop3A_239 = arith.index_cast %parallel_loop3A_238 : i32 to index
        %parallel_loop3A_240 = tpu.vector_load %arg10[%parallel_loop3A_239] {strides = array<i32>} : memref<1024xf32, #tpu.memory_space<vmem>>, vector<16xf32>,
        %parallel_loop3A_241 = arith.mulf %parallel_loop3A_232, %parallel_loop3A_240 : vector<16xf32>
        %parallel_loop3A_242 = arith.addf %parallel_loop3A_158, %parallel_loop3A_241 : vector<16xf32>
        scf.yield %parallel_loop3A_179, %parallel_loop3A_200, %parallel_loop3A_221, %parallel_loop3A_242 : vector<16xf32>, vector<16xf32>, vector<16xf32>, vector<16xf32>
      } {sc.loop_unroll_factor = 4 : i64, sc.parallel_access}
      %add3A_118 = arith.addf %parallel_loop3A_117#0, %parallel_loop3A_117#1 : vector<16xf32>
      %add3A_119 = arith.addf %parallel_loop3A_117#2, %parallel_loop3A_117#3 : vector<16xf32>
      %add3A_120 = arith.addf %add3A_118, %add3A_119 : vector<16xf32>
      %xor3A = arith.constant 8 : i32
      %xor3A_121 = vector.broadcast %xor3A : i32 to vector<16xi32>
      %xor3A_122 = arith.xori %iota3A, %xor3A_121 : vector<16xi32>
      %broadcast_in_dim3A_123 = vector.shape_cast %xor3A_122 : vector<16xi32> to vector<16x1xi32>
      %gather3A_124 = vector.shape_cast %broadcast_in_dim3A_123 : vector<16x1xi32> to vector<16xi32>
      %gather3A_125 = tpu.dynamic_gather %add3A_120[%gather3A_124] in [0] : vector<16xf32>, vector<16xi32> -> vector<16xf32>
      %add3A_126 = arith.addf %add3A_120, %gather3A_125 : vector<16xf32>
      %xor3A_127 = arith.constant 4 : i32
      %xor3A_128 = vector.broadcast %xor3A_127 : i32 to vector<16xi32>
      %xor3A_129 = arith.xori %iota3A, %xor3A_128 : vector<16xi32>
      %broadcast_in_dim3A_130 = vector.shape_cast %xor3A_129 : vector<16xi32> to vector<16x1xi32>
      %gather3A_131 = vector.shape_cast %broadcast_in_dim3A_130 : vector<16x1xi32> to vector<16xi32>
      %gather3A_132 = tpu.dynamic_gather %add3A_126[%gather3A_131] in [0] : vector<16xf32>, vector<16xi32> -> vector<16xf32>
      %add3A_133 = arith.addf %add3A_126, %gather3A_132 : vector<16xf32>
      %xor3A_134 = arith.constant 2 : i32
      %xor3A_135 = vector.broadcast %xor3A_134 : i32 to vector<16xi32>
      %xor3A_136 = arith.xori %iota3A, %xor3A_135 : vector<16xi32>
      %broadcast_in_dim3A_137 = vector.shape_cast %xor3A_136 : vector<16xi32> to vector<16x1xi32>
      %gather3A_138 = vector.shape_cast %broadcast_in_dim3A_137 : vector<16x1xi32> to vector<16xi32>
      %gather3A_139 = tpu.dynamic_gather %add3A_133[%gather3A_138] in [0] : vector<16xf32>, vector<16xi32> -> vector<16xf32>
      %add3A_140 = arith.addf %add3A_133, %gather3A_139 : vector<16xf32>
      %xor3A_141 = arith.constant 1 : i32
      %xor3A_142 = vector.broadcast %xor3A_141 : i32 to vector<16xi32>
      %xor3A_143 = arith.xori %iota3A, %xor3A_142 : vector<16xi32>
      %broadcast_in_dim3A_144 = vector.shape_cast %xor3A_143 : vector<16xi32> to vector<16x1xi32>
      %gather3A_145 = vector.shape_cast %broadcast_in_dim3A_144 : vector<16x1xi32> to vector<16xi32>
      %gather3A_146 = tpu.dynamic_gather %add3A_140[%gather3A_145] in [0] : vector<16xf32>, vector<16xi32> -> vector<16xf32>
      %add3A_147 = arith.addf %add3A_140, %gather3A_146 : vector<16xf32>
      %exp3A = math.exp %add3A_147 : vector<16xf32>
      %parallel_loop3A_148 = arith.constant 0 : i32
      %parallel_loop3A_149 = arith.constant 64 : i32
      %parallel_loop3A_150 = arith.constant 1 : i32
      scf.for %parallel_loop3A_154 = %parallel_loop3A_148 to %parallel_loop3A_149 step %parallel_loop3A_150  : i32 {
        %parallel_loop3A_155 = arith.constant 16 : i32
        %parallel_loop3A_156 = arith.muli %parallel_loop3A_154, %parallel_loop3A_155 : i32
        %parallel_loop3A_157 = arith.index_cast %squeeze3A : i32 to index
        %parallel_loop3A_158 = arith.index_cast %parallel_loop3A_156 : i32 to index
        %parallel_loop3A_159 = tpu.vector_load %arg9[%parallel_loop3A_157, %parallel_loop3A_158] {strides = array<i32>} : memref<16x1024xf32, #tpu.memory_space<vmem>>, vector<16xf32>,
        %parallel_loop3A_160 = arith.constant 0 : i32
        %parallel_loop3A_161 = arith.addi %parallel_loop3A_160, %scan3A_107 : i32
        %parallel_loop3A_162 = arith.index_cast %parallel_loop3A_161 : i32 to index
        %parallel_loop3A_163 = arith.index_cast %parallel_loop3A_156 : i32 to index
        %parallel_loop3A_164 = tpu.vector_load %arg8[%parallel_loop3A_162, %parallel_loop3A_163] {strides = array<i32>} : memref<32x1024xf32, #tpu.memory_space<vmem>>, vector<16xf32>,
        %parallel_loop3A_165 = arith.mulf %exp3A, %parallel_loop3A_164 : vector<16xf32>
        %parallel_loop3A_166 = arith.addf %parallel_loop3A_159, %parallel_loop3A_165 : vector<16xf32>
        %parallel_loop3A_167 = arith.index_cast %squeeze3A : i32 to index
        %parallel_loop3A_168 = arith.index_cast %parallel_loop3A_156 : i32 to index
        %parallel_loop3A_169 = tpu.vector_load %arg9[%parallel_loop3A_167, %parallel_loop3A_168] {strides = array<i32>} : memref<16x1024xf32, #tpu.memory_space<vmem>>, vector<16xf32>,
        tpu.vector_store %arg9[%parallel_loop3A_167, %parallel_loop3A_168], %parallel_loop3A_166 {strides = array<i32>} : memref<16x1024xf32, #tpu.memory_space<vmem>>, vector<16xf32>,
      } {sc.loop_unroll_factor = 16 : i64, sc.parallel_access}
      %eq3A = vector.broadcast %squeeze3A : i32 to vector<16xi32>
      %eq3A_151 = arith.cmpi eq, %iota3A, %eq3A : vector<16xi32>
      %jit3A = arith.constant 0.000000e+00 : f32
      %broadcast_in_dim3A_152 = vector.broadcast %jit3A : f32 to vector<16xf32>
      %select_n3A = arith.select %eq3A_151, %exp3A, %broadcast_in_dim3A_152 : vector<16xi1>, vector<16xf32>
      %add3A_153 = arith.addf %scan3A_108, %select_n3A : vector<16xf32>
      scf.yield %add3A_153 : vector<16xf32>
    }
    %scan3A_97 = arith.constant 16 : i32
    %get3A_98 = arith.constant 112 : index
    %get3A_99 = tpu.vector_load %arg11[%get3A_98] {strides = array<i32>} : memref<128xi32, #tpu.memory_space<vmem>>, vector<16xi32>,
    %scan3A_100 = arith.constant 0 : i32
    %scan3A_101 = arith.constant 16 : i32
    %scan3A_102 = arith.addi %scan3A_100, %scan3A_101 : i32
    %scan3A_103 = arith.constant 1 : i32
    %scan3A_104 = scf.for %scan3A_107 = %scan3A_100 to %scan3A_102 step %scan3A_103 iter_args(%scan3A_108 = %scan3A_96) -> (vector<16xf32>)  : i32 {
      %broadcast_in_dim3A_109 = vector.broadcast %scan3A_107 : i32 to vector<16xi32>
      %broadcast_in_dim3A_110 = vector.shape_cast %broadcast_in_dim3A_109 : vector<16xi32> to vector<16x1xi32>
      %gather3A = vector.shape_cast %broadcast_in_dim3A_110 : vector<16x1xi32> to vector<16xi32>
      %gather3A_111 = tpu.dynamic_gather %get3A_99[%gather3A] in [0] : vector<16xi32>, vector<16xi32> -> vector<16xi32>
      %slice3A = vector.extract_strided_slice %gather3A_111 {offsets = [0], sizes = [1], strides = [1]} : vector<16xi32> to vector<1xi32>
      %squeeze3A = vector.extract %slice3A[0] : i32 from vector<1xi32>
      %broadcast_in_dim3A_112 = arith.constant 0.000000e+00 : f32
      %broadcast_in_dim3A_113 = vector.broadcast %broadcast_in_dim3A_112 : f32 to vector<16xf32>
      %parallel_loop3A_114 = arith.constant 0 : i32
      %parallel_loop3A_115 = arith.constant 16 : i32
      %parallel_loop3A_116 = arith.constant 1 : i32
      %parallel_loop3A_117:4 = scf.for %parallel_loop3A_154 = %parallel_loop3A_114 to %parallel_loop3A_115 step %parallel_loop3A_116 iter_args(%parallel_loop3A_155 = %broadcast_in_dim3A_113, %parallel_loop3A_156 = %broadcast_in_dim3A_113, %parallel_loop3A_157 = %broadcast_in_dim3A_113, %parallel_loop3A_158 = %broadcast_in_dim3A_113) -> (vector<16xf32>, vector<16xf32>, vector<16xf32>, vector<16xf32>)  : i32 {
        %parallel_loop3A_159 = arith.constant 16 : i32
        %parallel_loop3A_160 = arith.addi %parallel_loop3A_159, %scan3A_107 : i32
        %parallel_loop3A_161 = arith.constant 4 : i32
        %parallel_loop3A_162 = arith.muli %parallel_loop3A_154, %parallel_loop3A_161 : i32
        %parallel_loop3A_163 = arith.constant 0 : i32
        %parallel_loop3A_164 = arith.addi %parallel_loop3A_162, %parallel_loop3A_163 : i32
        %parallel_loop3A_165 = arith.constant 16 : i32
        %parallel_loop3A_166 = arith.muli %parallel_loop3A_164, %parallel_loop3A_165 : i32
        %parallel_loop3A_167 = arith.index_cast %parallel_loop3A_160 : i32 to index
        %parallel_loop3A_168 = arith.index_cast %parallel_loop3A_166 : i32 to index
        %parallel_loop3A_169 = tpu.vector_load %arg8[%parallel_loop3A_167, %parallel_loop3A_168] {strides = array<i32>} : memref<32x1024xf32, #tpu.memory_space<vmem>>, vector<16xf32>,
        %parallel_loop3A_170 = arith.constant 4 : i32
        %parallel_loop3A_171 = arith.muli %parallel_loop3A_154, %parallel_loop3A_170 : i32
        %parallel_loop3A_172 = arith.constant 0 : i32
        %parallel_loop3A_173 = arith.addi %parallel_loop3A_171, %parallel_loop3A_172 : i32
        %parallel_loop3A_174 = arith.constant 16 : i32
        %parallel_loop3A_175 = arith.muli %parallel_loop3A_173, %parallel_loop3A_174 : i32
        %parallel_loop3A_176 = arith.index_cast %parallel_loop3A_175 : i32 to index
        %parallel_loop3A_177 = tpu.vector_load %arg10[%parallel_loop3A_176] {strides = array<i32>} : memref<1024xf32, #tpu.memory_space<vmem>>, vector<16xf32>,
        %parallel_loop3A_178 = arith.mulf %parallel_loop3A_169, %parallel_loop3A_177 : vector<16xf32>
        %parallel_loop3A_179 = arith.addf %parallel_loop3A_155, %parallel_loop3A_178 : vector<16xf32>
        %parallel_loop3A_180 = arith.constant 16 : i32
        %parallel_loop3A_181 = arith.addi %parallel_loop3A_180, %scan3A_107 : i32
        %parallel_loop3A_182 = arith.constant 4 : i32
        %parallel_loop3A_183 = arith.muli %parallel_loop3A_154, %parallel_loop3A_182 : i32
        %parallel_loop3A_184 = arith.constant 1 : i32
        %parallel_loop3A_185 = arith.addi %parallel_loop3A_183, %parallel_loop3A_184 : i32
        %parallel_loop3A_186 = arith.constant 16 : i32
        %parallel_loop3A_187 = arith.muli %parallel_loop3A_185, %parallel_loop3A_186 : i32
        %parallel_loop3A_188 = arith.index_cast %parallel_loop3A_181 : i32 to index
        %parallel_loop3A_189 = arith.index_cast %parallel_loop3A_187 : i32 to index
        %parallel_loop3A_190 = tpu.vector_load %arg8[%parallel_loop3A_188, %parallel_loop3A_189] {strides = array<i32>} : memref<32x1024xf32, #tpu.memory_space<vmem>>, vector<16xf32>,
        %parallel_loop3A_191 = arith.constant 4 : i32
        %parallel_loop3A_192 = arith.muli %parallel_loop3A_154, %parallel_loop3A_191 : i32
        %parallel_loop3A_193 = arith.constant 1 : i32
        %parallel_loop3A_194 = arith.addi %parallel_loop3A_192, %parallel_loop3A_193 : i32
        %parallel_loop3A_195 = arith.constant 16 : i32
        %parallel_loop3A_196 = arith.muli %parallel_loop3A_194, %parallel_loop3A_195 : i32
        %parallel_loop3A_197 = arith.index_cast %parallel_loop3A_196 : i32 to index
        %parallel_loop3A_198 = tpu.vector_load %arg10[%parallel_loop3A_197] {strides = array<i32>} : memref<1024xf32, #tpu.memory_space<vmem>>, vector<16xf32>,
        %parallel_loop3A_199 = arith.mulf %parallel_loop3A_190, %parallel_loop3A_198 : vector<16xf32>
        %parallel_loop3A_200 = arith.addf %parallel_loop3A_156, %parallel_loop3A_199 : vector<16xf32>
        %parallel_loop3A_201 = arith.constant 16 : i32
        %parallel_loop3A_202 = arith.addi %parallel_loop3A_201, %scan3A_107 : i32
        %parallel_loop3A_203 = arith.constant 4 : i32
        %parallel_loop3A_204 = arith.muli %parallel_loop3A_154, %parallel_loop3A_203 : i32
        %parallel_loop3A_205 = arith.constant 2 : i32
        %parallel_loop3A_206 = arith.addi %parallel_loop3A_204, %parallel_loop3A_205 : i32
        %parallel_loop3A_207 = arith.constant 16 : i32
        %parallel_loop3A_208 = arith.muli %parallel_loop3A_206, %parallel_loop3A_207 : i32
        %parallel_loop3A_209 = arith.index_cast %parallel_loop3A_202 : i32 to index
        %parallel_loop3A_210 = arith.index_cast %parallel_loop3A_208 : i32 to index
        %parallel_loop3A_211 = tpu.vector_load %arg8[%parallel_loop3A_209, %parallel_loop3A_210] {strides = array<i32>} : memref<32x1024xf32, #tpu.memory_space<vmem>>, vector<16xf32>,
        %parallel_loop3A_212 = arith.constant 4 : i32
        %parallel_loop3A_213 = arith.muli %parallel_loop3A_154, %parallel_loop3A_212 : i32
        %parallel_loop3A_214 = arith.constant 2 : i32
        %parallel_loop3A_215 = arith.addi %parallel_loop3A_213, %parallel_loop3A_214 : i32
        %parallel_loop3A_216 = arith.constant 16 : i32
        %parallel_loop3A_217 = arith.muli %parallel_loop3A_215, %parallel_loop3A_216 : i32
        %parallel_loop3A_218 = arith.index_cast %parallel_loop3A_217 : i32 to index
        %parallel_loop3A_219 = tpu.vector_load %arg10[%parallel_loop3A_218] {strides = array<i32>} : memref<1024xf32, #tpu.memory_space<vmem>>, vector<16xf32>,
        %parallel_loop3A_220 = arith.mulf %parallel_loop3A_211, %parallel_loop3A_219 : vector<16xf32>
        %parallel_loop3A_221 = arith.addf %parallel_loop3A_157, %parallel_loop3A_220 : vector<16xf32>
        %parallel_loop3A_222 = arith.constant 16 : i32
        %parallel_loop3A_223 = arith.addi %parallel_loop3A_222, %scan3A_107 : i32
        %parallel_loop3A_224 = arith.constant 4 : i32
        %parallel_loop3A_225 = arith.muli %parallel_loop3A_154, %parallel_loop3A_224 : i32
        %parallel_loop3A_226 = arith.constant 3 : i32
        %parallel_loop3A_227 = arith.addi %parallel_loop3A_225, %parallel_loop3A_226 : i32
        %parallel_loop3A_228 = arith.constant 16 : i32
        %parallel_loop3A_229 = arith.muli %parallel_loop3A_227, %parallel_loop3A_228 : i32
        %parallel_loop3A_230 = arith.index_cast %parallel_loop3A_223 : i32 to index
        %parallel_loop3A_231 = arith.index_cast %parallel_loop3A_229 : i32 to index
        %parallel_loop3A_232 = tpu.vector_load %arg8[%parallel_loop3A_230, %parallel_loop3A_231] {strides = array<i32>} : memref<32x1024xf32, #tpu.memory_space<vmem>>, vector<16xf32>,
        %parallel_loop3A_233 = arith.constant 4 : i32
        %parallel_loop3A_234 = arith.muli %parallel_loop3A_154, %parallel_loop3A_233 : i32
        %parallel_loop3A_235 = arith.constant 3 : i32
        %parallel_loop3A_236 = arith.addi %parallel_loop3A_234, %parallel_loop3A_235 : i32
        %parallel_loop3A_237 = arith.constant 16 : i32
        %parallel_loop3A_238 = arith.muli %parallel_loop3A_236, %parallel_loop3A_237 : i32
        %parallel_loop3A_239 = arith.index_cast %parallel_loop3A_238 : i32 to index
        %parallel_loop3A_240 = tpu.vector_load %arg10[%parallel_loop3A_239] {strides = array<i32>} : memref<1024xf32, #tpu.memory_space<vmem>>, vector<16xf32>,
        %parallel_loop3A_241 = arith.mulf %parallel_loop3A_232, %parallel_loop3A_240 : vector<16xf32>
        %parallel_loop3A_242 = arith.addf %parallel_loop3A_158, %parallel_loop3A_241 : vector<16xf32>
        scf.yield %parallel_loop3A_179, %parallel_loop3A_200, %parallel_loop3A_221, %parallel_loop3A_242 : vector<16xf32>, vector<16xf32>, vector<16xf32>, vector<16xf32>
      } {sc.loop_unroll_factor = 4 : i64, sc.parallel_access}
      %add3A_118 = arith.addf %parallel_loop3A_117#0, %parallel_loop3A_117#1 : vector<16xf32>
      %add3A_119 = arith.addf %parallel_loop3A_117#2, %parallel_loop3A_117#3 : vector<16xf32>
      %add3A_120 = arith.addf %add3A_118, %add3A_119 : vector<16xf32>
      %xor3A = arith.constant 8 : i32
      %xor3A_121 = vector.broadcast %xor3A : i32 to vector<16xi32>
      %xor3A_122 = arith.xori %iota3A, %xor3A_121 : vector<16xi32>
      %broadcast_in_dim3A_123 = vector.shape_cast %xor3A_122 : vector<16xi32> to vector<16x1xi32>
      %gather3A_124 = vector.shape_cast %broadcast_in_dim3A_123 : vector<16x1xi32> to vector<16xi32>
      %gather3A_125 = tpu.dynamic_gather %add3A_120[%gather3A_124] in [0] : vector<16xf32>, vector<16xi32> -> vector<16xf32>
      %add3A_126 = arith.addf %add3A_120, %gather3A_125 : vector<16xf32>
      %xor3A_127 = arith.constant 4 : i32
      %xor3A_128 = vector.broadcast %xor3A_127 : i32 to vector<16xi32>
      %xor3A_129 = arith.xori %iota3A, %xor3A_128 : vector<16xi32>
      %broadcast_in_dim3A_130 = vector.shape_cast %xor3A_129 : vector<16xi32> to vector<16x1xi32>
      %gather3A_131 = vector.shape_cast %broadcast_in_dim3A_130 : vector<16x1xi32> to vector<16xi32>
      %gather3A_132 = tpu.dynamic_gather %add3A_126[%gather3A_131] in [0] : vector<16xf32>, vector<16xi32> -> vector<16xf32>
      %add3A_133 = arith.addf %add3A_126, %gather3A_132 : vector<16xf32>
      %xor3A_134 = arith.constant 2 : i32
      %xor3A_135 = vector.broadcast %xor3A_134 : i32 to vector<16xi32>
      %xor3A_136 = arith.xori %iota3A, %xor3A_135 : vector<16xi32>
      %broadcast_in_dim3A_137 = vector.shape_cast %xor3A_136 : vector<16xi32> to vector<16x1xi32>
      %gather3A_138 = vector.shape_cast %broadcast_in_dim3A_137 : vector<16x1xi32> to vector<16xi32>
      %gather3A_139 = tpu.dynamic_gather %add3A_133[%gather3A_138] in [0] : vector<16xf32>, vector<16xi32> -> vector<16xf32>
      %add3A_140 = arith.addf %add3A_133, %gather3A_139 : vector<16xf32>
      %xor3A_141 = arith.constant 1 : i32
      %xor3A_142 = vector.broadcast %xor3A_141 : i32 to vector<16xi32>
      %xor3A_143 = arith.xori %iota3A, %xor3A_142 : vector<16xi32>
      %broadcast_in_dim3A_144 = vector.shape_cast %xor3A_143 : vector<16xi32> to vector<16x1xi32>
      %gather3A_145 = vector.shape_cast %broadcast_in_dim3A_144 : vector<16x1xi32> to vector<16xi32>
      %gather3A_146 = tpu.dynamic_gather %add3A_140[%gather3A_145] in [0] : vector<16xf32>, vector<16xi32> -> vector<16xf32>
      %add3A_147 = arith.addf %add3A_140, %gather3A_146 : vector<16xf32>
      %exp3A = math.exp %add3A_147 : vector<16xf32>
      %parallel_loop3A_148 = arith.constant 0 : i32
      %parallel_loop3A_149 = arith.constant 64 : i32
      %parallel_loop3A_150 = arith.constant 1 : i32
      scf.for %parallel_loop3A_154 = %parallel_loop3A_148 to %parallel_loop3A_149 step %parallel_loop3A_150  : i32 {
        %parallel_loop3A_155 = arith.constant 16 : i32
        %parallel_loop3A_156 = arith.muli %parallel_loop3A_154, %parallel_loop3A_155 : i32
        %parallel_loop3A_157 = arith.index_cast %squeeze3A : i32 to index
        %parallel_loop3A_158 = arith.index_cast %parallel_loop3A_156 : i32 to index
        %parallel_loop3A_159 = tpu.vector_load %arg9[%parallel_loop3A_157, %parallel_loop3A_158] {strides = array<i32>} : memref<16x1024xf32, #tpu.memory_space<vmem>>, vector<16xf32>,
        %parallel_loop3A_160 = arith.constant 16 : i32
        %parallel_loop3A_161 = arith.addi %parallel_loop3A_160, %scan3A_107 : i32
        %parallel_loop3A_162 = arith.index_cast %parallel_loop3A_161 : i32 to index
        %parallel_loop3A_163 = arith.index_cast %parallel_loop3A_156 : i32 to index
        %parallel_loop3A_164 = tpu.vector_load %arg8[%parallel_loop3A_162, %parallel_loop3A_163] {strides = array<i32>} : memref<32x1024xf32, #tpu.memory_space<vmem>>, vector<16xf32>,
        %parallel_loop3A_165 = arith.mulf %exp3A, %parallel_loop3A_164 : vector<16xf32>
        %parallel_loop3A_166 = arith.addf %parallel_loop3A_159, %parallel_loop3A_165 : vector<16xf32>
        %parallel_loop3A_167 = arith.index_cast %squeeze3A : i32 to index
        %parallel_loop3A_168 = arith.index_cast %parallel_loop3A_156 : i32 to index
        %parallel_loop3A_169 = tpu.vector_load %arg9[%parallel_loop3A_167, %parallel_loop3A_168] {strides = array<i32>} : memref<16x1024xf32, #tpu.memory_space<vmem>>, vector<16xf32>,
        tpu.vector_store %arg9[%parallel_loop3A_167, %parallel_loop3A_168], %parallel_loop3A_166 {strides = array<i32>} : memref<16x1024xf32, #tpu.memory_space<vmem>>, vector<16xf32>,
      } {sc.loop_unroll_factor = 16 : i64, sc.parallel_access}
      %eq3A = vector.broadcast %squeeze3A : i32 to vector<16xi32>
      %eq3A_151 = arith.cmpi eq, %iota3A, %eq3A : vector<16xi32>
      %jit3A = arith.constant 0.000000e+00 : f32
      %broadcast_in_dim3A_152 = vector.broadcast %jit3A : f32 to vector<16xf32>
      %select_n3A = arith.select %eq3A_151, %exp3A, %broadcast_in_dim3A_152 : vector<16xi1>, vector<16xf32>
      %add3A_153 = arith.addf %scan3A_108, %select_n3A : vector<16xf32>
      scf.yield %add3A_153 : vector<16xf32>
    }
    %scan3A_105 = arith.constant 16 : i32
    %swap3A = arith.constant 0 : index
    %swap3A_106 = tpu.vector_load %arg12[%swap3A] {strides = array<i32>} : memref<16xf32, #tpu.memory_space<vmem>>, vector<16xf32>,
    tpu.vector_store %arg12[%swap3A], %scan3A_104 {strides = array<i32>} : memref<16xf32, #tpu.memory_space<vmem>>, vector<16xf32>,
    "tpu.region"() ({
      %run_scoped3A = tpu.sem_alloc : memref<!tpu.dma_semaphore, #tpu.memory_space<semaphore_mem>>
      %dma_start3A_107 = arith.constant 0 : i32
      %dma_start3A_108 = arith.constant 0 : i32
      %dma_start3A_109 = tpu.memref_slice %arg5[%add3A, %dma_start3A_107, %dma_start3A_108] : memref<32x16x1024xf32, #tpu.memory_space<hbm>> -> memref<1x16x1024xf32, #tpu.memory_space<hbm>>
      %dma_start3A_110 = tpu.memref_squeeze %dma_start3A_109 : memref<1x16x1024xf32, #tpu.memory_space<hbm>> -> memref<16x1024xf32, #tpu.memory_space<hbm>>
      %dma_start3A_111 = arith.constant 0 : i32
      %dma_start3A_112 = arith.constant 0 : i32
      %dma_start3A_113 = tpu.memref_slice %arg5[%add3A, %dma_start3A_111, %dma_start3A_112] : memref<32x16x1024xf32, #tpu.memory_space<hbm>> -> memref<1x16x1024xf32, #tpu.memory_space<hbm>>
      %dma_start3A_114 = tpu.memref_squeeze %dma_start3A_113 : memref<1x16x1024xf32, #tpu.memory_space<hbm>> -> memref<16x1024xf32, #tpu.memory_space<hbm>>
      tpu.enqueue_dma source(%arg9 : memref<16x1024xf32, #tpu.memory_space<vmem>>) target(%dma_start3A_114 : memref<16x1024xf32, #tpu.memory_space<hbm>>) target_semaphore(%run_scoped3A : memref<!tpu.dma_semaphore, #tpu.memory_space<semaphore_mem>>)
      %dma_wait3A_115 = arith.constant 0 : i32
      %dma_wait3A_116 = arith.constant 0 : i32
      %dma_wait3A_117 = tpu.memref_slice %arg5[%add3A, %dma_wait3A_115, %dma_wait3A_116] : memref<32x16x1024xf32, #tpu.memory_space<hbm>> -> memref<1x16x1024xf32, #tpu.memory_space<hbm>>
      %dma_wait3A_118 = tpu.memref_squeeze %dma_wait3A_117 : memref<1x16x1024xf32, #tpu.memory_space<hbm>> -> memref<16x1024xf32, #tpu.memory_space<hbm>>
      %dma_wait3A_119 = arith.constant 0 : i32
      %dma_wait3A_120 = arith.constant 0 : i32
      %dma_wait3A_121 = tpu.memref_slice %arg5[%add3A, %dma_wait3A_119, %dma_wait3A_120] : memref<32x16x1024xf32, #tpu.memory_space<hbm>> -> memref<1x16x1024xf32, #tpu.memory_space<hbm>>
      %dma_wait3A_122 = tpu.memref_squeeze %dma_wait3A_121 : memref<1x16x1024xf32, #tpu.memory_space<hbm>> -> memref<16x1024xf32, #tpu.memory_space<hbm>>
      tpu.wait_dma2 semaphore(%run_scoped3A : memref<!tpu.dma_semaphore, #tpu.memory_space<semaphore_mem>>) src(%arg9 : memref<16x1024xf32, #tpu.memory_space<vmem>>) dst(%dma_wait3A_122 : memref<16x1024xf32, #tpu.memory_space<hbm>>)
      tpu.yield
    }) : () -> ()
    "tpu.region"() ({
      %run_scoped3A = tpu.sem_alloc : memref<!tpu.dma_semaphore, #tpu.memory_space<semaphore_mem>>
      %dma_start3A_107 = arith.constant 0 : i32
      %dma_start3A_108 = tpu.memref_slice %arg6[%add3A, %dma_start3A_107] : memref<32x16xf32, #tpu.memory_space<hbm>> -> memref<1x16xf32, #tpu.memory_space<hbm>>
      %dma_start3A_109 = tpu.memref_squeeze %dma_start3A_108 : memref<1x16xf32, #tpu.memory_space<hbm>> -> memref<16xf32, #tpu.memory_space<hbm>>
      %dma_start3A_110 = arith.constant 0 : i32
      %dma_start3A_111 = tpu.memref_slice %arg6[%add3A, %dma_start3A_110] : memref<32x16xf32, #tpu.memory_space<hbm>> -> memref<1x16xf32, #tpu.memory_space<hbm>>
      %dma_start3A_112 = tpu.memref_squeeze %dma_start3A_111 : memref<1x16xf32, #tpu.memory_space<hbm>> -> memref<16xf32, #tpu.memory_space<hbm>>
      tpu.enqueue_dma source(%arg12 : memref<16xf32, #tpu.memory_space<vmem>>) target(%dma_start3A_112 : memref<16xf32, #tpu.memory_space<hbm>>) target_semaphore(%run_scoped3A : memref<!tpu.dma_semaphore, #tpu.memory_space<semaphore_mem>>)
      %dma_wait3A_113 = arith.constant 0 : i32
      %dma_wait3A_114 = tpu.memref_slice %arg6[%add3A, %dma_wait3A_113] : memref<32x16xf32, #tpu.memory_space<hbm>> -> memref<1x16xf32, #tpu.memory_space<hbm>>
      %dma_wait3A_115 = tpu.memref_squeeze %dma_wait3A_114 : memref<1x16xf32, #tpu.memory_space<hbm>> -> memref<16xf32, #tpu.memory_space<hbm>>
      %dma_wait3A_116 = arith.constant 0 : i32
      %dma_wait3A_117 = tpu.memref_slice %arg6[%add3A, %dma_wait3A_116] : memref<32x16xf32, #tpu.memory_space<hbm>> -> memref<1x16xf32, #tpu.memory_space<hbm>>
      %dma_wait3A_118 = tpu.memref_squeeze %dma_wait3A_117 : memref<1x16xf32, #tpu.memory_space<hbm>> -> memref<16xf32, #tpu.memory_space<hbm>>
      tpu.wait_dma2 semaphore(%run_scoped3A : memref<!tpu.dma_semaphore, #tpu.memory_space<semaphore_mem>>) src(%arg12 : memref<16xf32, #tpu.memory_space<vmem>>) dst(%dma_wait3A_118 : memref<16xf32, #tpu.memory_space<hbm>>)
      tpu.yield
    }) : () -> ()
    return
  }
}

module attributes {stable_mosaic.version = 14 : i64} {
  func.func @_tc_body(%arg0: i32, %arg1: memref<1536x1xi32, #tpu.memory_space<vmem>>, %arg2: memref<1536x512xf32, #tpu.memory_space<vmem>>, %arg3: memref<1536x512xf32, #tpu.memory_space<vmem>>, %arg4: memref<1024x1xf32, #tpu.memory_space<vmem>>, %arg5: memref<16x512xf32, #tpu.memory_space<vmem>>, %arg6: memref<16x512xf32, #tpu.memory_space<vmem>>, %arg7: memref<1x16xf32, #tpu.memory_space<vmem>>, %arg8: memref<1x16xf32, #tpu.memory_space<vmem>>, %arg9: memref<1x16xf32, #tpu.memory_space<vmem>>, %arg10: memref<1x16xf32, #tpu.memory_space<vmem>>) attributes {dimension_semantics = [#tpu.dimension_semantics<arbitrary>], iteration_bounds = array<i64: 8>, scalar_prefetch = 0 : i64, scratch_operands = 2 : i64, tpu.core_type = #tpu.core_type<tc>, window_params = [{transform_indices = @transform_0, window_bounds = array<i64: 1536, 1>}, {transform_indices = @transform_1, window_bounds = array<i64: 1536, 512>}, {transform_indices = @transform_2, window_bounds = array<i64: 1536, 512>}, {pipeline_mode = #tpu.pipeline_mode<synchronous>, transform_indices = @transform_3, window_bounds = array<i64: 1024, 1>}, {pipeline_mode = #tpu.pipeline_mode<synchronous>, transform_indices = @transform_4, window_bounds = array<i64: 16, 512>}, {pipeline_mode = #tpu.pipeline_mode<synchronous>, transform_indices = @transform_5, window_bounds = array<i64: 16, 512>}, {pipeline_mode = #tpu.pipeline_mode<synchronous>, transform_indices = @transform_6, window_bounds = array<i64: 1, 16>}, {pipeline_mode = #tpu.pipeline_mode<synchronous>, transform_indices = @transform_7, window_bounds = array<i64: 1, 16>}]} {
    %eq3A = arith.constant 0 : i32
    %eq3A_0 = arith.cmpi eq, %arg0, %eq3A : i32
    %convert_element_type3A = arith.extui %eq3A_0 : i1 to i32
    %cond3A = arith.constant 0 : i32
    %cond3A_1 = arith.cmpi ne, %convert_element_type3A, %cond3A : i32
    scf.if %cond3A_1 {
      %broadcast_in_dim3A_92 = arith.constant 0xFF800000 : f32
      %broadcast_in_dim3A_93 = vector.broadcast %broadcast_in_dim3A_92 : f32 to vector<1x16xf32>
      %swap3A_94 = arith.constant 0 : index
      %swap3A_95 = arith.constant 0 : index
      %swap3A_96 = vector.load %arg9[%swap3A_94, %swap3A_95] : memref<1x16xf32, #tpu.memory_space<vmem>>, vector<1x16xf32>
      tpu.vector_store %arg9[%swap3A_94, %swap3A_95], %broadcast_in_dim3A_93 {strides = array<i32>} : memref<1x16xf32, #tpu.memory_space<vmem>>, vector<1x16xf32>,
      %broadcast_in_dim3A_97 = arith.constant 0.000000e+00 : f32
      %broadcast_in_dim3A_98 = vector.broadcast %broadcast_in_dim3A_97 : f32 to vector<1x16xf32>
      %swap3A_99 = arith.constant 0 : index
      %swap3A_100 = arith.constant 0 : index
      %swap3A_101 = vector.load %arg10[%swap3A_99, %swap3A_100] : memref<1x16xf32, #tpu.memory_space<vmem>>, vector<1x16xf32>
      tpu.vector_store %arg10[%swap3A_99, %swap3A_100], %broadcast_in_dim3A_98 {strides = array<i32>} : memref<1x16xf32, #tpu.memory_space<vmem>>, vector<1x16xf32>,
      %broadcast_in_dim3A_102 = arith.constant 0.000000e+00 : f32
      %broadcast_in_dim3A_103 = vector.broadcast %broadcast_in_dim3A_102 : f32 to vector<16x512xf32>
      %swap3A_104 = arith.constant 0 : index
      %swap3A_105 = arith.constant 0 : index
      %swap3A_106 = vector.load %arg5[%swap3A_104, %swap3A_105] : memref<16x512xf32, #tpu.memory_space<vmem>>, vector<16x512xf32>
      tpu.vector_store %arg5[%swap3A_104, %swap3A_105], %broadcast_in_dim3A_103 {strides = array<i32>} : memref<16x512xf32, #tpu.memory_space<vmem>>, vector<16x512xf32>,
      %broadcast_in_dim3A_107 = arith.constant 0.000000e+00 : f32
      %broadcast_in_dim3A_108 = vector.broadcast %broadcast_in_dim3A_107 : f32 to vector<16x512xf32>
      %swap3A_109 = arith.constant 0 : index
      %swap3A_110 = arith.constant 0 : index
      %swap3A_111 = vector.load %arg6[%swap3A_109, %swap3A_110] : memref<16x512xf32, #tpu.memory_space<vmem>>, vector<16x512xf32>
      tpu.vector_store %arg6[%swap3A_109, %swap3A_110], %broadcast_in_dim3A_108 {strides = array<i32>} : memref<16x512xf32, #tpu.memory_space<vmem>>, vector<16x512xf32>,
    } else {
    }
    %get3A = arith.constant 0 : index
    %get3A_2 = arith.constant 0 : index
    %get3A_3 = vector.load %arg2[%get3A, %get3A_2] : memref<1536x512xf32, #tpu.memory_space<vmem>>, vector<1536x512xf32>
    %convert_element_type3A_4 = arith.truncf %get3A_3 : vector<1536x512xf32> to vector<1536x512xbf16>
    %get3A_5 = arith.constant 0 : index
    %get3A_6 = arith.constant 0 : index
    %get3A_7 = vector.load %arg3[%get3A_5, %get3A_6] : memref<1536x512xf32, #tpu.memory_space<vmem>>, vector<1536x512xf32>
    %convert_element_type3A_8 = arith.truncf %get3A_7 : vector<1536x512xf32> to vector<1536x512xbf16>
    %get3A_9 = arith.constant 0 : index
    %get3A_10 = arith.constant 0 : index
    %get3A_11 = vector.load %arg4[%get3A_9, %get3A_10] : memref<1024x1xf32, #tpu.memory_space<vmem>>, vector<1024x1xf32>
    %convert_element_type3A_12 = arith.truncf %get3A_11 : vector<1024x1xf32> to vector<1024x1xbf16>
    %slice3A = vector.extract_strided_slice %convert_element_type3A_12 {offsets = [0, 0], sizes = [512, 1], strides = [1, 1]} : vector<1024x1xbf16> to vector<512x1xbf16>
    %dot_general3A = arith.constant dense<0.000000e+00> : vector<1536x1xf32>
    %dot_general3A_13 = tpu.matmul %convert_element_type3A_4, %slice3A, %dot_general3A {dimension_numbers = #tpu.dot_dimension_numbers<[1], [0], [0], [1], [0, 0, 1, 1], [], []>, transpose_lhs_hint = false} : vector<1536x512xbf16>, vector<512x1xbf16>, vector<1536x1xf32> -> vector<1536x1xf32>
    %add3A = arith.constant 0.000000e+00 : f32
    %add3A_14 = vector.broadcast %add3A : f32 to vector<1536x1xf32>
    %add3A_15 = arith.addf %add3A_14, %dot_general3A_13 : vector<1536x1xf32>
    %slice3A_16 = vector.extract_strided_slice %convert_element_type3A_12 {offsets = [512, 0], sizes = [512, 1], strides = [1, 1]} : vector<1024x1xbf16> to vector<512x1xbf16>
    %dot_general3A_17 = arith.constant dense<0.000000e+00> : vector<1536x1xf32>
    %dot_general3A_18 = tpu.matmul %convert_element_type3A_8, %slice3A_16, %dot_general3A_17 {dimension_numbers = #tpu.dot_dimension_numbers<[1], [0], [0], [1], [0, 0, 1, 1], [], []>, transpose_lhs_hint = false} : vector<1536x512xbf16>, vector<512x1xbf16>, vector<1536x1xf32> -> vector<1536x1xf32>
    %add3A_19 = arith.addf %add3A_15, %dot_general3A_18 : vector<1536x1xf32>
    %get3A_20 = arith.constant 0 : index
    %get3A_21 = arith.constant 0 : index
    %get3A_22 = vector.load %arg1[%get3A_20, %get3A_21] : memref<1536x1xi32, #tpu.memory_space<vmem>>, vector<1536x1xi32>
    %iota3A = tpu.iota {dimensions = array<i32: 1>} : vector<1x16xi32>
    %eq3A_23 = vector.broadcast %get3A_22 : vector<1536x1xi32> to vector<1536x16xi32>
    %eq3A_24 = vector.broadcast %iota3A : vector<1x16xi32> to vector<1536x16xi32>
    %eq3A_25 = arith.cmpi eq, %eq3A_23, %eq3A_24 : vector<1536x16xi32>
    %get3A_26 = arith.constant 0 : index
    %get3A_27 = arith.constant 0 : index
    %get3A_28 = vector.load %arg9[%get3A_26, %get3A_27] : memref<1x16xf32, #tpu.memory_space<vmem>>, vector<1x16xf32>
    %jit3A = arith.constant 0xFF800000 : f32
    %broadcast_in_dim3A = vector.shape_cast %add3A_19 : vector<1536x1xf32> to vector<1536x1xf32>
    %broadcast_in_dim3A_29 = vector.broadcast %broadcast_in_dim3A : vector<1536x1xf32> to vector<1536x16xf32>
    %broadcast_in_dim3A_30 = vector.broadcast %jit3A : f32 to vector<1536x16xf32>
    %select_n3A = arith.select %eq3A_25, %broadcast_in_dim3A_29, %broadcast_in_dim3A_30 : vector<1536x16xi1>, vector<1536x16xf32>
    %reduce_max3A = arith.constant dense<0xFF800000> : vector<16xf32>
    %reduce_max3A_31 = vector.multi_reduction <maximumf>, %select_n3A, %reduce_max3A [0] : vector<1536x16xf32> to vector<16xf32>
    %broadcast_in_dim3A_32 = vector.shape_cast %reduce_max3A_31 : vector<16xf32> to vector<1x16xf32>
    %max3A = arith.maximumf %get3A_28, %broadcast_in_dim3A_32 : vector<1x16xf32>
    %eq3A_33 = arith.constant 0xFF800000 : f32
    %eq3A_34 = vector.broadcast %eq3A_33 : f32 to vector<1x16xf32>
    %eq3A_35 = arith.cmpf oeq, %get3A_28, %eq3A_34 : vector<1x16xf32>
    %sub3A = arith.subf %get3A_28, %max3A : vector<1x16xf32>
    %exp3A = math.exp %sub3A : vector<1x16xf32>
    %jit3A_36 = arith.constant 0.000000e+00 : f32
    %broadcast_in_dim3A_37 = vector.broadcast %jit3A_36 : f32 to vector<1x16xf32>
    %select_n3A_38 = arith.select %eq3A_35, %broadcast_in_dim3A_37, %exp3A : vector<1x16xi1>, vector<1x16xf32>
    %sub3A_39 = vector.broadcast %add3A_19 : vector<1536x1xf32> to vector<1536x16xf32>
    %sub3A_40 = vector.broadcast %max3A : vector<1x16xf32> to vector<1536x16xf32>
    %sub3A_41 = arith.subf %sub3A_39, %sub3A_40 : vector<1536x16xf32>
    %jit3A_42 = arith.constant 0xFF800000 : f32
    %broadcast_in_dim3A_43 = vector.broadcast %jit3A_42 : f32 to vector<1536x16xf32>
    %select_n3A_44 = arith.select %eq3A_25, %sub3A_41, %broadcast_in_dim3A_43 : vector<1536x16xi1>, vector<1536x16xf32>
    %exp3A_45 = math.exp %select_n3A_44 : vector<1536x16xf32>
    %get3A_46 = arith.constant 0 : index
    %get3A_47 = arith.constant 0 : index
    %get3A_48 = vector.load %arg10[%get3A_46, %get3A_47] : memref<1x16xf32, #tpu.memory_space<vmem>>, vector<1x16xf32>
    %mul3A = arith.mulf %get3A_48, %select_n3A_38 : vector<1x16xf32>
    %reduce_sum3A = arith.constant dense<0.000000e+00> : vector<16xf32>
    %reduce_sum3A_49 = vector.multi_reduction <add>, %exp3A_45, %reduce_sum3A [0] : vector<1536x16xf32> to vector<16xf32>
    %broadcast_in_dim3A_50 = vector.shape_cast %reduce_sum3A_49 : vector<16xf32> to vector<1x16xf32>
    %add3A_51 = arith.addf %mul3A, %broadcast_in_dim3A_50 : vector<1x16xf32>
    %swap3A = arith.constant 0 : index
    %swap3A_52 = arith.constant 0 : index
    %swap3A_53 = vector.load %arg10[%swap3A, %swap3A_52] : memref<1x16xf32, #tpu.memory_space<vmem>>, vector<1x16xf32>
    tpu.vector_store %arg10[%swap3A, %swap3A_52], %add3A_51 {strides = array<i32>} : memref<1x16xf32, #tpu.memory_space<vmem>>, vector<1x16xf32>,
    %swap3A_54 = arith.constant 0 : index
    %swap3A_55 = arith.constant 0 : index
    %swap3A_56 = vector.load %arg9[%swap3A_54, %swap3A_55] : memref<1x16xf32, #tpu.memory_space<vmem>>, vector<1x16xf32>
    tpu.vector_store %arg9[%swap3A_54, %swap3A_55], %max3A {strides = array<i32>} : memref<1x16xf32, #tpu.memory_space<vmem>>, vector<1x16xf32>,
    %iota3A_57 = tpu.iota {dimensions = array<i32: 0>} : vector<16x16xi32>
    %iota3A_58 = tpu.iota {dimensions = array<i32: 1>} : vector<16x16xi32>
    %eq3A_59 = arith.cmpi eq, %iota3A_57, %iota3A_58 : vector<16x16xi32>
    %convert_element_type3A_60 = arith.extui %eq3A_59 : vector<16x16xi1> to vector<16x16xi32>
    %convert_element_type3A_61 = arith.sitofp %convert_element_type3A_60 : vector<16x16xi32> to vector<16x16xf32>
    %dot_general3A_62 = arith.constant dense<0.000000e+00> : vector<16x1xf32>
    %dot_general3A_63 = tpu.matmul %convert_element_type3A_61, %select_n3A_38, %dot_general3A_62 {dimension_numbers = #tpu.dot_dimension_numbers<[1], [1], [0], [0], [0, 0, 1, 0], [], []>, transpose_lhs_hint = false} : vector<16x16xf32>, vector<1x16xf32>, vector<16x1xf32> -> vector<16x1xf32>
    %convert_element_type3A_64 = arith.truncf %exp3A_45 : vector<1536x16xf32> to vector<1536x16xbf16>
    %get3A_65 = arith.constant 0 : index
    %get3A_66 = arith.constant 0 : index
    %get3A_67 = vector.load %arg5[%get3A_65, %get3A_66] : memref<16x512xf32, #tpu.memory_space<vmem>>, vector<16x512xf32>
    %mul3A_68 = vector.broadcast %dot_general3A_63 : vector<16x1xf32> to vector<16x512xf32>
    %mul3A_69 = arith.mulf %get3A_67, %mul3A_68 : vector<16x512xf32>
    %dot_general3A_70 = arith.constant dense<0.000000e+00> : vector<16x512xf32>
    %dot_general3A_71 = tpu.matmul %convert_element_type3A_64, %convert_element_type3A_4, %dot_general3A_70 {dimension_numbers = #tpu.dot_dimension_numbers<[0], [0], [1], [1], [0, 1, 1, 1], [], []>, transpose_lhs_hint = false} : vector<1536x16xbf16>, vector<1536x512xbf16>, vector<16x512xf32> -> vector<16x512xf32>
    %add3A_72 = arith.addf %mul3A_69, %dot_general3A_71 : vector<16x512xf32>
    %swap3A_73 = arith.constant 0 : index
    %swap3A_74 = arith.constant 0 : index
    %swap3A_75 = vector.load %arg5[%swap3A_73, %swap3A_74] : memref<16x512xf32, #tpu.memory_space<vmem>>, vector<16x512xf32>
    tpu.vector_store %arg5[%swap3A_73, %swap3A_74], %add3A_72 {strides = array<i32>} : memref<16x512xf32, #tpu.memory_space<vmem>>, vector<16x512xf32>,
    %get3A_76 = arith.constant 0 : index
    %get3A_77 = arith.constant 0 : index
    %get3A_78 = vector.load %arg6[%get3A_76, %get3A_77] : memref<16x512xf32, #tpu.memory_space<vmem>>, vector<16x512xf32>
    %mul3A_79 = vector.broadcast %dot_general3A_63 : vector<16x1xf32> to vector<16x512xf32>
    %mul3A_80 = arith.mulf %get3A_78, %mul3A_79 : vector<16x512xf32>
    %dot_general3A_81 = arith.constant dense<0.000000e+00> : vector<16x512xf32>
    %dot_general3A_82 = tpu.matmul %convert_element_type3A_64, %convert_element_type3A_8, %dot_general3A_81 {dimension_numbers = #tpu.dot_dimension_numbers<[0], [0], [1], [1], [0, 1, 1, 1], [], []>, transpose_lhs_hint = false} : vector<1536x16xbf16>, vector<1536x512xbf16>, vector<16x512xf32> -> vector<16x512xf32>
    %add3A_83 = arith.addf %mul3A_80, %dot_general3A_82 : vector<16x512xf32>
    %swap3A_84 = arith.constant 0 : index
    %swap3A_85 = arith.constant 0 : index
    %swap3A_86 = vector.load %arg6[%swap3A_84, %swap3A_85] : memref<16x512xf32, #tpu.memory_space<vmem>>, vector<16x512xf32>
    tpu.vector_store %arg6[%swap3A_84, %swap3A_85], %add3A_83 {strides = array<i32>} : memref<16x512xf32, #tpu.memory_space<vmem>>, vector<16x512xf32>,
    %eq3A_87 = arith.constant 7 : i32
    %eq3A_88 = arith.cmpi eq, %arg0, %eq3A_87 : i32
    %convert_element_type3A_89 = arith.extui %eq3A_88 : i1 to i32
    %cond3A_90 = arith.constant 0 : i32
    %cond3A_91 = arith.cmpi ne, %convert_element_type3A_89, %cond3A_90 : i32
    scf.if %cond3A_91 {
      %get3A_92 = arith.constant 0 : index
      %get3A_93 = arith.constant 0 : index
      %get3A_94 = vector.load %arg9[%get3A_92, %get3A_93] : memref<1x16xf32, #tpu.memory_space<vmem>>, vector<1x16xf32>
      %swap3A_95 = arith.constant 0 : index
      %swap3A_96 = arith.constant 0 : index
      %swap3A_97 = vector.load %arg7[%swap3A_95, %swap3A_96] : memref<1x16xf32, #tpu.memory_space<vmem>>, vector<1x16xf32>
      tpu.vector_store %arg7[%swap3A_95, %swap3A_96], %get3A_94 {strides = array<i32>} : memref<1x16xf32, #tpu.memory_space<vmem>>, vector<1x16xf32>,
      %get3A_98 = arith.constant 0 : index
      %get3A_99 = arith.constant 0 : index
      %get3A_100 = vector.load %arg10[%get3A_98, %get3A_99] : memref<1x16xf32, #tpu.memory_space<vmem>>, vector<1x16xf32>
      %swap3A_101 = arith.constant 0 : index
      %swap3A_102 = arith.constant 0 : index
      %swap3A_103 = vector.load %arg8[%swap3A_101, %swap3A_102] : memref<1x16xf32, #tpu.memory_space<vmem>>, vector<1x16xf32>
      tpu.vector_store %arg8[%swap3A_101, %swap3A_102], %get3A_100 {strides = array<i32>} : memref<1x16xf32, #tpu.memory_space<vmem>>, vector<1x16xf32>,
    } else {
    }
    return
  }
  func.func @transform_0(%arg0: i32) -> (i32, i32) {
    %c0_i32 = arith.constant 0 : i32
    %c0_i32_0 = arith.constant 0 : i32
    return %arg0, %c0_i32 : i32, i32
  }
  func.func @transform_1(%arg0: i32) -> (i32, i32) {
    %c0_i32 = arith.constant 0 : i32
    %c0_i32_0 = arith.constant 0 : i32
    return %arg0, %c0_i32 : i32, i32
  }
  func.func @transform_2(%arg0: i32) -> (i32, i32) {
    %c1_i32 = arith.constant 1 : i32
    %c0_i32 = arith.constant 0 : i32
    return %arg0, %c1_i32 : i32, i32
  }
  func.func @transform_3(%arg0: i32) -> (i32, i32) {
    %c0_i32 = arith.constant 0 : i32
    %c0_i32_0 = arith.constant 0 : i32
    %c0_i32_1 = arith.constant 0 : i32
    return %c0_i32, %c0_i32_0 : i32, i32
  }
  func.func @transform_4(%arg0: i32) -> (i32, i32) {
    %c0_i32 = arith.constant 0 : i32
    %c0_i32_0 = arith.constant 0 : i32
    %c0_i32_1 = arith.constant 0 : i32
    return %c0_i32, %c0_i32_0 : i32, i32
  }
  func.func @transform_5(%arg0: i32) -> (i32, i32) {
    %c0_i32 = arith.constant 0 : i32
    %c0_i32_0 = arith.constant 0 : i32
    %c0_i32_1 = arith.constant 0 : i32
    return %c0_i32, %c0_i32_0 : i32, i32
  }
  func.func @transform_6(%arg0: i32) -> (i32, i32) {
    %c0_i32 = arith.constant 0 : i32
    %c0_i32_0 = arith.constant 0 : i32
    %c0_i32_1 = arith.constant 0 : i32
    return %c0_i32, %c0_i32_0 : i32, i32
  }
  func.func @transform_7(%arg0: i32) -> (i32, i32) {
    %c0_i32 = arith.constant 0 : i32
    %c0_i32_0 = arith.constant 0 : i32
    %c0_i32_1 = arith.constant 0 : i32
    return %c0_i32, %c0_i32_0 : i32, i32
  }
}

module attributes {stable_mosaic.version = 14 : i64} {
  func.func @_merge_body(%arg0: memref<16x512xf32, #tpu.memory_space<vmem>>, %arg1: memref<16x512xf32, #tpu.memory_space<vmem>>, %arg2: memref<1x16xf32, #tpu.memory_space<vmem>>, %arg3: memref<1x16xf32, #tpu.memory_space<vmem>>, %arg4: memref<32x16x1024xf32, #tpu.memory_space<vmem>>, %arg5: memref<32x16xf32, #tpu.memory_space<vmem>>, %arg6: memref<16x1024xf32, #tpu.memory_space<vmem>>) attributes {dimension_semantics = [], scalar_prefetch = 0 : i64, scratch_operands = 0 : i64, tpu.core_type = #tpu.core_type<tc>} {
    %get3A = arith.constant 0 : index
    %get3A_0 = arith.constant 0 : index
    %get3A_1 = arith.constant 0 : index
    %get3A_2 = vector.load %arg4[%get3A, %get3A_0, %get3A_1] : memref<32x16x1024xf32, #tpu.memory_space<vmem>>, vector<32x16x1024xf32>
    %reduce_sum3A = arith.constant dense<0.000000e+00> : vector<16x1024xf32>
    %reduce_sum3A_3 = vector.multi_reduction <add>, %get3A_2, %reduce_sum3A [0] : vector<32x16x1024xf32> to vector<16x1024xf32>
    %get3A_4 = arith.constant 0 : index
    %get3A_5 = arith.constant 0 : index
    %get3A_6 = vector.load %arg5[%get3A_4, %get3A_5] : memref<32x16xf32, #tpu.memory_space<vmem>>, vector<32x16xf32>
    %reduce_sum3A_7 = arith.constant dense<0.000000e+00> : vector<16xf32>
    %reduce_sum3A_8 = vector.multi_reduction <add>, %get3A_6, %reduce_sum3A_7 [0] : vector<32x16xf32> to vector<16xf32>
    %broadcast_in_dim3A = vector.shape_cast %reduce_sum3A_8 : vector<16xf32> to vector<1x16xf32>
    %get3A_9 = arith.constant 0 : index
    %get3A_10 = arith.constant 0 : index
    %get3A_11 = vector.load %arg2[%get3A_9, %get3A_10] : memref<1x16xf32, #tpu.memory_space<vmem>>, vector<1x16xf32>
    %max3A = arith.constant 0.000000e+00 : f32
    %max3A_12 = vector.broadcast %max3A : f32 to vector<1x16xf32>
    %max3A_13 = arith.maximumf %get3A_11, %max3A_12 : vector<1x16xf32>
    %sub3A = arith.subf %get3A_11, %max3A_13 : vector<1x16xf32>
    %exp3A = math.exp %sub3A : vector<1x16xf32>
    %neg3A = arith.constant 0.000000e+00 : f32
    %neg3A_14 = vector.broadcast %neg3A : f32 to vector<1x16xf32>
    %neg3A_15 = arith.subf %neg3A_14, %max3A_13 : vector<1x16xf32>
    %exp3A_16 = math.exp %neg3A_15 : vector<1x16xf32>
    %get3A_17 = arith.constant 0 : index
    %get3A_18 = arith.constant 0 : index
    %get3A_19 = vector.load %arg3[%get3A_17, %get3A_18] : memref<1x16xf32, #tpu.memory_space<vmem>>, vector<1x16xf32>
    %mul3A = arith.mulf %get3A_19, %exp3A : vector<1x16xf32>
    %mul3A_20 = arith.mulf %broadcast_in_dim3A, %exp3A_16 : vector<1x16xf32>
    %add3A = arith.addf %mul3A, %mul3A_20 : vector<1x16xf32>
    %gt3A = arith.constant 0.000000e+00 : f32
    %gt3A_21 = vector.broadcast %gt3A : f32 to vector<1x16xf32>
    %gt3A_22 = arith.cmpf ogt, %add3A, %gt3A_21 : vector<1x16xf32>
    %div3A = arith.constant 1.000000e+00 : f32
    %div3A_23 = vector.broadcast %div3A : f32 to vector<1x16xf32>
    %div3A_24 = arith.divf %div3A_23, %add3A : vector<1x16xf32>
    %jit3A = arith.constant 0.000000e+00 : f32
    %broadcast_in_dim3A_25 = vector.broadcast %jit3A : f32 to vector<1x16xf32>
    %select_n3A = arith.select %gt3A_22, %div3A_24, %broadcast_in_dim3A_25 : vector<1x16xi1>, vector<1x16xf32>
    %iota3A = tpu.iota {dimensions = array<i32: 0>} : vector<16x16xi32>
    %iota3A_26 = tpu.iota {dimensions = array<i32: 1>} : vector<16x16xi32>
    %eq3A = arith.cmpi eq, %iota3A, %iota3A_26 : vector<16x16xi32>
    %convert_element_type3A = arith.extui %eq3A : vector<16x16xi1> to vector<16x16xi32>
    %convert_element_type3A_27 = arith.sitofp %convert_element_type3A : vector<16x16xi32> to vector<16x16xf32>
    %mul3A_28 = arith.mulf %exp3A, %select_n3A : vector<1x16xf32>
    %dot_general3A = arith.constant dense<0.000000e+00> : vector<16x1xf32>
    %dot_general3A_29 = tpu.matmul %convert_element_type3A_27, %mul3A_28, %dot_general3A {dimension_numbers = #tpu.dot_dimension_numbers<[1], [1], [0], [0], [0, 0, 1, 0], [], []>, transpose_lhs_hint = false} : vector<16x16xf32>, vector<1x16xf32>, vector<16x1xf32> -> vector<16x1xf32>
    %mul3A_30 = arith.mulf %exp3A_16, %select_n3A : vector<1x16xf32>
    %dot_general3A_31 = arith.constant dense<0.000000e+00> : vector<16x1xf32>
    %dot_general3A_32 = tpu.matmul %convert_element_type3A_27, %mul3A_30, %dot_general3A_31 {dimension_numbers = #tpu.dot_dimension_numbers<[1], [1], [0], [0], [0, 0, 1, 0], [], []>, transpose_lhs_hint = false} : vector<16x16xf32>, vector<1x16xf32>, vector<16x1xf32> -> vector<16x1xf32>
    %get3A_33 = arith.constant 0 : index
    %get3A_34 = arith.constant 0 : index
    %get3A_35 = vector.load %arg0[%get3A_33, %get3A_34] : memref<16x512xf32, #tpu.memory_space<vmem>>, vector<16x512xf32>
    %get3A_36 = arith.constant 0 : index
    %get3A_37 = arith.constant 0 : index
    %get3A_38 = vector.load %arg1[%get3A_36, %get3A_37] : memref<16x512xf32, #tpu.memory_space<vmem>>, vector<16x512xf32>
    %concatenate3A = tpu.concatenate %get3A_35, %get3A_38 in 1 : vector<16x512xf32>, vector<16x512xf32> -> vector<16x1024xf32>
    %mul3A_39 = vector.broadcast %dot_general3A_29 : vector<16x1xf32> to vector<16x1024xf32>
    %mul3A_40 = arith.mulf %concatenate3A, %mul3A_39 : vector<16x1024xf32>
    %mul3A_41 = vector.broadcast %dot_general3A_32 : vector<16x1xf32> to vector<16x1024xf32>
    %mul3A_42 = arith.mulf %reduce_sum3A_3, %mul3A_41 : vector<16x1024xf32>
    %add3A_43 = arith.addf %mul3A_40, %mul3A_42 : vector<16x1024xf32>
    %swap3A = arith.constant 0 : index
    %swap3A_44 = arith.constant 0 : index
    %swap3A_45 = vector.load %arg6[%swap3A, %swap3A_44] : memref<16x1024xf32, #tpu.memory_space<vmem>>, vector<16x1024xf32>
    tpu.vector_store %arg6[%swap3A, %swap3A_44], %add3A_43 {strides = array<i32>} : memref<16x1024xf32, #tpu.memory_space<vmem>>, vector<16x1024xf32>,
    return
  }
}

</mosaic_0001>

<sc_bundles>
// kernel: kernel.5.cloned.1.call-start
scs
__scs_entry_jumppad:
0x0: {  	(pc) =	sbr.rel $0x88, $3  }
0x1: {  	(tag) =	ssettag $0x0;
	lr =	simm.s32 $0x1  }
0x2: {  	[smem:$0x3F9D] =	sst lr;
	_ =	strace $0xD0000000  }
0x3: {  	_ = 	snop  }
0x4: {  	_ = 	snop  }
0x5: {  	_ = 	snop  }
0x6: {  	_ = 	snop  }
0x7: {  	_ = 	snop  }
__scs_overlays_trampoline_lowered:
0x8: {  	[smem:$0x3FAC] =	sst s0  }
0x9: {  	[smem:$0x3FAD] =	sst s1  }
0xa: {  	[smem:$0x3FAE] =	sst s2  }
0xb: {  	[smem:$0x3FAF] =	sst s3  }
0xc: {  	[smem:$0x3FB0] =	sst s4  }
0xd: {  	[smem:$0x3FB1] =	sst s5  }
0xe: {  	[smem:$0x3FB2] =	sst s6  }
0xf: {  	[smem:$0x3FB3] =	sst s7  }
0x10: {  	[smem:$0x3FB4] =	sst s8  }
0x11: {  	[smem:$0x3FB5] =	sst s9;
	s0 =	simm.s32 @!p0 $0x0  }
0x12: {  	s1 =	sld [smem:$0x3F9B];
	s0 =	simm.s32 @p0 $0x1  }
0x13: {  	[smem:$0x3FB6] =	sst s0;
	s0 =	simm.s32 @!p1 $0x0  }
0x14: {  	s2 =	sld [smem:$0x3F9A];
	s0 =	simm.s32 @p1 $0x1  }
0x15: {  	[smem:$0x3FB7] =	sst s0;
	s0 =	simm.s32 @!p2 $0x0  }
0x16: {  	s3 =	sld [smem:$0x3FDB];
	s0 =	simm.s32 @p2 $0x1  }
0x17: {  	s4 =	simm.s32 $0x1BF5;
	[smem:$0x3FB9] =	sst s0  }
0x18: {  	s0 =	sld [smem:$0x3F9C];
	_ =	swait.ge [sflag:s4], $0x0  }
0x19: {  	s7 =	sld [smem:$0x3F9D]  }
0x1a: {  	s8 =	sadd.s32 $0xFFFFE003, lr  }
0x1b: {  	s9 =	sadd.s32 $0xFFFFFEF7, lr;
	s5 =	simm.s32 $0xFFFFFFFF;
	p2 =	slt.u32 s8, $0xFFFFF086  }
0x1c: {  	p1 =	slt.u32 s9, $0xF7A;
	s5 =	simm.s32 @!p2 $0x0  }
0x1d: {  	s5 =	simm.s32 @p1 $0x1;
	p0 =	seq.s32 s7, s2  }
0x1e: {  	s7 =	smul.u32 @!p0 $0xF7A, s2;
	p2 =	seq.s32 @!p0 s5, $0x0  }
0x1f: {  	s9 =	smul.u32 $0xF7A, s1;
	s8 =	simm.s32 @!p0 $0x1BF5;
	p2 =	por !p2, p0  }
0x20: {  	[sflag:s8] =	ssyncset.s32 @!p0 $0xFFFFF086;
	s6 =	sadd.s32 @!p0 s3, s7;
	s7 =	simm.s32 @!p0 $0x108  }
0x21: {  	s3 =	sadd.s32 s3, s9;
	s6 =	sadd.s32 @!p0 $0x88, s6;
	s7 =	simm.s32 @p2 $0x1082  }
0x22: {  	[simem:s7], [sflag:s8] =	dma.local @!p0 [hbm:s6], $0xF7A  }
0x23: {  	s9 =	sor.u32 $0xD0000000, s2;
	s6 =	simm.s32 $0x108;
	_ =	swait.ge @!p0 [sflag:s8], $0x0  }
0x24: {  	s3 =	sadd.s32 $0x88, s3;
	s6 =	simm.s32 @!p1 $0x1082;
	[sflag:s4] =	ssyncset.s32 $0xFFFFF086  }
0x25: {  	[simem:s6], [sflag:s4] =	dma.local [hbm:s3], $0xF7A  }
0x26: {  	[smem:$0x3F9D] =	sst s1;
	(tag) =	ssettag s2;
	_ =	strace s9  }
0x27: {  	s1 =	sld [smem:$0x3FAD]  }
0x28: {  	s2 =	sld [smem:$0x3FAE]  }
0x29: {  	s4 =	sld [smem:$0x3FB0]  }
0x2a: {  	p0 =	seq.s32 s5, $0x0;
	s5 =	sld [smem:$0x3FB1]  }
0x2b: {  	s6 =	sld [smem:$0x3FB2]  }
0x2c: {  	s7 =	sld [smem:$0x3FB3]  }
0x2d: {  	s3 =	simm.s32 $0x108;
	s8 =	sld [smem:$0x3FB4]  }
0x2e: {  	s3 =	simm.s32 @!p0 $0x1082;
	s9 =	sld [smem:$0x3FB5]  }
0x2f: {  	lr =	sadd.s32 s0, s3;
	s0 =	sld [smem:$0x3FAC]  }
0x30: {  	s3 =	sld [smem:$0x3FAF]  }
0x31: {  	[smem:$0x3FB8] =	sst s10  }
0x32: {  	s10 =	sld [smem:$0x3FB6];
	_ =	sdelay $0x3  }
0x33: {  	p0 =	seq.s32 s10, $0x1;
	s10 =	sld [smem:$0x3FB8];
	_ =	sdelay $0x3  }
0x34: {  	[smem:$0x3FB8] =	sst s10  }
0x35: {  	s10 =	sld [smem:$0x3FB7];
	_ =	sdelay $0x3  }
0x36: {  	p1 =	seq.s32 s10, $0x1;
	s10 =	sld [smem:$0x3FB8];
	_ =	sdelay $0x3  }
0x37: {  	[smem:$0x3FB8] =	sst s10  }
0x38: {  	s10 =	sld [smem:$0x3FB9]  }
0x39: {  	_ = 	snop;
	(pc) =	sbr.ind lr, $3  }
0x3a: {  	_ = 	snop  }
0x3b: {  	_ = 	snop  }
0x3c: {  	p2 =	seq.s32 s10, $0x1;
	s10 =	sld [smem:$0x3FB8]  }
0x3d: {  	_ =	shalt  }
0x3e: {  	_ =	shalt  }
0x3f: {  	_ =	shalt  }
0x40: {  	_ =	shalt  }
0x41: {  	_ =	shalt  }
0x42: {  	_ =	shalt  }
0x43: {  	_ =	shalt  }
0x44: {  	_ =	shalt  }
0x45: {  	_ =	shalt  }
0x46: {  	_ =	shalt  }
0x47: {  	_ =	shalt  }
0x48: {  	_ =	shalt  }
0x49: {  	_ =	shalt  }
0x4a: {  	_ =	shalt  }
0x4b: {  	_ =	shalt  }
0x4c: {  	_ =	shalt  }
0x4d: {  	_ =	shalt  }
0x4e: {  	_ =	shalt  }
0x4f: {  	_ =	shalt  }
0x50: {  	_ =	shalt  }
0x51: {  	_ =	shalt  }
0x52: {  	_ =	shalt  }
0x53: {  	_ =	shalt  }
0x54: {  	_ =	shalt  }
0x55: {  	_ =	shalt  }
0x56: {  	_ =	shalt  }
0x57: {  	_ =	shalt  }
0x58: {  	_ =	shalt  }
0x59: {  	_ =	shalt  }
0x5a: {  	_ =	shalt  }
0x5b: {  	_ =	shalt  }
0x5c: {  	_ =	shalt  }
0x5d: {  	_ =	shalt  }
0x5e: {  	_ =	shalt  }
0x5f: {  	_ =	shalt  }
0x60: {  	_ =	shalt  }
0x61: {  	_ =	shalt  }
0x62: {  	_ =	shalt  }
0x63: {  	_ =	shalt  }
0x64: {  	_ =	shalt  }
0x65: {  	_ =	shalt  }
0x66: {  	_ =	shalt  }
0x67: {  	_ =	shalt  }
0x68: {  	_ =	shalt  }
0x69: {  	_ =	shalt  }
0x6a: {  	_ =	shalt  }
0x6b: {  	_ =	shalt  }
0x6c: {  	_ =	shalt  }
0x6d: {  	_ =	shalt  }
0x6e: {  	_ =	shalt  }
0x6f: {  	_ =	shalt  }
0x70: {  	_ =	shalt  }
0x71: {  	_ =	shalt  }
0x72: {  	_ =	shalt  }
0x73: {  	_ =	shalt  }
0x74: {  	_ =	shalt  }
0x75: {  	_ =	shalt  }
0x76: {  	_ =	shalt  }
0x77: {  	_ =	shalt  }
0x78: {  	_ =	shalt  }
0x79: {  	_ =	shalt  }
0x7a: {  	_ =	shalt  }
0x7b: {  	_ =	shalt  }
0x7c: {  	_ =	shalt  }
0x7d: {  	_ =	shalt  }
0x7e: {  	_ =	shalt  }
0x7f: {  	_ =	shalt  }
0x80: {  	_ =	shalt  }
0x81: {  	_ =	shalt  }
0x82: {  	_ =	shalt  }
0x83: {  	_ =	shalt  }
0x84: {  	_ =	shalt  }
0x85: {  	_ =	shalt  }
0x86: {  	_ =	shalt  }
0x87: {  	_ =	shalt  }
.Lfunc_end0:
.L_simem_size_0:
called_computation_lowered:
.L_overlay_start_0:
0x88: {  	s2 =	sld [smem:$0x3FD9]  }
0x89: {  	s3 =	sld [smem:$0x3FFE];
	_ =	sdelay $0x1  }
0x8a: {  	s1 =	srdreg.scid  }
0x8b: {  	s0 =	sand.u32 $0x1, s1  }
0x8c: {  	s17 =	sshll.u32 s0, $0xA;
	s2 =	sadd.s32 s3, s2  }
0x8d: {  	s2 =	sadd.s32 s2, s17  }
0x8e: {  	[smem:$0x3FC4] =	sst s2  }
0x8f: {  	_ = 	snop  }
0x90: {  	s2 =	sld [smem:$0x3FC9]  }
0x91: {  	s18 =	sld [smem:$0x3FC8]  }
0x92: {  	s4 =	sld [smem:$0x3FD0];
	(tm) =	ssettm $0x1  }
0x93: {  	s5 =	sld [smem:$0x3FFB];
	_ =	sdelay $0x3  }
0x94: {  	_ =	strace s5  }
0x95: {  	s5 =	sld [smem:$0x3FFC];
	_ =	sdelay $0x3  }
0x96: {  	_ =	strace s5  }
0x97: {  	s5 =	sld [smem:$0x3FFD];
	_ =	sdelay $0x3  }
0x98: {  	_ =	strace s5  }
0x99: {  	_ =	strace $0x8FFFFFFF  }
0x9a: {  	s19 =	sld [smem:$0x3FDB];
	_ =	sdelay $0x1  }
0x9b: {  	s6 =	simm.s32 $_scs_section_size  }
0x9c: {  	s7 =	simm.s32 $_size__tile_overlayer_lowered;
	s8 =	simm.s32 $_tile_overlayer_lowered  }
0x9d: {  	s22 =	simm.s32 $0x1BFF;
	s21 =	sshll.u32 s8, $0x1;
	s5 =	sadd.s32 s6, s19  }
0x9e: {  	s9 =	simm.s32 $0x0;
	s20 =	sshll.u32 s7, $0x1;
	s7 =	sadd.s32 s21, s5  }
0x9f: {  	[timem:s9], [sflag:s22] =	dma.local [hbm:s7], s20  }
0xa0: {  	_ =	swait.ge [sflag:s22], s20  }
0xa1: {  	s6 =	ssub.s32 $0x0, s20;
	[sflag:s22] =	ssyncset.done $0x0  }
0xa2: {  	[sflag:s22] =	ssyncadd.s32 s6;
	_ =	sdelay $0x1  }
0xa3: {  	s23 =	simm.s32 $0x1B8B  }
0xa4: {  	_ =	swait.ge [sflag:s23], $0x1  }
0xa5: {  	[sflag:s23] =	ssyncset.done $0x0  }
0xa6: {  	s25 =	simm.s32 $0x1B8E;
	s24 =	sld [smem:$0x3FFE];
	[sflag:s23] =	ssyncadd.s32 $0xFFFFFFFF  }
0xa7: {  	s26 =	simm.s32 $execute0_lowered;
	[smem:$0x3FD2] =	sst s25  }
0xa8: {  	s7 =	sshll.u32 s26, $0x1;
	_ =	strace $0x80000046;
	[dreg:$0x1] =	wrdreg $0xFFFFFFFF  }
0xa9: {  	s28 =	simm.s32 $_size_execute0_lowered;
	s5 =	sadd.s32 s5, s7;
	[dreg:$0x0] =	wrdreg $0x0  }
0xaa: {  	s7 =	sshll.u32 s28, $0x1;
	[dreg:$0x2] =	wrdreg s5  }
0xab: {  	[dreg:$0x3] =	wrdreg s7  }
0xac: {  	[dreg:$0x4] =	wrdreg $0xC0  }
0xad: {  	_ =	task [dreg:s9], $0x5FFFF  }
0xae: {  	[dreg:$0x1] =	wrdreg $0xFFFFFFFF  }
0xaf: {  	[dreg:$0x0] =	wrdreg $0x60  }
0xb0: {  	[dreg:$0x2] =	wrdreg s2  }
0xb1: {  	[dreg:$0x3] =	wrdreg s18  }
0xb2: {  	[dreg:$0x4] =	wrdreg s24  }
0xb3: {  	[dreg:$0x5] =	wrdreg s4  }
0xb4: {  	[dreg:$0x6] =	wrdreg $0x9  }
0xb5: {  	_ =	task.clear_ibuf [dreg:s9], $0x7FFFF;
	_ =	strace $0x90000046  }
0xb6: {  	s29 =	simm.s32 $0x9;
	_ =	strace $0x80000048  }
0xb7: {  	_ =	swait.ge [sflag:s29], $0x1  }
0xb8: {  	[sflag:s29] =	ssyncadd.s32 $0xFFFFFFFF  }
0xb9: {  	_ =	strace $0x90000048  }
0xba: {  	_ =	sfence  }
0xbb: {  	s30 =	sld [smem:$0x0];
	_ =	sdelay $0x2  }
0xbc: {  	s31 =	sshll.u32 s1, $0xD;
	s1 =	sshrl.u32 s1, $0x2  }
0xbd: {  	s3 =	sand.u32 $0x4000, s31;
	s1 =	sadd.s32 s1, s30  }
0xbe: {  	s0 =	sor.u32 s3, s0;
	s1 =	sshll.u32 s1, $0x11  }
0xbf: {  	s0 =	sor.u32 s1, s0  }
0xc0: {  	s0 =	sadd.s32 $0x8F2B, s0  }
0xc1: {  	[sflag:s0] =	ssyncadd.remote.s32 $0x1  }
0xc2: {  	_ =	sfence.sel $0xFFFF  }
0xc3: {  	[dreg:$0x0] =	wrdreg $0xFFFFFFFF;
	(pc) =	sbr.abs _section_cstart, $3  }
0xc4: {  	[dreg:$0x1] =	wrdreg $0xFFFFFFFF  }
0xc5: {  	_ =	task.clear_ibuf [dreg:s9], $0x2FFFF;
	_ =	strace $0x9FFFFFFF  }
0xc6: {  	(tm) =	ssettm $0x7FFFFFFF  }
0xc7: {  	_ =	shalt  }
tec
execute0_lowered:
.L_overlay_start_1:
0x0: {  	(tag) =	ssettag $0x1  }
0x1: {  	s5 =	rddreg [dreg:$0x0]  }
0x2: {  	s4 =	rddreg [dreg:$0x1]  }
0x3: {  	s6 =	rddreg [dreg:$0x2]  }
0x4: {  	s10 =	rddreg [dreg:$0x3]  }
0x5: {  	s0 =	rddreg [dreg:$0x4];
	s2 =	simm.s32 $0x0;
	s3 =	srdreg.scid  }
0x6: {  	v0 =	vimm.s32 $0xFEDCBA98;
	s1 =	stileid.u32;
	v1 =	vimm.s32 $0x76543210;
	s14 =	simm.s32 $0x14400;
	s15 =	simm.s32 $0x8000  }
0x7: {  	v2 =	vimm.s32 $0xBA98FEDC;
	v3 =	vimm.s32 $0x32107654;
	s16 =	simm.s32 $0x1;
	s17 =	simm.s32 $0x2;
	s18 =	simm.s32 $0x10000  }
0x8: {  	v4 =	vimm.s32 $0xDCFE98BA;
	v5 =	vimm.s32 $0x54761032;
	s19 =	simm.s32 $0x14480;
	s20 =	simm.s32 $0x0;
	[smem:$0x7FF] =	sst s2  }
0x9: {  	v6 =	vimm.s32 $0xEFCDAB89;
	v7 =	vimm.s32 $0x67452301;
	s7 =	sand.u32 $0x1, s3;
	s25 =	sshll.u32 s1, $0x1;
	s3 =	sadd.s32 $0xE00, s6  }
0xa: {  	v0 =	vunpack.c.l.s4.s8 v0;
	v1 =	vunpack.c.l.s4.s8 v1;
	v2 =	vunpack.c.l.s4.s8 v2;
	_ =	strace $0x80000047;
	s9 =	sor.u32 s7, s25;
	s7 =	ssub.s32 $0x2, s7  }
0xb: {  	v3 =	vunpack.c.l.s4.s8 v3;
	v4 =	vunpack.c.l.s4.s8 v4;
	v5 =	vunpack.c.l.s4.s8 v5;
	s8 =	sshll.u32 s9, $0xB;
	s26 =	sshrl.u32 s7, $0x1;
	s28 =	sshll.u32 s9, $0x7  }
0xc: {  	v6 =	vunpack.c.l.s4.s8 v6;
	v7 =	vunpack.c.l.s4.s8 v7;
	v0 =	vunpack.c.0.s8.s32 v0;
	s30 =	sshll.u32 s9, $0xE;
	s31 =	sshll.u32 s9, $0x4;
	s11 =	sadd.s32 s8, s6  }
0xd: {  	v1 =	vunpack.c.0.s8.s32 v1;
	v2 =	vunpack.c.0.s8.s32 v2;
	v3 =	vunpack.c.0.s8.s32 v3;
	s12 =	ssub.s32 s7, s26;
	s29 =	sor.u32 $0x3000, s28;
	s13 =	sadd.s32 s30, s5  }
0xe: {  	v4 =	vunpack.c.0.s8.s32 v4;
	v5 =	vunpack.c.0.s8.s32 v5;
	s10 =	sadd.s32 s10, s31;
	v0 =	vand.u32 $0xF, v0;
	s8 =	sshrl.u32 s29, $0x3;
	s6 =	sshll.u32 s29, $0x7  }
0xf: {  	v6 =	vunpack.c.0.s8.s32 v6;
	v7 =	vunpack.c.0.s8.s32 v7;
	s7 =	sadd.s32 $0x182000, s13;
	s9 =	sadd.s32 $0x1000, s11;
	s11 =	smax.u32 s12, $0x1;
	v0 =	vcombine.low v0, v1  }
0x10: {  	s12 =	simm.s32 $0x14000;
	s4 =	sadd.s32 s4, s8;
	s5 =	sadd.s32 s5, s6;
	v1 =	vcombine.low v3, v2;
	v2 =	vcombine.low v5, v4  }
0x11: {  	s6 =	sadd.s32 $0x181000, s13;
	s8 =	sadd.s32 $0x183000, s13;
	s13 =	simm.s32 $0x3;
	v3 =	vimm.f32 $0.0e+00;
	v4 =	vcombine.low v7, v6;
	v5 =	vlaneseq.u32  }
.LBB2_1:
0x12: {  	[tilespmem:s12], [sflag:$0x3] =	stream.linear.gather [hbm4b:s3+s2], $0x400, $0x38;
	[tilespmem:$0x14500] =	vst v63  }
0x13: {  	_ =	swait.ge [sflag:s13], $0x400  }
0x14: {  	[sflag:s13] =	ssyncset.done $0x0  }
0x15: {  	s21 =	simm.s32 $0x0;
	s22 =	sand.u32 $0x1800, s2;
	[sflag:s13] =	ssyncadd.s32 $0xFFFFFC00  }
0x16: {  	[tilespmem:s14], [sflag:$0x3] =	stream.linear.gather [hbm4b:s4+s2], $0x80, $0x38;
	[tilespmem:$0x14500] =	vst v63  }
0x17: {  	s23 =	simm.s32 $0x0;
	s21 =	sand.u32 $0x2000, s21;
	_ =	swait.ge [sflag:s13], $0x80  }
0x18: {  	s23 =	sand.u32 $0x380, s23;
	s21 =	sor.u32 s22, s21;
	[sflag:s13] =	ssyncset.done $0x0  }
0x19: {  	s21 =	sor.u32 s23, s21;
	[sflag:s13] =	ssyncadd.s32 $0xFFFFFF80  }
0x1a: {  	[tilespmem:s21+$0x10470] =	vst v3  }
0x1b: {  	[tilespmem:s21+$0x10000] =	vst v3  }
0x1c: {  	[tilespmem:s21+$0x10010] =	vst v3  }
0x1d: {  	[tilespmem:s21+$0x10020] =	vst v3  }
0x1e: {  	[tilespmem:s21+$0x10030] =	vst v3  }
0x1f: {  	[tilespmem:s21+$0x10040] =	vst v3  }
0x20: {  	[tilespmem:s21+$0x10050] =	vst v3  }
0x21: {  	[tilespmem:s21+$0x10060] =	vst v3  }
0x22: {  	[tilespmem:s21+$0x10070] =	vst v3  }
0x23: {  	[tilespmem:s21+$0x10400] =	vst v3  }
0x24: {  	s22 =	simm.s32 $0x0;
	s23 =	simm.s32 $0x0;
	[tilespmem:s21+$0x10410] =	vst v3  }
.LBB2_2:
0x25: {  	s22 =	sadd.s32 $0x10, s22;
	[tilespmem:s21+$0x10420] =	vst v3  }
0x26: {  	s23 =	sadd.s32 $0x800, s23;
	s24 =	sshll.u32 s22, $0x4;
	p0 =	slt.u32 s22, $0x3F0;
	[tilespmem:s21+$0x10430] =	vst v3  }
0x27: {  	s25 =	sand.u32 $0x1800, s23;
	s26 =	sshll.u32 s22, $0x1;
	s24 =	sand.u32 $0x2000, s24;
	[tilespmem:s21+$0x10440] =	vst v3  }
0x28: {  	s26 =	sand.u32 $0x380, s26;
	s24 =	sor.u32 s25, s24;
	[tilespmem:s21+$0x10450] =	vst v3  }
0x29: {  	[tilespmem:s21+$0x10460] =	vst v3;
	s21 =	sor.u32 s26, s24  }
0x2a: {  	[tilespmem:s21+$0x10470] =	vst v3  }
0x2b: {  	[tilespmem:s21+$0x10000] =	vst v3  }
0x2c: {  	[tilespmem:s21+$0x10010] =	vst v3  }
0x2d: {  	[tilespmem:s21+$0x10020] =	vst v3  }
0x2e: {  	[tilespmem:s21+$0x10030] =	vst v3  }
0x2f: {  	[tilespmem:s21+$0x10040] =	vst v3  }
.Ltmp0:
0x30: {  	[tilespmem:s21+$0x10050] =	vst v3;
	(pc) =	sbr.rel @p0 .LBB2_2-.Ltmp0, $4  }
0x31: {  	[tilespmem:s21+$0x10060] =	vst v3  }
0x32: {  	[tilespmem:s21+$0x10070] =	vst v3  }
0x33: {  	[tilespmem:s21+$0x10400] =	vst v3  }
0x34: {  	[tilespmem:s21+$0x10410] =	vst v3  }
0x35: {  	[tilespmem:s21+$0x10420] =	vst v3  }
0x36: {  	[tilespmem:s21+$0x10430] =	vst v3  }
0x37: {  	[tilespmem:s21+$0x10440] =	vst v3  }
0x38: {  	[tilespmem:s21+$0x10450] =	vst v3  }
0x39: {  	[tilespmem:s21+$0x10460] =	vst v3;
	s21 =	simm.s32 $0x0  }
0x3a: {  	[tilespmem:s21], [sflag:$0x1] =	stream.linear.gather [hbm4b:s5+s21], $0x8000, $0x38;
	[tilespmem:$0x14500] =	vst v63  }
0x3b: {  	_ = 	snop  }
0x3c: {  	[tilespmem:s15], [sflag:$0x2] =	stream.linear.gather [hbm4b:s6+s21], $0x8000, $0x38;
	[tilespmem:$0x14500] =	vst v63  }
0x3d: {  	_ =	swait.ge [sflag:s16], $0x8000  }
0x3e: {  	[sflag:s16] =	ssyncset.done $0x0  }
0x3f: {  	[sflag:s16] =	ssyncadd.s32 $0xFFFF8000  }
0x40: {  	v7 =	vimm.f32 $0.0e+00;
	s22 =	simm.s32 $0x0;
	v6 =	vimm.f32 $0.0e+00;
	s23 =	simm.s32 $0x0;
	v8 =	vld [tilespmem:$0x14400]  }
.LBB2_4:
0x41: {  	s24 =	sshll.u32 s22, $0x2;
	s25 =	sand.u32 $0x7, s21  }
0x42: {  	s24 =	sand.u32 $0xFFFF8000, s24;
	s25 =	sshll.u32 s25, $0x9  }
0x43: {  	s24 =	sor.u32 s25, s24;
	s25 =	simm.s32 $0x14080  }
0x44: {  	v15 =	vld [tilespmem:s25+$0x40]  }
0x45: {  	v17 =	vld [tilespmem:s25+$0x50]  }
0x46: {  	v11 =	vld [tilespmem:s25+$0x60]  }
0x47: {  	v19 =	vld [tilespmem:s25+$0x0]  }
0x48: {  	v22 =	vld [tilespmem:s25+$0x10]  }
0x49: {  	v13 =	vld [tilespmem:s25+$0x20]  }
0x4a: {  	v25 =	vld [tilespmem:s25+$0xFFFFFFC0]  }
0x4b: {  	v28 =	vld [tilespmem:s25+$0xFFFFFFD0]  }
0x4c: {  	v34 =	vld [tilespmem:s25+$0xFFFFFFE0]  }
0x4d: {  	v30 =	vld [tilespmem:s25+$0xFFFFFF80]  }
0x4e: {  	v32 =	vld [tilespmem:s25+$0xFFFFFF90]  }
0x4f: {  	v36 =	vld [tilespmem:s25+$0xFFFFFFA0]  }
0x50: {  	s24 =	sshrl.u32 s24, $0x2;
	v38 =	vld [tilespmem:s25+$0xFFFFFFB0]  }
0x51: {  	v23 =	vld [tilespmem:s25+$0xFFFFFFF0];
	s24 =	sor.u32 $0x400, s24  }
0x52: {  	v14 =	vld [tilespmem:s24+$0x40]  }
0x53: {  	v16 =	vld [tilespmem:s24+$0x50]  }
0x54: {  	v10 =	vld [tilespmem:s24+$0x60]  }
0x55: {  	v18 =	vld [tilespmem:s24+$0x0]  }
0x56: {  	v20 =	vld [tilespmem:s24+$0x10]  }
0x57: {  	v24 =	vld [tilespmem:s24+$0xFFFFFC40]  }
0x58: {  	v27 =	vld [tilespmem:s24+$0xFFFFFC50]  }
0x59: {  	v33 =	vld [tilespmem:s24+$0xFFFFFC60]  }
0x5a: {  	v29 =	vld [tilespmem:s24+$0xFFFFFC00]  }
0x5b: {  	v31 =	vld [tilespmem:s24+$0xFFFFFC10]  }
0x5c: {  	v9 =	vmov s23;
	v35 =	vld [tilespmem:s24+$0xFFFFFC20]  }
0x5d: {  	v9 =	vperm.xlane v8, v9;
	v37 =	vld [tilespmem:s24+$0xFFFFFC30];
	v14 =	vmul.f32 v15, v14  }
0x5e: {  	v12 =	vld [tilespmem:s24+$0x20];
	v15 =	vmul.f32 v17, v16;
	v18 =	vmul.f32 v19, v18  }
0x5f: {  	v21 =	vld [tilespmem:s24+$0xFFFFFC70];
	v19 =	vmul.f32 v22, v20;
	v26 =	vmul.f32 v25, v24  }
0x60: {  	v22 =	vld [tilespmem:s24+$0x30];
	v16 =	vmul.f32 v30, v29;
	v17 =	vmul.f32 v32, v31  }
0x61: {  	v27 =	vmul.f32 v28, v27;
	v24 =	vld [tilespmem:s25+$0x30];
	v31 =	vmul.f32 v36, v35  }
0x62: {  	v32 =	vmul.f32 v38, v37;
	v20 =	vld [tilespmem:s24+$0x70];
	v28 =	vmul.f32 v34, v33;
	v29 =	vadd.f32 v16, v7  }
0x63: {  	s26 =	simm.s32 $0x0;
	s28 =	sadd.s32 $0x800, s24;
	v25 =	vld [tilespmem:s25+$0x70];
	v30 =	vadd.f32 v17, v7;
	v16 =	vimm.f32 $0.0e+00;
	v17 =	vimm.f32 $0.0e+00  }
.LBB2_5:
0x64: {  	v33 =	vld [tilespmem:s28+$0x40];
	v16 =	vadd.f32 v31, v16;
	v17 =	vadd.f32 v32, v17;
	v21 =	vmul.f32 v23, v21;
	s25 =	sadd.s32 $0x100, s25  }
0x65: {  	v12 =	vmul.f32 v13, v12;
	v23 =	vld [tilespmem:s25+$0x40];
	v26 =	vadd.f32 v26, v29;
	v27 =	vadd.f32 v27, v30  }
0x66: {  	v29 =	vld [tilespmem:s28+$0x50];
	v13 =	vadd.f32 v28, v16;
	v16 =	vadd.f32 v21, v17;
	v17 =	vmul.f32 v24, v22  }
0x67: {  	v21 =	vmul.f32 v11, v10;
	v22 =	vld [tilespmem:s25+$0x50];
	v18 =	vadd.f32 v18, v26;
	v19 =	vadd.f32 v19, v27  }
0x68: {  	v10 =	vld [tilespmem:s28+$0x60];
	v12 =	vadd.f32 v12, v13;
	v13 =	vadd.f32 v17, v16;
	v17 =	vmul.f32 v25, v20  }
0x69: {  	v11 =	vld [tilespmem:s25+$0x60];
	v25 =	vadd.f32 v14, v18;
	v28 =	vadd.f32 v15, v19  }
0x6a: {  	v18 =	vld [tilespmem:s28+$0x0];
	v16 =	vadd.f32 v21, v12;
	v17 =	vadd.f32 v17, v13  }
0x6b: {  	v19 =	vld [tilespmem:s25+$0x0]  }
0x6c: {  	v20 =	vld [tilespmem:s28+$0x10]  }
0x6d: {  	v24 =	vld [tilespmem:s25+$0x10]  }
0x6e: {  	v12 =	vld [tilespmem:s28+$0x20]  }
0x6f: {  	v13 =	vld [tilespmem:s25+$0x20]  }
0x70: {  	v26 =	vld [tilespmem:s28+$0xFFFFFC40]  }
0x71: {  	v27 =	vld [tilespmem:s25+$0xFFFFFFC0]  }
0x72: {  	v30 =	vld [tilespmem:s28+$0xFFFFFC50]  }
0x73: {  	v31 =	vld [tilespmem:s25+$0xFFFFFFD0]  }
0x74: {  	v34 =	vld [tilespmem:s28+$0xFFFFFC60]  }
0x75: {  	v35 =	vld [tilespmem:s25+$0xFFFFFFE0]  }
0x76: {  	v32 =	vld [tilespmem:s28+$0xFFFFFC00]  }
0x77: {  	v36 =	vld [tilespmem:s25+$0xFFFFFF80]  }
0x78: {  	v37 =	vld [tilespmem:s28+$0xFFFFFC10]  }
0x79: {  	v38 =	vld [tilespmem:s25+$0xFFFFFF90]  }
0x7a: {  	v39 =	vld [tilespmem:s28+$0xFFFFFC20]  }
0x7b: {  	v40 =	vld [tilespmem:s25+$0xFFFFFFA0]  }
0x7c: {  	v41 =	vld [tilespmem:s28+$0xFFFFFC30]  }
0x7d: {  	s26 =	sadd.s32 $0x4, s26;
	v42 =	vld [tilespmem:s25+$0xFFFFFFB0]  }
0x7e: {  	p0 =	slt.u32 s26, $0xC;
	v14 =	vmul.f32 v23, v33;
	v15 =	vmul.f32 v22, v29;
	v21 =	vld [tilespmem:s28+$0xFFFFFC70]  }
.Ltmp1:
0x7f: {  	v18 =	vmul.f32 v19, v18;
	v19 =	vmul.f32 v24, v20;
	v23 =	vld [tilespmem:s25+$0xFFFFFFF0];
	(pc) =	sbr.rel @p0 .LBB2_5-.Ltmp1, $4  }
0x80: {  	v26 =	vmul.f32 v27, v26;
	v27 =	vmul.f32 v31, v30;
	v22 =	vld [tilespmem:s28+$0x30]  }
0x81: {  	v29 =	vmul.f32 v36, v32;
	v30 =	vmul.f32 v38, v37;
	v24 =	vld [tilespmem:s25+$0x30]  }
0x82: {  	v31 =	vmul.f32 v40, v39;
	v32 =	vmul.f32 v42, v41;
	v20 =	vld [tilespmem:s28+$0x70]  }
0x83: {  	v29 =	vadd.f32 v29, v25;
	v30 =	vadd.f32 v30, v28;
	v28 =	vmul.f32 v35, v34;
	s28 =	sadd.s32 $0x800, s28;
	v25 =	vld [tilespmem:s25+$0x70]  }
0x84: {  	v16 =	vadd.f32 v31, v16;
	v17 =	vadd.f32 v32, v17;
	v21 =	vmul.f32 v23, v21  }
0x85: {  	v12 =	vmul.f32 v13, v12;
	v23 =	vadd.f32 v26, v29;
	v52 =	vadd.f32 v27, v30  }
0x86: {  	v13 =	vadd.f32 v28, v16;
	v16 =	vadd.f32 v21, v17;
	v17 =	vmul.f32 v24, v22  }
0x87: {  	v10 =	vmul.f32 v11, v10;
	v18 =	vadd.f32 v18, v23;
	v19 =	vadd.f32 v19, v52  }
0x88: {  	v11 =	vadd.f32 v12, v13;
	v12 =	vadd.f32 v17, v16;
	v13 =	vmul.f32 v25, v20  }
0x89: {  	v14 =	vadd.f32 v14, v18;
	v15 =	vadd.f32 v15, v19  }
0x8a: {  	v10 =	vadd.f32 v10, v11;
	v11 =	vadd.f32 v13, v12;
	_ =	sdelay $0x1  }
0x8b: {  	v12 =	vadd.f32 v15, v14;
	v10 =	vadd.f32 v11, v10;
	_ =	sdelay $0x1  }
0x8c: {  	v10 =	vadd.f32 v10, v12;
	_ =	sdelay $0x1  }
0x8d: {  	v11 =	vperm.xlane v10, v0;
	_ =	sdelay $0x1  }
0x8e: {  	(v2sf) =	vpush v9, $0x0;
	v10 =	vadd.f32 v11, v10;
	_ =	sdelay $0x1  }
0x8f: {  	v11 =	vperm.xlane v10, v1;
	_ =	sdelay $0x1  }
0x90: {  	v10 =	vadd.f32 v11, v10;
	_ =	sdelay $0x1  }
0x91: {  	v11 =	vperm.xlane v10, v2  }
0x92: {  	v53 =	vld [tilespmem:s24+$0x30]  }
0x93: {  	v54 =	vld [tilespmem:s24+$0x40];
	v10 =	vadd.f32 v11, v10  }
0x94: {  	v55 =	vld [tilespmem:s24+$0x50]  }
0x95: {  	v56 =	vld [tilespmem:s24+$0x60];
	v14 =	vperm.xlane v10, v4  }
0x96: {  	v21 =	vld [tilespmem:s24+$0x0]  }
0x97: {  	v22 =	vld [tilespmem:s24+$0x10];
	v10 =	vadd.f32 v14, v10  }
0x98: {  	v23 =	vld [tilespmem:s24+$0x20]  }
0x99: {  	v16 =	vld [tilespmem:s24+$0xFFFFFC20];
	v10 =	vmul.f32 $1.442695020e+00, v10  }
0x9a: {  	v17 =	vld [tilespmem:s24+$0xFFFFFC40];
	s25 =	spop (v2sf)  }
0x9b: {  	v20 =	vld [tilespmem:s24+$0xFFFFFC70];
	s26 =	sshll.u32 s25, $0xC;
	s25 =	sand.u32 $0x7, s25;
	(erf) = vpow2.f32 v10  }
0x9c: {  	v18 =	vld [tilespmem:s24+$0xFFFFFC50];
	s26 =	sand.u32 $0xFFFF8000, s26;
	s25 =	sshll.u32 s25, $0x9  }
0x9d: {  	v19 =	vld [tilespmem:s24+$0xFFFFFC60];
	s25 =	sor.u32 s25, s26  }
0x9e: {  	v15 =	vld [tilespmem:s24+$0xFFFFFC10];
	s25 =	sshra.s32 s25, $0x2  }
0x9f: {  	v12 =	vld [tilespmem:s24+$0x70];
	s25 =	sadd.s32 $0x10400, s25  }
0xa0: {  	v13 =	vld [tilespmem:s25+$0x70]  }
0xa1: {  	v57 =	vld [tilespmem:s25+$0xFFFFFC10]  }
0xa2: {  	v14 =	vld [tilespmem:s24+$0xFFFFFC30]  }
0xa3: {  	v58 =	vld [tilespmem:s25+$0xFFFFFC20]  }
0xa4: {  	v59 =	vld [tilespmem:s25+$0xFFFFFC30];
	v10 =	vpop (erf)  }
0xa5: {  	v60 =	vld [tilespmem:s25+$0xFFFFFC40];
	v12 =	vmul.f32 v12, v10  }
0xa6: {  	v61 =	vld [tilespmem:s25+$0xFFFFFC60];
	v15 =	vmul.f32 v15, v10  }
0xa7: {  	v14 =	vmul.f32 v14, v10;
	v12 =	vadd.f32 v12, v13;
	v13 =	vmul.f32 v16, v10;
	v16 =	vld [tilespmem:s25+$0xFFFFFC50]  }
0xa8: {  	v11 =	vld [tilespmem:s24+$0xFFFFFC00];
	v15 =	vadd.f32 v15, v57  }
0xa9: {  	v14 =	vadd.f32 v14, v59;
	[tilespmem:s25+$0x70] =	vst v12;
	v12 =	vmul.f32 v17, v10;
	v17 =	vld [tilespmem:s25+$0xFFFFFC70]  }
0xaa: {  	v18 =	vmul.f32 v18, v10;
	v13 =	vadd.f32 v13, v58;
	[tilespmem:s25+$0xFFFFFC10] =	vst v15;
	v15 =	vld [tilespmem:s25+$0x0]  }
0xab: {  	v62 =	vld [tilespmem:s25+$0x10];
	v19 =	vmul.f32 v19, v10;
	[tilespmem:s25+$0xFFFFFC30] =	vst v14;
	v12 =	vadd.f32 v12, v60  }
0xac: {  	v63 =	vld [tilespmem:s25+$0x20];
	[tilespmem:s25+$0xFFFFFC20] =	vst v13;
	v13 =	vmul.f32 v20, v10;
	v14 =	vadd.f32 v18, v16  }
0xad: {  	v18 =	vmul.f32 v21, v10;
	v16 =	vld [tilespmem:s25+$0x30];
	[tilespmem:s25+$0xFFFFFC40] =	vst v12;
	v12 =	vadd.f32 v19, v61  }
0xae: {  	v20 =	vmul.f32 v22, v10;
	[tilespmem:s25+$0xFFFFFC50] =	vst v14;
	v13 =	vadd.f32 v13, v17;
	v17 =	vld [tilespmem:s25+$0x40]  }
0xaf: {  	v11 =	vmul.f32 v11, v10;
	v22 =	vmul.f32 v23, v10;
	v23 =	vadd.f32 v18, v15;
	v18 =	vld [tilespmem:s25+$0x50];
	[tilespmem:s25+$0xFFFFFC60] =	vst v12  }
0xb0: {  	v19 =	vld [tilespmem:s25+$0x60];
	v21 =	vadd.f32 v20, v62;
	v14 =	vmul.f32 v53, v10;
	v15 =	vmul.f32 v54, v10;
	[tilespmem:s25+$0xFFFFFC70] =	vst v13  }
0xb1: {  	s28 =	sadd.s32 $0x800, s24;
	s26 =	simm.s32 $0x0;
	s24 =	smov.u32 s25;
	v20 =	vld [tilespmem:s25+$0xFFFFFC00];
	v22 =	vadd.f32 v22, v63;
	v12 =	vmul.f32 v55, v10;
	v13 =	vmul.f32 v56, v10;
	[tilespmem:s25+$0x0] =	vst v23  }
.LBB2_7:
0xb2: {  	v23 =	vld [tilespmem:s28+$0x70];
	s26 =	sadd.s32 $0x10, s26;
	[tilespmem:s25+$0x10] =	vst v21;
	v14 =	vadd.f32 v14, v16  }
0xb3: {  	s25 =	sadd.s32 $0x800, s25;
	v16 =	vld [tilespmem:s28+$0xFFFFFC00];
	p0 =	slt.u32 s26, $0x30;
	[tilespmem:s24+$0x20] =	vst v22;
	v15 =	vadd.f32 v15, v17  }
0xb4: {  	v17 =	vld [tilespmem:s25+$0x70];
	[tilespmem:s24+$0x30] =	vst v14;
	v12 =	vadd.f32 v12, v18  }
0xb5: {  	v14 =	vld [tilespmem:s28+$0xFFFFFC10];
	[tilespmem:s24+$0x40] =	vst v15;
	v13 =	vadd.f32 v13, v19  }
0xb6: {  	v15 =	vld [tilespmem:s28+$0xFFFFFC20];
	v18 =	vadd.f32 v11, v20;
	[tilespmem:s24+$0x50] =	vst v12  }
0xb7: {  	v12 =	vld [tilespmem:s28+$0xFFFFFC30];
	v19 =	vmul.f32 v23, v10;
	[tilespmem:s24+$0x60] =	vst v13  }
0xb8: {  	v11 =	vmul.f32 v16, v10;
	v13 =	vld [tilespmem:s28+$0xFFFFFC40];
	[tilespmem:s24+$0xFFFFFC00] =	vst v18;
	s24 =	smov.u32 s25  }
0xb9: {  	v16 =	vld [tilespmem:s28+$0xFFFFFC50];
	v17 =	vadd.f32 v19, v17  }
0xba: {  	v18 =	vmul.f32 v14, v10;
	v14 =	vld [tilespmem:s28+$0xFFFFFC60]  }
0xbb: {  	v19 =	vmul.f32 v15, v10;
	v15 =	vld [tilespmem:s28+$0xFFFFFC70];
	[tilespmem:s25+$0x70] =	vst v17  }
0xbc: {  	v17 =	vmul.f32 v12, v10;
	v12 =	vld [tilespmem:s28+$0x0]  }
0xbd: {  	v20 =	vmul.f32 v13, v10;
	v13 =	vld [tilespmem:s28+$0x10]  }
0xbe: {  	v16 =	vmul.f32 v16, v10;
	v21 =	vld [tilespmem:s28+$0x20]  }
0xbf: {  	v22 =	vmul.f32 v14, v10;
	v14 =	vld [tilespmem:s28+$0x30]  }
0xc0: {  	v23 =	vmul.f32 v15, v10;
	v15 =	vld [tilespmem:s28+$0x40]  }
0xc1: {  	v24 =	vmul.f32 v12, v10;
	v12 =	vld [tilespmem:s28+$0x50]  }
0xc2: {  	v25 =	vmul.f32 v13, v10;
	v13 =	vld [tilespmem:s28+$0x60]  }
0xc3: {  	v26 =	vld [tilespmem:s25+$0xFFFFFC10];
	v27 =	vmul.f32 v21, v10  }
0xc4: {  	v21 =	vld [tilespmem:s25+$0xFFFFFC20];
	v14 =	vmul.f32 v14, v10  }
0xc5: {  	v28 =	vld [tilespmem:s25+$0xFFFFFC30];
	v15 =	vmul.f32 v15, v10  }
0xc6: {  	v29 =	vld [tilespmem:s25+$0xFFFFFC40];
	v12 =	vmul.f32 v12, v10  }
0xc7: {  	v30 =	vld [tilespmem:s25+$0xFFFFFC50];
	v13 =	vmul.f32 v13, v10  }
0xc8: {  	v18 =	vadd.f32 v18, v26;
	v26 =	vld [tilespmem:s25+$0xFFFFFC60]  }
0xc9: {  	v19 =	vadd.f32 v19, v21;
	v21 =	vld [tilespmem:s25+$0xFFFFFC70]  }
0xca: {  	[tilespmem:s25+$0xFFFFFC10] =	vst v18;
	v17 =	vadd.f32 v17, v28;
	v18 =	vld [tilespmem:s25+$0x0]  }
0xcb: {  	[tilespmem:s25+$0xFFFFFC20] =	vst v19;
	v19 =	vadd.f32 v20, v29;
	v20 =	vld [tilespmem:s25+$0x10]  }
0xcc: {  	[tilespmem:s25+$0xFFFFFC30] =	vst v17;
	v17 =	vadd.f32 v16, v30;
	v28 =	vld [tilespmem:s25+$0x20]  }
.Ltmp2:
0xcd: {  	[tilespmem:s25+$0xFFFFFC40] =	vst v19;
	v19 =	vadd.f32 v22, v26;
	v16 =	vld [tilespmem:s25+$0x30];
	(pc) =	sbr.rel @p0 .LBB2_7-.Ltmp2, $4  }
0xce: {  	[tilespmem:s25+$0xFFFFFC50] =	vst v17;
	v21 =	vadd.f32 v23, v21;
	v17 =	vld [tilespmem:s25+$0x40]  }
0xcf: {  	[tilespmem:s25+$0xFFFFFC60] =	vst v19;
	v22 =	vadd.f32 v24, v18;
	v18 =	vld [tilespmem:s25+$0x50]  }
0xd0: {  	[tilespmem:s25+$0xFFFFFC70] =	vst v21;
	v21 =	vadd.f32 v25, v20;
	v19 =	vld [tilespmem:s25+$0x60]  }
0xd1: {  	s28 =	sadd.s32 $0x800, s28;
	v20 =	vld [tilespmem:s25+$0xFFFFFC00];
	[tilespmem:s25+$0x0] =	vst v22;
	v22 =	vadd.f32 v27, v28  }
0xd2: {  	[tilespmem:s25+$0x10] =	vst v21;
	v14 =	vadd.f32 v14, v16;
	s23 =	sadd.s32 $0x1, s23  }
0xd3: {  	[tilespmem:s24+$0x20] =	vst v22;
	v15 =	vadd.f32 v15, v17;
	p0 =	sne.s32 s23, $0x10  }
.Ltmp3:
0xd4: {  	v9 =	vbroadcast v9, $0x0;
	[tilespmem:s24+$0x30] =	vst v14;
	v12 =	vadd.f32 v12, v18;
	(pc) =	sbr.rel @p0 .LBB2_4-.Ltmp3, $4  }
0xd5: {  	[tilespmem:s24+$0x40] =	vst v15;
	v13 =	vadd.f32 v13, v19  }
0xd6: {  	vm0 =	veq.s32 v9, v5;
	v11 =	vadd.f32 v11, v20;
	[tilespmem:s24+$0x50] =	vst v12  }
0xd7: {  	v9 =	vnsel vm0, $0x0, v10;
	[tilespmem:s24+$0x60] =	vst v13  }
0xd8: {  	s22 =	sadd.s32 $0x400, s22;
	s21 =	sadd.s32 $0x1, s21;
	v6 =	vadd.f32 v9, v6;
	[tilespmem:s24+$0xFFFFFC00] =	vst v11  }
0xd9: {  	s21 =	simm.s32 $0x0;
	v7 =	vld [tilespmem:$0x14410];
	s22 =	simm.s32 $0x0;
	s23 =	simm.s32 $0x0  }
.LBB2_10:
0xda: {  	s24 =	sshll.u32 s22, $0x2;
	s25 =	sand.u32 $0x7, s21  }
0xdb: {  	s24 =	sand.u32 $0xFFFF8000, s24;
	s25 =	sshll.u32 s25, $0x9  }
0xdc: {  	s24 =	sor.u32 s25, s24;
	s25 =	simm.s32 $0x14080  }
0xdd: {  	v14 =	vld [tilespmem:s25+$0x40]  }
0xde: {  	v16 =	vld [tilespmem:s25+$0x50]  }
0xdf: {  	v10 =	vld [tilespmem:s25+$0x60]  }
0xe0: {  	v18 =	vld [tilespmem:s25+$0x0]  }
0xe1: {  	v21 =	vld [tilespmem:s25+$0x10]  }
0xe2: {  	v12 =	vld [tilespmem:s25+$0x20]  }
0xe3: {  	v24 =	vld [tilespmem:s25+$0xFFFFFFC0]  }
0xe4: {  	v26 =	vld [tilespmem:s25+$0xFFFFFFD0]  }
0xe5: {  	v32 =	vld [tilespmem:s25+$0xFFFFFFE0]  }
0xe6: {  	v29 =	vld [tilespmem:s25+$0xFFFFFF80]  }
0xe7: {  	v31 =	vld [tilespmem:s25+$0xFFFFFF90]  }
0xe8: {  	v34 =	vld [tilespmem:s25+$0xFFFFFFA0]  }
0xe9: {  	s24 =	sshrl.u32 s24, $0x2;
	v36 =	vld [tilespmem:s25+$0xFFFFFFB0]  }
0xea: {  	v22 =	vld [tilespmem:s25+$0xFFFFFFF0];
	s28 =	sadd.s32 $0x4000, s24  }
0xeb: {  	v13 =	vld [tilespmem:s28+$0x440]  }
0xec: {  	v15 =	vld [tilespmem:s28+$0x450]  }
0xed: {  	v9 =	vld [tilespmem:s28+$0x460]  }
0xee: {  	v17 =	vld [tilespmem:s28+$0x400]  }
0xef: {  	v20 =	vld [tilespmem:s28+$0x410]  }
0xf0: {  	v23 =	vld [tilespmem:s28+$0x40]  }
0xf1: {  	v25 =	vld [tilespmem:s28+$0x50]  }
0xf2: {  	v27 =	vld [tilespmem:s28+$0x60]  }
0xf3: {  	v28 =	vld [tilespmem:s28+$0x0]  }
0xf4: {  	v30 =	vld [tilespmem:s28+$0x10]  }
0xf5: {  	v8 =	vmov s23;
	v33 =	vld [tilespmem:s28+$0x20]  }
0xf6: {  	v8 =	vperm.xlane v7, v8;
	v35 =	vld [tilespmem:s28+$0x30];
	v13 =	vmul.f32 v14, v13  }
0xf7: {  	v11 =	vld [tilespmem:s28+$0x420];
	v14 =	vmul.f32 v16, v15;
	v17 =	vmul.f32 v18, v17  }
0xf8: {  	v19 =	vld [tilespmem:s28+$0x70];
	v18 =	vmul.f32 v21, v20;
	v23 =	vmul.f32 v24, v23  }
0xf9: {  	v20 =	vld [tilespmem:s28+$0x430];
	v16 =	vmul.f32 v29, v28;
	v26 =	vmul.f32 v26, v25  }
0xfa: {  	v25 =	vmul.f32 v31, v30;
	v24 =	vld [tilespmem:s25+$0x30];
	v30 =	vmul.f32 v34, v33  }
0xfb: {  	v15 =	vimm.f32 $0.0e+00;
	v31 =	vmul.f32 v36, v35;
	v21 =	vld [tilespmem:s28+$0x470];
	v27 =	vmul.f32 v32, v27  }
0xfc: {  	s26 =	simm.s32 $0x0;
	s28 =	sadd.s32 $0x800, s28;
	v28 =	vadd.f32 v16, v15;
	v29 =	vadd.f32 v25, v15;
	v25 =	vld [tilespmem:s25+$0x70];
	v16 =	vimm.f32 $0.0e+00  }
.LBB2_11:
0xfd: {  	v32 =	vld [tilespmem:s28+$0x440];
	v15 =	vadd.f32 v30, v15;
	v16 =	vadd.f32 v31, v16;
	v19 =	vmul.f32 v22, v19;
	s25 =	sadd.s32 $0x100, s25  }
0xfe: {  	v11 =	vmul.f32 v12, v11;
	v22 =	vld [tilespmem:s25+$0x40];
	v23 =	vadd.f32 v23, v28;
	v26 =	vadd.f32 v26, v29  }
0xff: {  	v28 =	vld [tilespmem:s28+$0x450];
	v12 =	vadd.f32 v27, v15;
	v15 =	vadd.f32 v19, v16;
	v16 =	vmul.f32 v24, v20  }
0x100: {  	v19 =	vmul.f32 v10, v9;
	v20 =	vld [tilespmem:s25+$0x50];
	v17 =	vadd.f32 v17, v23;
	v18 =	vadd.f32 v18, v26  }
0x101: {  	v9 =	vld [tilespmem:s28+$0x460];
	v11 =	vadd.f32 v11, v12;
	v12 =	vadd.f32 v16, v15;
	v16 =	vmul.f32 v25, v21  }
0x102: {  	v10 =	vld [tilespmem:s25+$0x60];
	v25 =	vadd.f32 v13, v17;
	v27 =	vadd.f32 v14, v18  }
0x103: {  	v17 =	vld [tilespmem:s28+$0x400];
	v15 =	vadd.f32 v19, v11;
	v16 =	vadd.f32 v16, v12  }
0x104: {  	v18 =	vld [tilespmem:s25+$0x0]  }
0x105: {  	v21 =	vld [tilespmem:s28+$0x410]  }
0x106: {  	v23 =	vld [tilespmem:s25+$0x10]  }
0x107: {  	v11 =	vld [tilespmem:s28+$0x420]  }
0x108: {  	v12 =	vld [tilespmem:s25+$0x20]  }
0x109: {  	v24 =	vld [tilespmem:s28+$0x40]  }
0x10a: {  	v26 =	vld [tilespmem:s25+$0xFFFFFFC0]  }
0x10b: {  	v29 =	vld [tilespmem:s28+$0x50]  }
0x10c: {  	v30 =	vld [tilespmem:s25+$0xFFFFFFD0]  }
0x10d: {  	v33 =	vld [tilespmem:s28+$0x60]  }
0x10e: {  	v34 =	vld [tilespmem:s25+$0xFFFFFFE0]  }
0x10f: {  	v31 =	vld [tilespmem:s28+$0x0]  }
0x110: {  	v35 =	vld [tilespmem:s25+$0xFFFFFF80]  }
0x111: {  	v36 =	vld [tilespmem:s28+$0x10]  }
0x112: {  	v37 =	vld [tilespmem:s25+$0xFFFFFF90]  }
0x113: {  	v38 =	vld [tilespmem:s28+$0x20]  }
0x114: {  	v39 =	vld [tilespmem:s25+$0xFFFFFFA0]  }
0x115: {  	v40 =	vld [tilespmem:s28+$0x30]  }
0x116: {  	s26 =	sadd.s32 $0x4, s26;
	v41 =	vld [tilespmem:s25+$0xFFFFFFB0]  }
0x117: {  	p0 =	slt.u32 s26, $0xC;
	v13 =	vmul.f32 v22, v32;
	v14 =	vmul.f32 v20, v28;
	v19 =	vld [tilespmem:s28+$0x70]  }
.Ltmp4:
0x118: {  	v17 =	vmul.f32 v18, v17;
	v18 =	vmul.f32 v23, v21;
	v22 =	vld [tilespmem:s25+$0xFFFFFFF0];
	(pc) =	sbr.rel @p0 .LBB2_11-.Ltmp4, $4  }
0x119: {  	v23 =	vmul.f32 v26, v24;
	v26 =	vmul.f32 v30, v29;
	v20 =	vld [tilespmem:s28+$0x430]  }
0x11a: {  	v28 =	vmul.f32 v35, v31;
	v29 =	vmul.f32 v37, v36;
	v24 =	vld [tilespmem:s25+$0x30]  }
0x11b: {  	v30 =	vmul.f32 v39, v38;
	v31 =	vmul.f32 v41, v40;
	v21 =	vld [tilespmem:s28+$0x470]  }
0x11c: {  	v28 =	vadd.f32 v28, v25;
	v29 =	vadd.f32 v29, v27;
	v27 =	vmul.f32 v34, v33;
	s28 =	sadd.s32 $0x800, s28;
	v25 =	vld [tilespmem:s25+$0x70]  }
0x11d: {  	v15 =	vadd.f32 v30, v15;
	v16 =	vadd.f32 v31, v16;
	v19 =	vmul.f32 v22, v19  }
0x11e: {  	v11 =	vmul.f32 v12, v11;
	v22 =	vadd.f32 v23, v28;
	v23 =	vadd.f32 v26, v29  }
0x11f: {  	v12 =	vadd.f32 v27, v15;
	v15 =	vadd.f32 v19, v16;
	v16 =	vmul.f32 v24, v20  }
0x120: {  	v9 =	vmul.f32 v10, v9;
	v17 =	vadd.f32 v17, v22;
	v18 =	vadd.f32 v18, v23  }
0x121: {  	v10 =	vadd.f32 v11, v12;
	v11 =	vadd.f32 v16, v15;
	v12 =	vmul.f32 v25, v21  }
0x122: {  	v13 =	vadd.f32 v13, v17;
	v14 =	vadd.f32 v14, v18  }
0x123: {  	v9 =	vadd.f32 v9, v10;
	v10 =	vadd.f32 v12, v11;
	_ =	sdelay $0x1  }
0x124: {  	v11 =	vadd.f32 v14, v13;
	v9 =	vadd.f32 v10, v9;
	_ =	sdelay $0x1  }
0x125: {  	(v2sf) =	vpush v8, $0x0;
	v9 =	vadd.f32 v9, v11;
	_ =	sdelay $0x1  }
0x126: {  	v10 =	vperm.xlane v9, v0;
	_ =	sdelay $0x1  }
0x127: {  	v9 =	vadd.f32 v10, v9;
	_ =	sdelay $0x1  }
0x128: {  	v10 =	vmov s24;
	v11 =	vperm.xlane v9, v1;
	_ =	sdelay $0x1  }
0x129: {  	v11 =	vadd.f32 v11, v9;
	_ =	sdelay $0x1  }
0x12a: {  	s24 =	simm.s32 $0x0;
	v12 =	vperm.xlane v11, v2  }
0x12b: {  	v13 =	vld.idx.msk [tilespmem:v10+s24+$0x4000 ss:$0x1], $0xffff  }
0x12c: {  	v16 =	vld.idx.msk [tilespmem:v10+s24+$0x4010 ss:$0x1], $0xffff;
	v11 =	vadd.f32 v12, v11  }
0x12d: {  	v17 =	vld.idx.msk [tilespmem:v10+s24+$0x4030 ss:$0x1], $0xffff  }
0x12e: {  	v18 =	vld.idx.msk [tilespmem:v10+s24+$0x4040 ss:$0x1], $0xffff;
	v14 =	vperm.xlane v11, v4  }
0x12f: {  	s25 =	spop (v2sf);
	v19 =	vld.idx.msk [tilespmem:v10+s24+$0x4050 ss:$0x1], $0xffff  }
0x130: {  	s26 =	sshll.u32 s25, $0xC;
	s25 =	sand.u32 $0x7, s25;
	v20 =	vld.idx.msk [tilespmem:v10+s24+$0x4060 ss:$0x1], $0xffff;
	v11 =	vadd.f32 v14, v11  }
0x131: {  	s26 =	sand.u32 $0xFFFF8000, s26;
	s25 =	sshll.u32 s25, $0x9;
	v21 =	vld.idx.msk [tilespmem:v10+s24+$0x4070 ss:$0x1], $0xffff  }
0x132: {  	s25 =	sor.u32 s25, s26;
	v22 =	vld.idx.msk [tilespmem:v10+s24+$0x4400 ss:$0x1], $0xffff;
	v11 =	vmul.f32 $1.442695020e+00, v11  }
0x133: {  	s25 =	sshra.s32 s25, $0x2;
	v23 =	vld.idx.msk [tilespmem:v10+s24+$0x4410 ss:$0x1], $0xffff  }
0x134: {  	v24 =	vld.idx.msk [tilespmem:v10+s24+$0x4420 ss:$0x1], $0xffff;
	s31 =	sadd.s32 $0x10400, s25;
	(erf) = vpow2.f32 v11  }
0x135: {  	v25 =	vld.idx.msk [tilespmem:v10+s24+$0x4430 ss:$0x1], $0xffff;
	v9 =	vmov s31  }
0x136: {  	v26 =	vld.idx.msk [tilespmem:v10+s24+$0x4440 ss:$0x1], $0xffff  }
0x137: {  	v27 =	vld.idx.msk [tilespmem:v10+s24+$0x4450 ss:$0x1], $0xffff  }
0x138: {  	v58 =	vld.idx.msk [tilespmem:v10+s24+$0x4460 ss:$0x1], $0xffff  }
0x139: {  	v12 =	vld.idx.msk [tilespmem:v10+s24+$0x4470 ss:$0x1], $0xffff  }
0x13a: {  	v15 =	vld.idx.msk [tilespmem:v9+s24+$0x70 ss:$0x1], $0xffff  }
0x13b: {  	v14 =	vld.idx.msk [tilespmem:v10+s24+$0x4020 ss:$0x1], $0xffff  }
0x13c: {  	v59 =	vld.idx.msk [tilespmem:v9+s24+$0xFFFFFC00 ss:$0x1], $0xffff  }
0x13d: {  	v60 =	vld.idx.msk [tilespmem:v9+s24+$0xFFFFFC10 ss:$0x1], $0xffff;
	v11 =	vpop (erf)  }
0x13e: {  	v61 =	vld.idx.msk [tilespmem:v9+s24+$0xFFFFFC20 ss:$0x1], $0xffff;
	v12 =	vmul.f32 v12, v11  }
0x13f: {  	v32 =	vld.idx.msk [tilespmem:v9+s24+$0xFFFFFC30 ss:$0x1], $0xffff;
	v13 =	vmul.f32 v13, v11;
	v16 =	vmul.f32 v16, v11  }
0x140: {  	v62 =	vld.idx.msk [tilespmem:v9+s24+$0xFFFFFC60 ss:$0x1], $0xffff;
	v14 =	vmul.f32 v14, v11;
	v17 =	vmul.f32 v17, v11  }
0x141: {  	v33 =	vld.idx.msk [tilespmem:v9+s24+$0xFFFFFC40 ss:$0x1], $0xffff;
	v18 =	vmul.f32 v18, v11;
	v35 =	vmul.f32 v19, v11;
	v12 =	vadd.f32 v12, v15  }
0x142: {  	v34 =	vld.idx.msk [tilespmem:v9+s24+$0xFFFFFC50 ss:$0x1], $0xffff;
	v36 =	vmul.f32 v20, v11;
	v37 =	vmul.f32 v21, v11;
	v13 =	vadd.f32 v13, v59  }
0x143: {  	v63 =	vld.idx.msk [tilespmem:v9+s24+$0xFFFFFC70 ss:$0x1], $0xffff;
	v15 =	vmul.f32 v22, v11;
	v16 =	vadd.f32 v16, v60;
	[tilespmem:v9+s24+$0x70 ss:$0x1] =	vst.idx.msk $0xffff, v12  }
0x144: {  	v20 =	vld.idx.msk [tilespmem:v9+s24+$0x0 ss:$0x1], $0xffff;
	v14 =	vadd.f32 v14, v61;
	v22 =	vadd.f32 v17, v32;
	[tilespmem:v9+s24+$0xFFFFFC00 ss:$0x1] =	vst.idx.msk $0xffff, v13  }
0x145: {  	v19 =	vld.idx.msk [tilespmem:v9+s24+$0x10 ss:$0x1], $0xffff;
	v17 =	vmul.f32 v26, v11;
	v26 =	vadd.f32 v36, v62;
	[tilespmem:v9+s24+$0xFFFFFC10 ss:$0x1] =	vst.idx.msk $0xffff, v16  }
0x146: {  	v21 =	vld.idx.msk [tilespmem:v9+s24+$0x20 ss:$0x1], $0xffff;
	v12 =	vmul.f32 v23, v11;
	[tilespmem:v9+s24+$0xFFFFFC20 ss:$0x1] =	vst.idx.msk $0xffff, v14;
	v23 =	vadd.f32 v18, v33  }
0x147: {  	v13 =	vmul.f32 v24, v11;
	[tilespmem:v9+s24+$0xFFFFFC30 ss:$0x1] =	vst.idx.msk $0xffff, v22;
	v24 =	vadd.f32 v35, v34;
	v22 =	vld.idx.msk [tilespmem:v9+s24+$0x30 ss:$0x1], $0xffff  }
0x148: {  	v16 =	vmul.f32 v25, v11;
	v18 =	vmul.f32 v27, v11;
	[tilespmem:v9+s24+$0xFFFFFC40 ss:$0x1] =	vst.idx.msk $0xffff, v23;
	v23 =	vld.idx.msk [tilespmem:v9+s24+$0x40 ss:$0x1], $0xffff  }
0x149: {  	s26 =	simm.s32 $0x2000;
	s25 =	simm.s32 $0x0;
	v14 =	vmul.f32 v58, v11;
	v25 =	vadd.f32 v37, v63;
	[tilespmem:v9+s24+$0xFFFFFC50 ss:$0x1] =	vst.idx.msk $0xffff, v24;
	v24 =	vld.idx.msk [tilespmem:v9+s24+$0x50 ss:$0x1], $0xffff  }
.LBB2_13:
0x14a: {  	s28 =	sshra.s32 s26, $0x2;
	s25 =	sadd.s32 $0x10, s25;
	[tilespmem:v9+s24+$0xFFFFFC60 ss:$0x1] =	vst.idx.msk $0xffff, v26;
	v15 =	vadd.f32 v15, v20;
	v20 =	vld.idx.msk [tilespmem:v9+s24+$0x60 ss:$0x1], $0xffff  }
0x14b: {  	v12 =	vadd.f32 v12, v19;
	v26 =	vld.idx.msk [tilespmem:v10+s28+$0x4470 ss:$0x1], $0xffff;
	p0 =	slt.u32 s25, $0x30;
	[tilespmem:v9+s24+$0xFFFFFC70 ss:$0x1] =	vst.idx.msk $0xffff, v25  }
0x14c: {  	v13 =	vadd.f32 v13, v21;
	v19 =	vld.idx.msk [tilespmem:v10+s28+$0x4000 ss:$0x1], $0xffff;
	[tilespmem:v9+s24+$0x0 ss:$0x1] =	vst.idx.msk $0xffff, v15  }
0x14d: {  	v15 =	vld.idx.msk [tilespmem:v9+s28+$0x70 ss:$0x1], $0xffff;
	[tilespmem:v9+s24+$0x10 ss:$0x1] =	vst.idx.msk $0xffff, v12;
	v12 =	vadd.f32 v16, v22  }
0x14e: {  	v16 =	vld.idx.msk [tilespmem:v10+s28+$0x4010 ss:$0x1], $0xffff;
	[tilespmem:v9+s24+$0x20 ss:$0x1] =	vst.idx.msk $0xffff, v13;
	v13 =	vadd.f32 v17, v23  }
0x14f: {  	v17 =	vld.idx.msk [tilespmem:v10+s28+$0x4020 ss:$0x1], $0xffff;
	[tilespmem:v9+s24+$0x30 ss:$0x1] =	vst.idx.msk $0xffff, v12;
	v12 =	vadd.f32 v18, v24  }
0x150: {  	v18 =	vld.idx.msk [tilespmem:v10+s28+$0x4030 ss:$0x1], $0xffff;
	[tilespmem:v9+s24+$0x40 ss:$0x1] =	vst.idx.msk $0xffff, v13;
	v13 =	vadd.f32 v14, v20  }
0x151: {  	v20 =	vmul.f32 v26, v11;
	v14 =	vld.idx.msk [tilespmem:v10+s28+$0x4040 ss:$0x1], $0xffff;
	[tilespmem:v9+s24+$0x50 ss:$0x1] =	vst.idx.msk $0xffff, v12  }
0x152: {  	v19 =	vmul.f32 v19, v11;
	v12 =	vld.idx.msk [tilespmem:v10+s28+$0x4050 ss:$0x1], $0xffff;
	[tilespmem:v9+s24+$0x60 ss:$0x1] =	vst.idx.msk $0xffff, v13;
	s24 =	smov.u32 s28  }
0x153: {  	v15 =	vadd.f32 v20, v15;
	v13 =	vld.idx.msk [tilespmem:v10+s24+$0x4060 ss:$0x1], $0xffff  }
0x154: {  	v20 =	vmul.f32 v16, v11;
	v16 =	vld.idx.msk [tilespmem:v10+s24+$0x4070 ss:$0x1], $0xffff  }
0x155: {  	v21 =	vmul.f32 v17, v11;
	v17 =	vld.idx.msk [tilespmem:v10+s24+$0x4400 ss:$0x1], $0xffff;
	[tilespmem:v9+s24+$0x70 ss:$0x1] =	vst.idx.msk $0xffff, v15  }
0x156: {  	v22 =	vmul.f32 v18, v11;
	v18 =	vld.idx.msk [tilespmem:v10+s24+$0x4410 ss:$0x1], $0xffff  }
0x157: {  	v23 =	vmul.f32 v14, v11;
	v14 =	vld.idx.msk [tilespmem:v10+s24+$0x4420 ss:$0x1], $0xffff  }
0x158: {  	v24 =	vmul.f32 v12, v11;
	v25 =	vld.idx.msk [tilespmem:v10+s24+$0x4430 ss:$0x1], $0xffff  }
0x159: {  	v26 =	vmul.f32 v13, v11;
	v27 =	vld.idx.msk [tilespmem:v10+s24+$0x4440 ss:$0x1], $0xffff  }
0x15a: {  	v28 =	vmul.f32 v16, v11;
	v29 =	vld.idx.msk [tilespmem:v10+s24+$0x4450 ss:$0x1], $0xffff  }
0x15b: {  	v15 =	vmul.f32 v17, v11;
	v30 =	vld.idx.msk [tilespmem:v10+s24+$0x4460 ss:$0x1], $0xffff  }
0x15c: {  	v12 =	vmul.f32 v18, v11;
	v31 =	vld.idx.msk [tilespmem:v9+s24+$0xFFFFFC00 ss:$0x1], $0xffff  }
0x15d: {  	v13 =	vmul.f32 v14, v11;
	v32 =	vld.idx.msk [tilespmem:v9+s24+$0xFFFFFC10 ss:$0x1], $0xffff  }
0x15e: {  	v16 =	vmul.f32 v25, v11;
	v33 =	vld.idx.msk [tilespmem:v9+s24+$0xFFFFFC20 ss:$0x1], $0xffff  }
0x15f: {  	v17 =	vmul.f32 v27, v11;
	v25 =	vld.idx.msk [tilespmem:v9+s24+$0xFFFFFC30 ss:$0x1], $0xffff  }
0x160: {  	v18 =	vmul.f32 v29, v11;
	v27 =	vld.idx.msk [tilespmem:v9+s24+$0xFFFFFC40 ss:$0x1], $0xffff  }
0x161: {  	v14 =	vmul.f32 v30, v11;
	v29 =	vld.idx.msk [tilespmem:v9+s24+$0xFFFFFC50 ss:$0x1], $0xffff  }
0x162: {  	v19 =	vadd.f32 v19, v31;
	v30 =	vld.idx.msk [tilespmem:v9+s24+$0xFFFFFC60 ss:$0x1], $0xffff  }
0x163: {  	v31 =	vadd.f32 v20, v32;
	v32 =	vld.idx.msk [tilespmem:v9+s24+$0xFFFFFC70 ss:$0x1], $0xffff  }
0x164: {  	v21 =	vadd.f32 v21, v33;
	[tilespmem:v9+s24+$0xFFFFFC00 ss:$0x1] =	vst.idx.msk $0xffff, v19;
	v20 =	vld.idx.msk [tilespmem:v9+s24+$0x0 ss:$0x1], $0xffff  }
.Ltmp5:
0x165: {  	v22 =	vadd.f32 v22, v25;
	[tilespmem:v9+s24+$0xFFFFFC10 ss:$0x1] =	vst.idx.msk $0xffff, v31;
	v19 =	vld.idx.msk [tilespmem:v9+s24+$0x10 ss:$0x1], $0xffff;
	(pc) =	sbr.rel @p0 .LBB2_13-.Ltmp5, $4  }
0x166: {  	v23 =	vadd.f32 v23, v27;
	[tilespmem:v9+s24+$0xFFFFFC20 ss:$0x1] =	vst.idx.msk $0xffff, v21;
	v21 =	vld.idx.msk [tilespmem:v9+s24+$0x20 ss:$0x1], $0xffff  }
0x167: {  	v24 =	vadd.f32 v24, v29;
	[tilespmem:v9+s24+$0xFFFFFC30 ss:$0x1] =	vst.idx.msk $0xffff, v22;
	v22 =	vld.idx.msk [tilespmem:v9+s24+$0x30 ss:$0x1], $0xffff  }
0x168: {  	v26 =	vadd.f32 v26, v30;
	[tilespmem:v9+s24+$0xFFFFFC40 ss:$0x1] =	vst.idx.msk $0xffff, v23;
	v23 =	vld.idx.msk [tilespmem:v9+s24+$0x40 ss:$0x1], $0xffff  }
0x169: {  	s26 =	sadd.s32 $0x2000, s26;
	v25 =	vadd.f32 v28, v32;
	[tilespmem:v9+s24+$0xFFFFFC50 ss:$0x1] =	vst.idx.msk $0xffff, v24;
	v24 =	vld.idx.msk [tilespmem:v9+s24+$0x50 ss:$0x1], $0xffff  }
0x16a: {  	_ =	sdelay $0x3  }
0x16b: {  	[tilespmem:v9+s24+$0xFFFFFC60 ss:$0x1] =	vst.idx.msk $0xffff, v26;
	v10 =	vadd.f32 v15, v20  }
0x16c: {  	v58 =	vld.idx.msk [tilespmem:v9+s24+$0x60 ss:$0x1], $0xffff;
	v12 =	vadd.f32 v12, v19;
	[tilespmem:v9+s24+$0xFFFFFC70 ss:$0x1] =	vst.idx.msk $0xffff, v25  }
0x16d: {  	s23 =	sadd.s32 $0x1, s23;
	v59 =	vadd.f32 v13, v21;
	[tilespmem:v9+s24+$0x0 ss:$0x1] =	vst.idx.msk $0xffff, v10  }
0x16e: {  	p0 =	sne.s32 s23, $0x10;
	[tilespmem:v9+s24+$0x10 ss:$0x1] =	vst.idx.msk $0xffff, v12;
	v60 =	vadd.f32 v16, v22  }
.Ltmp6:
0x16f: {  	v8 =	vbroadcast v8, $0x0;
	[tilespmem:v9+s24+$0x20 ss:$0x1] =	vst.idx.msk $0xffff, v59;
	v61 =	vadd.f32 v17, v23;
	(pc) =	sbr.rel @p0 .LBB2_10-.Ltmp6, $4  }
0x170: {  	[tilespmem:v9+s24+$0x30 ss:$0x1] =	vst.idx.msk $0xffff, v60;
	v62 =	vadd.f32 v18, v24  }
0x171: {  	vm0 =	veq.s32 v8, v5;
	[tilespmem:v9+s24+$0x40 ss:$0x1] =	vst.idx.msk $0xffff, v61;
	v63 =	vadd.f32 v14, v58  }
0x172: {  	v8 =	vnsel vm0, $0x0, v11;
	[tilespmem:v9+s24+$0x50 ss:$0x1] =	vst.idx.msk $0xffff, v62  }
0x173: {  	s22 =	sadd.s32 $0x400, s22;
	s21 =	sadd.s32 $0x1, s21;
	v6 =	vadd.f32 v8, v6;
	[tilespmem:v9+s24+$0x60 ss:$0x1] =	vst.idx.msk $0xffff, v63  }
0x174: {  	s21 =	simm.s32 $0x0  }
0x175: {  	[tilespmem:s21], [sflag:$0x1] =	stream.linear.gather [hbm4b:s7+s21], $0x8000, $0x38;
	[tilespmem:$0x14500] =	vst v63  }
0x176: {  	_ =	swait.ge [sflag:s17], $0x8000  }
0x177: {  	[sflag:s17] =	ssyncset.done $0x0  }
0x178: {  	[sflag:s17] =	ssyncadd.s32 $0xFFFF8000  }
0x179: {  	s22 =	simm.s32 $0x0;
	s23 =	simm.s32 $0x0;
	v7 =	vld [tilespmem:$0x14420]  }
.LBB2_16:
0x17a: {  	s24 =	sshll.u32 s22, $0x2;
	s25 =	sand.u32 $0x7, s21  }
0x17b: {  	s24 =	sand.u32 $0xFFFF8000, s24;
	s25 =	sshll.u32 s25, $0x9  }
0x17c: {  	s24 =	sor.u32 s25, s24;
	s25 =	simm.s32 $0x14080  }
0x17d: {  	v14 =	vld [tilespmem:s25+$0x40]  }
0x17e: {  	v16 =	vld [tilespmem:s25+$0x50]  }
0x17f: {  	v10 =	vld [tilespmem:s25+$0x60]  }
0x180: {  	v18 =	vld [tilespmem:s25+$0x0]  }
0x181: {  	v21 =	vld [tilespmem:s25+$0x10]  }
0x182: {  	v12 =	vld [tilespmem:s25+$0x20]  }
0x183: {  	v24 =	vld [tilespmem:s25+$0xFFFFFFC0]  }
0x184: {  	v26 =	vld [tilespmem:s25+$0xFFFFFFD0]  }
0x185: {  	v32 =	vld [tilespmem:s25+$0xFFFFFFE0]  }
0x186: {  	v29 =	vld [tilespmem:s25+$0xFFFFFF80]  }
0x187: {  	v31 =	vld [tilespmem:s25+$0xFFFFFF90]  }
0x188: {  	v34 =	vld [tilespmem:s25+$0xFFFFFFA0]  }
0x189: {  	s24 =	sshrl.u32 s24, $0x2;
	v36 =	vld [tilespmem:s25+$0xFFFFFFB0]  }
0x18a: {  	v22 =	vld [tilespmem:s25+$0xFFFFFFF0];
	s24 =	sadd.s32 $0x8400, s24  }
0x18b: {  	v13 =	vld [tilespmem:s24+$0x40]  }
0x18c: {  	v15 =	vld [tilespmem:s24+$0x50]  }
0x18d: {  	v9 =	vld [tilespmem:s24+$0x60]  }
0x18e: {  	v17 =	vld [tilespmem:s24+$0x0]  }
0x18f: {  	v20 =	vld [tilespmem:s24+$0x10]  }
0x190: {  	v23 =	vld [tilespmem:s24+$0xFFFFFC40]  }
0x191: {  	v25 =	vld [tilespmem:s24+$0xFFFFFC50]  }
0x192: {  	v27 =	vld [tilespmem:s24+$0xFFFFFC60]  }
0x193: {  	v28 =	vld [tilespmem:s24+$0xFFFFFC00]  }
0x194: {  	v30 =	vld [tilespmem:s24+$0xFFFFFC10]  }
0x195: {  	v8 =	vmov s23;
	v33 =	vld [tilespmem:s24+$0xFFFFFC20]  }
0x196: {  	v8 =	vperm.xlane v7, v8;
	v35 =	vld [tilespmem:s24+$0xFFFFFC30];
	v13 =	vmul.f32 v14, v13  }
0x197: {  	v11 =	vld [tilespmem:s24+$0x20];
	v14 =	vmul.f32 v16, v15;
	v17 =	vmul.f32 v18, v17  }
0x198: {  	v19 =	vld [tilespmem:s24+$0xFFFFFC70];
	v18 =	vmul.f32 v21, v20;
	v23 =	vmul.f32 v24, v23  }
0x199: {  	v21 =	vld [tilespmem:s24+$0x30];
	v16 =	vmul.f32 v29, v28;
	v26 =	vmul.f32 v26, v25  }
0x19a: {  	v25 =	vmul.f32 v31, v30;
	v24 =	vld [tilespmem:s25+$0x30];
	v30 =	vmul.f32 v34, v33  }
0x19b: {  	v15 =	vimm.f32 $0.0e+00;
	v31 =	vmul.f32 v36, v35;
	v20 =	vld [tilespmem:s24+$0x70];
	v27 =	vmul.f32 v32, v27  }
0x19c: {  	s26 =	simm.s32 $0x0;
	s28 =	sadd.s32 $0x800, s24;
	v28 =	vadd.f32 v16, v15;
	v29 =	vadd.f32 v25, v15;
	v25 =	vld [tilespmem:s25+$0x70];
	v16 =	vimm.f32 $0.0e+00  }
.LBB2_17:
0x19d: {  	v32 =	vld [tilespmem:s28+$0x40];
	v15 =	vadd.f32 v30, v15;
	v16 =	vadd.f32 v31, v16;
	v19 =	vmul.f32 v22, v19;
	s25 =	sadd.s32 $0x100, s25  }
0x19e: {  	v11 =	vmul.f32 v12, v11;
	v22 =	vld [tilespmem:s25+$0x40];
	v23 =	vadd.f32 v23, v28;
	v26 =	vadd.f32 v26, v29  }
0x19f: {  	v28 =	vld [tilespmem:s28+$0x50];
	v12 =	vadd.f32 v27, v15;
	v15 =	vadd.f32 v19, v16;
	v16 =	vmul.f32 v24, v21  }
0x1a0: {  	v19 =	vmul.f32 v10, v9;
	v21 =	vld [tilespmem:s25+$0x50];
	v17 =	vadd.f32 v17, v23;
	v18 =	vadd.f32 v18, v26  }
0x1a1: {  	v9 =	vld [tilespmem:s28+$0x60];
	v11 =	vadd.f32 v11, v12;
	v12 =	vadd.f32 v16, v15;
	v16 =	vmul.f32 v25, v20  }
0x1a2: {  	v10 =	vld [tilespmem:s25+$0x60];
	v25 =	vadd.f32 v13, v17;
	v27 =	vadd.f32 v14, v18  }
0x1a3: {  	v17 =	vld [tilespmem:s28+$0x0];
	v15 =	vadd.f32 v19, v11;
	v16 =	vadd.f32 v16, v12  }
0x1a4: {  	v18 =	vld [tilespmem:s25+$0x0]  }
0x1a5: {  	v20 =	vld [tilespmem:s28+$0x10]  }
0x1a6: {  	v23 =	vld [tilespmem:s25+$0x10]  }
0x1a7: {  	v11 =	vld [tilespmem:s28+$0x20]  }
0x1a8: {  	v12 =	vld [tilespmem:s25+$0x20]  }
0x1a9: {  	v24 =	vld [tilespmem:s28+$0xFFFFFC40]  }
0x1aa: {  	v26 =	vld [tilespmem:s25+$0xFFFFFFC0]  }
0x1ab: {  	v29 =	vld [tilespmem:s28+$0xFFFFFC50]  }
0x1ac: {  	v30 =	vld [tilespmem:s25+$0xFFFFFFD0]  }
0x1ad: {  	v33 =	vld [tilespmem:s28+$0xFFFFFC60]  }
0x1ae: {  	v34 =	vld [tilespmem:s25+$0xFFFFFFE0]  }
0x1af: {  	v31 =	vld [tilespmem:s28+$0xFFFFFC00]  }
0x1b0: {  	v35 =	vld [tilespmem:s25+$0xFFFFFF80]  }
0x1b1: {  	v36 =	vld [tilespmem:s28+$0xFFFFFC10]  }
0x1b2: {  	v37 =	vld [tilespmem:s25+$0xFFFFFF90]  }
0x1b3: {  	v38 =	vld [tilespmem:s28+$0xFFFFFC20]  }
0x1b4: {  	v39 =	vld [tilespmem:s25+$0xFFFFFFA0]  }
0x1b5: {  	v40 =	vld [tilespmem:s28+$0xFFFFFC30]  }
0x1b6: {  	s26 =	sadd.s32 $0x4, s26;
	v41 =	vld [tilespmem:s25+$0xFFFFFFB0]  }
0x1b7: {  	p0 =	slt.u32 s26, $0xC;
	v13 =	vmul.f32 v22, v32;
	v14 =	vmul.f32 v21, v28;
	v19 =	vld [tilespmem:s28+$0xFFFFFC70]  }
.Ltmp7:
0x1b8: {  	v17 =	vmul.f32 v18, v17;
	v18 =	vmul.f32 v23, v20;
	v22 =	vld [tilespmem:s25+$0xFFFFFFF0];
	(pc) =	sbr.rel @p0 .LBB2_17-.Ltmp7, $4  }
0x1b9: {  	v23 =	vmul.f32 v26, v24;
	v26 =	vmul.f32 v30, v29;
	v21 =	vld [tilespmem:s28+$0x30]  }
0x1ba: {  	v28 =	vmul.f32 v35, v31;
	v29 =	vmul.f32 v37, v36;
	v24 =	vld [tilespmem:s25+$0x30]  }
0x1bb: {  	v30 =	vmul.f32 v39, v38;
	v31 =	vmul.f32 v41, v40;
	v20 =	vld [tilespmem:s28+$0x70]  }
0x1bc: {  	v28 =	vadd.f32 v28, v25;
	v29 =	vadd.f32 v29, v27;
	v27 =	vmul.f32 v34, v33;
	s28 =	sadd.s32 $0x800, s28;
	v25 =	vld [tilespmem:s25+$0x70]  }
0x1bd: {  	v15 =	vadd.f32 v30, v15;
	v16 =	vadd.f32 v31, v16;
	v19 =	vmul.f32 v22, v19  }
0x1be: {  	v11 =	vmul.f32 v12, v11;
	v22 =	vadd.f32 v23, v28;
	v23 =	vadd.f32 v26, v29  }
0x1bf: {  	v12 =	vadd.f32 v27, v15;
	v15 =	vadd.f32 v19, v16;
	v16 =	vmul.f32 v24, v21  }
0x1c0: {  	v9 =	vmul.f32 v10, v9;
	v17 =	vadd.f32 v17, v22;
	v18 =	vadd.f32 v18, v23  }
0x1c1: {  	v10 =	vadd.f32 v11, v12;
	v11 =	vadd.f32 v16, v15;
	v12 =	vmul.f32 v25, v20  }
0x1c2: {  	v13 =	vadd.f32 v13, v17;
	v14 =	vadd.f32 v14, v18  }
0x1c3: {  	v9 =	vadd.f32 v9, v10;
	v10 =	vadd.f32 v12, v11;
	_ =	sdelay $0x1  }
0x1c4: {  	v11 =	vadd.f32 v14, v13;
	v9 =	vadd.f32 v10, v9;
	_ =	sdelay $0x1  }
0x1c5: {  	v9 =	vadd.f32 v9, v11;
	_ =	sdelay $0x1  }
0x1c6: {  	v10 =	vperm.xlane v9, v0;
	_ =	sdelay $0x1  }
0x1c7: {  	(v2sf) =	vpush v8, $0x0;
	v9 =	vadd.f32 v10, v9;
	_ =	sdelay $0x1  }
0x1c8: {  	v10 =	vperm.xlane v9, v1;
	_ =	sdelay $0x1  }
0x1c9: {  	v9 =	vadd.f32 v10, v9;
	_ =	sdelay $0x1  }
0x1ca: {  	v10 =	vperm.xlane v9, v2  }
0x1cb: {  	v54 =	vld [tilespmem:s24+$0x40]  }
0x1cc: {  	v55 =	vld [tilespmem:s24+$0x50];
	v9 =	vadd.f32 v10, v9  }
0x1cd: {  	v56 =	vld [tilespmem:s24+$0x60]  }
0x1ce: {  	v19 =	vld [tilespmem:s24+$0xFFFFFC70];
	v13 =	vperm.xlane v9, v4  }
0x1cf: {  	v21 =	vld [tilespmem:s24+$0x10]  }
0x1d0: {  	v22 =	vld [tilespmem:s24+$0x20];
	v9 =	vadd.f32 v13, v9  }
0x1d1: {  	v23 =	vld [tilespmem:s24+$0x30]  }
0x1d2: {  	v15 =	vld [tilespmem:s24+$0xFFFFFC20];
	v9 =	vmul.f32 $1.442695020e+00, v9  }
0x1d3: {  	v16 =	vld [tilespmem:s24+$0xFFFFFC40];
	s25 =	spop (v2sf)  }
0x1d4: {  	v20 =	vld [tilespmem:s24+$0x0];
	s26 =	sshll.u32 s25, $0xC;
	s25 =	sand.u32 $0x7, s25;
	(erf) = vpow2.f32 v9  }
0x1d5: {  	v17 =	vld [tilespmem:s24+$0xFFFFFC50];
	s26 =	sand.u32 $0xFFFF8000, s26;
	s25 =	sshll.u32 s25, $0x9  }
0x1d6: {  	v18 =	vld [tilespmem:s24+$0xFFFFFC60];
	s25 =	sor.u32 s25, s26  }
0x1d7: {  	v14 =	vld [tilespmem:s24+$0xFFFFFC10];
	s25 =	sshra.s32 s25, $0x2  }
0x1d8: {  	v11 =	vld [tilespmem:s24+$0x70];
	s25 =	sadd.s32 $0x10400, s25  }
0x1d9: {  	v12 =	vld [tilespmem:s25+$0x70]  }
0x1da: {  	v57 =	vld [tilespmem:s25+$0xFFFFFC10]  }
0x1db: {  	v13 =	vld [tilespmem:s24+$0xFFFFFC30]  }
0x1dc: {  	v58 =	vld [tilespmem:s25+$0xFFFFFC20]  }
0x1dd: {  	v59 =	vld [tilespmem:s25+$0xFFFFFC30];
	v9 =	vpop (erf)  }
0x1de: {  	v60 =	vld [tilespmem:s25+$0xFFFFFC40];
	v11 =	vmul.f32 v11, v9  }
0x1df: {  	v61 =	vld [tilespmem:s25+$0xFFFFFC60];
	v14 =	vmul.f32 v14, v9  }
0x1e0: {  	v13 =	vmul.f32 v13, v9;
	v11 =	vadd.f32 v11, v12;
	v12 =	vmul.f32 v15, v9;
	v15 =	vld [tilespmem:s25+$0xFFFFFC50]  }
0x1e1: {  	v10 =	vld [tilespmem:s24+$0xFFFFFC00];
	v14 =	vadd.f32 v14, v57  }
0x1e2: {  	v13 =	vadd.f32 v13, v59;
	[tilespmem:s25+$0x70] =	vst v11;
	v11 =	vmul.f32 v16, v9;
	v16 =	vld [tilespmem:s25+$0xFFFFFC70]  }
0x1e3: {  	v17 =	vmul.f32 v17, v9;
	v12 =	vadd.f32 v12, v58;
	[tilespmem:s25+$0xFFFFFC10] =	vst v14;
	v14 =	vld [tilespmem:s25+$0x0]  }
0x1e4: {  	v62 =	vld [tilespmem:s25+$0x10];
	v18 =	vmul.f32 v18, v9;
	[tilespmem:s25+$0xFFFFFC30] =	vst v13;
	v11 =	vadd.f32 v11, v60  }
0x1e5: {  	v63 =	vld [tilespmem:s25+$0x20];
	[tilespmem:s25+$0xFFFFFC20] =	vst v12;
	v12 =	vmul.f32 v19, v9;
	v13 =	vadd.f32 v17, v15  }
0x1e6: {  	v17 =	vmul.f32 v20, v9;
	v15 =	vld [tilespmem:s25+$0x30];
	[tilespmem:s25+$0xFFFFFC40] =	vst v11;
	v11 =	vadd.f32 v18, v61  }
0x1e7: {  	v19 =	vmul.f32 v21, v9;
	[tilespmem:s25+$0xFFFFFC50] =	vst v13;
	v12 =	vadd.f32 v12, v16;
	v16 =	vld [tilespmem:s25+$0x40]  }
0x1e8: {  	v10 =	vmul.f32 v10, v9;
	v21 =	vmul.f32 v22, v9;
	v22 =	vadd.f32 v17, v14;
	v17 =	vld [tilespmem:s25+$0x50];
	[tilespmem:s25+$0xFFFFFC60] =	vst v11  }
0x1e9: {  	v18 =	vld [tilespmem:s25+$0x60];
	v20 =	vadd.f32 v19, v62;
	v13 =	vmul.f32 v23, v9;
	v14 =	vmul.f32 v54, v9;
	[tilespmem:s25+$0xFFFFFC70] =	vst v12  }
0x1ea: {  	s28 =	sadd.s32 $0x800, s24;
	s26 =	simm.s32 $0x0;
	s24 =	smov.u32 s25;
	v19 =	vld [tilespmem:s25+$0xFFFFFC00];
	v21 =	vadd.f32 v21, v63;
	v11 =	vmul.f32 v55, v9;
	v12 =	vmul.f32 v56, v9;
	[tilespmem:s25+$0x0] =	vst v22  }
.LBB2_19:
0x1eb: {  	v22 =	vld [tilespmem:s28+$0x70];
	s26 =	sadd.s32 $0x10, s26;
	[tilespmem:s25+$0x10] =	vst v20;
	v13 =	vadd.f32 v13, v15  }
0x1ec: {  	s25 =	sadd.s32 $0x800, s25;
	v15 =	vld [tilespmem:s28+$0xFFFFFC00];
	p0 =	slt.u32 s26, $0x30;
	[tilespmem:s24+$0x20] =	vst v21;
	v14 =	vadd.f32 v14, v16  }
0x1ed: {  	v16 =	vld [tilespmem:s25+$0x70];
	[tilespmem:s24+$0x30] =	vst v13;
	v11 =	vadd.f32 v11, v17  }
0x1ee: {  	v13 =	vld [tilespmem:s28+$0xFFFFFC10];
	[tilespmem:s24+$0x40] =	vst v14;
	v12 =	vadd.f32 v12, v18  }
0x1ef: {  	v14 =	vld [tilespmem:s28+$0xFFFFFC20];
	v17 =	vadd.f32 v10, v19;
	[tilespmem:s24+$0x50] =	vst v11  }
0x1f0: {  	v11 =	vld [tilespmem:s28+$0xFFFFFC30];
	v18 =	vmul.f32 v22, v9;
	[tilespmem:s24+$0x60] =	vst v12  }
0x1f1: {  	v10 =	vmul.f32 v15, v9;
	v12 =	vld [tilespmem:s28+$0xFFFFFC40];
	[tilespmem:s24+$0xFFFFFC00] =	vst v17;
	s24 =	smov.u32 s25  }
0x1f2: {  	v15 =	vld [tilespmem:s28+$0xFFFFFC50];
	v16 =	vadd.f32 v18, v16  }
0x1f3: {  	v17 =	vmul.f32 v13, v9;
	v13 =	vld [tilespmem:s28+$0xFFFFFC60]  }
0x1f4: {  	v18 =	vmul.f32 v14, v9;
	v14 =	vld [tilespmem:s28+$0xFFFFFC70];
	[tilespmem:s25+$0x70] =	vst v16  }
0x1f5: {  	v16 =	vmul.f32 v11, v9;
	v11 =	vld [tilespmem:s28+$0x0]  }
0x1f6: {  	v19 =	vmul.f32 v12, v9;
	v12 =	vld [tilespmem:s28+$0x10]  }
0x1f7: {  	v15 =	vmul.f32 v15, v9;
	v20 =	vld [tilespmem:s28+$0x20]  }
0x1f8: {  	v21 =	vmul.f32 v13, v9;
	v13 =	vld [tilespmem:s28+$0x30]  }
0x1f9: {  	v22 =	vmul.f32 v14, v9;
	v14 =	vld [tilespmem:s28+$0x40]  }
0x1fa: {  	v23 =	vmul.f32 v11, v9;
	v11 =	vld [tilespmem:s28+$0x50]  }
0x1fb: {  	v24 =	vmul.f32 v12, v9;
	v12 =	vld [tilespmem:s28+$0x60]  }
0x1fc: {  	v25 =	vld [tilespmem:s25+$0xFFFFFC10];
	v26 =	vmul.f32 v20, v9  }
0x1fd: {  	v20 =	vld [tilespmem:s25+$0xFFFFFC20];
	v13 =	vmul.f32 v13, v9  }
0x1fe: {  	v27 =	vld [tilespmem:s25+$0xFFFFFC30];
	v14 =	vmul.f32 v14, v9  }
0x1ff: {  	v28 =	vld [tilespmem:s25+$0xFFFFFC40];
	v11 =	vmul.f32 v11, v9  }
0x200: {  	v29 =	vld [tilespmem:s25+$0xFFFFFC50];
	v12 =	vmul.f32 v12, v9  }
0x201: {  	v17 =	vadd.f32 v17, v25;
	v25 =	vld [tilespmem:s25+$0xFFFFFC60]  }
0x202: {  	v18 =	vadd.f32 v18, v20;
	v20 =	vld [tilespmem:s25+$0xFFFFFC70]  }
0x203: {  	[tilespmem:s25+$0xFFFFFC10] =	vst v17;
	v16 =	vadd.f32 v16, v27;
	v17 =	vld [tilespmem:s25+$0x0]  }
0x204: {  	[tilespmem:s25+$0xFFFFFC20] =	vst v18;
	v18 =	vadd.f32 v19, v28;
	v19 =	vld [tilespmem:s25+$0x10]  }
0x205: {  	[tilespmem:s25+$0xFFFFFC30] =	vst v16;
	v16 =	vadd.f32 v15, v29;
	v27 =	vld [tilespmem:s25+$0x20]  }
.Ltmp8:
0x206: {  	[tilespmem:s25+$0xFFFFFC40] =	vst v18;
	v18 =	vadd.f32 v21, v25;
	v15 =	vld [tilespmem:s25+$0x30];
	(pc) =	sbr.rel @p0 .LBB2_19-.Ltmp8, $4  }
0x207: {  	[tilespmem:s25+$0xFFFFFC50] =	vst v16;
	v20 =	vadd.f32 v22, v20;
	v16 =	vld [tilespmem:s25+$0x40]  }
0x208: {  	[tilespmem:s25+$0xFFFFFC60] =	vst v18;
	v21 =	vadd.f32 v23, v17;
	v17 =	vld [tilespmem:s25+$0x50]  }
0x209: {  	[tilespmem:s25+$0xFFFFFC70] =	vst v20;
	v20 =	vadd.f32 v24, v19;
	v18 =	vld [tilespmem:s25+$0x60]  }
0x20a: {  	s28 =	sadd.s32 $0x800, s28;
	v19 =	vld [tilespmem:s25+$0xFFFFFC00];
	[tilespmem:s25+$0x0] =	vst v21;
	v21 =	vadd.f32 v26, v27  }
0x20b: {  	[tilespmem:s25+$0x10] =	vst v20;
	v13 =	vadd.f32 v13, v15;
	s23 =	sadd.s32 $0x1, s23  }
0x20c: {  	[tilespmem:s24+$0x20] =	vst v21;
	v14 =	vadd.f32 v14, v16;
	p0 =	sne.s32 s23, $0x10  }
.Ltmp9:
0x20d: {  	v8 =	vbroadcast v8, $0x0;
	[tilespmem:s24+$0x30] =	vst v13;
	v11 =	vadd.f32 v11, v17;
	(pc) =	sbr.rel @p0 .LBB2_16-.Ltmp9, $4  }
0x20e: {  	[tilespmem:s24+$0x40] =	vst v14;
	v12 =	vadd.f32 v12, v18  }
0x20f: {  	vm0 =	veq.s32 v8, v5;
	v10 =	vadd.f32 v10, v19;
	[tilespmem:s24+$0x50] =	vst v11  }
0x210: {  	v8 =	vnsel vm0, $0x0, v9;
	[tilespmem:s24+$0x60] =	vst v12  }
0x211: {  	s22 =	sadd.s32 $0x400, s22;
	s21 =	sadd.s32 $0x1, s21;
	v6 =	vadd.f32 v8, v6;
	[tilespmem:s24+$0xFFFFFC00] =	vst v10  }
0x212: {  	s21 =	simm.s32 $0x0;
	v7 =	vld [tilespmem:$0x14430];
	s22 =	simm.s32 $0x0;
	s23 =	simm.s32 $0x0  }
.LBB2_22:
0x213: {  	s24 =	sshll.u32 s22, $0x2;
	s25 =	sand.u32 $0x7, s21  }
0x214: {  	s24 =	sand.u32 $0xFFFF8000, s24;
	s25 =	sshll.u32 s25, $0x9  }
0x215: {  	s24 =	sor.u32 s25, s24  }
0x216: {  	s25 =	sshrl.u32 s24, $0x2;
	s24 =	simm.s32 $0x14080  }
0x217: {  	v14 =	vld [tilespmem:s24+$0x40]  }
0x218: {  	v16 =	vld [tilespmem:s24+$0x50]  }
0x219: {  	v10 =	vld [tilespmem:s24+$0x60]  }
0x21a: {  	v18 =	vld [tilespmem:s24+$0x0]  }
0x21b: {  	v21 =	vld [tilespmem:s24+$0x10]  }
0x21c: {  	v12 =	vld [tilespmem:s24+$0x20]  }
0x21d: {  	v24 =	vld [tilespmem:s24+$0xFFFFFFC0]  }
0x21e: {  	v26 =	vld [tilespmem:s24+$0xFFFFFFD0]  }
0x21f: {  	v32 =	vld [tilespmem:s24+$0xFFFFFFE0]  }
0x220: {  	v29 =	vld [tilespmem:s24+$0xFFFFFF80]  }
0x221: {  	v31 =	vld [tilespmem:s24+$0xFFFFFF90]  }
0x222: {  	v34 =	vld [tilespmem:s24+$0xFFFFFFA0]  }
0x223: {  	v36 =	vld [tilespmem:s24+$0xFFFFFFB0]  }
0x224: {  	s28 =	sadd.s32 $0xC000, s25;
	v22 =	vld [tilespmem:s24+$0xFFFFFFF0]  }
0x225: {  	v13 =	vld [tilespmem:s28+$0x440]  }
0x226: {  	v15 =	vld [tilespmem:s28+$0x450]  }
0x227: {  	v9 =	vld [tilespmem:s28+$0x460]  }
0x228: {  	v17 =	vld [tilespmem:s28+$0x400]  }
0x229: {  	v20 =	vld [tilespmem:s28+$0x410]  }
0x22a: {  	v23 =	vld [tilespmem:s28+$0x40]  }
0x22b: {  	v25 =	vld [tilespmem:s28+$0x50]  }
0x22c: {  	v27 =	vld [tilespmem:s28+$0x60]  }
0x22d: {  	v28 =	vld [tilespmem:s28+$0x0]  }
0x22e: {  	v30 =	vld [tilespmem:s28+$0x10]  }
0x22f: {  	v8 =	vmov s23;
	v33 =	vld [tilespmem:s28+$0x20]  }
0x230: {  	v8 =	vperm.xlane v7, v8;
	v35 =	vld [tilespmem:s28+$0x30];
	v13 =	vmul.f32 v14, v13  }
0x231: {  	v11 =	vld [tilespmem:s28+$0x420];
	v14 =	vmul.f32 v16, v15;
	v17 =	vmul.f32 v18, v17  }
0x232: {  	v19 =	vld [tilespmem:s28+$0x70];
	v18 =	vmul.f32 v21, v20;
	v23 =	vmul.f32 v24, v23  }
0x233: {  	v20 =	vld [tilespmem:s28+$0x430];
	v16 =	vmul.f32 v29, v28;
	v26 =	vmul.f32 v26, v25  }
0x234: {  	v25 =	vmul.f32 v31, v30;
	v24 =	vld [tilespmem:s24+$0x30];
	v29 =	vmul.f32 v34, v33  }
0x235: {  	v15 =	vimm.f32 $0.0e+00;
	v30 =	vmul.f32 v36, v35;
	v21 =	vld [tilespmem:s28+$0x470];
	v27 =	vmul.f32 v32, v27  }
0x236: {  	s26 =	simm.s32 $0x0;
	s25 =	sadd.s32 $0x8000, s25;
	s28 =	sadd.s32 $0x800, s28;
	v28 =	vadd.f32 v16, v15;
	v31 =	vadd.f32 v25, v15;
	v25 =	vld [tilespmem:s24+$0x70];
	v16 =	vimm.f32 $0.0e+00  }
.LBB2_23:
0x237: {  	v32 =	vld [tilespmem:s28+$0x440];
	v15 =	vadd.f32 v29, v15;
	v16 =	vadd.f32 v30, v16;
	v19 =	vmul.f32 v22, v19;
	s24 =	sadd.s32 $0x100, s24  }
0x238: {  	v11 =	vmul.f32 v12, v11;
	v22 =	vld [tilespmem:s24+$0x40];
	v23 =	vadd.f32 v23, v28;
	v26 =	vadd.f32 v26, v31  }
0x239: {  	v28 =	vld [tilespmem:s28+$0x450];
	v12 =	vadd.f32 v27, v15;
	v15 =	vadd.f32 v19, v16;
	v16 =	vmul.f32 v24, v20  }
0x23a: {  	v19 =	vmul.f32 v10, v9;
	v20 =	vld [tilespmem:s24+$0x50];
	v17 =	vadd.f32 v17, v23;
	v18 =	vadd.f32 v18, v26  }
0x23b: {  	v9 =	vld [tilespmem:s28+$0x460];
	v11 =	vadd.f32 v11, v12;
	v12 =	vadd.f32 v16, v15;
	v16 =	vmul.f32 v25, v21  }
0x23c: {  	v10 =	vld [tilespmem:s24+$0x60];
	v25 =	vadd.f32 v13, v17;
	v27 =	vadd.f32 v14, v18  }
0x23d: {  	v17 =	vld [tilespmem:s28+$0x400];
	v15 =	vadd.f32 v19, v11;
	v16 =	vadd.f32 v16, v12  }
0x23e: {  	v18 =	vld [tilespmem:s24+$0x0]  }
0x23f: {  	v21 =	vld [tilespmem:s28+$0x410]  }
0x240: {  	v23 =	vld [tilespmem:s24+$0x10]  }
0x241: {  	v11 =	vld [tilespmem:s28+$0x420]  }
0x242: {  	v12 =	vld [tilespmem:s24+$0x20]  }
0x243: {  	v24 =	vld [tilespmem:s28+$0x40]  }
0x244: {  	v26 =	vld [tilespmem:s24+$0xFFFFFFC0]  }
0x245: {  	v29 =	vld [tilespmem:s28+$0x50]  }
0x246: {  	v30 =	vld [tilespmem:s24+$0xFFFFFFD0]  }
0x247: {  	v33 =	vld [tilespmem:s28+$0x60]  }
0x248: {  	v34 =	vld [tilespmem:s24+$0xFFFFFFE0]  }
0x249: {  	v31 =	vld [tilespmem:s28+$0x0]  }
0x24a: {  	v35 =	vld [tilespmem:s24+$0xFFFFFF80]  }
0x24b: {  	v36 =	vld [tilespmem:s28+$0x10]  }
0x24c: {  	v37 =	vld [tilespmem:s24+$0xFFFFFF90]  }
0x24d: {  	v38 =	vld [tilespmem:s28+$0x20]  }
0x24e: {  	v39 =	vld [tilespmem:s24+$0xFFFFFFA0]  }
0x24f: {  	v40 =	vld [tilespmem:s28+$0x30]  }
0x250: {  	s26 =	sadd.s32 $0x4, s26;
	v41 =	vld [tilespmem:s24+$0xFFFFFFB0]  }
0x251: {  	p0 =	slt.u32 s26, $0xC;
	v13 =	vmul.f32 v22, v32;
	v14 =	vmul.f32 v20, v28;
	v19 =	vld [tilespmem:s28+$0x70]  }
.Ltmp10:
0x252: {  	v17 =	vmul.f32 v18, v17;
	v18 =	vmul.f32 v23, v21;
	v22 =	vld [tilespmem:s24+$0xFFFFFFF0];
	(pc) =	sbr.rel @p0 .LBB2_23-.Ltmp10, $4  }
0x253: {  	v23 =	vmul.f32 v26, v24;
	v26 =	vmul.f32 v30, v29;
	v20 =	vld [tilespmem:s28+$0x430]  }
0x254: {  	v28 =	vmul.f32 v35, v31;
	v31 =	vmul.f32 v37, v36;
	v24 =	vld [tilespmem:s24+$0x30]  }
0x255: {  	v29 =	vmul.f32 v39, v38;
	v30 =	vmul.f32 v41, v40;
	v21 =	vld [tilespmem:s28+$0x470]  }
0x256: {  	v28 =	vadd.f32 v28, v25;
	v31 =	vadd.f32 v31, v27;
	v27 =	vmul.f32 v34, v33;
	s28 =	sadd.s32 $0x800, s28;
	v25 =	vld [tilespmem:s24+$0x70]  }
0x257: {  	(v2sf) =	vpush v8, $0x0  }
0x258: {  	v15 =	vadd.f32 v29, v15;
	v16 =	vadd.f32 v30, v16;
	v19 =	vmul.f32 v22, v19  }
0x259: {  	v11 =	vmul.f32 v12, v11;
	v22 =	vadd.f32 v23, v28;
	v23 =	vadd.f32 v26, v31  }
0x25a: {  	v12 =	vadd.f32 v27, v15;
	v15 =	vadd.f32 v19, v16;
	v16 =	vmul.f32 v24, v20  }
0x25b: {  	v9 =	vmul.f32 v10, v9;
	v17 =	vadd.f32 v17, v22;
	v18 =	vadd.f32 v18, v23  }
0x25c: {  	v10 =	vadd.f32 v11, v12;
	v11 =	vadd.f32 v16, v15;
	v12 =	vmul.f32 v25, v21  }
0x25d: {  	v13 =	vadd.f32 v13, v17;
	v14 =	vadd.f32 v14, v18  }
0x25e: {  	v9 =	vadd.f32 v9, v10;
	v10 =	vadd.f32 v12, v11;
	_ =	sdelay $0x1  }
0x25f: {  	v11 =	vadd.f32 v14, v13;
	v9 =	vadd.f32 v10, v9;
	_ =	sdelay $0x1  }
0x260: {  	v9 =	vadd.f32 v9, v11;
	_ =	sdelay $0x1  }
0x261: {  	v10 =	vperm.xlane v9, v0;
	_ =	sdelay $0x1  }
0x262: {  	v9 =	vadd.f32 v10, v9  }
0x263: {  	s24 =	spop (v2sf)  }
0x264: {  	s26 =	sshll.u32 s24, $0xC;
	s24 =	sand.u32 $0x7, s24;
	v11 =	vperm.xlane v9, v1  }
0x265: {  	v10 =	vmov s25;
	s26 =	sand.u32 $0xFFFF8000, s26;
	s24 =	sshll.u32 s24, $0x9  }
0x266: {  	s24 =	sor.u32 s24, s26;
	v11 =	vadd.f32 v11, v9  }
0x267: {  	s24 =	sshra.s32 s24, $0x2  }
0x268: {  	s24 =	sadd.s32 $0x10400, s24;
	v12 =	vperm.xlane v11, v2  }
0x269: {  	v9 =	vmov s24;
	s24 =	simm.s32 $0x0  }
0x26a: {  	v11 =	vadd.f32 v12, v11;
	v12 =	vld.idx.msk [tilespmem:v10+s24+$0x4470 ss:$0x1], $0xffff  }
0x26b: {  	v13 =	vld.idx.msk [tilespmem:v10+s24+$0x4000 ss:$0x1], $0xffff  }
0x26c: {  	v16 =	vld.idx.msk [tilespmem:v10+s24+$0x4010 ss:$0x1], $0xffff  }
0x26d: {  	v17 =	vld.idx.msk [tilespmem:v10+s24+$0x4030 ss:$0x1], $0xffff;
	v14 =	vperm.xlane v11, v4  }
0x26e: {  	v18 =	vld.idx.msk [tilespmem:v10+s24+$0x4040 ss:$0x1], $0xffff  }
0x26f: {  	v19 =	vld.idx.msk [tilespmem:v10+s24+$0x4050 ss:$0x1], $0xffff;
	v11 =	vadd.f32 v14, v11  }
0x270: {  	v20 =	vld.idx.msk [tilespmem:v10+s24+$0x4060 ss:$0x1], $0xffff  }
0x271: {  	v21 =	vld.idx.msk [tilespmem:v10+s24+$0x4070 ss:$0x1], $0xffff;
	v11 =	vmul.f32 $1.442695020e+00, v11  }
0x272: {  	v22 =	vld.idx.msk [tilespmem:v10+s24+$0x4400 ss:$0x1], $0xffff  }
0x273: {  	v23 =	vld.idx.msk [tilespmem:v10+s24+$0x4410 ss:$0x1], $0xffff;
	(erf) = vpow2.f32 v11  }
0x274: {  	v24 =	vld.idx.msk [tilespmem:v10+s24+$0x4420 ss:$0x1], $0xffff  }
0x275: {  	v25 =	vld.idx.msk [tilespmem:v10+s24+$0x4430 ss:$0x1], $0xffff  }
0x276: {  	v26 =	vld.idx.msk [tilespmem:v10+s24+$0x4440 ss:$0x1], $0xffff  }
0x277: {  	v27 =	vld.idx.msk [tilespmem:v10+s24+$0x4450 ss:$0x1], $0xffff  }
0x278: {  	v58 =	vld.idx.msk [tilespmem:v10+s24+$0x4460 ss:$0x1], $0xffff  }
0x279: {  	v15 =	vld.idx.msk [tilespmem:v9+s24+$0x70 ss:$0x1], $0xffff  }
0x27a: {  	v14 =	vld.idx.msk [tilespmem:v10+s24+$0x4020 ss:$0x1], $0xffff  }
0x27b: {  	v59 =	vld.idx.msk [tilespmem:v9+s24+$0xFFFFFC00 ss:$0x1], $0xffff  }
0x27c: {  	v60 =	vld.idx.msk [tilespmem:v9+s24+$0xFFFFFC10 ss:$0x1], $0xffff;
	v11 =	vpop (erf)  }
0x27d: {  	v61 =	vld.idx.msk [tilespmem:v9+s24+$0xFFFFFC20 ss:$0x1], $0xffff;
	v12 =	vmul.f32 v12, v11  }
0x27e: {  	v32 =	vld.idx.msk [tilespmem:v9+s24+$0xFFFFFC30 ss:$0x1], $0xffff;
	v13 =	vmul.f32 v13, v11;
	v16 =	vmul.f32 v16, v11  }
0x27f: {  	v62 =	vld.idx.msk [tilespmem:v9+s24+$0xFFFFFC60 ss:$0x1], $0xffff;
	v14 =	vmul.f32 v14, v11;
	v17 =	vmul.f32 v17, v11  }
0x280: {  	v33 =	vld.idx.msk [tilespmem:v9+s24+$0xFFFFFC40 ss:$0x1], $0xffff;
	v18 =	vmul.f32 v18, v11;
	v35 =	vmul.f32 v19, v11;
	v12 =	vadd.f32 v12, v15  }
0x281: {  	v34 =	vld.idx.msk [tilespmem:v9+s24+$0xFFFFFC50 ss:$0x1], $0xffff;
	v36 =	vmul.f32 v20, v11;
	v37 =	vmul.f32 v21, v11;
	v13 =	vadd.f32 v13, v59  }
0x282: {  	v63 =	vld.idx.msk [tilespmem:v9+s24+$0xFFFFFC70 ss:$0x1], $0xffff;
	v15 =	vmul.f32 v22, v11;
	v16 =	vadd.f32 v16, v60;
	[tilespmem:v9+s24+$0x70 ss:$0x1] =	vst.idx.msk $0xffff, v12  }
0x283: {  	v20 =	vld.idx.msk [tilespmem:v9+s24+$0x0 ss:$0x1], $0xffff;
	v14 =	vadd.f32 v14, v61;
	v22 =	vadd.f32 v17, v32;
	[tilespmem:v9+s24+$0xFFFFFC00 ss:$0x1] =	vst.idx.msk $0xffff, v13  }
0x284: {  	v19 =	vld.idx.msk [tilespmem:v9+s24+$0x10 ss:$0x1], $0xffff;
	v17 =	vmul.f32 v26, v11;
	v26 =	vadd.f32 v36, v62;
	[tilespmem:v9+s24+$0xFFFFFC10 ss:$0x1] =	vst.idx.msk $0xffff, v16  }
0x285: {  	v21 =	vld.idx.msk [tilespmem:v9+s24+$0x20 ss:$0x1], $0xffff;
	v12 =	vmul.f32 v23, v11;
	[tilespmem:v9+s24+$0xFFFFFC20 ss:$0x1] =	vst.idx.msk $0xffff, v14;
	v23 =	vadd.f32 v18, v33  }
0x286: {  	v13 =	vmul.f32 v24, v11;
	[tilespmem:v9+s24+$0xFFFFFC30 ss:$0x1] =	vst.idx.msk $0xffff, v22;
	v24 =	vadd.f32 v35, v34;
	v22 =	vld.idx.msk [tilespmem:v9+s24+$0x30 ss:$0x1], $0xffff  }
0x287: {  	v16 =	vmul.f32 v25, v11;
	v18 =	vmul.f32 v27, v11;
	[tilespmem:v9+s24+$0xFFFFFC40 ss:$0x1] =	vst.idx.msk $0xffff, v23;
	v23 =	vld.idx.msk [tilespmem:v9+s24+$0x40 ss:$0x1], $0xffff  }
0x288: {  	s25 =	simm.s32 $0x0;
	s26 =	simm.s32 $0x2000;
	v14 =	vmul.f32 v58, v11;
	v25 =	vadd.f32 v37, v63;
	[tilespmem:v9+s24+$0xFFFFFC50 ss:$0x1] =	vst.idx.msk $0xffff, v24;
	v24 =	vld.idx.msk [tilespmem:v9+s24+$0x50 ss:$0x1], $0xffff  }
.LBB2_25:
0x289: {  	s28 =	sshra.s32 s26, $0x2;
	s25 =	sadd.s32 $0x10, s25;
	[tilespmem:v9+s24+$0xFFFFFC60 ss:$0x1] =	vst.idx.msk $0xffff, v26;
	v15 =	vadd.f32 v15, v20;
	v20 =	vld.idx.msk [tilespmem:v9+s24+$0x60 ss:$0x1], $0xffff  }
0x28a: {  	v12 =	vadd.f32 v12, v19;
	v26 =	vld.idx.msk [tilespmem:v10+s28+$0x4470 ss:$0x1], $0xffff;
	p0 =	slt.u32 s25, $0x30;
	[tilespmem:v9+s24+$0xFFFFFC70 ss:$0x1] =	vst.idx.msk $0xffff, v25  }
0x28b: {  	v13 =	vadd.f32 v13, v21;
	v19 =	vld.idx.msk [tilespmem:v10+s28+$0x4000 ss:$0x1], $0xffff;
	[tilespmem:v9+s24+$0x0 ss:$0x1] =	vst.idx.msk $0xffff, v15  }
0x28c: {  	v15 =	vld.idx.msk [tilespmem:v9+s28+$0x70 ss:$0x1], $0xffff;
	[tilespmem:v9+s24+$0x10 ss:$0x1] =	vst.idx.msk $0xffff, v12;
	v12 =	vadd.f32 v16, v22  }
0x28d: {  	v16 =	vld.idx.msk [tilespmem:v10+s28+$0x4010 ss:$0x1], $0xffff;
	[tilespmem:v9+s24+$0x20 ss:$0x1] =	vst.idx.msk $0xffff, v13;
	v13 =	vadd.f32 v17, v23  }
0x28e: {  	v17 =	vld.idx.msk [tilespmem:v10+s28+$0x4020 ss:$0x1], $0xffff;
	[tilespmem:v9+s24+$0x30 ss:$0x1] =	vst.idx.msk $0xffff, v12;
	v12 =	vadd.f32 v18, v24  }
0x28f: {  	v18 =	vld.idx.msk [tilespmem:v10+s28+$0x4030 ss:$0x1], $0xffff;
	[tilespmem:v9+s24+$0x40 ss:$0x1] =	vst.idx.msk $0xffff, v13;
	v13 =	vadd.f32 v14, v20  }
0x290: {  	v20 =	vmul.f32 v26, v11;
	v14 =	vld.idx.msk [tilespmem:v10+s28+$0x4040 ss:$0x1], $0xffff;
	[tilespmem:v9+s24+$0x50 ss:$0x1] =	vst.idx.msk $0xffff, v12  }
0x291: {  	v19 =	vmul.f32 v19, v11;
	v12 =	vld.idx.msk [tilespmem:v10+s28+$0x4050 ss:$0x1], $0xffff;
	[tilespmem:v9+s24+$0x60 ss:$0x1] =	vst.idx.msk $0xffff, v13;
	s24 =	smov.u32 s28  }
0x292: {  	v15 =	vadd.f32 v20, v15;
	v13 =	vld.idx.msk [tilespmem:v10+s24+$0x4060 ss:$0x1], $0xffff  }
0x293: {  	v20 =	vmul.f32 v16, v11;
	v16 =	vld.idx.msk [tilespmem:v10+s24+$0x4070 ss:$0x1], $0xffff  }
0x294: {  	v21 =	vmul.f32 v17, v11;
	v17 =	vld.idx.msk [tilespmem:v10+s24+$0x4400 ss:$0x1], $0xffff;
	[tilespmem:v9+s24+$0x70 ss:$0x1] =	vst.idx.msk $0xffff, v15  }
0x295: {  	v22 =	vmul.f32 v18, v11;
	v18 =	vld.idx.msk [tilespmem:v10+s24+$0x4410 ss:$0x1], $0xffff  }
0x296: {  	v23 =	vmul.f32 v14, v11;
	v14 =	vld.idx.msk [tilespmem:v10+s24+$0x4420 ss:$0x1], $0xffff  }
0x297: {  	v24 =	vmul.f32 v12, v11;
	v25 =	vld.idx.msk [tilespmem:v10+s24+$0x4430 ss:$0x1], $0xffff  }
0x298: {  	v26 =	vmul.f32 v13, v11;
	v27 =	vld.idx.msk [tilespmem:v10+s24+$0x4440 ss:$0x1], $0xffff  }
0x299: {  	v28 =	vmul.f32 v16, v11;
	v29 =	vld.idx.msk [tilespmem:v10+s24+$0x4450 ss:$0x1], $0xffff  }
0x29a: {  	v15 =	vmul.f32 v17, v11;
	v30 =	vld.idx.msk [tilespmem:v10+s24+$0x4460 ss:$0x1], $0xffff  }
0x29b: {  	v12 =	vmul.f32 v18, v11;
	v31 =	vld.idx.msk [tilespmem:v9+s24+$0xFFFFFC00 ss:$0x1], $0xffff  }
0x29c: {  	v13 =	vmul.f32 v14, v11;
	v32 =	vld.idx.msk [tilespmem:v9+s24+$0xFFFFFC10 ss:$0x1], $0xffff  }
0x29d: {  	v16 =	vmul.f32 v25, v11;
	v33 =	vld.idx.msk [tilespmem:v9+s24+$0xFFFFFC20 ss:$0x1], $0xffff  }
0x29e: {  	v17 =	vmul.f32 v27, v11;
	v25 =	vld.idx.msk [tilespmem:v9+s24+$0xFFFFFC30 ss:$0x1], $0xffff  }
0x29f: {  	v18 =	vmul.f32 v29, v11;
	v27 =	vld.idx.msk [tilespmem:v9+s24+$0xFFFFFC40 ss:$0x1], $0xffff  }
0x2a0: {  	v14 =	vmul.f32 v30, v11;
	v29 =	vld.idx.msk [tilespmem:v9+s24+$0xFFFFFC50 ss:$0x1], $0xffff  }
0x2a1: {  	v19 =	vadd.f32 v19, v31;
	v30 =	vld.idx.msk [tilespmem:v9+s24+$0xFFFFFC60 ss:$0x1], $0xffff  }
0x2a2: {  	v31 =	vadd.f32 v20, v32;
	v32 =	vld.idx.msk [tilespmem:v9+s24+$0xFFFFFC70 ss:$0x1], $0xffff  }
0x2a3: {  	v21 =	vadd.f32 v21, v33;
	[tilespmem:v9+s24+$0xFFFFFC00 ss:$0x1] =	vst.idx.msk $0xffff, v19;
	v20 =	vld.idx.msk [tilespmem:v9+s24+$0x0 ss:$0x1], $0xffff  }
.Ltmp11:
0x2a4: {  	v22 =	vadd.f32 v22, v25;
	[tilespmem:v9+s24+$0xFFFFFC10 ss:$0x1] =	vst.idx.msk $0xffff, v31;
	v19 =	vld.idx.msk [tilespmem:v9+s24+$0x10 ss:$0x1], $0xffff;
	(pc) =	sbr.rel @p0 .LBB2_25-.Ltmp11, $4  }
0x2a5: {  	v23 =	vadd.f32 v23, v27;
	[tilespmem:v9+s24+$0xFFFFFC20 ss:$0x1] =	vst.idx.msk $0xffff, v21;
	v21 =	vld.idx.msk [tilespmem:v9+s24+$0x20 ss:$0x1], $0xffff  }
0x2a6: {  	v24 =	vadd.f32 v24, v29;
	[tilespmem:v9+s24+$0xFFFFFC30 ss:$0x1] =	vst.idx.msk $0xffff, v22;
	v22 =	vld.idx.msk [tilespmem:v9+s24+$0x30 ss:$0x1], $0xffff  }
0x2a7: {  	v26 =	vadd.f32 v26, v30;
	[tilespmem:v9+s24+$0xFFFFFC40 ss:$0x1] =	vst.idx.msk $0xffff, v23;
	v23 =	vld.idx.msk [tilespmem:v9+s24+$0x40 ss:$0x1], $0xffff  }
0x2a8: {  	s26 =	sadd.s32 $0x2000, s26;
	v25 =	vadd.f32 v28, v32;
	[tilespmem:v9+s24+$0xFFFFFC50 ss:$0x1] =	vst.idx.msk $0xffff, v24;
	v24 =	vld.idx.msk [tilespmem:v9+s24+$0x50 ss:$0x1], $0xffff  }
0x2a9: {  	_ =	sdelay $0x3  }
0x2aa: {  	[tilespmem:v9+s24+$0xFFFFFC60 ss:$0x1] =	vst.idx.msk $0xffff, v26;
	v10 =	vadd.f32 v15, v20  }
0x2ab: {  	v58 =	vld.idx.msk [tilespmem:v9+s24+$0x60 ss:$0x1], $0xffff;
	v12 =	vadd.f32 v12, v19;
	[tilespmem:v9+s24+$0xFFFFFC70 ss:$0x1] =	vst.idx.msk $0xffff, v25  }
0x2ac: {  	s23 =	sadd.s32 $0x1, s23;
	v59 =	vadd.f32 v13, v21;
	[tilespmem:v9+s24+$0x0 ss:$0x1] =	vst.idx.msk $0xffff, v10  }
0x2ad: {  	p0 =	sne.s32 s23, $0x10;
	[tilespmem:v9+s24+$0x10 ss:$0x1] =	vst.idx.msk $0xffff, v12;
	v60 =	vadd.f32 v16, v22  }
.Ltmp12:
0x2ae: {  	v8 =	vbroadcast v8, $0x0;
	[tilespmem:v9+s24+$0x20 ss:$0x1] =	vst.idx.msk $0xffff, v59;
	v61 =	vadd.f32 v17, v23;
	(pc) =	sbr.rel @p0 .LBB2_22-.Ltmp12, $4  }
0x2af: {  	[tilespmem:v9+s24+$0x30 ss:$0x1] =	vst.idx.msk $0xffff, v60;
	v62 =	vadd.f32 v18, v24  }
0x2b0: {  	vm0 =	veq.s32 v8, v5;
	[tilespmem:v9+s24+$0x40 ss:$0x1] =	vst.idx.msk $0xffff, v61;
	v63 =	vadd.f32 v14, v58  }
0x2b1: {  	v8 =	vnsel vm0, $0x0, v11;
	[tilespmem:v9+s24+$0x50 ss:$0x1] =	vst.idx.msk $0xffff, v62  }
0x2b2: {  	s22 =	sadd.s32 $0x400, s22;
	s21 =	sadd.s32 $0x1, s21;
	v6 =	vadd.f32 v8, v6;
	[tilespmem:v9+s24+$0x60 ss:$0x1] =	vst.idx.msk $0xffff, v63  }
0x2b3: {  	s21 =	simm.s32 $0x0  }
0x2b4: {  	[tilespmem:s15], [sflag:$0x2] =	stream.linear.gather [hbm4b:s8+s21], $0x8000, $0x38;
	[tilespmem:$0x14500] =	vst v63  }
0x2b5: {  	_ =	swait.ge [sflag:s16], $0x8000  }
0x2b6: {  	[sflag:s16] =	ssyncset.done $0x0  }
0x2b7: {  	[sflag:s16] =	ssyncadd.s32 $0xFFFF8000  }
0x2b8: {  	s22 =	simm.s32 $0x0;
	s23 =	simm.s32 $0x0;
	v7 =	vld [tilespmem:$0x14440]  }
.LBB2_28:
0x2b9: {  	s24 =	sshll.u32 s22, $0x2;
	s25 =	sand.u32 $0x7, s21  }
0x2ba: {  	s24 =	sand.u32 $0xFFFF8000, s24;
	s25 =	sshll.u32 s25, $0x9  }
0x2bb: {  	s24 =	sor.u32 s25, s24;
	s25 =	simm.s32 $0x14080  }
0x2bc: {  	v14 =	vld [tilespmem:s25+$0x40]  }
0x2bd: {  	v16 =	vld [tilespmem:s25+$0x50]  }
0x2be: {  	v10 =	vld [tilespmem:s25+$0x60]  }
0x2bf: {  	v18 =	vld [tilespmem:s25+$0x0]  }
0x2c0: {  	v21 =	vld [tilespmem:s25+$0x10]  }
0x2c1: {  	v12 =	vld [tilespmem:s25+$0x20]  }
0x2c2: {  	v24 =	vld [tilespmem:s25+$0xFFFFFFC0]  }
0x2c3: {  	v26 =	vld [tilespmem:s25+$0xFFFFFFD0]  }
0x2c4: {  	v32 =	vld [tilespmem:s25+$0xFFFFFFE0]  }
0x2c5: {  	v29 =	vld [tilespmem:s25+$0xFFFFFF80]  }
0x2c6: {  	v31 =	vld [tilespmem:s25+$0xFFFFFF90]  }
0x2c7: {  	v34 =	vld [tilespmem:s25+$0xFFFFFFA0]  }
0x2c8: {  	s24 =	sshrl.u32 s24, $0x2;
	v36 =	vld [tilespmem:s25+$0xFFFFFFB0]  }
0x2c9: {  	v22 =	vld [tilespmem:s25+$0xFFFFFFF0];
	s24 =	sor.u32 $0x400, s24  }
0x2ca: {  	v13 =	vld [tilespmem:s24+$0x40]  }
0x2cb: {  	v15 =	vld [tilespmem:s24+$0x50]  }
0x2cc: {  	v9 =	vld [tilespmem:s24+$0x60]  }
0x2cd: {  	v17 =	vld [tilespmem:s24+$0x0]  }
0x2ce: {  	v20 =	vld [tilespmem:s24+$0x10]  }
0x2cf: {  	v23 =	vld [tilespmem:s24+$0xFFFFFC40]  }
0x2d0: {  	v25 =	vld [tilespmem:s24+$0xFFFFFC50]  }
0x2d1: {  	v27 =	vld [tilespmem:s24+$0xFFFFFC60]  }
0x2d2: {  	v28 =	vld [tilespmem:s24+$0xFFFFFC00]  }
0x2d3: {  	v30 =	vld [tilespmem:s24+$0xFFFFFC10]  }
0x2d4: {  	v8 =	vmov s23;
	v33 =	vld [tilespmem:s24+$0xFFFFFC20]  }
0x2d5: {  	v8 =	vperm.xlane v7, v8;
	v35 =	vld [tilespmem:s24+$0xFFFFFC30];
	v13 =	vmul.f32 v14, v13  }
0x2d6: {  	v11 =	vld [tilespmem:s24+$0x20];
	v14 =	vmul.f32 v16, v15;
	v17 =	vmul.f32 v18, v17  }
0x2d7: {  	v19 =	vld [tilespmem:s24+$0xFFFFFC70];
	v18 =	vmul.f32 v21, v20;
	v23 =	vmul.f32 v24, v23  }
0x2d8: {  	v21 =	vld [tilespmem:s24+$0x30];
	v16 =	vmul.f32 v29, v28;
	v26 =	vmul.f32 v26, v25  }
0x2d9: {  	v25 =	vmul.f32 v31, v30;
	v24 =	vld [tilespmem:s25+$0x30];
	v30 =	vmul.f32 v34, v33  }
0x2da: {  	v15 =	vimm.f32 $0.0e+00;
	v31 =	vmul.f32 v36, v35;
	v20 =	vld [tilespmem:s24+$0x70];
	v27 =	vmul.f32 v32, v27  }
0x2db: {  	s26 =	simm.s32 $0x0;
	s28 =	sadd.s32 $0x800, s24;
	v28 =	vadd.f32 v16, v15;
	v29 =	vadd.f32 v25, v15;
	v25 =	vld [tilespmem:s25+$0x70];
	v16 =	vimm.f32 $0.0e+00  }
.LBB2_29:
0x2dc: {  	v32 =	vld [tilespmem:s28+$0x40];
	v15 =	vadd.f32 v30, v15;
	v16 =	vadd.f32 v31, v16;
	v19 =	vmul.f32 v22, v19;
	s25 =	sadd.s32 $0x100, s25  }
0x2dd: {  	v11 =	vmul.f32 v12, v11;
	v22 =	vld [tilespmem:s25+$0x40];
	v23 =	vadd.f32 v23, v28;
	v26 =	vadd.f32 v26, v29  }
0x2de: {  	v28 =	vld [tilespmem:s28+$0x50];
	v12 =	vadd.f32 v27, v15;
	v15 =	vadd.f32 v19, v16;
	v16 =	vmul.f32 v24, v21  }
0x2df: {  	v19 =	vmul.f32 v10, v9;
	v21 =	vld [tilespmem:s25+$0x50];
	v17 =	vadd.f32 v17, v23;
	v18 =	vadd.f32 v18, v26  }
0x2e0: {  	v9 =	vld [tilespmem:s28+$0x60];
	v11 =	vadd.f32 v11, v12;
	v12 =	vadd.f32 v16, v15;
	v16 =	vmul.f32 v25, v20  }
0x2e1: {  	v10 =	vld [tilespmem:s25+$0x60];
	v25 =	vadd.f32 v13, v17;
	v27 =	vadd.f32 v14, v18  }
0x2e2: {  	v17 =	vld [tilespmem:s28+$0x0];
	v15 =	vadd.f32 v19, v11;
	v16 =	vadd.f32 v16, v12  }
0x2e3: {  	v18 =	vld [tilespmem:s25+$0x0]  }
0x2e4: {  	v20 =	vld [tilespmem:s28+$0x10]  }
0x2e5: {  	v23 =	vld [tilespmem:s25+$0x10]  }
0x2e6: {  	v11 =	vld [tilespmem:s28+$0x20]  }
0x2e7: {  	v12 =	vld [tilespmem:s25+$0x20]  }
0x2e8: {  	v24 =	vld [tilespmem:s28+$0xFFFFFC40]  }
0x2e9: {  	v26 =	vld [tilespmem:s25+$0xFFFFFFC0]  }
0x2ea: {  	v29 =	vld [tilespmem:s28+$0xFFFFFC50]  }
0x2eb: {  	v30 =	vld [tilespmem:s25+$0xFFFFFFD0]  }
0x2ec: {  	v33 =	vld [tilespmem:s28+$0xFFFFFC60]  }
0x2ed: {  	v34 =	vld [tilespmem:s25+$0xFFFFFFE0]  }
0x2ee: {  	v31 =	vld [tilespmem:s28+$0xFFFFFC00]  }
0x2ef: {  	v35 =	vld [tilespmem:s25+$0xFFFFFF80]  }
0x2f0: {  	v36 =	vld [tilespmem:s28+$0xFFFFFC10]  }
0x2f1: {  	v37 =	vld [tilespmem:s25+$0xFFFFFF90]  }
0x2f2: {  	v38 =	vld [tilespmem:s28+$0xFFFFFC20]  }
0x2f3: {  	v39 =	vld [tilespmem:s25+$0xFFFFFFA0]  }
0x2f4: {  	v40 =	vld [tilespmem:s28+$0xFFFFFC30]  }
0x2f5: {  	s26 =	sadd.s32 $0x4, s26;
	v41 =	vld [tilespmem:s25+$0xFFFFFFB0]  }
0x2f6: {  	p0 =	slt.u32 s26, $0xC;
	v13 =	vmul.f32 v22, v32;
	v14 =	vmul.f32 v21, v28;
	v19 =	vld [tilespmem:s28+$0xFFFFFC70]  }
.Ltmp13:
0x2f7: {  	v17 =	vmul.f32 v18, v17;
	v18 =	vmul.f32 v23, v20;
	v22 =	vld [tilespmem:s25+$0xFFFFFFF0];
	(pc) =	sbr.rel @p0 .LBB2_29-.Ltmp13, $4  }
0x2f8: {  	v23 =	vmul.f32 v26, v24;
	v26 =	vmul.f32 v30, v29;
	v21 =	vld [tilespmem:s28+$0x30]  }
0x2f9: {  	v28 =	vmul.f32 v35, v31;
	v29 =	vmul.f32 v37, v36;
	v24 =	vld [tilespmem:s25+$0x30]  }
0x2fa: {  	v30 =	vmul.f32 v39, v38;
	v31 =	vmul.f32 v41, v40;
	v20 =	vld [tilespmem:s28+$0x70]  }
0x2fb: {  	v28 =	vadd.f32 v28, v25;
	v29 =	vadd.f32 v29, v27;
	v27 =	vmul.f32 v34, v33;
	s28 =	sadd.s32 $0x800, s28;
	v25 =	vld [tilespmem:s25+$0x70]  }
0x2fc: {  	v15 =	vadd.f32 v30, v15;
	v16 =	vadd.f32 v31, v16;
	v19 =	vmul.f32 v22, v19  }
0x2fd: {  	v11 =	vmul.f32 v12, v11;
	v22 =	vadd.f32 v23, v28;
	v23 =	vadd.f32 v26, v29  }
0x2fe: {  	v12 =	vadd.f32 v27, v15;
	v15 =	vadd.f32 v19, v16;
	v16 =	vmul.f32 v24, v21  }
0x2ff: {  	v9 =	vmul.f32 v10, v9;
	v17 =	vadd.f32 v17, v22;
	v18 =	vadd.f32 v18, v23  }
0x300: {  	v10 =	vadd.f32 v11, v12;
	v11 =	vadd.f32 v16, v15;
	v12 =	vmul.f32 v25, v20  }
0x301: {  	v13 =	vadd.f32 v13, v17;
	v14 =	vadd.f32 v14, v18  }
0x302: {  	v9 =	vadd.f32 v9, v10;
	v10 =	vadd.f32 v12, v11;
	_ =	sdelay $0x1  }
0x303: {  	v11 =	vadd.f32 v14, v13;
	v9 =	vadd.f32 v10, v9;
	_ =	sdelay $0x1  }
0x304: {  	v9 =	vadd.f32 v9, v11;
	_ =	sdelay $0x1  }
0x305: {  	v10 =	vperm.xlane v9, v0;
	_ =	sdelay $0x1  }
0x306: {  	(v2sf) =	vpush v8, $0x0;
	v9 =	vadd.f32 v10, v9;
	_ =	sdelay $0x1  }
0x307: {  	v10 =	vperm.xlane v9, v1;
	_ =	sdelay $0x1  }
0x308: {  	v9 =	vadd.f32 v10, v9;
	_ =	sdelay $0x1  }
0x309: {  	v10 =	vperm.xlane v9, v2  }
0x30a: {  	v54 =	vld [tilespmem:s24+$0x40]  }
0x30b: {  	v55 =	vld [tilespmem:s24+$0x50];
	v9 =	vadd.f32 v10, v9  }
0x30c: {  	v56 =	vld [tilespmem:s24+$0x60]  }
0x30d: {  	v19 =	vld [tilespmem:s24+$0xFFFFFC70];
	v13 =	vperm.xlane v9, v4  }
0x30e: {  	v21 =	vld [tilespmem:s24+$0x10]  }
0x30f: {  	v22 =	vld [tilespmem:s24+$0x20];
	v9 =	vadd.f32 v13, v9  }
0x310: {  	v23 =	vld [tilespmem:s24+$0x30]  }
0x311: {  	v15 =	vld [tilespmem:s24+$0xFFFFFC20];
	v9 =	vmul.f32 $1.442695020e+00, v9  }
0x312: {  	v16 =	vld [tilespmem:s24+$0xFFFFFC40];
	s25 =	spop (v2sf)  }
0x313: {  	v20 =	vld [tilespmem:s24+$0x0];
	s26 =	sshll.u32 s25, $0xC;
	s25 =	sand.u32 $0x7, s25;
	(erf) = vpow2.f32 v9  }
0x314: {  	v17 =	vld [tilespmem:s24+$0xFFFFFC50];
	s26 =	sand.u32 $0xFFFF8000, s26;
	s25 =	sshll.u32 s25, $0x9  }
0x315: {  	v18 =	vld [tilespmem:s24+$0xFFFFFC60];
	s25 =	sor.u32 s25, s26  }
0x316: {  	v14 =	vld [tilespmem:s24+$0xFFFFFC10];
	s25 =	sshra.s32 s25, $0x2  }
0x317: {  	v11 =	vld [tilespmem:s24+$0x70];
	s25 =	sadd.s32 $0x10400, s25  }
0x318: {  	v12 =	vld [tilespmem:s25+$0x70]  }
0x319: {  	v57 =	vld [tilespmem:s25+$0xFFFFFC10]  }
0x31a: {  	v13 =	vld [tilespmem:s24+$0xFFFFFC30]  }
0x31b: {  	v58 =	vld [tilespmem:s25+$0xFFFFFC20]  }
0x31c: {  	v59 =	vld [tilespmem:s25+$0xFFFFFC30];
	v9 =	vpop (erf)  }
0x31d: {  	v60 =	vld [tilespmem:s25+$0xFFFFFC40];
	v11 =	vmul.f32 v11, v9  }
0x31e: {  	v61 =	vld [tilespmem:s25+$0xFFFFFC60];
	v14 =	vmul.f32 v14, v9  }
0x31f: {  	v13 =	vmul.f32 v13, v9;
	v11 =	vadd.f32 v11, v12;
	v12 =	vmul.f32 v15, v9;
	v15 =	vld [tilespmem:s25+$0xFFFFFC50]  }
0x320: {  	v10 =	vld [tilespmem:s24+$0xFFFFFC00];
	v14 =	vadd.f32 v14, v57  }
0x321: {  	v13 =	vadd.f32 v13, v59;
	[tilespmem:s25+$0x70] =	vst v11;
	v11 =	vmul.f32 v16, v9;
	v16 =	vld [tilespmem:s25+$0xFFFFFC70]  }
0x322: {  	v17 =	vmul.f32 v17, v9;
	v12 =	vadd.f32 v12, v58;
	[tilespmem:s25+$0xFFFFFC10] =	vst v14;
	v14 =	vld [tilespmem:s25+$0x0]  }
0x323: {  	v62 =	vld [tilespmem:s25+$0x10];
	v18 =	vmul.f32 v18, v9;
	[tilespmem:s25+$0xFFFFFC30] =	vst v13;
	v11 =	vadd.f32 v11, v60  }
0x324: {  	v63 =	vld [tilespmem:s25+$0x20];
	[tilespmem:s25+$0xFFFFFC20] =	vst v12;
	v12 =	vmul.f32 v19, v9;
	v13 =	vadd.f32 v17, v15  }
0x325: {  	v17 =	vmul.f32 v20, v9;
	v15 =	vld [tilespmem:s25+$0x30];
	[tilespmem:s25+$0xFFFFFC40] =	vst v11;
	v11 =	vadd.f32 v18, v61  }
0x326: {  	v19 =	vmul.f32 v21, v9;
	[tilespmem:s25+$0xFFFFFC50] =	vst v13;
	v12 =	vadd.f32 v12, v16;
	v16 =	vld [tilespmem:s25+$0x40]  }
0x327: {  	v10 =	vmul.f32 v10, v9;
	v21 =	vmul.f32 v22, v9;
	v22 =	vadd.f32 v17, v14;
	v17 =	vld [tilespmem:s25+$0x50];
	[tilespmem:s25+$0xFFFFFC60] =	vst v11  }
0x328: {  	v18 =	vld [tilespmem:s25+$0x60];
	v20 =	vadd.f32 v19, v62;
	v13 =	vmul.f32 v23, v9;
	v14 =	vmul.f32 v54, v9;
	[tilespmem:s25+$0xFFFFFC70] =	vst v12  }
0x329: {  	s28 =	sadd.s32 $0x800, s24;
	s26 =	simm.s32 $0x0;
	s24 =	smov.u32 s25;
	v19 =	vld [tilespmem:s25+$0xFFFFFC00];
	v21 =	vadd.f32 v21, v63;
	v11 =	vmul.f32 v55, v9;
	v12 =	vmul.f32 v56, v9;
	[tilespmem:s25+$0x0] =	vst v22  }
.LBB2_31:
0x32a: {  	v22 =	vld [tilespmem:s28+$0x70];
	s26 =	sadd.s32 $0x10, s26;
	[tilespmem:s25+$0x10] =	vst v20;
	v13 =	vadd.f32 v13, v15  }
0x32b: {  	s25 =	sadd.s32 $0x800, s25;
	v15 =	vld [tilespmem:s28+$0xFFFFFC00];
	p0 =	slt.u32 s26, $0x30;
	[tilespmem:s24+$0x20] =	vst v21;
	v14 =	vadd.f32 v14, v16  }
0x32c: {  	v16 =	vld [tilespmem:s25+$0x70];
	[tilespmem:s24+$0x30] =	vst v13;
	v11 =	vadd.f32 v11, v17  }
0x32d: {  	v13 =	vld [tilespmem:s28+$0xFFFFFC10];
	[tilespmem:s24+$0x40] =	vst v14;
	v12 =	vadd.f32 v12, v18  }
0x32e: {  	v14 =	vld [tilespmem:s28+$0xFFFFFC20];
	v17 =	vadd.f32 v10, v19;
	[tilespmem:s24+$0x50] =	vst v11  }
0x32f: {  	v11 =	vld [tilespmem:s28+$0xFFFFFC30];
	v18 =	vmul.f32 v22, v9;
	[tilespmem:s24+$0x60] =	vst v12  }
0x330: {  	v10 =	vmul.f32 v15, v9;
	v12 =	vld [tilespmem:s28+$0xFFFFFC40];
	[tilespmem:s24+$0xFFFFFC00] =	vst v17;
	s24 =	smov.u32 s25  }
0x331: {  	v15 =	vld [tilespmem:s28+$0xFFFFFC50];
	v16 =	vadd.f32 v18, v16  }
0x332: {  	v17 =	vmul.f32 v13, v9;
	v13 =	vld [tilespmem:s28+$0xFFFFFC60]  }
0x333: {  	v18 =	vmul.f32 v14, v9;
	v14 =	vld [tilespmem:s28+$0xFFFFFC70];
	[tilespmem:s25+$0x70] =	vst v16  }
0x334: {  	v16 =	vmul.f32 v11, v9;
	v11 =	vld [tilespmem:s28+$0x0]  }
0x335: {  	v19 =	vmul.f32 v12, v9;
	v12 =	vld [tilespmem:s28+$0x10]  }
0x336: {  	v15 =	vmul.f32 v15, v9;
	v20 =	vld [tilespmem:s28+$0x20]  }
0x337: {  	v21 =	vmul.f32 v13, v9;
	v13 =	vld [tilespmem:s28+$0x30]  }
0x338: {  	v22 =	vmul.f32 v14, v9;
	v14 =	vld [tilespmem:s28+$0x40]  }
0x339: {  	v23 =	vmul.f32 v11, v9;
	v11 =	vld [tilespmem:s28+$0x50]  }
0x33a: {  	v24 =	vmul.f32 v12, v9;
	v12 =	vld [tilespmem:s28+$0x60]  }
0x33b: {  	v25 =	vld [tilespmem:s25+$0xFFFFFC10];
	v26 =	vmul.f32 v20, v9  }
0x33c: {  	v20 =	vld [tilespmem:s25+$0xFFFFFC20];
	v13 =	vmul.f32 v13, v9  }
0x33d: {  	v27 =	vld [tilespmem:s25+$0xFFFFFC30];
	v14 =	vmul.f32 v14, v9  }
0x33e: {  	v28 =	vld [tilespmem:s25+$0xFFFFFC40];
	v11 =	vmul.f32 v11, v9  }
0x33f: {  	v29 =	vld [tilespmem:s25+$0xFFFFFC50];
	v12 =	vmul.f32 v12, v9  }
0x340: {  	v17 =	vadd.f32 v17, v25;
	v25 =	vld [tilespmem:s25+$0xFFFFFC60]  }
0x341: {  	v18 =	vadd.f32 v18, v20;
	v20 =	vld [tilespmem:s25+$0xFFFFFC70]  }
0x342: {  	[tilespmem:s25+$0xFFFFFC10] =	vst v17;
	v16 =	vadd.f32 v16, v27;
	v17 =	vld [tilespmem:s25+$0x0]  }
0x343: {  	[tilespmem:s25+$0xFFFFFC20] =	vst v18;
	v18 =	vadd.f32 v19, v28;
	v19 =	vld [tilespmem:s25+$0x10]  }
0x344: {  	[tilespmem:s25+$0xFFFFFC30] =	vst v16;
	v16 =	vadd.f32 v15, v29;
	v27 =	vld [tilespmem:s25+$0x20]  }
.Ltmp14:
0x345: {  	[tilespmem:s25+$0xFFFFFC40] =	vst v18;
	v18 =	vadd.f32 v21, v25;
	v15 =	vld [tilespmem:s25+$0x30];
	(pc) =	sbr.rel @p0 .LBB2_31-.Ltmp14, $4  }
0x346: {  	[tilespmem:s25+$0xFFFFFC50] =	vst v16;
	v20 =	vadd.f32 v22, v20;
	v16 =	vld [tilespmem:s25+$0x40]  }
0x347: {  	[tilespmem:s25+$0xFFFFFC60] =	vst v18;
	v21 =	vadd.f32 v23, v17;
	v17 =	vld [tilespmem:s25+$0x50]  }
0x348: {  	[tilespmem:s25+$0xFFFFFC70] =	vst v20;
	v20 =	vadd.f32 v24, v19;
	v18 =	vld [tilespmem:s25+$0x60]  }
0x349: {  	s28 =	sadd.s32 $0x800, s28;
	v19 =	vld [tilespmem:s25+$0xFFFFFC00];
	[tilespmem:s25+$0x0] =	vst v21;
	v21 =	vadd.f32 v26, v27  }
0x34a: {  	[tilespmem:s25+$0x10] =	vst v20;
	v13 =	vadd.f32 v13, v15;
	s23 =	sadd.s32 $0x1, s23  }
0x34b: {  	[tilespmem:s24+$0x20] =	vst v21;
	v14 =	vadd.f32 v14, v16;
	p0 =	sne.s32 s23, $0x10  }
.Ltmp15:
0x34c: {  	v8 =	vbroadcast v8, $0x0;
	[tilespmem:s24+$0x30] =	vst v13;
	v11 =	vadd.f32 v11, v17;
	(pc) =	sbr.rel @p0 .LBB2_28-.Ltmp15, $4  }
0x34d: {  	[tilespmem:s24+$0x40] =	vst v14;
	v12 =	vadd.f32 v12, v18  }
0x34e: {  	vm0 =	veq.s32 v8, v5;
	v10 =	vadd.f32 v10, v19;
	[tilespmem:s24+$0x50] =	vst v11  }
0x34f: {  	v8 =	vnsel vm0, $0x0, v9;
	[tilespmem:s24+$0x60] =	vst v12  }
0x350: {  	s22 =	sadd.s32 $0x400, s22;
	s21 =	sadd.s32 $0x1, s21;
	v6 =	vadd.f32 v8, v6;
	[tilespmem:s24+$0xFFFFFC00] =	vst v10  }
0x351: {  	s21 =	simm.s32 $0x0;
	v7 =	vld [tilespmem:$0x14450];
	s22 =	simm.s32 $0x0;
	s23 =	simm.s32 $0x0  }
.LBB2_34:
0x352: {  	s24 =	sshll.u32 s22, $0x2;
	s25 =	sand.u32 $0x7, s21  }
0x353: {  	s24 =	sand.u32 $0xFFFF8000, s24;
	s25 =	sshll.u32 s25, $0x9  }
0x354: {  	s24 =	sor.u32 s25, s24;
	s25 =	simm.s32 $0x14080  }
0x355: {  	v14 =	vld [tilespmem:s25+$0x40]  }
0x356: {  	v16 =	vld [tilespmem:s25+$0x50]  }
0x357: {  	v10 =	vld [tilespmem:s25+$0x60]  }
0x358: {  	v18 =	vld [tilespmem:s25+$0x0]  }
0x359: {  	v21 =	vld [tilespmem:s25+$0x10]  }
0x35a: {  	v12 =	vld [tilespmem:s25+$0x20]  }
0x35b: {  	v24 =	vld [tilespmem:s25+$0xFFFFFFC0]  }
0x35c: {  	v26 =	vld [tilespmem:s25+$0xFFFFFFD0]  }
0x35d: {  	v32 =	vld [tilespmem:s25+$0xFFFFFFE0]  }
0x35e: {  	v29 =	vld [tilespmem:s25+$0xFFFFFF80]  }
0x35f: {  	v31 =	vld [tilespmem:s25+$0xFFFFFF90]  }
0x360: {  	v34 =	vld [tilespmem:s25+$0xFFFFFFA0]  }
0x361: {  	s24 =	sshrl.u32 s24, $0x2;
	v36 =	vld [tilespmem:s25+$0xFFFFFFB0]  }
0x362: {  	v22 =	vld [tilespmem:s25+$0xFFFFFFF0];
	s28 =	sadd.s32 $0x4000, s24  }
0x363: {  	v13 =	vld [tilespmem:s28+$0x440]  }
0x364: {  	v15 =	vld [tilespmem:s28+$0x450]  }
0x365: {  	v9 =	vld [tilespmem:s28+$0x460]  }
0x366: {  	v17 =	vld [tilespmem:s28+$0x400]  }
0x367: {  	v20 =	vld [tilespmem:s28+$0x410]  }
0x368: {  	v23 =	vld [tilespmem:s28+$0x40]  }
0x369: {  	v25 =	vld [tilespmem:s28+$0x50]  }
0x36a: {  	v27 =	vld [tilespmem:s28+$0x60]  }
0x36b: {  	v28 =	vld [tilespmem:s28+$0x0]  }
0x36c: {  	v30 =	vld [tilespmem:s28+$0x10]  }
0x36d: {  	v8 =	vmov s23;
	v33 =	vld [tilespmem:s28+$0x20]  }
0x36e: {  	v8 =	vperm.xlane v7, v8;
	v35 =	vld [tilespmem:s28+$0x30];
	v13 =	vmul.f32 v14, v13  }
0x36f: {  	v11 =	vld [tilespmem:s28+$0x420];
	v14 =	vmul.f32 v16, v15;
	v17 =	vmul.f32 v18, v17  }
0x370: {  	v19 =	vld [tilespmem:s28+$0x70];
	v18 =	vmul.f32 v21, v20;
	v23 =	vmul.f32 v24, v23  }
0x371: {  	v20 =	vld [tilespmem:s28+$0x430];
	v16 =	vmul.f32 v29, v28;
	v26 =	vmul.f32 v26, v25  }
0x372: {  	v25 =	vmul.f32 v31, v30;
	v24 =	vld [tilespmem:s25+$0x30];
	v30 =	vmul.f32 v34, v33  }
0x373: {  	v15 =	vimm.f32 $0.0e+00;
	v31 =	vmul.f32 v36, v35;
	v21 =	vld [tilespmem:s28+$0x470];
	v27 =	vmul.f32 v32, v27  }
0x374: {  	s26 =	simm.s32 $0x0;
	s28 =	sadd.s32 $0x800, s28;
	v28 =	vadd.f32 v16, v15;
	v29 =	vadd.f32 v25, v15;
	v25 =	vld [tilespmem:s25+$0x70];
	v16 =	vimm.f32 $0.0e+00  }
.LBB2_35:
0x375: {  	v32 =	vld [tilespmem:s28+$0x440];
	v15 =	vadd.f32 v30, v15;
	v16 =	vadd.f32 v31, v16;
	v19 =	vmul.f32 v22, v19;
	s25 =	sadd.s32 $0x100, s25  }
0x376: {  	v11 =	vmul.f32 v12, v11;
	v22 =	vld [tilespmem:s25+$0x40];
	v23 =	vadd.f32 v23, v28;
	v26 =	vadd.f32 v26, v29  }
0x377: {  	v28 =	vld [tilespmem:s28+$0x450];
	v12 =	vadd.f32 v27, v15;
	v15 =	vadd.f32 v19, v16;
	v16 =	vmul.f32 v24, v20  }
0x378: {  	v19 =	vmul.f32 v10, v9;
	v20 =	vld [tilespmem:s25+$0x50];
	v17 =	vadd.f32 v17, v23;
	v18 =	vadd.f32 v18, v26  }
0x379: {  	v9 =	vld [tilespmem:s28+$0x460];
	v11 =	vadd.f32 v11, v12;
	v12 =	vadd.f32 v16, v15;
	v16 =	vmul.f32 v25, v21  }
0x37a: {  	v10 =	vld [tilespmem:s25+$0x60];
	v25 =	vadd.f32 v13, v17;
	v27 =	vadd.f32 v14, v18  }
0x37b: {  	v17 =	vld [tilespmem:s28+$0x400];
	v15 =	vadd.f32 v19, v11;
	v16 =	vadd.f32 v16, v12  }
0x37c: {  	v18 =	vld [tilespmem:s25+$0x0]  }
0x37d: {  	v21 =	vld [tilespmem:s28+$0x410]  }
0x37e: {  	v23 =	vld [tilespmem:s25+$0x10]  }
0x37f: {  	v11 =	vld [tilespmem:s28+$0x420]  }
0x380: {  	v12 =	vld [tilespmem:s25+$0x20]  }
0x381: {  	v24 =	vld [tilespmem:s28+$0x40]  }
0x382: {  	v26 =	vld [tilespmem:s25+$0xFFFFFFC0]  }
0x383: {  	v29 =	vld [tilespmem:s28+$0x50]  }
0x384: {  	v30 =	vld [tilespmem:s25+$0xFFFFFFD0]  }
0x385: {  	v33 =	vld [tilespmem:s28+$0x60]  }
0x386: {  	v34 =	vld [tilespmem:s25+$0xFFFFFFE0]  }
0x387: {  	v31 =	vld [tilespmem:s28+$0x0]  }
0x388: {  	v35 =	vld [tilespmem:s25+$0xFFFFFF80]  }
0x389: {  	v36 =	vld [tilespmem:s28+$0x10]  }
0x38a: {  	v37 =	vld [tilespmem:s25+$0xFFFFFF90]  }
0x38b: {  	v38 =	vld [tilespmem:s28+$0x20]  }
0x38c: {  	v39 =	vld [tilespmem:s25+$0xFFFFFFA0]  }
0x38d: {  	v40 =	vld [tilespmem:s28+$0x30]  }
0x38e: {  	s26 =	sadd.s32 $0x4, s26;
	v41 =	vld [tilespmem:s25+$0xFFFFFFB0]  }
0x38f: {  	p0 =	slt.u32 s26, $0xC;
	v13 =	vmul.f32 v22, v32;
	v14 =	vmul.f32 v20, v28;
	v19 =	vld [tilespmem:s28+$0x70]  }
.Ltmp16:
0x390: {  	v17 =	vmul.f32 v18, v17;
	v18 =	vmul.f32 v23, v21;
	v22 =	vld [tilespmem:s25+$0xFFFFFFF0];
	(pc) =	sbr.rel @p0 .LBB2_35-.Ltmp16, $4  }
0x391: {  	v23 =	vmul.f32 v26, v24;
	v26 =	vmul.f32 v30, v29;
	v20 =	vld [tilespmem:s28+$0x430]  }
0x392: {  	v28 =	vmul.f32 v35, v31;
	v29 =	vmul.f32 v37, v36;
	v24 =	vld [tilespmem:s25+$0x30]  }
0x393: {  	v30 =	vmul.f32 v39, v38;
	v31 =	vmul.f32 v41, v40;
	v21 =	vld [tilespmem:s28+$0x470]  }
0x394: {  	v28 =	vadd.f32 v28, v25;
	v29 =	vadd.f32 v29, v27;
	v27 =	vmul.f32 v34, v33;
	s28 =	sadd.s32 $0x800, s28;
	v25 =	vld [tilespmem:s25+$0x70]  }
0x395: {  	v15 =	vadd.f32 v30, v15;
	v16 =	vadd.f32 v31, v16;
	v19 =	vmul.f32 v22, v19  }
0x396: {  	v11 =	vmul.f32 v12, v11;
	v22 =	vadd.f32 v23, v28;
	v23 =	vadd.f32 v26, v29  }
0x397: {  	v12 =	vadd.f32 v27, v15;
	v15 =	vadd.f32 v19, v16;
	v16 =	vmul.f32 v24, v20  }
0x398: {  	v9 =	vmul.f32 v10, v9;
	v17 =	vadd.f32 v17, v22;
	v18 =	vadd.f32 v18, v23  }
0x399: {  	v10 =	vadd.f32 v11, v12;
	v11 =	vadd.f32 v16, v15;
	v12 =	vmul.f32 v25, v21  }
0x39a: {  	v13 =	vadd.f32 v13, v17;
	v14 =	vadd.f32 v14, v18  }
0x39b: {  	v9 =	vadd.f32 v9, v10;
	v10 =	vadd.f32 v12, v11;
	_ =	sdelay $0x1  }
0x39c: {  	v11 =	vadd.f32 v14, v13;
	v9 =	vadd.f32 v10, v9;
	_ =	sdelay $0x1  }
0x39d: {  	(v2sf) =	vpush v8, $0x0;
	v9 =	vadd.f32 v9, v11;
	_ =	sdelay $0x1  }
0x39e: {  	v10 =	vperm.xlane v9, v0;
	_ =	sdelay $0x1  }
0x39f: {  	v9 =	vadd.f32 v10, v9;
	_ =	sdelay $0x1  }
0x3a0: {  	v10 =	vmov s24;
	v11 =	vperm.xlane v9, v1;
	_ =	sdelay $0x1  }
0x3a1: {  	v11 =	vadd.f32 v11, v9;
	_ =	sdelay $0x1  }
0x3a2: {  	s24 =	simm.s32 $0x0;
	v12 =	vperm.xlane v11, v2  }
0x3a3: {  	v13 =	vld.idx.msk [tilespmem:v10+s24+$0x4000 ss:$0x1], $0xffff  }
0x3a4: {  	v16 =	vld.idx.msk [tilespmem:v10+s24+$0x4010 ss:$0x1], $0xffff;
	v11 =	vadd.f32 v12, v11  }
0x3a5: {  	v17 =	vld.idx.msk [tilespmem:v10+s24+$0x4030 ss:$0x1], $0xffff  }
0x3a6: {  	v18 =	vld.idx.msk [tilespmem:v10+s24+$0x4040 ss:$0x1], $0xffff;
	v14 =	vperm.xlane v11, v4  }
0x3a7: {  	s25 =	spop (v2sf);
	v19 =	vld.idx.msk [tilespmem:v10+s24+$0x4050 ss:$0x1], $0xffff  }
0x3a8: {  	s26 =	sshll.u32 s25, $0xC;
	s25 =	sand.u32 $0x7, s25;
	v20 =	vld.idx.msk [tilespmem:v10+s24+$0x4060 ss:$0x1], $0xffff;
	v11 =	vadd.f32 v14, v11  }
0x3a9: {  	s26 =	sand.u32 $0xFFFF8000, s26;
	s25 =	sshll.u32 s25, $0x9;
	v21 =	vld.idx.msk [tilespmem:v10+s24+$0x4070 ss:$0x1], $0xffff  }
0x3aa: {  	s25 =	sor.u32 s25, s26;
	v22 =	vld.idx.msk [tilespmem:v10+s24+$0x4400 ss:$0x1], $0xffff;
	v11 =	vmul.f32 $1.442695020e+00, v11  }
0x3ab: {  	s25 =	sshra.s32 s25, $0x2;
	v23 =	vld.idx.msk [tilespmem:v10+s24+$0x4410 ss:$0x1], $0xffff  }
0x3ac: {  	v24 =	vld.idx.msk [tilespmem:v10+s24+$0x4420 ss:$0x1], $0xffff;
	s31 =	sadd.s32 $0x10400, s25;
	(erf) = vpow2.f32 v11  }
0x3ad: {  	v25 =	vld.idx.msk [tilespmem:v10+s24+$0x4430 ss:$0x1], $0xffff;
	v9 =	vmov s31  }
0x3ae: {  	v26 =	vld.idx.msk [tilespmem:v10+s24+$0x4440 ss:$0x1], $0xffff  }
0x3af: {  	v27 =	vld.idx.msk [tilespmem:v10+s24+$0x4450 ss:$0x1], $0xffff  }
0x3b0: {  	v58 =	vld.idx.msk [tilespmem:v10+s24+$0x4460 ss:$0x1], $0xffff  }
0x3b1: {  	v12 =	vld.idx.msk [tilespmem:v10+s24+$0x4470 ss:$0x1], $0xffff  }
0x3b2: {  	v15 =	vld.idx.msk [tilespmem:v9+s24+$0x70 ss:$0x1], $0xffff  }
0x3b3: {  	v14 =	vld.idx.msk [tilespmem:v10+s24+$0x4020 ss:$0x1], $0xffff  }
0x3b4: {  	v59 =	vld.idx.msk [tilespmem:v9+s24+$0xFFFFFC00 ss:$0x1], $0xffff  }
0x3b5: {  	v60 =	vld.idx.msk [tilespmem:v9+s24+$0xFFFFFC10 ss:$0x1], $0xffff;
	v11 =	vpop (erf)  }
0x3b6: {  	v61 =	vld.idx.msk [tilespmem:v9+s24+$0xFFFFFC20 ss:$0x1], $0xffff;
	v12 =	vmul.f32 v12, v11  }
0x3b7: {  	v32 =	vld.idx.msk [tilespmem:v9+s24+$0xFFFFFC30 ss:$0x1], $0xffff;
	v13 =	vmul.f32 v13, v11;
	v16 =	vmul.f32 v16, v11  }
0x3b8: {  	v62 =	vld.idx.msk [tilespmem:v9+s24+$0xFFFFFC60 ss:$0x1], $0xffff;
	v14 =	vmul.f32 v14, v11;
	v17 =	vmul.f32 v17, v11  }
0x3b9: {  	v33 =	vld.idx.msk [tilespmem:v9+s24+$0xFFFFFC40 ss:$0x1], $0xffff;
	v18 =	vmul.f32 v18, v11;
	v35 =	vmul.f32 v19, v11;
	v12 =	vadd.f32 v12, v15  }
0x3ba: {  	v34 =	vld.idx.msk [tilespmem:v9+s24+$0xFFFFFC50 ss:$0x1], $0xffff;
	v36 =	vmul.f32 v20, v11;
	v37 =	vmul.f32 v21, v11;
	v13 =	vadd.f32 v13, v59  }
0x3bb: {  	v63 =	vld.idx.msk [tilespmem:v9+s24+$0xFFFFFC70 ss:$0x1], $0xffff;
	v15 =	vmul.f32 v22, v11;
	v16 =	vadd.f32 v16, v60;
	[tilespmem:v9+s24+$0x70 ss:$0x1] =	vst.idx.msk $0xffff, v12  }
0x3bc: {  	v20 =	vld.idx.msk [tilespmem:v9+s24+$0x0 ss:$0x1], $0xffff;
	v14 =	vadd.f32 v14, v61;
	v22 =	vadd.f32 v17, v32;
	[tilespmem:v9+s24+$0xFFFFFC00 ss:$0x1] =	vst.idx.msk $0xffff, v13  }
0x3bd: {  	v19 =	vld.idx.msk [tilespmem:v9+s24+$0x10 ss:$0x1], $0xffff;
	v17 =	vmul.f32 v26, v11;
	v26 =	vadd.f32 v36, v62;
	[tilespmem:v9+s24+$0xFFFFFC10 ss:$0x1] =	vst.idx.msk $0xffff, v16  }
0x3be: {  	v21 =	vld.idx.msk [tilespmem:v9+s24+$0x20 ss:$0x1], $0xffff;
	v12 =	vmul.f32 v23, v11;
	[tilespmem:v9+s24+$0xFFFFFC20 ss:$0x1] =	vst.idx.msk $0xffff, v14;
	v23 =	vadd.f32 v18, v33  }
0x3bf: {  	v13 =	vmul.f32 v24, v11;
	[tilespmem:v9+s24+$0xFFFFFC30 ss:$0x1] =	vst.idx.msk $0xffff, v22;
	v24 =	vadd.f32 v35, v34;
	v22 =	vld.idx.msk [tilespmem:v9+s24+$0x30 ss:$0x1], $0xffff  }
0x3c0: {  	v16 =	vmul.f32 v25, v11;
	v18 =	vmul.f32 v27, v11;
	[tilespmem:v9+s24+$0xFFFFFC40 ss:$0x1] =	vst.idx.msk $0xffff, v23;
	v23 =	vld.idx.msk [tilespmem:v9+s24+$0x40 ss:$0x1], $0xffff  }
0x3c1: {  	s26 =	simm.s32 $0x2000;
	s25 =	simm.s32 $0x0;
	v14 =	vmul.f32 v58, v11;
	v25 =	vadd.f32 v37, v63;
	[tilespmem:v9+s24+$0xFFFFFC50 ss:$0x1] =	vst.idx.msk $0xffff, v24;
	v24 =	vld.idx.msk [tilespmem:v9+s24+$0x50 ss:$0x1], $0xffff  }
.LBB2_37:
0x3c2: {  	s28 =	sshra.s32 s26, $0x2;
	s25 =	sadd.s32 $0x10, s25;
	[tilespmem:v9+s24+$0xFFFFFC60 ss:$0x1] =	vst.idx.msk $0xffff, v26;
	v15 =	vadd.f32 v15, v20;
	v20 =	vld.idx.msk [tilespmem:v9+s24+$0x60 ss:$0x1], $0xffff  }
0x3c3: {  	v12 =	vadd.f32 v12, v19;
	v26 =	vld.idx.msk [tilespmem:v10+s28+$0x4470 ss:$0x1], $0xffff;
	p0 =	slt.u32 s25, $0x30;
	[tilespmem:v9+s24+$0xFFFFFC70 ss:$0x1] =	vst.idx.msk $0xffff, v25  }
0x3c4: {  	v13 =	vadd.f32 v13, v21;
	v19 =	vld.idx.msk [tilespmem:v10+s28+$0x4000 ss:$0x1], $0xffff;
	[tilespmem:v9+s24+$0x0 ss:$0x1] =	vst.idx.msk $0xffff, v15  }
0x3c5: {  	v15 =	vld.idx.msk [tilespmem:v9+s28+$0x70 ss:$0x1], $0xffff;
	[tilespmem:v9+s24+$0x10 ss:$0x1] =	vst.idx.msk $0xffff, v12;
	v12 =	vadd.f32 v16, v22  }
0x3c6: {  	v16 =	vld.idx.msk [tilespmem:v10+s28+$0x4010 ss:$0x1], $0xffff;
	[tilespmem:v9+s24+$0x20 ss:$0x1] =	vst.idx.msk $0xffff, v13;
	v13 =	vadd.f32 v17, v23  }
0x3c7: {  	v17 =	vld.idx.msk [tilespmem:v10+s28+$0x4020 ss:$0x1], $0xffff;
	[tilespmem:v9+s24+$0x30 ss:$0x1] =	vst.idx.msk $0xffff, v12;
	v12 =	vadd.f32 v18, v24  }
0x3c8: {  	v18 =	vld.idx.msk [tilespmem:v10+s28+$0x4030 ss:$0x1], $0xffff;
	[tilespmem:v9+s24+$0x40 ss:$0x1] =	vst.idx.msk $0xffff, v13;
	v13 =	vadd.f32 v14, v20  }
0x3c9: {  	v20 =	vmul.f32 v26, v11;
	v14 =	vld.idx.msk [tilespmem:v10+s28+$0x4040 ss:$0x1], $0xffff;
	[tilespmem:v9+s24+$0x50 ss:$0x1] =	vst.idx.msk $0xffff, v12  }
0x3ca: {  	v19 =	vmul.f32 v19, v11;
	v12 =	vld.idx.msk [tilespmem:v10+s28+$0x4050 ss:$0x1], $0xffff;
	[tilespmem:v9+s24+$0x60 ss:$0x1] =	vst.idx.msk $0xffff, v13;
	s24 =	smov.u32 s28  }
0x3cb: {  	v15 =	vadd.f32 v20, v15;
	v13 =	vld.idx.msk [tilespmem:v10+s24+$0x4060 ss:$0x1], $0xffff  }
0x3cc: {  	v20 =	vmul.f32 v16, v11;
	v16 =	vld.idx.msk [tilespmem:v10+s24+$0x4070 ss:$0x1], $0xffff  }
0x3cd: {  	v21 =	vmul.f32 v17, v11;
	v17 =	vld.idx.msk [tilespmem:v10+s24+$0x4400 ss:$0x1], $0xffff;
	[tilespmem:v9+s24+$0x70 ss:$0x1] =	vst.idx.msk $0xffff, v15  }
0x3ce: {  	v22 =	vmul.f32 v18, v11;
	v18 =	vld.idx.msk [tilespmem:v10+s24+$0x4410 ss:$0x1], $0xffff  }
0x3cf: {  	v23 =	vmul.f32 v14, v11;
	v14 =	vld.idx.msk [tilespmem:v10+s24+$0x4420 ss:$0x1], $0xffff  }
0x3d0: {  	v24 =	vmul.f32 v12, v11;
	v25 =	vld.idx.msk [tilespmem:v10+s24+$0x4430 ss:$0x1], $0xffff  }
0x3d1: {  	v26 =	vmul.f32 v13, v11;
	v27 =	vld.idx.msk [tilespmem:v10+s24+$0x4440 ss:$0x1], $0xffff  }
0x3d2: {  	v28 =	vmul.f32 v16, v11;
	v29 =	vld.idx.msk [tilespmem:v10+s24+$0x4450 ss:$0x1], $0xffff  }
0x3d3: {  	v15 =	vmul.f32 v17, v11;
	v30 =	vld.idx.msk [tilespmem:v10+s24+$0x4460 ss:$0x1], $0xffff  }
0x3d4: {  	v12 =	vmul.f32 v18, v11;
	v31 =	vld.idx.msk [tilespmem:v9+s24+$0xFFFFFC00 ss:$0x1], $0xffff  }
0x3d5: {  	v13 =	vmul.f32 v14, v11;
	v32 =	vld.idx.msk [tilespmem:v9+s24+$0xFFFFFC10 ss:$0x1], $0xffff  }
0x3d6: {  	v16 =	vmul.f32 v25, v11;
	v33 =	vld.idx.msk [tilespmem:v9+s24+$0xFFFFFC20 ss:$0x1], $0xffff  }
0x3d7: {  	v17 =	vmul.f32 v27, v11;
	v25 =	vld.idx.msk [tilespmem:v9+s24+$0xFFFFFC30 ss:$0x1], $0xffff  }
0x3d8: {  	v18 =	vmul.f32 v29, v11;
	v27 =	vld.idx.msk [tilespmem:v9+s24+$0xFFFFFC40 ss:$0x1], $0xffff  }
0x3d9: {  	v14 =	vmul.f32 v30, v11;
	v29 =	vld.idx.msk [tilespmem:v9+s24+$0xFFFFFC50 ss:$0x1], $0xffff  }
0x3da: {  	v19 =	vadd.f32 v19, v31;
	v30 =	vld.idx.msk [tilespmem:v9+s24+$0xFFFFFC60 ss:$0x1], $0xffff  }
0x3db: {  	v31 =	vadd.f32 v20, v32;
	v32 =	vld.idx.msk [tilespmem:v9+s24+$0xFFFFFC70 ss:$0x1], $0xffff  }
0x3dc: {  	v21 =	vadd.f32 v21, v33;
	[tilespmem:v9+s24+$0xFFFFFC00 ss:$0x1] =	vst.idx.msk $0xffff, v19;
	v20 =	vld.idx.msk [tilespmem:v9+s24+$0x0 ss:$0x1], $0xffff  }
.Ltmp17:
0x3dd: {  	v22 =	vadd.f32 v22, v25;
	[tilespmem:v9+s24+$0xFFFFFC10 ss:$0x1] =	vst.idx.msk $0xffff, v31;
	v19 =	vld.idx.msk [tilespmem:v9+s24+$0x10 ss:$0x1], $0xffff;
	(pc) =	sbr.rel @p0 .LBB2_37-.Ltmp17, $4  }
0x3de: {  	v23 =	vadd.f32 v23, v27;
	[tilespmem:v9+s24+$0xFFFFFC20 ss:$0x1] =	vst.idx.msk $0xffff, v21;
	v21 =	vld.idx.msk [tilespmem:v9+s24+$0x20 ss:$0x1], $0xffff  }
0x3df: {  	v24 =	vadd.f32 v24, v29;
	[tilespmem:v9+s24+$0xFFFFFC30 ss:$0x1] =	vst.idx.msk $0xffff, v22;
	v22 =	vld.idx.msk [tilespmem:v9+s24+$0x30 ss:$0x1], $0xffff  }
0x3e0: {  	v26 =	vadd.f32 v26, v30;
	[tilespmem:v9+s24+$0xFFFFFC40 ss:$0x1] =	vst.idx.msk $0xffff, v23;
	v23 =	vld.idx.msk [tilespmem:v9+s24+$0x40 ss:$0x1], $0xffff  }
0x3e1: {  	s26 =	sadd.s32 $0x2000, s26;
	v25 =	vadd.f32 v28, v32;
	[tilespmem:v9+s24+$0xFFFFFC50 ss:$0x1] =	vst.idx.msk $0xffff, v24;
	v24 =	vld.idx.msk [tilespmem:v9+s24+$0x50 ss:$0x1], $0xffff  }
0x3e2: {  	_ =	sdelay $0x3  }
0x3e3: {  	[tilespmem:v9+s24+$0xFFFFFC60 ss:$0x1] =	vst.idx.msk $0xffff, v26;
	v10 =	vadd.f32 v15, v20  }
0x3e4: {  	v58 =	vld.idx.msk [tilespmem:v9+s24+$0x60 ss:$0x1], $0xffff;
	v12 =	vadd.f32 v12, v19;
	[tilespmem:v9+s24+$0xFFFFFC70 ss:$0x1] =	vst.idx.msk $0xffff, v25  }
0x3e5: {  	s23 =	sadd.s32 $0x1, s23;
	v59 =	vadd.f32 v13, v21;
	[tilespmem:v9+s24+$0x0 ss:$0x1] =	vst.idx.msk $0xffff, v10  }
0x3e6: {  	p0 =	sne.s32 s23, $0x10;
	[tilespmem:v9+s24+$0x10 ss:$0x1] =	vst.idx.msk $0xffff, v12;
	v60 =	vadd.f32 v16, v22  }
.Ltmp18:
0x3e7: {  	v8 =	vbroadcast v8, $0x0;
	[tilespmem:v9+s24+$0x20 ss:$0x1] =	vst.idx.msk $0xffff, v59;
	v61 =	vadd.f32 v17, v23;
	(pc) =	sbr.rel @p0 .LBB2_34-.Ltmp18, $4  }
0x3e8: {  	[tilespmem:v9+s24+$0x30 ss:$0x1] =	vst.idx.msk $0xffff, v60;
	v62 =	vadd.f32 v18, v24  }
0x3e9: {  	vm0 =	veq.s32 v8, v5;
	[tilespmem:v9+s24+$0x40 ss:$0x1] =	vst.idx.msk $0xffff, v61;
	v63 =	vadd.f32 v14, v58  }
0x3ea: {  	v8 =	vnsel vm0, $0x0, v11;
	[tilespmem:v9+s24+$0x50 ss:$0x1] =	vst.idx.msk $0xffff, v62  }
0x3eb: {  	s22 =	sadd.s32 $0x400, s22;
	s21 =	sadd.s32 $0x1, s21;
	v6 =	vadd.f32 v8, v6;
	[tilespmem:v9+s24+$0x60 ss:$0x1] =	vst.idx.msk $0xffff, v63  }
0x3ec: {  	_ =	swait.ge [sflag:s17], $0x8000  }
0x3ed: {  	[sflag:s17] =	ssyncset.done $0x0  }
0x3ee: {  	[sflag:s17] =	ssyncadd.s32 $0xFFFF8000  }
0x3ef: {  	s21 =	simm.s32 $0x0;
	s22 =	simm.s32 $0x0;
	s23 =	simm.s32 $0x0;
	v7 =	vld [tilespmem:$0x14460]  }
.LBB2_40:
0x3f0: {  	s24 =	sshll.u32 s22, $0x2;
	s25 =	sand.u32 $0x7, s21  }
0x3f1: {  	s24 =	sand.u32 $0xFFFF8000, s24;
	s25 =	sshll.u32 s25, $0x9  }
0x3f2: {  	s24 =	sor.u32 s25, s24;
	s25 =	simm.s32 $0x14080  }
0x3f3: {  	v14 =	vld [tilespmem:s25+$0x40]  }
0x3f4: {  	v16 =	vld [tilespmem:s25+$0x50]  }
0x3f5: {  	v10 =	vld [tilespmem:s25+$0x60]  }
0x3f6: {  	v18 =	vld [tilespmem:s25+$0x0]  }
0x3f7: {  	v21 =	vld [tilespmem:s25+$0x10]  }
0x3f8: {  	v12 =	vld [tilespmem:s25+$0x20]  }
0x3f9: {  	v24 =	vld [tilespmem:s25+$0xFFFFFFC0]  }
0x3fa: {  	v26 =	vld [tilespmem:s25+$0xFFFFFFD0]  }
0x3fb: {  	v32 =	vld [tilespmem:s25+$0xFFFFFFE0]  }
0x3fc: {  	v29 =	vld [tilespmem:s25+$0xFFFFFF80]  }
0x3fd: {  	v31 =	vld [tilespmem:s25+$0xFFFFFF90]  }
0x3fe: {  	v34 =	vld [tilespmem:s25+$0xFFFFFFA0]  }
0x3ff: {  	s24 =	sshrl.u32 s24, $0x2;
	v36 =	vld [tilespmem:s25+$0xFFFFFFB0]  }
0x400: {  	v22 =	vld [tilespmem:s25+$0xFFFFFFF0];
	s24 =	sadd.s32 $0x8400, s24  }
0x401: {  	v13 =	vld [tilespmem:s24+$0x40]  }
0x402: {  	v15 =	vld [tilespmem:s24+$0x50]  }
0x403: {  	v9 =	vld [tilespmem:s24+$0x60]  }
0x404: {  	v17 =	vld [tilespmem:s24+$0x0]  }
0x405: {  	v20 =	vld [tilespmem:s24+$0x10]  }
0x406: {  	v23 =	vld [tilespmem:s24+$0xFFFFFC40]  }
0x407: {  	v25 =	vld [tilespmem:s24+$0xFFFFFC50]  }
0x408: {  	v27 =	vld [tilespmem:s24+$0xFFFFFC60]  }
0x409: {  	v28 =	vld [tilespmem:s24+$0xFFFFFC00]  }
0x40a: {  	v30 =	vld [tilespmem:s24+$0xFFFFFC10]  }
0x40b: {  	v8 =	vmov s23;
	v33 =	vld [tilespmem:s24+$0xFFFFFC20]  }
0x40c: {  	v8 =	vperm.xlane v7, v8;
	v35 =	vld [tilespmem:s24+$0xFFFFFC30];
	v13 =	vmul.f32 v14, v13  }
0x40d: {  	v11 =	vld [tilespmem:s24+$0x20];
	v14 =	vmul.f32 v16, v15;
	v17 =	vmul.f32 v18, v17  }
0x40e: {  	v19 =	vld [tilespmem:s24+$0xFFFFFC70];
	v18 =	vmul.f32 v21, v20;
	v23 =	vmul.f32 v24, v23  }
0x40f: {  	v21 =	vld [tilespmem:s24+$0x30];
	v16 =	vmul.f32 v29, v28;
	v26 =	vmul.f32 v26, v25  }
0x410: {  	v25 =	vmul.f32 v31, v30;
	v24 =	vld [tilespmem:s25+$0x30];
	v30 =	vmul.f32 v34, v33  }
0x411: {  	v15 =	vimm.f32 $0.0e+00;
	v31 =	vmul.f32 v36, v35;
	v20 =	vld [tilespmem:s24+$0x70];
	v27 =	vmul.f32 v32, v27  }
0x412: {  	s26 =	simm.s32 $0x0;
	s28 =	sadd.s32 $0x800, s24;
	v28 =	vadd.f32 v16, v15;
	v29 =	vadd.f32 v25, v15;
	v25 =	vld [tilespmem:s25+$0x70];
	v16 =	vimm.f32 $0.0e+00  }
.LBB2_41:
0x413: {  	v32 =	vld [tilespmem:s28+$0x40];
	v15 =	vadd.f32 v30, v15;
	v16 =	vadd.f32 v31, v16;
	v19 =	vmul.f32 v22, v19;
	s25 =	sadd.s32 $0x100, s25  }
0x414: {  	v11 =	vmul.f32 v12, v11;
	v22 =	vld [tilespmem:s25+$0x40];
	v23 =	vadd.f32 v23, v28;
	v26 =	vadd.f32 v26, v29  }
0x415: {  	v28 =	vld [tilespmem:s28+$0x50];
	v12 =	vadd.f32 v27, v15;
	v15 =	vadd.f32 v19, v16;
	v16 =	vmul.f32 v24, v21  }
0x416: {  	v19 =	vmul.f32 v10, v9;
	v21 =	vld [tilespmem:s25+$0x50];
	v17 =	vadd.f32 v17, v23;
	v18 =	vadd.f32 v18, v26  }
0x417: {  	v9 =	vld [tilespmem:s28+$0x60];
	v11 =	vadd.f32 v11, v12;
	v12 =	vadd.f32 v16, v15;
	v16 =	vmul.f32 v25, v20  }
0x418: {  	v10 =	vld [tilespmem:s25+$0x60];
	v25 =	vadd.f32 v13, v17;
	v27 =	vadd.f32 v14, v18  }
0x419: {  	v17 =	vld [tilespmem:s28+$0x0];
	v15 =	vadd.f32 v19, v11;
	v16 =	vadd.f32 v16, v12  }
0x41a: {  	v18 =	vld [tilespmem:s25+$0x0]  }
0x41b: {  	v20 =	vld [tilespmem:s28+$0x10]  }
0x41c: {  	v23 =	vld [tilespmem:s25+$0x10]  }
0x41d: {  	v11 =	vld [tilespmem:s28+$0x20]  }
0x41e: {  	v12 =	vld [tilespmem:s25+$0x20]  }
0x41f: {  	v24 =	vld [tilespmem:s28+$0xFFFFFC40]  }
0x420: {  	v26 =	vld [tilespmem:s25+$0xFFFFFFC0]  }
0x421: {  	v29 =	vld [tilespmem:s28+$0xFFFFFC50]  }
0x422: {  	v30 =	vld [tilespmem:s25+$0xFFFFFFD0]  }
0x423: {  	v33 =	vld [tilespmem:s28+$0xFFFFFC60]  }
0x424: {  	v34 =	vld [tilespmem:s25+$0xFFFFFFE0]  }
0x425: {  	v31 =	vld [tilespmem:s28+$0xFFFFFC00]  }
0x426: {  	v35 =	vld [tilespmem:s25+$0xFFFFFF80]  }
0x427: {  	v36 =	vld [tilespmem:s28+$0xFFFFFC10]  }
0x428: {  	v37 =	vld [tilespmem:s25+$0xFFFFFF90]  }
0x429: {  	v38 =	vld [tilespmem:s28+$0xFFFFFC20]  }
0x42a: {  	v39 =	vld [tilespmem:s25+$0xFFFFFFA0]  }
0x42b: {  	v40 =	vld [tilespmem:s28+$0xFFFFFC30]  }
0x42c: {  	s26 =	sadd.s32 $0x4, s26;
	v41 =	vld [tilespmem:s25+$0xFFFFFFB0]  }
0x42d: {  	p0 =	slt.u32 s26, $0xC;
	v13 =	vmul.f32 v22, v32;
	v14 =	vmul.f32 v21, v28;
	v19 =	vld [tilespmem:s28+$0xFFFFFC70]  }
.Ltmp19:
0x42e: {  	v17 =	vmul.f32 v18, v17;
	v18 =	vmul.f32 v23, v20;
	v22 =	vld [tilespmem:s25+$0xFFFFFFF0];
	(pc) =	sbr.rel @p0 .LBB2_41-.Ltmp19, $4  }
0x42f: {  	v23 =	vmul.f32 v26, v24;
	v26 =	vmul.f32 v30, v29;
	v21 =	vld [tilespmem:s28+$0x30]  }
0x430: {  	v28 =	vmul.f32 v35, v31;
	v29 =	vmul.f32 v37, v36;
	v24 =	vld [tilespmem:s25+$0x30]  }
0x431: {  	v30 =	vmul.f32 v39, v38;
	v31 =	vmul.f32 v41, v40;
	v20 =	vld [tilespmem:s28+$0x70]  }
0x432: {  	v28 =	vadd.f32 v28, v25;
	v29 =	vadd.f32 v29, v27;
	v27 =	vmul.f32 v34, v33;
	s28 =	sadd.s32 $0x800, s28;
	v25 =	vld [tilespmem:s25+$0x70]  }
0x433: {  	v15 =	vadd.f32 v30, v15;
	v16 =	vadd.f32 v31, v16;
	v19 =	vmul.f32 v22, v19  }
0x434: {  	v11 =	vmul.f32 v12, v11;
	v22 =	vadd.f32 v23, v28;
	v23 =	vadd.f32 v26, v29  }
0x435: {  	v12 =	vadd.f32 v27, v15;
	v15 =	vadd.f32 v19, v16;
	v16 =	vmul.f32 v24, v21  }
0x436: {  	v9 =	vmul.f32 v10, v9;
	v17 =	vadd.f32 v17, v22;
	v18 =	vadd.f32 v18, v23  }
0x437: {  	v10 =	vadd.f32 v11, v12;
	v11 =	vadd.f32 v16, v15;
	v12 =	vmul.f32 v25, v20  }
0x438: {  	v13 =	vadd.f32 v13, v17;
	v14 =	vadd.f32 v14, v18  }
0x439: {  	v9 =	vadd.f32 v9, v10;
	v10 =	vadd.f32 v12, v11;
	_ =	sdelay $0x1  }
0x43a: {  	v11 =	vadd.f32 v14, v13;
	v9 =	vadd.f32 v10, v9;
	_ =	sdelay $0x1  }
0x43b: {  	v9 =	vadd.f32 v9, v11;
	_ =	sdelay $0x1  }
0x43c: {  	v10 =	vperm.xlane v9, v0;
	_ =	sdelay $0x1  }
0x43d: {  	(v2sf) =	vpush v8, $0x0;
	v9 =	vadd.f32 v10, v9;
	_ =	sdelay $0x1  }
0x43e: {  	v10 =	vperm.xlane v9, v1;
	_ =	sdelay $0x1  }
0x43f: {  	v9 =	vadd.f32 v10, v9;
	_ =	sdelay $0x1  }
0x440: {  	v10 =	vperm.xlane v9, v2  }
0x441: {  	v54 =	vld [tilespmem:s24+$0x40]  }
0x442: {  	v55 =	vld [tilespmem:s24+$0x50];
	v9 =	vadd.f32 v10, v9  }
0x443: {  	v56 =	vld [tilespmem:s24+$0x60]  }
0x444: {  	v19 =	vld [tilespmem:s24+$0xFFFFFC70];
	v13 =	vperm.xlane v9, v4  }
0x445: {  	v21 =	vld [tilespmem:s24+$0x10]  }
0x446: {  	v22 =	vld [tilespmem:s24+$0x20];
	v9 =	vadd.f32 v13, v9  }
0x447: {  	v23 =	vld [tilespmem:s24+$0x30]  }
0x448: {  	v15 =	vld [tilespmem:s24+$0xFFFFFC20];
	v9 =	vmul.f32 $1.442695020e+00, v9  }
0x449: {  	v16 =	vld [tilespmem:s24+$0xFFFFFC40];
	s25 =	spop (v2sf)  }
0x44a: {  	v20 =	vld [tilespmem:s24+$0x0];
	s26 =	sshll.u32 s25, $0xC;
	s25 =	sand.u32 $0x7, s25;
	(erf) = vpow2.f32 v9  }
0x44b: {  	v17 =	vld [tilespmem:s24+$0xFFFFFC50];
	s26 =	sand.u32 $0xFFFF8000, s26;
	s25 =	sshll.u32 s25, $0x9  }
0x44c: {  	v18 =	vld [tilespmem:s24+$0xFFFFFC60];
	s25 =	sor.u32 s25, s26  }
0x44d: {  	v14 =	vld [tilespmem:s24+$0xFFFFFC10];
	s25 =	sshra.s32 s25, $0x2  }
0x44e: {  	v11 =	vld [tilespmem:s24+$0x70];
	s25 =	sadd.s32 $0x10400, s25  }
0x44f: {  	v12 =	vld [tilespmem:s25+$0x70]  }
0x450: {  	v57 =	vld [tilespmem:s25+$0xFFFFFC10]  }
0x451: {  	v13 =	vld [tilespmem:s24+$0xFFFFFC30]  }
0x452: {  	v58 =	vld [tilespmem:s25+$0xFFFFFC20]  }
0x453: {  	v59 =	vld [tilespmem:s25+$0xFFFFFC30];
	v9 =	vpop (erf)  }
0x454: {  	v60 =	vld [tilespmem:s25+$0xFFFFFC40];
	v11 =	vmul.f32 v11, v9  }
0x455: {  	v61 =	vld [tilespmem:s25+$0xFFFFFC60];
	v14 =	vmul.f32 v14, v9  }
0x456: {  	v13 =	vmul.f32 v13, v9;
	v11 =	vadd.f32 v11, v12;
	v12 =	vmul.f32 v15, v9;
	v15 =	vld [tilespmem:s25+$0xFFFFFC50]  }
0x457: {  	v10 =	vld [tilespmem:s24+$0xFFFFFC00];
	v14 =	vadd.f32 v14, v57  }
0x458: {  	v13 =	vadd.f32 v13, v59;
	[tilespmem:s25+$0x70] =	vst v11;
	v11 =	vmul.f32 v16, v9;
	v16 =	vld [tilespmem:s25+$0xFFFFFC70]  }
0x459: {  	v17 =	vmul.f32 v17, v9;
	v12 =	vadd.f32 v12, v58;
	[tilespmem:s25+$0xFFFFFC10] =	vst v14;
	v14 =	vld [tilespmem:s25+$0x0]  }
0x45a: {  	v62 =	vld [tilespmem:s25+$0x10];
	v18 =	vmul.f32 v18, v9;
	[tilespmem:s25+$0xFFFFFC30] =	vst v13;
	v11 =	vadd.f32 v11, v60  }
0x45b: {  	v63 =	vld [tilespmem:s25+$0x20];
	[tilespmem:s25+$0xFFFFFC20] =	vst v12;
	v12 =	vmul.f32 v19, v9;
	v13 =	vadd.f32 v17, v15  }
0x45c: {  	v17 =	vmul.f32 v20, v9;
	v15 =	vld [tilespmem:s25+$0x30];
	[tilespmem:s25+$0xFFFFFC40] =	vst v11;
	v11 =	vadd.f32 v18, v61  }
0x45d: {  	v19 =	vmul.f32 v21, v9;
	[tilespmem:s25+$0xFFFFFC50] =	vst v13;
	v12 =	vadd.f32 v12, v16;
	v16 =	vld [tilespmem:s25+$0x40]  }
0x45e: {  	v10 =	vmul.f32 v10, v9;
	v21 =	vmul.f32 v22, v9;
	v22 =	vadd.f32 v17, v14;
	v17 =	vld [tilespmem:s25+$0x50];
	[tilespmem:s25+$0xFFFFFC60] =	vst v11  }
0x45f: {  	v18 =	vld [tilespmem:s25+$0x60];
	v20 =	vadd.f32 v19, v62;
	v13 =	vmul.f32 v23, v9;
	v14 =	vmul.f32 v54, v9;
	[tilespmem:s25+$0xFFFFFC70] =	vst v12  }
0x460: {  	s28 =	sadd.s32 $0x800, s24;
	s26 =	simm.s32 $0x0;
	s24 =	smov.u32 s25;
	v19 =	vld [tilespmem:s25+$0xFFFFFC00];
	v21 =	vadd.f32 v21, v63;
	v11 =	vmul.f32 v55, v9;
	v12 =	vmul.f32 v56, v9;
	[tilespmem:s25+$0x0] =	vst v22  }
.LBB2_43:
0x461: {  	v22 =	vld [tilespmem:s28+$0x70];
	s26 =	sadd.s32 $0x10, s26;
	[tilespmem:s25+$0x10] =	vst v20;
	v13 =	vadd.f32 v13, v15  }
0x462: {  	s25 =	sadd.s32 $0x800, s25;
	v15 =	vld [tilespmem:s28+$0xFFFFFC00];
	p0 =	slt.u32 s26, $0x30;
	[tilespmem:s24+$0x20] =	vst v21;
	v14 =	vadd.f32 v14, v16  }
0x463: {  	v16 =	vld [tilespmem:s25+$0x70];
	[tilespmem:s24+$0x30] =	vst v13;
	v11 =	vadd.f32 v11, v17  }
0x464: {  	v13 =	vld [tilespmem:s28+$0xFFFFFC10];
	[tilespmem:s24+$0x40] =	vst v14;
	v12 =	vadd.f32 v12, v18  }
0x465: {  	v14 =	vld [tilespmem:s28+$0xFFFFFC20];
	v17 =	vadd.f32 v10, v19;
	[tilespmem:s24+$0x50] =	vst v11  }
0x466: {  	v11 =	vld [tilespmem:s28+$0xFFFFFC30];
	v18 =	vmul.f32 v22, v9;
	[tilespmem:s24+$0x60] =	vst v12  }
0x467: {  	v10 =	vmul.f32 v15, v9;
	v12 =	vld [tilespmem:s28+$0xFFFFFC40];
	[tilespmem:s24+$0xFFFFFC00] =	vst v17;
	s24 =	smov.u32 s25  }
0x468: {  	v15 =	vld [tilespmem:s28+$0xFFFFFC50];
	v16 =	vadd.f32 v18, v16  }
0x469: {  	v17 =	vmul.f32 v13, v9;
	v13 =	vld [tilespmem:s28+$0xFFFFFC60]  }
0x46a: {  	v18 =	vmul.f32 v14, v9;
	v14 =	vld [tilespmem:s28+$0xFFFFFC70];
	[tilespmem:s25+$0x70] =	vst v16  }
0x46b: {  	v16 =	vmul.f32 v11, v9;
	v11 =	vld [tilespmem:s28+$0x0]  }
0x46c: {  	v19 =	vmul.f32 v12, v9;
	v12 =	vld [tilespmem:s28+$0x10]  }
0x46d: {  	v15 =	vmul.f32 v15, v9;
	v20 =	vld [tilespmem:s28+$0x20]  }
0x46e: {  	v21 =	vmul.f32 v13, v9;
	v13 =	vld [tilespmem:s28+$0x30]  }
0x46f: {  	v22 =	vmul.f32 v14, v9;
	v14 =	vld [tilespmem:s28+$0x40]  }
0x470: {  	v23 =	vmul.f32 v11, v9;
	v11 =	vld [tilespmem:s28+$0x50]  }
0x471: {  	v24 =	vmul.f32 v12, v9;
	v12 =	vld [tilespmem:s28+$0x60]  }
0x472: {  	v25 =	vld [tilespmem:s25+$0xFFFFFC10];
	v26 =	vmul.f32 v20, v9  }
0x473: {  	v20 =	vld [tilespmem:s25+$0xFFFFFC20];
	v13 =	vmul.f32 v13, v9  }
0x474: {  	v27 =	vld [tilespmem:s25+$0xFFFFFC30];
	v14 =	vmul.f32 v14, v9  }
0x475: {  	v28 =	vld [tilespmem:s25+$0xFFFFFC40];
	v11 =	vmul.f32 v11, v9  }
0x476: {  	v29 =	vld [tilespmem:s25+$0xFFFFFC50];
	v12 =	vmul.f32 v12, v9  }
0x477: {  	v17 =	vadd.f32 v17, v25;
	v25 =	vld [tilespmem:s25+$0xFFFFFC60]  }
0x478: {  	v18 =	vadd.f32 v18, v20;
	v20 =	vld [tilespmem:s25+$0xFFFFFC70]  }
0x479: {  	[tilespmem:s25+$0xFFFFFC10] =	vst v17;
	v16 =	vadd.f32 v16, v27;
	v17 =	vld [tilespmem:s25+$0x0]  }
0x47a: {  	[tilespmem:s25+$0xFFFFFC20] =	vst v18;
	v18 =	vadd.f32 v19, v28;
	v19 =	vld [tilespmem:s25+$0x10]  }
0x47b: {  	[tilespmem:s25+$0xFFFFFC30] =	vst v16;
	v16 =	vadd.f32 v15, v29;
	v27 =	vld [tilespmem:s25+$0x20]  }
.Ltmp20:
0x47c: {  	[tilespmem:s25+$0xFFFFFC40] =	vst v18;
	v18 =	vadd.f32 v21, v25;
	v15 =	vld [tilespmem:s25+$0x30];
	(pc) =	sbr.rel @p0 .LBB2_43-.Ltmp20, $4  }
0x47d: {  	[tilespmem:s25+$0xFFFFFC50] =	vst v16;
	v20 =	vadd.f32 v22, v20;
	v16 =	vld [tilespmem:s25+$0x40]  }
0x47e: {  	[tilespmem:s25+$0xFFFFFC60] =	vst v18;
	v21 =	vadd.f32 v23, v17;
	v17 =	vld [tilespmem:s25+$0x50]  }
0x47f: {  	[tilespmem:s25+$0xFFFFFC70] =	vst v20;
	v20 =	vadd.f32 v24, v19;
	v18 =	vld [tilespmem:s25+$0x60]  }
0x480: {  	s28 =	sadd.s32 $0x800, s28;
	v19 =	vld [tilespmem:s25+$0xFFFFFC00];
	[tilespmem:s25+$0x0] =	vst v21;
	v21 =	vadd.f32 v26, v27  }
0x481: {  	[tilespmem:s25+$0x10] =	vst v20;
	v13 =	vadd.f32 v13, v15;
	s23 =	sadd.s32 $0x1, s23  }
0x482: {  	[tilespmem:s24+$0x20] =	vst v21;
	v14 =	vadd.f32 v14, v16;
	p0 =	sne.s32 s23, $0x10  }
.Ltmp21:
0x483: {  	v8 =	vbroadcast v8, $0x0;
	[tilespmem:s24+$0x30] =	vst v13;
	v11 =	vadd.f32 v11, v17;
	(pc) =	sbr.rel @p0 .LBB2_40-.Ltmp21, $4  }
0x484: {  	[tilespmem:s24+$0x40] =	vst v14;
	v12 =	vadd.f32 v12, v18  }
0x485: {  	vm0 =	veq.s32 v8, v5;
	v10 =	vadd.f32 v10, v19;
	[tilespmem:s24+$0x50] =	vst v11  }
0x486: {  	v8 =	vnsel vm0, $0x0, v9;
	[tilespmem:s24+$0x60] =	vst v12  }
0x487: {  	s22 =	sadd.s32 $0x400, s22;
	s21 =	sadd.s32 $0x1, s21;
	v6 =	vadd.f32 v8, v6;
	[tilespmem:s24+$0xFFFFFC00] =	vst v10  }
0x488: {  	s21 =	simm.s32 $0x0;
	v7 =	vld [tilespmem:$0x14470];
	s22 =	simm.s32 $0x0;
	s23 =	simm.s32 $0x0  }
.LBB2_46:
0x489: {  	s24 =	sshll.u32 s22, $0x2;
	s25 =	sand.u32 $0x7, s21  }
0x48a: {  	s24 =	sand.u32 $0xFFFF8000, s24;
	s25 =	sshll.u32 s25, $0x9  }
0x48b: {  	s24 =	sor.u32 s25, s24  }
0x48c: {  	s25 =	sshrl.u32 s24, $0x2;
	s24 =	simm.s32 $0x14080  }
0x48d: {  	v14 =	vld [tilespmem:s24+$0x40]  }
0x48e: {  	v16 =	vld [tilespmem:s24+$0x50]  }
0x48f: {  	v10 =	vld [tilespmem:s24+$0x60]  }
0x490: {  	v18 =	vld [tilespmem:s24+$0x0]  }
0x491: {  	v21 =	vld [tilespmem:s24+$0x10]  }
0x492: {  	v12 =	vld [tilespmem:s24+$0x20]  }
0x493: {  	v24 =	vld [tilespmem:s24+$0xFFFFFFC0]  }
0x494: {  	v26 =	vld [tilespmem:s24+$0xFFFFFFD0]  }
0x495: {  	v32 =	vld [tilespmem:s24+$0xFFFFFFE0]  }
0x496: {  	v29 =	vld [tilespmem:s24+$0xFFFFFF80]  }
0x497: {  	v31 =	vld [tilespmem:s24+$0xFFFFFF90]  }
0x498: {  	v34 =	vld [tilespmem:s24+$0xFFFFFFA0]  }
0x499: {  	v36 =	vld [tilespmem:s24+$0xFFFFFFB0]  }
0x49a: {  	s28 =	sadd.s32 $0xC000, s25;
	v22 =	vld [tilespmem:s24+$0xFFFFFFF0]  }
0x49b: {  	v13 =	vld [tilespmem:s28+$0x440]  }
0x49c: {  	v15 =	vld [tilespmem:s28+$0x450]  }
0x49d: {  	v9 =	vld [tilespmem:s28+$0x460]  }
0x49e: {  	v17 =	vld [tilespmem:s28+$0x400]  }
0x49f: {  	v20 =	vld [tilespmem:s28+$0x410]  }
0x4a0: {  	v23 =	vld [tilespmem:s28+$0x40]  }
0x4a1: {  	v25 =	vld [tilespmem:s28+$0x50]  }
0x4a2: {  	v27 =	vld [tilespmem:s28+$0x60]  }
0x4a3: {  	v28 =	vld [tilespmem:s28+$0x0]  }
0x4a4: {  	v30 =	vld [tilespmem:s28+$0x10]  }
0x4a5: {  	v8 =	vmov s23;
	v33 =	vld [tilespmem:s28+$0x20]  }
0x4a6: {  	v8 =	vperm.xlane v7, v8;
	v35 =	vld [tilespmem:s28+$0x30];
	v13 =	vmul.f32 v14, v13  }
0x4a7: {  	v11 =	vld [tilespmem:s28+$0x420];
	v14 =	vmul.f32 v16, v15;
	v17 =	vmul.f32 v18, v17  }
0x4a8: {  	v19 =	vld [tilespmem:s28+$0x70];
	v18 =	vmul.f32 v21, v20;
	v23 =	vmul.f32 v24, v23  }
0x4a9: {  	v20 =	vld [tilespmem:s28+$0x430];
	v16 =	vmul.f32 v29, v28;
	v26 =	vmul.f32 v26, v25  }
0x4aa: {  	v25 =	vmul.f32 v31, v30;
	v24 =	vld [tilespmem:s24+$0x30];
	v29 =	vmul.f32 v34, v33  }
0x4ab: {  	v15 =	vimm.f32 $0.0e+00;
	v30 =	vmul.f32 v36, v35;
	v21 =	vld [tilespmem:s28+$0x470];
	v27 =	vmul.f32 v32, v27  }
0x4ac: {  	s26 =	simm.s32 $0x0;
	s25 =	sadd.s32 $0x8000, s25;
	s28 =	sadd.s32 $0x800, s28;
	v28 =	vadd.f32 v16, v15;
	v31 =	vadd.f32 v25, v15;
	v25 =	vld [tilespmem:s24+$0x70];
	v16 =	vimm.f32 $0.0e+00  }
.LBB2_47:
0x4ad: {  	v32 =	vld [tilespmem:s28+$0x440];
	v15 =	vadd.f32 v29, v15;
	v16 =	vadd.f32 v30, v16;
	v19 =	vmul.f32 v22, v19;
	s24 =	sadd.s32 $0x100, s24  }
0x4ae: {  	v11 =	vmul.f32 v12, v11;
	v22 =	vld [tilespmem:s24+$0x40];
	v23 =	vadd.f32 v23, v28;
	v26 =	vadd.f32 v26, v31  }
0x4af: {  	v28 =	vld [tilespmem:s28+$0x450];
	v12 =	vadd.f32 v27, v15;
	v15 =	vadd.f32 v19, v16;
	v16 =	vmul.f32 v24, v20  }
0x4b0: {  	v19 =	vmul.f32 v10, v9;
	v20 =	vld [tilespmem:s24+$0x50];
	v17 =	vadd.f32 v17, v23;
	v18 =	vadd.f32 v18, v26  }
0x4b1: {  	v9 =	vld [tilespmem:s28+$0x460];
	v11 =	vadd.f32 v11, v12;
	v12 =	vadd.f32 v16, v15;
	v16 =	vmul.f32 v25, v21  }
0x4b2: {  	v10 =	vld [tilespmem:s24+$0x60];
	v25 =	vadd.f32 v13, v17;
	v27 =	vadd.f32 v14, v18  }
0x4b3: {  	v17 =	vld [tilespmem:s28+$0x400];
	v15 =	vadd.f32 v19, v11;
	v16 =	vadd.f32 v16, v12  }
0x4b4: {  	v18 =	vld [tilespmem:s24+$0x0]  }
0x4b5: {  	v21 =	vld [tilespmem:s28+$0x410]  }
0x4b6: {  	v23 =	vld [tilespmem:s24+$0x10]  }
0x4b7: {  	v11 =	vld [tilespmem:s28+$0x420]  }
0x4b8: {  	v12 =	vld [tilespmem:s24+$0x20]  }
0x4b9: {  	v24 =	vld [tilespmem:s28+$0x40]  }
0x4ba: {  	v26 =	vld [tilespmem:s24+$0xFFFFFFC0]  }
0x4bb: {  	v29 =	vld [tilespmem:s28+$0x50]  }
0x4bc: {  	v30 =	vld [tilespmem:s24+$0xFFFFFFD0]  }
0x4bd: {  	v33 =	vld [tilespmem:s28+$0x60]  }
0x4be: {  	v34 =	vld [tilespmem:s24+$0xFFFFFFE0]  }
0x4bf: {  	v31 =	vld [tilespmem:s28+$0x0]  }
0x4c0: {  	v35 =	vld [tilespmem:s24+$0xFFFFFF80]  }
0x4c1: {  	v36 =	vld [tilespmem:s28+$0x10]  }
0x4c2: {  	v37 =	vld [tilespmem:s24+$0xFFFFFF90]  }
0x4c3: {  	v38 =	vld [tilespmem:s28+$0x20]  }
0x4c4: {  	v39 =	vld [tilespmem:s24+$0xFFFFFFA0]  }
0x4c5: {  	v40 =	vld [tilespmem:s28+$0x30]  }
0x4c6: {  	s26 =	sadd.s32 $0x4, s26;
	v41 =	vld [tilespmem:s24+$0xFFFFFFB0]  }
0x4c7: {  	p0 =	slt.u32 s26, $0xC;
	v13 =	vmul.f32 v22, v32;
	v14 =	vmul.f32 v20, v28;
	v19 =	vld [tilespmem:s28+$0x70]  }
.Ltmp22:
0x4c8: {  	v17 =	vmul.f32 v18, v17;
	v18 =	vmul.f32 v23, v21;
	v22 =	vld [tilespmem:s24+$0xFFFFFFF0];
	(pc) =	sbr.rel @p0 .LBB2_47-.Ltmp22, $4  }
0x4c9: {  	v23 =	vmul.f32 v26, v24;
	v26 =	vmul.f32 v30, v29;
	v20 =	vld [tilespmem:s28+$0x430]  }
0x4ca: {  	v28 =	vmul.f32 v35, v31;
	v31 =	vmul.f32 v37, v36;
	v24 =	vld [tilespmem:s24+$0x30]  }
0x4cb: {  	v29 =	vmul.f32 v39, v38;
	v30 =	vmul.f32 v41, v40;
	v21 =	vld [tilespmem:s28+$0x470]  }
0x4cc: {  	v28 =	vadd.f32 v28, v25;
	v31 =	vadd.f32 v31, v27;
	v27 =	vmul.f32 v34, v33;
	s28 =	sadd.s32 $0x800, s28;
	v25 =	vld [tilespmem:s24+$0x70]  }
0x4cd: {  	(v2sf) =	vpush v8, $0x0  }
0x4ce: {  	v15 =	vadd.f32 v29, v15;
	v16 =	vadd.f32 v30, v16;
	v19 =	vmul.f32 v22, v19  }
0x4cf: {  	v11 =	vmul.f32 v12, v11;
	v22 =	vadd.f32 v23, v28;
	v23 =	vadd.f32 v26, v31  }
0x4d0: {  	v12 =	vadd.f32 v27, v15;
	v15 =	vadd.f32 v19, v16;
	v16 =	vmul.f32 v24, v20  }
0x4d1: {  	v9 =	vmul.f32 v10, v9;
	v17 =	vadd.f32 v17, v22;
	v18 =	vadd.f32 v18, v23  }
0x4d2: {  	v10 =	vadd.f32 v11, v12;
	v11 =	vadd.f32 v16, v15;
	v12 =	vmul.f32 v25, v21  }
0x4d3: {  	v13 =	vadd.f32 v13, v17;
	v14 =	vadd.f32 v14, v18  }
0x4d4: {  	v9 =	vadd.f32 v9, v10;
	v10 =	vadd.f32 v12, v11;
	_ =	sdelay $0x1  }
0x4d5: {  	v11 =	vadd.f32 v14, v13;
	v9 =	vadd.f32 v10, v9;
	_ =	sdelay $0x1  }
0x4d6: {  	v9 =	vadd.f32 v9, v11;
	_ =	sdelay $0x1  }
0x4d7: {  	v10 =	vperm.xlane v9, v0;
	_ =	sdelay $0x1  }
0x4d8: {  	v9 =	vadd.f32 v10, v9  }
0x4d9: {  	s24 =	spop (v2sf)  }
0x4da: {  	s26 =	sshll.u32 s24, $0xC;
	s24 =	sand.u32 $0x7, s24;
	v11 =	vperm.xlane v9, v1  }
0x4db: {  	v10 =	vmov s25;
	s26 =	sand.u32 $0xFFFF8000, s26;
	s24 =	sshll.u32 s24, $0x9  }
0x4dc: {  	s24 =	sor.u32 s24, s26;
	v11 =	vadd.f32 v11, v9  }
0x4dd: {  	s24 =	sshra.s32 s24, $0x2  }
0x4de: {  	s24 =	sadd.s32 $0x10400, s24;
	v12 =	vperm.xlane v11, v2  }
0x4df: {  	v9 =	vmov s24;
	s24 =	simm.s32 $0x0  }
0x4e0: {  	v11 =	vadd.f32 v12, v11;
	v12 =	vld.idx.msk [tilespmem:v10+s24+$0x4470 ss:$0x1], $0xffff  }
0x4e1: {  	v13 =	vld.idx.msk [tilespmem:v10+s24+$0x4000 ss:$0x1], $0xffff  }
0x4e2: {  	v16 =	vld.idx.msk [tilespmem:v10+s24+$0x4010 ss:$0x1], $0xffff  }
0x4e3: {  	v17 =	vld.idx.msk [tilespmem:v10+s24+$0x4030 ss:$0x1], $0xffff;
	v14 =	vperm.xlane v11, v4  }
0x4e4: {  	v18 =	vld.idx.msk [tilespmem:v10+s24+$0x4040 ss:$0x1], $0xffff  }
0x4e5: {  	v19 =	vld.idx.msk [tilespmem:v10+s24+$0x4050 ss:$0x1], $0xffff;
	v11 =	vadd.f32 v14, v11  }
0x4e6: {  	v20 =	vld.idx.msk [tilespmem:v10+s24+$0x4060 ss:$0x1], $0xffff  }
0x4e7: {  	v21 =	vld.idx.msk [tilespmem:v10+s24+$0x4070 ss:$0x1], $0xffff;
	v11 =	vmul.f32 $1.442695020e+00, v11  }
0x4e8: {  	v22 =	vld.idx.msk [tilespmem:v10+s24+$0x4400 ss:$0x1], $0xffff  }
0x4e9: {  	v23 =	vld.idx.msk [tilespmem:v10+s24+$0x4410 ss:$0x1], $0xffff;
	(erf) = vpow2.f32 v11  }
0x4ea: {  	v24 =	vld.idx.msk [tilespmem:v10+s24+$0x4420 ss:$0x1], $0xffff  }
0x4eb: {  	v25 =	vld.idx.msk [tilespmem:v10+s24+$0x4430 ss:$0x1], $0xffff  }
0x4ec: {  	v26 =	vld.idx.msk [tilespmem:v10+s24+$0x4440 ss:$0x1], $0xffff  }
0x4ed: {  	v27 =	vld.idx.msk [tilespmem:v10+s24+$0x4450 ss:$0x1], $0xffff  }
0x4ee: {  	v58 =	vld.idx.msk [tilespmem:v10+s24+$0x4460 ss:$0x1], $0xffff  }
0x4ef: {  	v15 =	vld.idx.msk [tilespmem:v9+s24+$0x70 ss:$0x1], $0xffff  }
0x4f0: {  	v14 =	vld.idx.msk [tilespmem:v10+s24+$0x4020 ss:$0x1], $0xffff  }
0x4f1: {  	v59 =	vld.idx.msk [tilespmem:v9+s24+$0xFFFFFC00 ss:$0x1], $0xffff  }
0x4f2: {  	v60 =	vld.idx.msk [tilespmem:v9+s24+$0xFFFFFC10 ss:$0x1], $0xffff;
	v11 =	vpop (erf)  }
0x4f3: {  	v61 =	vld.idx.msk [tilespmem:v9+s24+$0xFFFFFC20 ss:$0x1], $0xffff;
	v12 =	vmul.f32 v12, v11  }
0x4f4: {  	v32 =	vld.idx.msk [tilespmem:v9+s24+$0xFFFFFC30 ss:$0x1], $0xffff;
	v13 =	vmul.f32 v13, v11;
	v16 =	vmul.f32 v16, v11  }
0x4f5: {  	v62 =	vld.idx.msk [tilespmem:v9+s24+$0xFFFFFC60 ss:$0x1], $0xffff;
	v14 =	vmul.f32 v14, v11;
	v17 =	vmul.f32 v17, v11  }
0x4f6: {  	v33 =	vld.idx.msk [tilespmem:v9+s24+$0xFFFFFC40 ss:$0x1], $0xffff;
	v18 =	vmul.f32 v18, v11;
	v35 =	vmul.f32 v19, v11;
	v12 =	vadd.f32 v12, v15  }
0x4f7: {  	v34 =	vld.idx.msk [tilespmem:v9+s24+$0xFFFFFC50 ss:$0x1], $0xffff;
	v36 =	vmul.f32 v20, v11;
	v37 =	vmul.f32 v21, v11;
	v13 =	vadd.f32 v13, v59  }
0x4f8: {  	v63 =	vld.idx.msk [tilespmem:v9+s24+$0xFFFFFC70 ss:$0x1], $0xffff;
	v15 =	vmul.f32 v22, v11;
	v16 =	vadd.f32 v16, v60;
	[tilespmem:v9+s24+$0x70 ss:$0x1] =	vst.idx.msk $0xffff, v12  }
0x4f9: {  	v20 =	vld.idx.msk [tilespmem:v9+s24+$0x0 ss:$0x1], $0xffff;
	v14 =	vadd.f32 v14, v61;
	v22 =	vadd.f32 v17, v32;
	[tilespmem:v9+s24+$0xFFFFFC00 ss:$0x1] =	vst.idx.msk $0xffff, v13  }
0x4fa: {  	v19 =	vld.idx.msk [tilespmem:v9+s24+$0x10 ss:$0x1], $0xffff;
	v17 =	vmul.f32 v26, v11;
	v26 =	vadd.f32 v36, v62;
	[tilespmem:v9+s24+$0xFFFFFC10 ss:$0x1] =	vst.idx.msk $0xffff, v16  }
0x4fb: {  	v21 =	vld.idx.msk [tilespmem:v9+s24+$0x20 ss:$0x1], $0xffff;
	v12 =	vmul.f32 v23, v11;
	[tilespmem:v9+s24+$0xFFFFFC20 ss:$0x1] =	vst.idx.msk $0xffff, v14;
	v23 =	vadd.f32 v18, v33  }
0x4fc: {  	v13 =	vmul.f32 v24, v11;
	[tilespmem:v9+s24+$0xFFFFFC30 ss:$0x1] =	vst.idx.msk $0xffff, v22;
	v24 =	vadd.f32 v35, v34;
	v22 =	vld.idx.msk [tilespmem:v9+s24+$0x30 ss:$0x1], $0xffff  }
0x4fd: {  	v16 =	vmul.f32 v25, v11;
	v18 =	vmul.f32 v27, v11;
	[tilespmem:v9+s24+$0xFFFFFC40 ss:$0x1] =	vst.idx.msk $0xffff, v23;
	v23 =	vld.idx.msk [tilespmem:v9+s24+$0x40 ss:$0x1], $0xffff  }
0x4fe: {  	s25 =	simm.s32 $0x0;
	s26 =	simm.s32 $0x2000;
	v14 =	vmul.f32 v58, v11;
	v25 =	vadd.f32 v37, v63;
	[tilespmem:v9+s24+$0xFFFFFC50 ss:$0x1] =	vst.idx.msk $0xffff, v24;
	v24 =	vld.idx.msk [tilespmem:v9+s24+$0x50 ss:$0x1], $0xffff  }
.LBB2_49:
0x4ff: {  	s28 =	sshra.s32 s26, $0x2;
	s25 =	sadd.s32 $0x10, s25;
	[tilespmem:v9+s24+$0xFFFFFC60 ss:$0x1] =	vst.idx.msk $0xffff, v26;
	v15 =	vadd.f32 v15, v20;
	v20 =	vld.idx.msk [tilespmem:v9+s24+$0x60 ss:$0x1], $0xffff  }
0x500: {  	v12 =	vadd.f32 v12, v19;
	v26 =	vld.idx.msk [tilespmem:v10+s28+$0x4470 ss:$0x1], $0xffff;
	p0 =	slt.u32 s25, $0x30;
	[tilespmem:v9+s24+$0xFFFFFC70 ss:$0x1] =	vst.idx.msk $0xffff, v25  }
0x501: {  	v13 =	vadd.f32 v13, v21;
	v19 =	vld.idx.msk [tilespmem:v10+s28+$0x4000 ss:$0x1], $0xffff;
	[tilespmem:v9+s24+$0x0 ss:$0x1] =	vst.idx.msk $0xffff, v15  }
0x502: {  	v15 =	vld.idx.msk [tilespmem:v9+s28+$0x70 ss:$0x1], $0xffff;
	[tilespmem:v9+s24+$0x10 ss:$0x1] =	vst.idx.msk $0xffff, v12;
	v12 =	vadd.f32 v16, v22  }
0x503: {  	v16 =	vld.idx.msk [tilespmem:v10+s28+$0x4010 ss:$0x1], $0xffff;
	[tilespmem:v9+s24+$0x20 ss:$0x1] =	vst.idx.msk $0xffff, v13;
	v13 =	vadd.f32 v17, v23  }
0x504: {  	v17 =	vld.idx.msk [tilespmem:v10+s28+$0x4020 ss:$0x1], $0xffff;
	[tilespmem:v9+s24+$0x30 ss:$0x1] =	vst.idx.msk $0xffff, v12;
	v12 =	vadd.f32 v18, v24  }
0x505: {  	v18 =	vld.idx.msk [tilespmem:v10+s28+$0x4030 ss:$0x1], $0xffff;
	[tilespmem:v9+s24+$0x40 ss:$0x1] =	vst.idx.msk $0xffff, v13;
	v13 =	vadd.f32 v14, v20  }
0x506: {  	v20 =	vmul.f32 v26, v11;
	v14 =	vld.idx.msk [tilespmem:v10+s28+$0x4040 ss:$0x1], $0xffff;
	[tilespmem:v9+s24+$0x50 ss:$0x1] =	vst.idx.msk $0xffff, v12  }
0x507: {  	v19 =	vmul.f32 v19, v11;
	v12 =	vld.idx.msk [tilespmem:v10+s28+$0x4050 ss:$0x1], $0xffff;
	[tilespmem:v9+s24+$0x60 ss:$0x1] =	vst.idx.msk $0xffff, v13;
	s24 =	smov.u32 s28  }
0x508: {  	v15 =	vadd.f32 v20, v15;
	v13 =	vld.idx.msk [tilespmem:v10+s24+$0x4060 ss:$0x1], $0xffff  }
0x509: {  	v20 =	vmul.f32 v16, v11;
	v16 =	vld.idx.msk [tilespmem:v10+s24+$0x4070 ss:$0x1], $0xffff  }
0x50a: {  	v21 =	vmul.f32 v17, v11;
	v17 =	vld.idx.msk [tilespmem:v10+s24+$0x4400 ss:$0x1], $0xffff;
	[tilespmem:v9+s24+$0x70 ss:$0x1] =	vst.idx.msk $0xffff, v15  }
0x50b: {  	v22 =	vmul.f32 v18, v11;
	v18 =	vld.idx.msk [tilespmem:v10+s24+$0x4410 ss:$0x1], $0xffff  }
0x50c: {  	v23 =	vmul.f32 v14, v11;
	v14 =	vld.idx.msk [tilespmem:v10+s24+$0x4420 ss:$0x1], $0xffff  }
0x50d: {  	v24 =	vmul.f32 v12, v11;
	v25 =	vld.idx.msk [tilespmem:v10+s24+$0x4430 ss:$0x1], $0xffff  }
0x50e: {  	v26 =	vmul.f32 v13, v11;
	v27 =	vld.idx.msk [tilespmem:v10+s24+$0x4440 ss:$0x1], $0xffff  }
0x50f: {  	v28 =	vmul.f32 v16, v11;
	v29 =	vld.idx.msk [tilespmem:v10+s24+$0x4450 ss:$0x1], $0xffff  }
0x510: {  	v15 =	vmul.f32 v17, v11;
	v30 =	vld.idx.msk [tilespmem:v10+s24+$0x4460 ss:$0x1], $0xffff  }
0x511: {  	v12 =	vmul.f32 v18, v11;
	v31 =	vld.idx.msk [tilespmem:v9+s24+$0xFFFFFC00 ss:$0x1], $0xffff  }
0x512: {  	v13 =	vmul.f32 v14, v11;
	v32 =	vld.idx.msk [tilespmem:v9+s24+$0xFFFFFC10 ss:$0x1], $0xffff  }
0x513: {  	v16 =	vmul.f32 v25, v11;
	v33 =	vld.idx.msk [tilespmem:v9+s24+$0xFFFFFC20 ss:$0x1], $0xffff  }
0x514: {  	v17 =	vmul.f32 v27, v11;
	v25 =	vld.idx.msk [tilespmem:v9+s24+$0xFFFFFC30 ss:$0x1], $0xffff  }
0x515: {  	v18 =	vmul.f32 v29, v11;
	v27 =	vld.idx.msk [tilespmem:v9+s24+$0xFFFFFC40 ss:$0x1], $0xffff  }
0x516: {  	v14 =	vmul.f32 v30, v11;
	v29 =	vld.idx.msk [tilespmem:v9+s24+$0xFFFFFC50 ss:$0x1], $0xffff  }
0x517: {  	v19 =	vadd.f32 v19, v31;
	v30 =	vld.idx.msk [tilespmem:v9+s24+$0xFFFFFC60 ss:$0x1], $0xffff  }
0x518: {  	v31 =	vadd.f32 v20, v32;
	v32 =	vld.idx.msk [tilespmem:v9+s24+$0xFFFFFC70 ss:$0x1], $0xffff  }
0x519: {  	v21 =	vadd.f32 v21, v33;
	[tilespmem:v9+s24+$0xFFFFFC00 ss:$0x1] =	vst.idx.msk $0xffff, v19;
	v20 =	vld.idx.msk [tilespmem:v9+s24+$0x0 ss:$0x1], $0xffff  }
.Ltmp23:
0x51a: {  	v22 =	vadd.f32 v22, v25;
	[tilespmem:v9+s24+$0xFFFFFC10 ss:$0x1] =	vst.idx.msk $0xffff, v31;
	v19 =	vld.idx.msk [tilespmem:v9+s24+$0x10 ss:$0x1], $0xffff;
	(pc) =	sbr.rel @p0 .LBB2_49-.Ltmp23, $4  }
0x51b: {  	v23 =	vadd.f32 v23, v27;
	[tilespmem:v9+s24+$0xFFFFFC20 ss:$0x1] =	vst.idx.msk $0xffff, v21;
	v21 =	vld.idx.msk [tilespmem:v9+s24+$0x20 ss:$0x1], $0xffff  }
0x51c: {  	v24 =	vadd.f32 v24, v29;
	[tilespmem:v9+s24+$0xFFFFFC30 ss:$0x1] =	vst.idx.msk $0xffff, v22;
	v22 =	vld.idx.msk [tilespmem:v9+s24+$0x30 ss:$0x1], $0xffff  }
0x51d: {  	v26 =	vadd.f32 v26, v30;
	[tilespmem:v9+s24+$0xFFFFFC40 ss:$0x1] =	vst.idx.msk $0xffff, v23;
	v23 =	vld.idx.msk [tilespmem:v9+s24+$0x40 ss:$0x1], $0xffff  }
0x51e: {  	s26 =	sadd.s32 $0x2000, s26;
	v25 =	vadd.f32 v28, v32;
	[tilespmem:v9+s24+$0xFFFFFC50 ss:$0x1] =	vst.idx.msk $0xffff, v24;
	v24 =	vld.idx.msk [tilespmem:v9+s24+$0x50 ss:$0x1], $0xffff  }
0x51f: {  	_ =	sdelay $0x3  }
0x520: {  	[tilespmem:v9+s24+$0xFFFFFC60 ss:$0x1] =	vst.idx.msk $0xffff, v26;
	v10 =	vadd.f32 v15, v20  }
0x521: {  	v58 =	vld.idx.msk [tilespmem:v9+s24+$0x60 ss:$0x1], $0xffff;
	v12 =	vadd.f32 v12, v19;
	[tilespmem:v9+s24+$0xFFFFFC70 ss:$0x1] =	vst.idx.msk $0xffff, v25  }
0x522: {  	s23 =	sadd.s32 $0x1, s23;
	v59 =	vadd.f32 v13, v21;
	[tilespmem:v9+s24+$0x0 ss:$0x1] =	vst.idx.msk $0xffff, v10  }
0x523: {  	p0 =	sne.s32 s23, $0x10;
	[tilespmem:v9+s24+$0x10 ss:$0x1] =	vst.idx.msk $0xffff, v12;
	v60 =	vadd.f32 v16, v22  }
.Ltmp24:
0x524: {  	v8 =	vbroadcast v8, $0x0;
	[tilespmem:v9+s24+$0x20 ss:$0x1] =	vst.idx.msk $0xffff, v59;
	v61 =	vadd.f32 v17, v23;
	(pc) =	sbr.rel @p0 .LBB2_46-.Ltmp24, $4  }
0x525: {  	[tilespmem:v9+s24+$0x30 ss:$0x1] =	vst.idx.msk $0xffff, v60;
	v62 =	vadd.f32 v18, v24  }
0x526: {  	vm0 =	veq.s32 v8, v5;
	[tilespmem:v9+s24+$0x40 ss:$0x1] =	vst.idx.msk $0xffff, v61;
	v63 =	vadd.f32 v14, v58  }
0x527: {  	v8 =	vnsel vm0, $0x0, v11;
	[tilespmem:v9+s24+$0x50 ss:$0x1] =	vst.idx.msk $0xffff, v62  }
0x528: {  	s22 =	sadd.s32 $0x400, s22;
	s21 =	sadd.s32 $0x1, s21;
	v6 =	vadd.f32 v8, v6;
	[tilespmem:v9+s24+$0x60 ss:$0x1] =	vst.idx.msk $0xffff, v63  }
0x529: {  	_ = 	snop  }
0x52a: {  	[tilespmem:$0x14480] =	vst v6  }
0x52b: {  	[hbm4b:s9+s2] =	stream.linear.scatter [tilespmem:s18], [sflag:$0x3], $0x4000, $0x38;
	[tilespmem:$0x14500] =	vst v63  }
0x52c: {  	s20 =	sadd.s32 $0x1, s20;
	_ =	swait.ge [sflag:s13], $0x4000  }
0x52d: {  	p0 =	sne.s32 s20, s11;
	[sflag:s13] =	ssyncset.done $0x0  }
.Ltmp25:
0x52e: {  	[sflag:s13] =	ssyncadd.s32 $0xFFFFC000;
	(pc) =	sbr.rel @p0 .LBB2_1-.Ltmp25, $4  }
0x52f: {  	[hbm4b:s10+s2] =	stream.linear.scatter [tilespmem:s19], [sflag:$0x3], $0x80, $0x38;
	[tilespmem:$0x14500] =	vst v63  }
0x530: {  	_ =	swait.ge [sflag:s13], $0x80  }
0x531: {  	[sflag:s13] =	ssyncset.done $0x0  }
0x532: {  	[sflag:s13] =	ssyncadd.s32 $0xFFFFFF80  }
0x533: {  	_ =	sfence.sel $0x180000  }
0x534: {  	[bflag:$0x0] =	sbarrier.arrive $0xFFFF  }
0x535: {  	p0 =	sne.s32 s1, $0x0;
	_ =	strace $0x90000047  }
0x536: {  	s0 =	sadd.s32 @!p0 $0x100000, s0;
	[bflag:$0x2] =	sbarrier.arrive $0xFFFF  }
0x537: {  	[sflag:s0] =	ssyncadd.tile.s32 @!p0 $0x1;
	_ =	shalt  }
.Lfunc_end2:
_tile_overlayer_lowered:
.L_overlay_start_2:
0x538: {  	(tag) =	ssettag $0x2  }
0x539: {  	s0 =	rddreg [dreg:$0x0];
	s2 =	stileid.u32  }
0x53a: {  	s1 =	rddreg [dreg:$0x1];
	p0 =	sne.s32 s2, $0x0  }
0x53b: {  	s3 =	rddreg [dreg:$0x2];
	[bflag:$0x3] =	sbarrier.arrive $0xFFFF;
	s2 =	simm.s32 @!p0 $0x1C03  }
0x53c: {  	[timem:s3], [sflag:s2] =	dma.local @!p0 [hbm:s0], s1  }
0x53d: {  	s0 =	simm.s32 @!p0 $0x3  }
0x53e: {  	_ =	swait.ge @!p0 [sflag:s0], s1  }
0x53f: {  	s1 =	ssub.s32 @!p0 $0x0, s1;
	[sflag:s0] =	ssyncset.done @!p0 $0x0  }
0x540: {  	[sflag:s0] =	ssyncadd.s32 @!p0 s1  }
0x541: {  	[bflag:$0x3] =	sbarrier.arrive $0xFFFF  }
0x542: {  	_ =	shalt  }

</sc_bundles>
